<compile_context>
chip_gen: v7x
topology: tpu7x:2x2x1
jax: 0.10.2.dev20260603
libtpu: 0.0.44.dev20260713+nightly
codegen_flags: <defaults>
</compile_context>

<pallas_src>
import jax
import jax.numpy as jnp
import numpy as np
from jax import lax
from jax.experimental import pallas as pl
from jax.experimental.pallas import tpu as pltpu
from jax.experimental.pallas import tpu_sc as plsc

_MBASE = int(np.float32(1e10).view(np.int32))
_IMAX = 2147483647

_FPS_NUM = 512
_GROUP_NUM = 32
_RADIUS = 0.2


def _fps_body(x_ref, y_ref, z_ref, c0x_ref, c0y_ref, c0z_ref,
              cx_ref, cy_ref, cz_ref, dist_ref):
    B, N = x_ref.shape
    dist_ref[...] = jnp.full((B, N), 1e10, dtype=jnp.float32)
    iota = jax.lax.broadcasted_iota(jnp.int32, (B, N), 1)
    col = jax.lax.broadcasted_iota(jnp.int32, cx_ref.shape, 1)

    def body(i, carry):
        cx, cy, cz = carry
        cx_ref[...] = jnp.where(col == i, cx, cx_ref[...])
        cy_ref[...] = jnp.where(col == i, cy, cy_ref[...])
        cz_ref[...] = jnp.where(col == i, cz, cz_ref[...])
        dx = x_ref[...] - cx
        dy = y_ref[...] - cy
        dz = z_ref[...] - cz
        dd = dx * dx + dy * dy + dz * dz
        dold = dist_ref[...]
        dnew = jnp.where(dd < dold, dd, dold)
        dist_ref[...] = dnew
        m = jnp.max(dnew, axis=1, keepdims=True)
        tie = jnp.where(dnew == m, iota, N)
        amin = jnp.min(tie, axis=1, keepdims=True)
        em = iota == amin
        ncx = jnp.sum(jnp.where(em, x_ref[...], 0.0), axis=1, keepdims=True)
        ncy = jnp.sum(jnp.where(em, y_ref[...], 0.0), axis=1, keepdims=True)
        ncz = jnp.sum(jnp.where(em, z_ref[...], 0.0), axis=1, keepdims=True)
        return (ncx, ncy, ncz)

    jax.lax.fori_loop(0, _FPS_NUM, body,
                      (c0x_ref[...], c0y_ref[...], c0z_ref[...]))


def _sc_bq_body(x_ref, y_ref, z_ref, cx_ref, cy_ref, cz_ref,
                rx_ref, ry_ref, rz_ref,
                xv, yv, zv, cxv, cyv, czv, rxv, ryv, rzv):
    NC = 2
    wid = lax.axis_index("s") * NC + lax.axis_index("c")
    b = wid // 4
    CW = 128
    GW = CW * _GROUP_NUM
    N = x_ref.shape[1]
    pltpu.sync_copy(x_ref.at[b], xv)
    pltpu.sync_copy(y_ref.at[b], yv)
    pltpu.sync_copy(z_ref.at[b], zv)
    pltpu.sync_copy(cx_ref.at[pl.ds(wid * CW, CW)], cxv)
    pltpu.sync_copy(cy_ref.at[pl.ds(wid * CW, CW)], cyv)
    pltpu.sync_copy(cz_ref.at[pl.ds(wid * CW, CW)], czv)

    lanes = lax.iota(jnp.int32, 16)
    imax = jnp.int32(_IMAX)
    r2 = jnp.float32(_RADIUS ** 2)

    def per_centroid(f, _):
        fv = jnp.full((16,), f, dtype=jnp.int32)
        cxb = plsc.load_gather(cxv, [fv])
        cyb = plsc.load_gather(cyv, [fv])
        czb = plsc.load_gather(czv, [fv])

        def insert_candidates(kv, gidx, pool):
            def w_cond(st):
                _, _, _, _, thr_c, rem = st
                return jnp.any((kv < thr_c) & rem)

            def w_step(st):
                pk0, pk1, pi0, pi1, _, rem = st
                cand = (kv < st[4]) & rem
                l = plsc.all_reduce_ffs(cand)
                onel = lanes == l
                ck = jnp.min(jnp.where(onel, kv, imax))
                ci = jnp.min(jnp.where(onel, gidx, imax))
                mk = jnp.maximum(jnp.max(pk0), jnp.max(pk1))
                mi = jnp.maximum(jnp.max(jnp.where(pk0 == mk, pi0, -1)),
                                 jnp.max(jnp.where(pk1 == mk, pi1, -1)))
                oh0 = (pk0 == mk) & (pi0 == mi)
                oh1 = (pk1 == mk) & (pi1 == mi)
                pk0 = jnp.where(oh0, ck, pk0)
                pk1 = jnp.where(oh1, ck, pk1)
                pi0 = jnp.where(oh0, ci, pi0)
                pi1 = jnp.where(oh1, ci, pi1)
                thr_n = jnp.maximum(jnp.max(pk0), jnp.max(pk1))
                return (pk0, pk1, pi0, pi1, thr_n, rem & (~onel))

            st = lax.while_loop(w_cond, w_step,
                                pool + (jnp.full((16,), True),))
            return st[:5]

        UNROLL = 16

        def scan_vreg(j, carry):
            pool = carry
            o = j * (16 * UNROLL)
            kvs = []
            for u in range(UNROLL):
                ou = o + u * 16
                dx = xv[pl.ds(ou, 16)] - cxb
                dy = yv[pl.ds(ou, 16)] - cyb
                dz = zv[pl.ds(ou, 16)] - czb
                dd = dx * dx + dy * dy + dz * dz
                kvs.append(jnp.where(dd <= r2, plsc.bitcast(dd, jnp.int32),
                                     _MBASE + (ou + lanes)))
            thr_c = pool[4]
            hit = kvs[0] < thr_c
            for u in range(1, UNROLL):
                hit = hit | (kvs[u] < thr_c)

            def do_insert(pool):
                for u in range(UNROLL):
                    pool = insert_candidates(kvs[u], o + u * 16 + lanes, pool)
                return pool

            return lax.cond(jnp.any(hit), do_insert, lambda p: p, pool)

        pool0 = (
            jnp.full((16,), imax, dtype=jnp.int32),
            jnp.full((16,), imax, dtype=jnp.int32),
            (1 << 24) + lanes,
            (1 << 24) + 16 + lanes,
            imax,
        )
        pk0, pk1, pi0, pi1, _ = lax.fori_loop(0, N // (16 * UNROLL),
                                              scan_vreg, pool0)

        def extract(k, st):
            pk0, pk1, pi0, pi1, iv0, iv1 = st
            mk = jnp.minimum(jnp.min(pk0), jnp.min(pk1))
            mi = jnp.minimum(jnp.min(jnp.where(pk0 == mk, pi0, imax)),
                             jnp.min(jnp.where(pk1 == mk, pi1, imax)))
            oh0 = (pk0 == mk) & (pi0 == mi)
            oh1 = (pk1 == mk) & (pi1 == mi)
            pk0 = jnp.where(oh0, imax, pk0)
            pk1 = jnp.where(oh1, imax, pk1)
            iv0 = jnp.where(lanes == k, mi, iv0)
            iv1 = jnp.where(lanes == (k - 16), mi, iv1)
            return (pk0, pk1, pi0, pi1, iv0, iv1)

        zero16 = jnp.zeros((16,), dtype=jnp.int32)
        _, _, _, _, iv0, iv1 = lax.fori_loop(
            0, _GROUP_NUM, extract, (pk0, pk1, pi0, pi1, zero16, zero16))

        base = f * _GROUP_NUM
        rxv[pl.ds(base, 16)] = plsc.load_gather(xv, [iv0]) - cxb
        ryv[pl.ds(base, 16)] = plsc.load_gather(yv, [iv0]) - cyb
        rzv[pl.ds(base, 16)] = plsc.load_gather(zv, [iv0]) - czb
        rxv[pl.ds(base + 16, 16)] = plsc.load_gather(xv, [iv1]) - cxb
        ryv[pl.ds(base + 16, 16)] = plsc.load_gather(yv, [iv1]) - cyb
        rzv[pl.ds(base + 16, 16)] = plsc.load_gather(zv, [iv1]) - czb
        return 0

    lax.fori_loop(0, CW, per_centroid, 0)
    pltpu.sync_copy(rxv, rx_ref.at[pl.ds(wid * GW, GW)])
    pltpu.sync_copy(ryv, ry_ref.at[pl.ds(wid * GW, GW)])
    pltpu.sync_copy(rzv, rz_ref.at[pl.ds(wid * GW, GW)])


@jax.jit
def kernel(xyz):
    B, N, _ = xyz.shape
    F, G = _FPS_NUM, _GROUP_NUM
    xyz_t = jnp.transpose(xyz, (2, 0, 1))
    X, Y, Z = xyz_t[0], xyz_t[1], xyz_t[2]

    f0 = jax.random.randint(jax.random.key(1), (B,), 0, N, dtype=jnp.int32)
    c0 = xyz[jnp.arange(B), f0]
    c0x, c0y, c0z = c0[:, 0:1], c0[:, 1:2], c0[:, 2:3]

    cxs = jax.ShapeDtypeStruct((B, F), jnp.float32)
    CX, CY, CZ = pl.pallas_call(
        _fps_body,
        out_shape=(cxs, cxs, cxs),
        scratch_shapes=[pltpu.VMEM((B, N), jnp.float32)],
    )(X, Y, Z, c0x, c0y, c0z)

    mesh = plsc.VectorSubcoreMesh(core_axis_name="c", subcore_axis_name="s")
    GW = (F // 4) * G
    relf = jax.ShapeDtypeStruct((B * F * G,), jnp.float32)
    RX, RY, RZ = pl.kernel(
        _sc_bq_body,
        mesh=mesh,
        out_type=(relf, relf, relf),
        compiler_params=pltpu.CompilerParams(needs_layout_passes=False),
        scratch_types=[
            pltpu.VMEM((N,), jnp.float32),
            pltpu.VMEM((N,), jnp.float32),
            pltpu.VMEM((N,), jnp.float32),
            pltpu.VMEM((F // 4,), jnp.float32),
            pltpu.VMEM((F // 4,), jnp.float32),
            pltpu.VMEM((F // 4,), jnp.float32),
            pltpu.VMEM((GW,), jnp.float32),
            pltpu.VMEM((GW,), jnp.float32),
            pltpu.VMEM((GW,), jnp.float32),
        ],
    )(X, Y, Z, CX.reshape(-1), CY.reshape(-1), CZ.reshape(-1))

    cent = jnp.stack([CX, CY, CZ], axis=-1)
    rel = jnp.stack([RX.reshape(B, F, G), RY.reshape(B, F, G),
                     RZ.reshape(B, F, G)], axis=-1)
    combined = jnp.concatenate([cent[:, :, None, :], rel], axis=2)
    return (combined, cent)

# --- scband reference (transcript-rebuilt; emitter-appended) ---
"""Pipeline reference for scband-point-net-preprocessor-2963527435033 (READ-ONLY COPY).

The authoritative reference and input builder live on the scoring server;
editing this copy changes nothing except your own understanding.
"""

import jax, jax.numpy as jnp
import numpy as np

FPS_NUM = 512
GROUP_NUM = 32
RADIUS = 0.2


def setup_inputs(seed: int = 0) -> dict:
    key = jax.random.key(seed)
    xyz = jax.random.normal(key, (8, 16384, 3), dtype=jnp.float32)
    return {"xyz": xyz}


def _farthest_point_sampling(xyz):
    B, N, _ = xyz.shape
    k = jax.random.key(1)
    farthest0 = jax.random.randint(k, (B,), 0, N, dtype=jnp.int32)
    distance0 = jnp.full((B, N), 1e10, dtype=xyz.dtype)
    centroids0 = jnp.zeros((B, FPS_NUM), dtype=jnp.int32)
    batch_idx = jnp.arange(B)

    def body(i, state):
        centroids, distance, farthest = state
        centroids = centroids.at[:, i].set(farthest)
        centroid = xyz[batch_idx, farthest, :][:, None, :]
        dist = jnp.sum((xyz - centroid) ** 2, axis=-1)
        distance = jnp.where(dist < distance, dist, distance)
        farthest = jnp.argmax(distance, axis=1).astype(jnp.int32)
        return (centroids, distance, farthest)

    centroids, _, _ = jax.lax.fori_loop(0, FPS_NUM, body, (centroids0, distance0, farthest0))
    return centroids


def _ball_query(xyz, centroids):
    # xyz: [B, N, 3], centroids: [B, fps_num]
    centroids_xyz = jnp.take_along_axis(xyz, centroids[..., None].astype(jnp.int32).repeat(3, axis=-1), axis=1)
    dist = jnp.sum((xyz[:, None, :, :] - centroids_xyz[:, :, None, :]) ** 2, axis=-1)  # [B, fps_num, N]
    dist = jnp.where(dist > RADIUS ** 2, 1e10, dist)
    idx = jnp.argsort(dist, axis=-1)[:, :, :GROUP_NUM]
    return idx


def reference(xyz):
    B, N, _ = xyz.shape
    centroids = jax.lax.stop_gradient(_farthest_point_sampling(xyz))
    group_idx = jax.lax.stop_gradient(_ball_query(xyz, centroids))
    batch_idx = jnp.arange(B)[:, None, None]
    grouped_xyz = xyz[batch_idx, group_idx]  # [B, fps_num, group_num, 3]
    centroids_xyz = jnp.take_along_axis(xyz, centroids[..., None].repeat(3, axis=-1), axis=1)  # [B, fps_num, 3]
    relative_xyz = grouped_xyz - centroids_xyz[:, :, None, :]
    combined_points = jnp.concatenate([centroids_xyz[:, :, None, :], relative_xyz], axis=2)  # [B, fps_num, group_num+1, 3]
    representative_points = centroids_xyz
    return (combined_points, representative_points)

if __name__ == "__main__":
    import jax
    _d = setup_inputs()
    print(jax.jit(kernel)(*tuple(_d.values())))

</pallas_src>

<mosaic_0001>
#map = affine_map<(d0, d1) -> (0, 0)>
#map1 = affine_map<(d0, d1) -> (0)>
module attributes {stable_mosaic.version = 14 : i64} {
  func.func @_sc_bq_body(%arg0: i32, %arg1: i32, %arg2: memref<8x16384xf32, #tpu.memory_space<hbm>>, %arg3: memref<8x16384xf32, #tpu.memory_space<hbm>>, %arg4: memref<8x16384xf32, #tpu.memory_space<hbm>>, %arg5: memref<4096xf32, #tpu.memory_space<hbm>>, %arg6: memref<4096xf32, #tpu.memory_space<hbm>>, %arg7: memref<4096xf32, #tpu.memory_space<hbm>>, %arg8: memref<131072xf32, #tpu.memory_space<hbm>>, %arg9: memref<131072xf32, #tpu.memory_space<hbm>>, %arg10: memref<131072xf32, #tpu.memory_space<hbm>>, %arg11: memref<16384xf32, #tpu.memory_space<vmem>>, %arg12: memref<16384xf32, #tpu.memory_space<vmem>>, %arg13: memref<16384xf32, #tpu.memory_space<vmem>>, %arg14: memref<128xf32, #tpu.memory_space<vmem>>, %arg15: memref<128xf32, #tpu.memory_space<vmem>>, %arg16: memref<128xf32, #tpu.memory_space<vmem>>, %arg17: memref<4096xf32, #tpu.memory_space<vmem>>, %arg18: memref<4096xf32, #tpu.memory_space<vmem>>, %arg19: memref<4096xf32, #tpu.memory_space<vmem>>) attributes {dimension_semantics = [#tpu.dimension_semantics<core_parallel>, #tpu.dimension_semantics<subcore_parallel>], iteration_bounds = array<i64: 2, 16>, scalar_prefetch = 0 : i64, scratch_operands = 9 : i64, tpu.core_type = #tpu.core_type<sc_vector_subcore>, window_params = [{transform_indices = #map}, {transform_indices = #map}, {transform_indices = #map}, {transform_indices = #map1}, {transform_indices = #map1}, {transform_indices = #map1}, {transform_indices = #map1}, {transform_indices = #map1}, {transform_indices = #map1}]} {
    %mul3A = arith.constant 2 : i32
    %mul3A_0 = arith.muli %arg1, %mul3A : i32
    %add3A = arith.addi %mul3A_0, %arg0 : i32
    %jit3A = arith.constant 4 : i32
    %div3A = arith.divsi %add3A, %jit3A : i32
    %sign3A = arith.constant 0 : i32
    %sign3A_1 = arith.cmpi sgt, %add3A, %sign3A : i32
    %sign3A_2 = arith.extui %sign3A_1 : i1 to i32
    %sign3A_3 = arith.constant 0 : i32
    %sign3A_4 = arith.cmpi slt, %add3A, %sign3A_3 : i32
    %sign3A_5 = arith.extui %sign3A_4 : i1 to i32
    %sign3A_6 = arith.subi %sign3A_2, %sign3A_5 : i32
    %sign3A_7 = arith.constant 0 : i32
    %sign3A_8 = arith.cmpi sgt, %jit3A, %sign3A_7 : i32
    %sign3A_9 = arith.extui %sign3A_8 : i1 to i32
    %sign3A_10 = arith.constant 0 : i32
    %sign3A_11 = arith.cmpi slt, %jit3A, %sign3A_10 : i32
    %sign3A_12 = arith.extui %sign3A_11 : i1 to i32
    %sign3A_13 = arith.subi %sign3A_9, %sign3A_12 : i32
    %ne3A = arith.cmpi ne, %sign3A_6, %sign3A_13 : i32
    %rem3A = arith.remsi %add3A, %jit3A : i32
    %ne3A_14 = arith.constant 0 : i32
    %ne3A_15 = arith.cmpi ne, %rem3A, %ne3A_14 : i32
    %and3A = arith.andi %ne3A, %ne3A_15 : i1
    %sub3A = arith.constant 1 : i32
    %sub3A_16 = arith.subi %div3A, %sub3A : i32
    %select_n3A = arith.select %and3A, %sub3A_16, %div3A : i32
    "tpu.region"() ({
      %run_scoped3A = tpu.sem_alloc : memref<!tpu.dma_semaphore, #tpu.memory_space<semaphore_mem>>
      %dma_start3A = arith.constant 0 : i32
      %dma_start3A_37 = tpu.memref_slice %arg2[%select_n3A, %dma_start3A] : memref<8x16384xf32, #tpu.memory_space<hbm>> -> memref<1x16384xf32, #tpu.memory_space<hbm>>
      %dma_start3A_38 = tpu.memref_squeeze %dma_start3A_37 : memref<1x16384xf32, #tpu.memory_space<hbm>> -> memref<16384xf32, #tpu.memory_space<hbm>>
      %dma_start3A_39 = arith.constant 0 : i32
      %dma_start3A_40 = tpu.memref_slice %arg2[%select_n3A, %dma_start3A_39] : memref<8x16384xf32, #tpu.memory_space<hbm>> -> memref<1x16384xf32, #tpu.memory_space<hbm>>
      %dma_start3A_41 = tpu.memref_squeeze %dma_start3A_40 : memref<1x16384xf32, #tpu.memory_space<hbm>> -> memref<16384xf32, #tpu.memory_space<hbm>>
      tpu.enqueue_dma source(%dma_start3A_41 : memref<16384xf32, #tpu.memory_space<hbm>>) target(%arg11 : memref<16384xf32, #tpu.memory_space<vmem>>) target_semaphore(%run_scoped3A : memref<!tpu.dma_semaphore, #tpu.memory_space<semaphore_mem>>)
      %dma_wait3A = arith.constant 0 : i32
      %dma_wait3A_42 = tpu.memref_slice %arg2[%select_n3A, %dma_wait3A] : memref<8x16384xf32, #tpu.memory_space<hbm>> -> memref<1x16384xf32, #tpu.memory_space<hbm>>
      %dma_wait3A_43 = tpu.memref_squeeze %dma_wait3A_42 : memref<1x16384xf32, #tpu.memory_space<hbm>> -> memref<16384xf32, #tpu.memory_space<hbm>>
      %dma_wait3A_44 = arith.constant 0 : i32
      %dma_wait3A_45 = tpu.memref_slice %arg2[%select_n3A, %dma_wait3A_44] : memref<8x16384xf32, #tpu.memory_space<hbm>> -> memref<1x16384xf32, #tpu.memory_space<hbm>>
      %dma_wait3A_46 = tpu.memref_squeeze %dma_wait3A_45 : memref<1x16384xf32, #tpu.memory_space<hbm>> -> memref<16384xf32, #tpu.memory_space<hbm>>
      tpu.wait_dma2 semaphore(%run_scoped3A : memref<!tpu.dma_semaphore, #tpu.memory_space<semaphore_mem>>) src(%dma_wait3A_46 : memref<16384xf32, #tpu.memory_space<hbm>>) dst(%arg11 : memref<16384xf32, #tpu.memory_space<vmem>>)
      tpu.yield
    }) : () -> ()
    "tpu.region"() ({
      %run_scoped3A = tpu.sem_alloc : memref<!tpu.dma_semaphore, #tpu.memory_space<semaphore_mem>>
      %dma_start3A = arith.constant 0 : i32
      %dma_start3A_37 = tpu.memref_slice %arg3[%select_n3A, %dma_start3A] : memref<8x16384xf32, #tpu.memory_space<hbm>> -> memref<1x16384xf32, #tpu.memory_space<hbm>>
      %dma_start3A_38 = tpu.memref_squeeze %dma_start3A_37 : memref<1x16384xf32, #tpu.memory_space<hbm>> -> memref<16384xf32, #tpu.memory_space<hbm>>
      %dma_start3A_39 = arith.constant 0 : i32
      %dma_start3A_40 = tpu.memref_slice %arg3[%select_n3A, %dma_start3A_39] : memref<8x16384xf32, #tpu.memory_space<hbm>> -> memref<1x16384xf32, #tpu.memory_space<hbm>>
      %dma_start3A_41 = tpu.memref_squeeze %dma_start3A_40 : memref<1x16384xf32, #tpu.memory_space<hbm>> -> memref<16384xf32, #tpu.memory_space<hbm>>
      tpu.enqueue_dma source(%dma_start3A_41 : memref<16384xf32, #tpu.memory_space<hbm>>) target(%arg12 : memref<16384xf32, #tpu.memory_space<vmem>>) target_semaphore(%run_scoped3A : memref<!tpu.dma_semaphore, #tpu.memory_space<semaphore_mem>>)
      %dma_wait3A = arith.constant 0 : i32
      %dma_wait3A_42 = tpu.memref_slice %arg3[%select_n3A, %dma_wait3A] : memref<8x16384xf32, #tpu.memory_space<hbm>> -> memref<1x16384xf32, #tpu.memory_space<hbm>>
      %dma_wait3A_43 = tpu.memref_squeeze %dma_wait3A_42 : memref<1x16384xf32, #tpu.memory_space<hbm>> -> memref<16384xf32, #tpu.memory_space<hbm>>
      %dma_wait3A_44 = arith.constant 0 : i32
      %dma_wait3A_45 = tpu.memref_slice %arg3[%select_n3A, %dma_wait3A_44] : memref<8x16384xf32, #tpu.memory_space<hbm>> -> memref<1x16384xf32, #tpu.memory_space<hbm>>
      %dma_wait3A_46 = tpu.memref_squeeze %dma_wait3A_45 : memref<1x16384xf32, #tpu.memory_space<hbm>> -> memref<16384xf32, #tpu.memory_space<hbm>>
      tpu.wait_dma2 semaphore(%run_scoped3A : memref<!tpu.dma_semaphore, #tpu.memory_space<semaphore_mem>>) src(%dma_wait3A_46 : memref<16384xf32, #tpu.memory_space<hbm>>) dst(%arg12 : memref<16384xf32, #tpu.memory_space<vmem>>)
      tpu.yield
    }) : () -> ()
    "tpu.region"() ({
      %run_scoped3A = tpu.sem_alloc : memref<!tpu.dma_semaphore, #tpu.memory_space<semaphore_mem>>
      %dma_start3A = arith.constant 0 : i32
      %dma_start3A_37 = tpu.memref_slice %arg4[%select_n3A, %dma_start3A] : memref<8x16384xf32, #tpu.memory_space<hbm>> -> memref<1x16384xf32, #tpu.memory_space<hbm>>
      %dma_start3A_38 = tpu.memref_squeeze %dma_start3A_37 : memref<1x16384xf32, #tpu.memory_space<hbm>> -> memref<16384xf32, #tpu.memory_space<hbm>>
      %dma_start3A_39 = arith.constant 0 : i32
      %dma_start3A_40 = tpu.memref_slice %arg4[%select_n3A, %dma_start3A_39] : memref<8x16384xf32, #tpu.memory_space<hbm>> -> memref<1x16384xf32, #tpu.memory_space<hbm>>
      %dma_start3A_41 = tpu.memref_squeeze %dma_start3A_40 : memref<1x16384xf32, #tpu.memory_space<hbm>> -> memref<16384xf32, #tpu.memory_space<hbm>>
      tpu.enqueue_dma source(%dma_start3A_41 : memref<16384xf32, #tpu.memory_space<hbm>>) target(%arg13 : memref<16384xf32, #tpu.memory_space<vmem>>) target_semaphore(%run_scoped3A : memref<!tpu.dma_semaphore, #tpu.memory_space<semaphore_mem>>)
      %dma_wait3A = arith.constant 0 : i32
      %dma_wait3A_42 = tpu.memref_slice %arg4[%select_n3A, %dma_wait3A] : memref<8x16384xf32, #tpu.memory_space<hbm>> -> memref<1x16384xf32, #tpu.memory_space<hbm>>
      %dma_wait3A_43 = tpu.memref_squeeze %dma_wait3A_42 : memref<1x16384xf32, #tpu.memory_space<hbm>> -> memref<16384xf32, #tpu.memory_space<hbm>>
      %dma_wait3A_44 = arith.constant 0 : i32
      %dma_wait3A_45 = tpu.memref_slice %arg4[%select_n3A, %dma_wait3A_44] : memref<8x16384xf32, #tpu.memory_space<hbm>> -> memref<1x16384xf32, #tpu.memory_space<hbm>>
      %dma_wait3A_46 = tpu.memref_squeeze %dma_wait3A_45 : memref<1x16384xf32, #tpu.memory_space<hbm>> -> memref<16384xf32, #tpu.memory_space<hbm>>
      tpu.wait_dma2 semaphore(%run_scoped3A : memref<!tpu.dma_semaphore, #tpu.memory_space<semaphore_mem>>) src(%dma_wait3A_46 : memref<16384xf32, #tpu.memory_space<hbm>>) dst(%arg13 : memref<16384xf32, #tpu.memory_space<vmem>>)
      tpu.yield
    }) : () -> ()
    %mul3A_17 = arith.constant 128 : i32
    %mul3A_18 = arith.muli %add3A, %mul3A_17 : i32
    "tpu.region"() ({
      %run_scoped3A = tpu.sem_alloc : memref<!tpu.dma_semaphore, #tpu.memory_space<semaphore_mem>>
      %dma_start3A = tpu.memref_slice %arg5[%mul3A_18] : memref<4096xf32, #tpu.memory_space<hbm>> -> memref<128xf32, #tpu.memory_space<hbm>>
      %dma_start3A_37 = tpu.memref_slice %arg5[%mul3A_18] : memref<4096xf32, #tpu.memory_space<hbm>> -> memref<128xf32, #tpu.memory_space<hbm>>
      tpu.enqueue_dma source(%dma_start3A_37 : memref<128xf32, #tpu.memory_space<hbm>>) target(%arg14 : memref<128xf32, #tpu.memory_space<vmem>>) target_semaphore(%run_scoped3A : memref<!tpu.dma_semaphore, #tpu.memory_space<semaphore_mem>>)
      %dma_wait3A = tpu.memref_slice %arg5[%mul3A_18] : memref<4096xf32, #tpu.memory_space<hbm>> -> memref<128xf32, #tpu.memory_space<hbm>>
      %dma_wait3A_38 = tpu.memref_slice %arg5[%mul3A_18] : memref<4096xf32, #tpu.memory_space<hbm>> -> memref<128xf32, #tpu.memory_space<hbm>>
      tpu.wait_dma2 semaphore(%run_scoped3A : memref<!tpu.dma_semaphore, #tpu.memory_space<semaphore_mem>>) src(%dma_wait3A_38 : memref<128xf32, #tpu.memory_space<hbm>>) dst(%arg14 : memref<128xf32, #tpu.memory_space<vmem>>)
      tpu.yield
    }) : () -> ()
    %mul3A_19 = arith.constant 128 : i32
    %mul3A_20 = arith.muli %add3A, %mul3A_19 : i32
    "tpu.region"() ({
      %run_scoped3A = tpu.sem_alloc : memref<!tpu.dma_semaphore, #tpu.memory_space<semaphore_mem>>
      %dma_start3A = tpu.memref_slice %arg6[%mul3A_20] : memref<4096xf32, #tpu.memory_space<hbm>> -> memref<128xf32, #tpu.memory_space<hbm>>
      %dma_start3A_37 = tpu.memref_slice %arg6[%mul3A_20] : memref<4096xf32, #tpu.memory_space<hbm>> -> memref<128xf32, #tpu.memory_space<hbm>>
      tpu.enqueue_dma source(%dma_start3A_37 : memref<128xf32, #tpu.memory_space<hbm>>) target(%arg15 : memref<128xf32, #tpu.memory_space<vmem>>) target_semaphore(%run_scoped3A : memref<!tpu.dma_semaphore, #tpu.memory_space<semaphore_mem>>)
      %dma_wait3A = tpu.memref_slice %arg6[%mul3A_20] : memref<4096xf32, #tpu.memory_space<hbm>> -> memref<128xf32, #tpu.memory_space<hbm>>
      %dma_wait3A_38 = tpu.memref_slice %arg6[%mul3A_20] : memref<4096xf32, #tpu.memory_space<hbm>> -> memref<128xf32, #tpu.memory_space<hbm>>
      tpu.wait_dma2 semaphore(%run_scoped3A : memref<!tpu.dma_semaphore, #tpu.memory_space<semaphore_mem>>) src(%dma_wait3A_38 : memref<128xf32, #tpu.memory_space<hbm>>) dst(%arg15 : memref<128xf32, #tpu.memory_space<vmem>>)
      tpu.yield
    }) : () -> ()
    %mul3A_21 = arith.constant 128 : i32
    %mul3A_22 = arith.muli %add3A, %mul3A_21 : i32
    "tpu.region"() ({
      %run_scoped3A = tpu.sem_alloc : memref<!tpu.dma_semaphore, #tpu.memory_space<semaphore_mem>>
      %dma_start3A = tpu.memref_slice %arg7[%mul3A_22] : memref<4096xf32, #tpu.memory_space<hbm>> -> memref<128xf32, #tpu.memory_space<hbm>>
      %dma_start3A_37 = tpu.memref_slice %arg7[%mul3A_22] : memref<4096xf32, #tpu.memory_space<hbm>> -> memref<128xf32, #tpu.memory_space<hbm>>
      tpu.enqueue_dma source(%dma_start3A_37 : memref<128xf32, #tpu.memory_space<hbm>>) target(%arg16 : memref<128xf32, #tpu.memory_space<vmem>>) target_semaphore(%run_scoped3A : memref<!tpu.dma_semaphore, #tpu.memory_space<semaphore_mem>>)
      %dma_wait3A = tpu.memref_slice %arg7[%mul3A_22] : memref<4096xf32, #tpu.memory_space<hbm>> -> memref<128xf32, #tpu.memory_space<hbm>>
      %dma_wait3A_38 = tpu.memref_slice %arg7[%mul3A_22] : memref<4096xf32, #tpu.memory_space<hbm>> -> memref<128xf32, #tpu.memory_space<hbm>>
      tpu.wait_dma2 semaphore(%run_scoped3A : memref<!tpu.dma_semaphore, #tpu.memory_space<semaphore_mem>>) src(%dma_wait3A_38 : memref<128xf32, #tpu.memory_space<hbm>>) dst(%arg16 : memref<128xf32, #tpu.memory_space<vmem>>)
      tpu.yield
    }) : () -> ()
    %iota3A = tpu.iota {dimensions = array<i32: 0>} : vector<16xi32>
    %scan3A = arith.constant 2147483647 : i32
    %scan3A_23 = arith.constant 4.000000e-02 : f32
    %scan3A_24 = arith.constant 0 : i32
    %scan3A_25 = arith.constant 0 : i32
    %scan3A_26 = arith.constant 128 : i32
    %scan3A_27 = arith.addi %scan3A_25, %scan3A_26 : i32
    %scan3A_28 = arith.constant 1 : i32
    %scan3A_29 = scf.for %scan3A_37 = %scan3A_25 to %scan3A_27 step %scan3A_28 iter_args(%scan3A_38 = %scan3A_24) -> (i32)  : i32 {
      %broadcast_in_dim3A = vector.broadcast %scan3A_37 : i32 to vector<16xi32>
      %gather3A = tpu.vector_load_idx %arg14[%broadcast_in_dim3A] : memref<128xf32, #tpu.memory_space<vmem>>[vector<16xi32>], vector<16xf32>,
      %gather3A_39 = tpu.vector_load_idx %arg15[%broadcast_in_dim3A] : memref<128xf32, #tpu.memory_space<vmem>>[vector<16xi32>], vector<16xf32>,
      %gather3A_40 = tpu.vector_load_idx %arg16[%broadcast_in_dim3A] : memref<128xf32, #tpu.memory_space<vmem>>[vector<16xi32>], vector<16xf32>,
      %broadcast_in_dim3A_41 = vector.broadcast %scan3A : i32 to vector<16xi32>
      %broadcast_in_dim3A_42 = vector.broadcast %scan3A : i32 to vector<16xi32>
      %add3A_43 = arith.constant 16777216 : i32
      %add3A_44 = vector.broadcast %add3A_43 : i32 to vector<16xi32>
      %add3A_45 = arith.addi %add3A_44, %iota3A : vector<16xi32>
      %add3A_46 = arith.constant 16777232 : i32
      %add3A_47 = vector.broadcast %add3A_46 : i32 to vector<16xi32>
      %add3A_48 = arith.addi %add3A_47, %iota3A : vector<16xi32>
      %scan3A_49 = arith.constant 0 : i32
      %scan3A_50 = arith.constant 64 : i32
      %scan3A_51 = arith.addi %scan3A_49, %scan3A_50 : i32
      %scan3A_52 = arith.constant 1 : i32
      %scan3A_53:5 = scf.for %scan3A_95 = %scan3A_49 to %scan3A_51 step %scan3A_52 iter_args(%scan3A_96 = %broadcast_in_dim3A_41, %scan3A_97 = %broadcast_in_dim3A_42, %scan3A_98 = %add3A_45, %scan3A_99 = %add3A_48, %scan3A_100 = %scan3A) -> (vector<16xi32>, vector<16xi32>, vector<16xi32>, vector<16xi32>, i32)  : i32 {
        %mul3A_101 = arith.constant 256 : i32
        %mul3A_102 = arith.muli %scan3A_95, %mul3A_101 : i32
        %add3A_103 = arith.constant 0 : i32
        %add3A_104 = arith.addi %mul3A_102, %add3A_103 : i32
        %get3A = arith.index_cast %add3A_104 : i32 to index
        %get3A_105 = tpu.vector_load %arg11[%get3A] {strides = array<i32>} : memref<16384xf32, #tpu.memory_space<vmem>>, vector<16xf32>,
        %sub3A_106 = arith.subf %get3A_105, %gather3A : vector<16xf32>
        %get3A_107 = arith.index_cast %add3A_104 : i32 to index
        %get3A_108 = tpu.vector_load %arg12[%get3A_107] {strides = array<i32>} : memref<16384xf32, #tpu.memory_space<vmem>>, vector<16xf32>,
        %sub3A_109 = arith.subf %get3A_108, %gather3A_39 : vector<16xf32>
        %get3A_110 = arith.index_cast %add3A_104 : i32 to index
        %get3A_111 = tpu.vector_load %arg13[%get3A_110] {strides = array<i32>} : memref<16384xf32, #tpu.memory_space<vmem>>, vector<16xf32>,
        %sub3A_112 = arith.subf %get3A_111, %gather3A_40 : vector<16xf32>
        %mul3A_113 = arith.mulf %sub3A_106, %sub3A_106 : vector<16xf32>
        %mul3A_114 = arith.mulf %sub3A_109, %sub3A_109 : vector<16xf32>
        %add3A_115 = arith.addf %mul3A_113, %mul3A_114 : vector<16xf32>
        %mul3A_116 = arith.mulf %sub3A_112, %sub3A_112 : vector<16xf32>
        %add3A_117 = arith.addf %add3A_115, %mul3A_116 : vector<16xf32>
        %le3A = vector.broadcast %scan3A_23 : f32 to vector<16xf32>
        %le3A_118 = arith.cmpf ole, %add3A_117, %le3A : vector<16xf32>
        %bitcast3A = vector.bitcast %add3A_117 : vector<16xf32> to vector<16xi32>
        %add3A_119 = vector.broadcast %add3A_104 : i32 to vector<16xi32>
        %add3A_120 = arith.addi %add3A_119, %iota3A : vector<16xi32>
        %add3A_121 = arith.constant 1343554297 : i32
        %add3A_122 = vector.broadcast %add3A_121 : i32 to vector<16xi32>
        %add3A_123 = arith.addi %add3A_122, %add3A_120 : vector<16xi32>
        %select_n3A_124 = arith.select %le3A_118, %bitcast3A, %add3A_123 : vector<16xi1>, vector<16xi32>
        %add3A_125 = arith.constant 16 : i32
        %add3A_126 = arith.addi %mul3A_102, %add3A_125 : i32
        %get3A_127 = arith.index_cast %add3A_126 : i32 to index
        %get3A_128 = tpu.vector_load %arg11[%get3A_127] {strides = array<i32>} : memref<16384xf32, #tpu.memory_space<vmem>>, vector<16xf32>,
        %sub3A_129 = arith.subf %get3A_128, %gather3A : vector<16xf32>
        %get3A_130 = arith.index_cast %add3A_126 : i32 to index
        %get3A_131 = tpu.vector_load %arg12[%get3A_130] {strides = array<i32>} : memref<16384xf32, #tpu.memory_space<vmem>>, vector<16xf32>,
        %sub3A_132 = arith.subf %get3A_131, %gather3A_39 : vector<16xf32>
        %get3A_133 = arith.index_cast %add3A_126 : i32 to index
        %get3A_134 = tpu.vector_load %arg13[%get3A_133] {strides = array<i32>} : memref<16384xf32, #tpu.memory_space<vmem>>, vector<16xf32>,
        %sub3A_135 = arith.subf %get3A_134, %gather3A_40 : vector<16xf32>
        %mul3A_136 = arith.mulf %sub3A_129, %sub3A_129 : vector<16xf32>
        %mul3A_137 = arith.mulf %sub3A_132, %sub3A_132 : vector<16xf32>
        %add3A_138 = arith.addf %mul3A_136, %mul3A_137 : vector<16xf32>
        %mul3A_139 = arith.mulf %sub3A_135, %sub3A_135 : vector<16xf32>
        %add3A_140 = arith.addf %add3A_138, %mul3A_139 : vector<16xf32>
        %le3A_141 = vector.broadcast %scan3A_23 : f32 to vector<16xf32>
        %le3A_142 = arith.cmpf ole, %add3A_140, %le3A_141 : vector<16xf32>
        %bitcast3A_143 = vector.bitcast %add3A_140 : vector<16xf32> to vector<16xi32>
        %add3A_144 = vector.broadcast %add3A_126 : i32 to vector<16xi32>
        %add3A_145 = arith.addi %add3A_144, %iota3A : vector<16xi32>
        %add3A_146 = arith.constant 1343554297 : i32
        %add3A_147 = vector.broadcast %add3A_146 : i32 to vector<16xi32>
        %add3A_148 = arith.addi %add3A_147, %add3A_145 : vector<16xi32>
        %select_n3A_149 = arith.select %le3A_142, %bitcast3A_143, %add3A_148 : vector<16xi1>, vector<16xi32>
        %add3A_150 = arith.constant 32 : i32
        %add3A_151 = arith.addi %mul3A_102, %add3A_150 : i32
        %get3A_152 = arith.index_cast %add3A_151 : i32 to index
        %get3A_153 = tpu.vector_load %arg11[%get3A_152] {strides = array<i32>} : memref<16384xf32, #tpu.memory_space<vmem>>, vector<16xf32>,
        %sub3A_154 = arith.subf %get3A_153, %gather3A : vector<16xf32>
        %get3A_155 = arith.index_cast %add3A_151 : i32 to index
        %get3A_156 = tpu.vector_load %arg12[%get3A_155] {strides = array<i32>} : memref<16384xf32, #tpu.memory_space<vmem>>, vector<16xf32>,
        %sub3A_157 = arith.subf %get3A_156, %gather3A_39 : vector<16xf32>
        %get3A_158 = arith.index_cast %add3A_151 : i32 to index
        %get3A_159 = tpu.vector_load %arg13[%get3A_158] {strides = array<i32>} : memref<16384xf32, #tpu.memory_space<vmem>>, vector<16xf32>,
        %sub3A_160 = arith.subf %get3A_159, %gather3A_40 : vector<16xf32>
        %mul3A_161 = arith.mulf %sub3A_154, %sub3A_154 : vector<16xf32>
        %mul3A_162 = arith.mulf %sub3A_157, %sub3A_157 : vector<16xf32>
        %add3A_163 = arith.addf %mul3A_161, %mul3A_162 : vector<16xf32>
        %mul3A_164 = arith.mulf %sub3A_160, %sub3A_160 : vector<16xf32>
        %add3A_165 = arith.addf %add3A_163, %mul3A_164 : vector<16xf32>
        %le3A_166 = vector.broadcast %scan3A_23 : f32 to vector<16xf32>
        %le3A_167 = arith.cmpf ole, %add3A_165, %le3A_166 : vector<16xf32>
        %bitcast3A_168 = vector.bitcast %add3A_165 : vector<16xf32> to vector<16xi32>
        %add3A_169 = vector.broadcast %add3A_151 : i32 to vector<16xi32>
        %add3A_170 = arith.addi %add3A_169, %iota3A : vector<16xi32>
        %add3A_171 = arith.constant 1343554297 : i32
        %add3A_172 = vector.broadcast %add3A_171 : i32 to vector<16xi32>
        %add3A_173 = arith.addi %add3A_172, %add3A_170 : vector<16xi32>
        %select_n3A_174 = arith.select %le3A_167, %bitcast3A_168, %add3A_173 : vector<16xi1>, vector<16xi32>
        %add3A_175 = arith.constant 48 : i32
        %add3A_176 = arith.addi %mul3A_102, %add3A_175 : i32
        %get3A_177 = arith.index_cast %add3A_176 : i32 to index
        %get3A_178 = tpu.vector_load %arg11[%get3A_177] {strides = array<i32>} : memref<16384xf32, #tpu.memory_space<vmem>>, vector<16xf32>,
        %sub3A_179 = arith.subf %get3A_178, %gather3A : vector<16xf32>
        %get3A_180 = arith.index_cast %add3A_176 : i32 to index
        %get3A_181 = tpu.vector_load %arg12[%get3A_180] {strides = array<i32>} : memref<16384xf32, #tpu.memory_space<vmem>>, vector<16xf32>,
        %sub3A_182 = arith.subf %get3A_181, %gather3A_39 : vector<16xf32>
        %get3A_183 = arith.index_cast %add3A_176 : i32 to index
        %get3A_184 = tpu.vector_load %arg13[%get3A_183] {strides = array<i32>} : memref<16384xf32, #tpu.memory_space<vmem>>, vector<16xf32>,
        %sub3A_185 = arith.subf %get3A_184, %gather3A_40 : vector<16xf32>
        %mul3A_186 = arith.mulf %sub3A_179, %sub3A_179 : vector<16xf32>
        %mul3A_187 = arith.mulf %sub3A_182, %sub3A_182 : vector<16xf32>
        %add3A_188 = arith.addf %mul3A_186, %mul3A_187 : vector<16xf32>
        %mul3A_189 = arith.mulf %sub3A_185, %sub3A_185 : vector<16xf32>
        %add3A_190 = arith.addf %add3A_188, %mul3A_189 : vector<16xf32>
        %le3A_191 = vector.broadcast %scan3A_23 : f32 to vector<16xf32>
        %le3A_192 = arith.cmpf ole, %add3A_190, %le3A_191 : vector<16xf32>
        %bitcast3A_193 = vector.bitcast %add3A_190 : vector<16xf32> to vector<16xi32>
        %add3A_194 = vector.broadcast %add3A_176 : i32 to vector<16xi32>
        %add3A_195 = arith.addi %add3A_194, %iota3A : vector<16xi32>
        %add3A_196 = arith.constant 1343554297 : i32
        %add3A_197 = vector.broadcast %add3A_196 : i32 to vector<16xi32>
        %add3A_198 = arith.addi %add3A_197, %add3A_195 : vector<16xi32>
        %select_n3A_199 = arith.select %le3A_192, %bitcast3A_193, %add3A_198 : vector<16xi1>, vector<16xi32>
        %add3A_200 = arith.constant 64 : i32
        %add3A_201 = arith.addi %mul3A_102, %add3A_200 : i32
        %get3A_202 = arith.index_cast %add3A_201 : i32 to index
        %get3A_203 = tpu.vector_load %arg11[%get3A_202] {strides = array<i32>} : memref<16384xf32, #tpu.memory_space<vmem>>, vector<16xf32>,
        %sub3A_204 = arith.subf %get3A_203, %gather3A : vector<16xf32>
        %get3A_205 = arith.index_cast %add3A_201 : i32 to index
        %get3A_206 = tpu.vector_load %arg12[%get3A_205] {strides = array<i32>} : memref<16384xf32, #tpu.memory_space<vmem>>, vector<16xf32>,
        %sub3A_207 = arith.subf %get3A_206, %gather3A_39 : vector<16xf32>
        %get3A_208 = arith.index_cast %add3A_201 : i32 to index
        %get3A_209 = tpu.vector_load %arg13[%get3A_208] {strides = array<i32>} : memref<16384xf32, #tpu.memory_space<vmem>>, vector<16xf32>,
        %sub3A_210 = arith.subf %get3A_209, %gather3A_40 : vector<16xf32>
        %mul3A_211 = arith.mulf %sub3A_204, %sub3A_204 : vector<16xf32>
        %mul3A_212 = arith.mulf %sub3A_207, %sub3A_207 : vector<16xf32>
        %add3A_213 = arith.addf %mul3A_211, %mul3A_212 : vector<16xf32>
        %mul3A_214 = arith.mulf %sub3A_210, %sub3A_210 : vector<16xf32>
        %add3A_215 = arith.addf %add3A_213, %mul3A_214 : vector<16xf32>
        %le3A_216 = vector.broadcast %scan3A_23 : f32 to vector<16xf32>
        %le3A_217 = arith.cmpf ole, %add3A_215, %le3A_216 : vector<16xf32>
        %bitcast3A_218 = vector.bitcast %add3A_215 : vector<16xf32> to vector<16xi32>
        %add3A_219 = vector.broadcast %add3A_201 : i32 to vector<16xi32>
        %add3A_220 = arith.addi %add3A_219, %iota3A : vector<16xi32>
        %add3A_221 = arith.constant 1343554297 : i32
        %add3A_222 = vector.broadcast %add3A_221 : i32 to vector<16xi32>
        %add3A_223 = arith.addi %add3A_222, %add3A_220 : vector<16xi32>
        %select_n3A_224 = arith.select %le3A_217, %bitcast3A_218, %add3A_223 : vector<16xi1>, vector<16xi32>
        %add3A_225 = arith.constant 80 : i32
        %add3A_226 = arith.addi %mul3A_102, %add3A_225 : i32
        %get3A_227 = arith.index_cast %add3A_226 : i32 to index
        %get3A_228 = tpu.vector_load %arg11[%get3A_227] {strides = array<i32>} : memref<16384xf32, #tpu.memory_space<vmem>>, vector<16xf32>,
        %sub3A_229 = arith.subf %get3A_228, %gather3A : vector<16xf32>
        %get3A_230 = arith.index_cast %add3A_226 : i32 to index
        %get3A_231 = tpu.vector_load %arg12[%get3A_230] {strides = array<i32>} : memref<16384xf32, #tpu.memory_space<vmem>>, vector<16xf32>,
        %sub3A_232 = arith.subf %get3A_231, %gather3A_39 : vector<16xf32>
        %get3A_233 = arith.index_cast %add3A_226 : i32 to index
        %get3A_234 = tpu.vector_load %arg13[%get3A_233] {strides = array<i32>} : memref<16384xf32, #tpu.memory_space<vmem>>, vector<16xf32>,
        %sub3A_235 = arith.subf %get3A_234, %gather3A_40 : vector<16xf32>
        %mul3A_236 = arith.mulf %sub3A_229, %sub3A_229 : vector<16xf32>
        %mul3A_237 = arith.mulf %sub3A_232, %sub3A_232 : vector<16xf32>
        %add3A_238 = arith.addf %mul3A_236, %mul3A_237 : vector<16xf32>
        %mul3A_239 = arith.mulf %sub3A_235, %sub3A_235 : vector<16xf32>
        %add3A_240 = arith.addf %add3A_238, %mul3A_239 : vector<16xf32>
        %le3A_241 = vector.broadcast %scan3A_23 : f32 to vector<16xf32>
        %le3A_242 = arith.cmpf ole, %add3A_240, %le3A_241 : vector<16xf32>
        %bitcast3A_243 = vector.bitcast %add3A_240 : vector<16xf32> to vector<16xi32>
        %add3A_244 = vector.broadcast %add3A_226 : i32 to vector<16xi32>
        %add3A_245 = arith.addi %add3A_244, %iota3A : vector<16xi32>
        %add3A_246 = arith.constant 1343554297 : i32
        %add3A_247 = vector.broadcast %add3A_246 : i32 to vector<16xi32>
        %add3A_248 = arith.addi %add3A_247, %add3A_245 : vector<16xi32>
        %select_n3A_249 = arith.select %le3A_242, %bitcast3A_243, %add3A_248 : vector<16xi1>, vector<16xi32>
        %add3A_250 = arith.constant 96 : i32
        %add3A_251 = arith.addi %mul3A_102, %add3A_250 : i32
        %get3A_252 = arith.index_cast %add3A_251 : i32 to index
        %get3A_253 = tpu.vector_load %arg11[%get3A_252] {strides = array<i32>} : memref<16384xf32, #tpu.memory_space<vmem>>, vector<16xf32>,
        %sub3A_254 = arith.subf %get3A_253, %gather3A : vector<16xf32>
        %get3A_255 = arith.index_cast %add3A_251 : i32 to index
        %get3A_256 = tpu.vector_load %arg12[%get3A_255] {strides = array<i32>} : memref<16384xf32, #tpu.memory_space<vmem>>, vector<16xf32>,
        %sub3A_257 = arith.subf %get3A_256, %gather3A_39 : vector<16xf32>
        %get3A_258 = arith.index_cast %add3A_251 : i32 to index
        %get3A_259 = tpu.vector_load %arg13[%get3A_258] {strides = array<i32>} : memref<16384xf32, #tpu.memory_space<vmem>>, vector<16xf32>,
        %sub3A_260 = arith.subf %get3A_259, %gather3A_40 : vector<16xf32>
        %mul3A_261 = arith.mulf %sub3A_254, %sub3A_254 : vector<16xf32>
        %mul3A_262 = arith.mulf %sub3A_257, %sub3A_257 : vector<16xf32>
        %add3A_263 = arith.addf %mul3A_261, %mul3A_262 : vector<16xf32>
        %mul3A_264 = arith.mulf %sub3A_260, %sub3A_260 : vector<16xf32>
        %add3A_265 = arith.addf %add3A_263, %mul3A_264 : vector<16xf32>
        %le3A_266 = vector.broadcast %scan3A_23 : f32 to vector<16xf32>
        %le3A_267 = arith.cmpf ole, %add3A_265, %le3A_266 : vector<16xf32>
        %bitcast3A_268 = vector.bitcast %add3A_265 : vector<16xf32> to vector<16xi32>
        %add3A_269 = vector.broadcast %add3A_251 : i32 to vector<16xi32>
        %add3A_270 = arith.addi %add3A_269, %iota3A : vector<16xi32>
        %add3A_271 = arith.constant 1343554297 : i32
        %add3A_272 = vector.broadcast %add3A_271 : i32 to vector<16xi32>
        %add3A_273 = arith.addi %add3A_272, %add3A_270 : vector<16xi32>
        %select_n3A_274 = arith.select %le3A_267, %bitcast3A_268, %add3A_273 : vector<16xi1>, vector<16xi32>
        %add3A_275 = arith.constant 112 : i32
        %add3A_276 = arith.addi %mul3A_102, %add3A_275 : i32
        %get3A_277 = arith.index_cast %add3A_276 : i32 to index
        %get3A_278 = tpu.vector_load %arg11[%get3A_277] {strides = array<i32>} : memref<16384xf32, #tpu.memory_space<vmem>>, vector<16xf32>,
        %sub3A_279 = arith.subf %get3A_278, %gather3A : vector<16xf32>
        %get3A_280 = arith.index_cast %add3A_276 : i32 to index
        %get3A_281 = tpu.vector_load %arg12[%get3A_280] {strides = array<i32>} : memref<16384xf32, #tpu.memory_space<vmem>>, vector<16xf32>,
        %sub3A_282 = arith.subf %get3A_281, %gather3A_39 : vector<16xf32>
        %get3A_283 = arith.index_cast %add3A_276 : i32 to index
        %get3A_284 = tpu.vector_load %arg13[%get3A_283] {strides = array<i32>} : memref<16384xf32, #tpu.memory_space<vmem>>, vector<16xf32>,
        %sub3A_285 = arith.subf %get3A_284, %gather3A_40 : vector<16xf32>
        %mul3A_286 = arith.mulf %sub3A_279, %sub3A_279 : vector<16xf32>
        %mul3A_287 = arith.mulf %sub3A_282, %sub3A_282 : vector<16xf32>
        %add3A_288 = arith.addf %mul3A_286, %mul3A_287 : vector<16xf32>
        %mul3A_289 = arith.mulf %sub3A_285, %sub3A_285 : vector<16xf32>
        %add3A_290 = arith.addf %add3A_288, %mul3A_289 : vector<16xf32>
        %le3A_291 = vector.broadcast %scan3A_23 : f32 to vector<16xf32>
        %le3A_292 = arith.cmpf ole, %add3A_290, %le3A_291 : vector<16xf32>
        %bitcast3A_293 = vector.bitcast %add3A_290 : vector<16xf32> to vector<16xi32>
        %add3A_294 = vector.broadcast %add3A_276 : i32 to vector<16xi32>
        %add3A_295 = arith.addi %add3A_294, %iota3A : vector<16xi32>
        %add3A_296 = arith.constant 1343554297 : i32
        %add3A_297 = vector.broadcast %add3A_296 : i32 to vector<16xi32>
        %add3A_298 = arith.addi %add3A_297, %add3A_295 : vector<16xi32>
        %select_n3A_299 = arith.select %le3A_292, %bitcast3A_293, %add3A_298 : vector<16xi1>, vector<16xi32>
        %add3A_300 = arith.constant 128 : i32
        %add3A_301 = arith.addi %mul3A_102, %add3A_300 : i32
        %get3A_302 = arith.index_cast %add3A_301 : i32 to index
        %get3A_303 = tpu.vector_load %arg11[%get3A_302] {strides = array<i32>} : memref<16384xf32, #tpu.memory_space<vmem>>, vector<16xf32>,
        %sub3A_304 = arith.subf %get3A_303, %gather3A : vector<16xf32>
        %get3A_305 = arith.index_cast %add3A_301 : i32 to index
        %get3A_306 = tpu.vector_load %arg12[%get3A_305] {strides = array<i32>} : memref<16384xf32, #tpu.memory_space<vmem>>, vector<16xf32>,
        %sub3A_307 = arith.subf %get3A_306, %gather3A_39 : vector<16xf32>
        %get3A_308 = arith.index_cast %add3A_301 : i32 to index
        %get3A_309 = tpu.vector_load %arg13[%get3A_308] {strides = array<i32>} : memref<16384xf32, #tpu.memory_space<vmem>>, vector<16xf32>,
        %sub3A_310 = arith.subf %get3A_309, %gather3A_40 : vector<16xf32>
        %mul3A_311 = arith.mulf %sub3A_304, %sub3A_304 : vector<16xf32>
        %mul3A_312 = arith.mulf %sub3A_307, %sub3A_307 : vector<16xf32>
        %add3A_313 = arith.addf %mul3A_311, %mul3A_312 : vector<16xf32>
        %mul3A_314 = arith.mulf %sub3A_310, %sub3A_310 : vector<16xf32>
        %add3A_315 = arith.addf %add3A_313, %mul3A_314 : vector<16xf32>
        %le3A_316 = vector.broadcast %scan3A_23 : f32 to vector<16xf32>
        %le3A_317 = arith.cmpf ole, %add3A_315, %le3A_316 : vector<16xf32>
        %bitcast3A_318 = vector.bitcast %add3A_315 : vector<16xf32> to vector<16xi32>
        %add3A_319 = vector.broadcast %add3A_301 : i32 to vector<16xi32>
        %add3A_320 = arith.addi %add3A_319, %iota3A : vector<16xi32>
        %add3A_321 = arith.constant 1343554297 : i32
        %add3A_322 = vector.broadcast %add3A_321 : i32 to vector<16xi32>
        %add3A_323 = arith.addi %add3A_322, %add3A_320 : vector<16xi32>
        %select_n3A_324 = arith.select %le3A_317, %bitcast3A_318, %add3A_323 : vector<16xi1>, vector<16xi32>
        %add3A_325 = arith.constant 144 : i32
        %add3A_326 = arith.addi %mul3A_102, %add3A_325 : i32
        %get3A_327 = arith.index_cast %add3A_326 : i32 to index
        %get3A_328 = tpu.vector_load %arg11[%get3A_327] {strides = array<i32>} : memref<16384xf32, #tpu.memory_space<vmem>>, vector<16xf32>,
        %sub3A_329 = arith.subf %get3A_328, %gather3A : vector<16xf32>
        %get3A_330 = arith.index_cast %add3A_326 : i32 to index
        %get3A_331 = tpu.vector_load %arg12[%get3A_330] {strides = array<i32>} : memref<16384xf32, #tpu.memory_space<vmem>>, vector<16xf32>,
        %sub3A_332 = arith.subf %get3A_331, %gather3A_39 : vector<16xf32>
        %get3A_333 = arith.index_cast %add3A_326 : i32 to index
        %get3A_334 = tpu.vector_load %arg13[%get3A_333] {strides = array<i32>} : memref<16384xf32, #tpu.memory_space<vmem>>, vector<16xf32>,
        %sub3A_335 = arith.subf %get3A_334, %gather3A_40 : vector<16xf32>
        %mul3A_336 = arith.mulf %sub3A_329, %sub3A_329 : vector<16xf32>
        %mul3A_337 = arith.mulf %sub3A_332, %sub3A_332 : vector<16xf32>
        %add3A_338 = arith.addf %mul3A_336, %mul3A_337 : vector<16xf32>
        %mul3A_339 = arith.mulf %sub3A_335, %sub3A_335 : vector<16xf32>
        %add3A_340 = arith.addf %add3A_338, %mul3A_339 : vector<16xf32>
        %le3A_341 = vector.broadcast %scan3A_23 : f32 to vector<16xf32>
        %le3A_342 = arith.cmpf ole, %add3A_340, %le3A_341 : vector<16xf32>
        %bitcast3A_343 = vector.bitcast %add3A_340 : vector<16xf32> to vector<16xi32>
        %add3A_344 = vector.broadcast %add3A_326 : i32 to vector<16xi32>
        %add3A_345 = arith.addi %add3A_344, %iota3A : vector<16xi32>
        %add3A_346 = arith.constant 1343554297 : i32
        %add3A_347 = vector.broadcast %add3A_346 : i32 to vector<16xi32>
        %add3A_348 = arith.addi %add3A_347, %add3A_345 : vector<16xi32>
        %select_n3A_349 = arith.select %le3A_342, %bitcast3A_343, %add3A_348 : vector<16xi1>, vector<16xi32>
        %add3A_350 = arith.constant 160 : i32
        %add3A_351 = arith.addi %mul3A_102, %add3A_350 : i32
        %get3A_352 = arith.index_cast %add3A_351 : i32 to index
        %get3A_353 = tpu.vector_load %arg11[%get3A_352] {strides = array<i32>} : memref<16384xf32, #tpu.memory_space<vmem>>, vector<16xf32>,
        %sub3A_354 = arith.subf %get3A_353, %gather3A : vector<16xf32>
        %get3A_355 = arith.index_cast %add3A_351 : i32 to index
        %get3A_356 = tpu.vector_load %arg12[%get3A_355] {strides = array<i32>} : memref<16384xf32, #tpu.memory_space<vmem>>, vector<16xf32>,
        %sub3A_357 = arith.subf %get3A_356, %gather3A_39 : vector<16xf32>
        %get3A_358 = arith.index_cast %add3A_351 : i32 to index
        %get3A_359 = tpu.vector_load %arg13[%get3A_358] {strides = array<i32>} : memref<16384xf32, #tpu.memory_space<vmem>>, vector<16xf32>,
        %sub3A_360 = arith.subf %get3A_359, %gather3A_40 : vector<16xf32>
        %mul3A_361 = arith.mulf %sub3A_354, %sub3A_354 : vector<16xf32>
        %mul3A_362 = arith.mulf %sub3A_357, %sub3A_357 : vector<16xf32>
        %add3A_363 = arith.addf %mul3A_361, %mul3A_362 : vector<16xf32>
        %mul3A_364 = arith.mulf %sub3A_360, %sub3A_360 : vector<16xf32>
        %add3A_365 = arith.addf %add3A_363, %mul3A_364 : vector<16xf32>
        %le3A_366 = vector.broadcast %scan3A_23 : f32 to vector<16xf32>
        %le3A_367 = arith.cmpf ole, %add3A_365, %le3A_366 : vector<16xf32>
        %bitcast3A_368 = vector.bitcast %add3A_365 : vector<16xf32> to vector<16xi32>
        %add3A_369 = vector.broadcast %add3A_351 : i32 to vector<16xi32>
        %add3A_370 = arith.addi %add3A_369, %iota3A : vector<16xi32>
        %add3A_371 = arith.constant 1343554297 : i32
        %add3A_372 = vector.broadcast %add3A_371 : i32 to vector<16xi32>
        %add3A_373 = arith.addi %add3A_372, %add3A_370 : vector<16xi32>
        %select_n3A_374 = arith.select %le3A_367, %bitcast3A_368, %add3A_373 : vector<16xi1>, vector<16xi32>
        %add3A_375 = arith.constant 176 : i32
        %add3A_376 = arith.addi %mul3A_102, %add3A_375 : i32
        %get3A_377 = arith.index_cast %add3A_376 : i32 to index
        %get3A_378 = tpu.vector_load %arg11[%get3A_377] {strides = array<i32>} : memref<16384xf32, #tpu.memory_space<vmem>>, vector<16xf32>,
        %sub3A_379 = arith.subf %get3A_378, %gather3A : vector<16xf32>
        %get3A_380 = arith.index_cast %add3A_376 : i32 to index
        %get3A_381 = tpu.vector_load %arg12[%get3A_380] {strides = array<i32>} : memref<16384xf32, #tpu.memory_space<vmem>>, vector<16xf32>,
        %sub3A_382 = arith.subf %get3A_381, %gather3A_39 : vector<16xf32>
        %get3A_383 = arith.index_cast %add3A_376 : i32 to index
        %get3A_384 = tpu.vector_load %arg13[%get3A_383] {strides = array<i32>} : memref<16384xf32, #tpu.memory_space<vmem>>, vector<16xf32>,
        %sub3A_385 = arith.subf %get3A_384, %gather3A_40 : vector<16xf32>
        %mul3A_386 = arith.mulf %sub3A_379, %sub3A_379 : vector<16xf32>
        %mul3A_387 = arith.mulf %sub3A_382, %sub3A_382 : vector<16xf32>
        %add3A_388 = arith.addf %mul3A_386, %mul3A_387 : vector<16xf32>
        %mul3A_389 = arith.mulf %sub3A_385, %sub3A_385 : vector<16xf32>
        %add3A_390 = arith.addf %add3A_388, %mul3A_389 : vector<16xf32>
        %le3A_391 = vector.broadcast %scan3A_23 : f32 to vector<16xf32>
        %le3A_392 = arith.cmpf ole, %add3A_390, %le3A_391 : vector<16xf32>
        %bitcast3A_393 = vector.bitcast %add3A_390 : vector<16xf32> to vector<16xi32>
        %add3A_394 = vector.broadcast %add3A_376 : i32 to vector<16xi32>
        %add3A_395 = arith.addi %add3A_394, %iota3A : vector<16xi32>
        %add3A_396 = arith.constant 1343554297 : i32
        %add3A_397 = vector.broadcast %add3A_396 : i32 to vector<16xi32>
        %add3A_398 = arith.addi %add3A_397, %add3A_395 : vector<16xi32>
        %select_n3A_399 = arith.select %le3A_392, %bitcast3A_393, %add3A_398 : vector<16xi1>, vector<16xi32>
        %add3A_400 = arith.constant 192 : i32
        %add3A_401 = arith.addi %mul3A_102, %add3A_400 : i32
        %get3A_402 = arith.index_cast %add3A_401 : i32 to index
        %get3A_403 = tpu.vector_load %arg11[%get3A_402] {strides = array<i32>} : memref<16384xf32, #tpu.memory_space<vmem>>, vector<16xf32>,
        %sub3A_404 = arith.subf %get3A_403, %gather3A : vector<16xf32>
        %get3A_405 = arith.index_cast %add3A_401 : i32 to index
        %get3A_406 = tpu.vector_load %arg12[%get3A_405] {strides = array<i32>} : memref<16384xf32, #tpu.memory_space<vmem>>, vector<16xf32>,
        %sub3A_407 = arith.subf %get3A_406, %gather3A_39 : vector<16xf32>
        %get3A_408 = arith.index_cast %add3A_401 : i32 to index
        %get3A_409 = tpu.vector_load %arg13[%get3A_408] {strides = array<i32>} : memref<16384xf32, #tpu.memory_space<vmem>>, vector<16xf32>,
        %sub3A_410 = arith.subf %get3A_409, %gather3A_40 : vector<16xf32>
        %mul3A_411 = arith.mulf %sub3A_404, %sub3A_404 : vector<16xf32>
        %mul3A_412 = arith.mulf %sub3A_407, %sub3A_407 : vector<16xf32>
        %add3A_413 = arith.addf %mul3A_411, %mul3A_412 : vector<16xf32>
        %mul3A_414 = arith.mulf %sub3A_410, %sub3A_410 : vector<16xf32>
        %add3A_415 = arith.addf %add3A_413, %mul3A_414 : vector<16xf32>
        %le3A_416 = vector.broadcast %scan3A_23 : f32 to vector<16xf32>
        %le3A_417 = arith.cmpf ole, %add3A_415, %le3A_416 : vector<16xf32>
        %bitcast3A_418 = vector.bitcast %add3A_415 : vector<16xf32> to vector<16xi32>
        %add3A_419 = vector.broadcast %add3A_401 : i32 to vector<16xi32>
        %add3A_420 = arith.addi %add3A_419, %iota3A : vector<16xi32>
        %add3A_421 = arith.constant 1343554297 : i32
        %add3A_422 = vector.broadcast %add3A_421 : i32 to vector<16xi32>
        %add3A_423 = arith.addi %add3A_422, %add3A_420 : vector<16xi32>
        %select_n3A_424 = arith.select %le3A_417, %bitcast3A_418, %add3A_423 : vector<16xi1>, vector<16xi32>
        %add3A_425 = arith.constant 208 : i32
        %add3A_426 = arith.addi %mul3A_102, %add3A_425 : i32
        %get3A_427 = arith.index_cast %add3A_426 : i32 to index
        %get3A_428 = tpu.vector_load %arg11[%get3A_427] {strides = array<i32>} : memref<16384xf32, #tpu.memory_space<vmem>>, vector<16xf32>,
        %sub3A_429 = arith.subf %get3A_428, %gather3A : vector<16xf32>
        %get3A_430 = arith.index_cast %add3A_426 : i32 to index
        %get3A_431 = tpu.vector_load %arg12[%get3A_430] {strides = array<i32>} : memref<16384xf32, #tpu.memory_space<vmem>>, vector<16xf32>,
        %sub3A_432 = arith.subf %get3A_431, %gather3A_39 : vector<16xf32>
        %get3A_433 = arith.index_cast %add3A_426 : i32 to index
        %get3A_434 = tpu.vector_load %arg13[%get3A_433] {strides = array<i32>} : memref<16384xf32, #tpu.memory_space<vmem>>, vector<16xf32>,
        %sub3A_435 = arith.subf %get3A_434, %gather3A_40 : vector<16xf32>
        %mul3A_436 = arith.mulf %sub3A_429, %sub3A_429 : vector<16xf32>
        %mul3A_437 = arith.mulf %sub3A_432, %sub3A_432 : vector<16xf32>
        %add3A_438 = arith.addf %mul3A_436, %mul3A_437 : vector<16xf32>
        %mul3A_439 = arith.mulf %sub3A_435, %sub3A_435 : vector<16xf32>
        %add3A_440 = arith.addf %add3A_438, %mul3A_439 : vector<16xf32>
        %le3A_441 = vector.broadcast %scan3A_23 : f32 to vector<16xf32>
        %le3A_442 = arith.cmpf ole, %add3A_440, %le3A_441 : vector<16xf32>
        %bitcast3A_443 = vector.bitcast %add3A_440 : vector<16xf32> to vector<16xi32>
        %add3A_444 = vector.broadcast %add3A_426 : i32 to vector<16xi32>
        %add3A_445 = arith.addi %add3A_444, %iota3A : vector<16xi32>
        %add3A_446 = arith.constant 1343554297 : i32
        %add3A_447 = vector.broadcast %add3A_446 : i32 to vector<16xi32>
        %add3A_448 = arith.addi %add3A_447, %add3A_445 : vector<16xi32>
        %select_n3A_449 = arith.select %le3A_442, %bitcast3A_443, %add3A_448 : vector<16xi1>, vector<16xi32>
        %add3A_450 = arith.constant 224 : i32
        %add3A_451 = arith.addi %mul3A_102, %add3A_450 : i32
        %get3A_452 = arith.index_cast %add3A_451 : i32 to index
        %get3A_453 = tpu.vector_load %arg11[%get3A_452] {strides = array<i32>} : memref<16384xf32, #tpu.memory_space<vmem>>, vector<16xf32>,
        %sub3A_454 = arith.subf %get3A_453, %gather3A : vector<16xf32>
        %get3A_455 = arith.index_cast %add3A_451 : i32 to index
        %get3A_456 = tpu.vector_load %arg12[%get3A_455] {strides = array<i32>} : memref<16384xf32, #tpu.memory_space<vmem>>, vector<16xf32>,
        %sub3A_457 = arith.subf %get3A_456, %gather3A_39 : vector<16xf32>
        %get3A_458 = arith.index_cast %add3A_451 : i32 to index
        %get3A_459 = tpu.vector_load %arg13[%get3A_458] {strides = array<i32>} : memref<16384xf32, #tpu.memory_space<vmem>>, vector<16xf32>,
        %sub3A_460 = arith.subf %get3A_459, %gather3A_40 : vector<16xf32>
        %mul3A_461 = arith.mulf %sub3A_454, %sub3A_454 : vector<16xf32>
        %mul3A_462 = arith.mulf %sub3A_457, %sub3A_457 : vector<16xf32>
        %add3A_463 = arith.addf %mul3A_461, %mul3A_462 : vector<16xf32>
        %mul3A_464 = arith.mulf %sub3A_460, %sub3A_460 : vector<16xf32>
        %add3A_465 = arith.addf %add3A_463, %mul3A_464 : vector<16xf32>
        %le3A_466 = vector.broadcast %scan3A_23 : f32 to vector<16xf32>
        %le3A_467 = arith.cmpf ole, %add3A_465, %le3A_466 : vector<16xf32>
        %bitcast3A_468 = vector.bitcast %add3A_465 : vector<16xf32> to vector<16xi32>
        %add3A_469 = vector.broadcast %add3A_451 : i32 to vector<16xi32>
        %add3A_470 = arith.addi %add3A_469, %iota3A : vector<16xi32>
        %add3A_471 = arith.constant 1343554297 : i32
        %add3A_472 = vector.broadcast %add3A_471 : i32 to vector<16xi32>
        %add3A_473 = arith.addi %add3A_472, %add3A_470 : vector<16xi32>
        %select_n3A_474 = arith.select %le3A_467, %bitcast3A_468, %add3A_473 : vector<16xi1>, vector<16xi32>
        %add3A_475 = arith.constant 240 : i32
        %add3A_476 = arith.addi %mul3A_102, %add3A_475 : i32
        %get3A_477 = arith.index_cast %add3A_476 : i32 to index
        %get3A_478 = tpu.vector_load %arg11[%get3A_477] {strides = array<i32>} : memref<16384xf32, #tpu.memory_space<vmem>>, vector<16xf32>,
        %sub3A_479 = arith.subf %get3A_478, %gather3A : vector<16xf32>
        %get3A_480 = arith.index_cast %add3A_476 : i32 to index
        %get3A_481 = tpu.vector_load %arg12[%get3A_480] {strides = array<i32>} : memref<16384xf32, #tpu.memory_space<vmem>>, vector<16xf32>,
        %sub3A_482 = arith.subf %get3A_481, %gather3A_39 : vector<16xf32>
        %get3A_483 = arith.index_cast %add3A_476 : i32 to index
        %get3A_484 = tpu.vector_load %arg13[%get3A_483] {strides = array<i32>} : memref<16384xf32, #tpu.memory_space<vmem>>, vector<16xf32>,
        %sub3A_485 = arith.subf %get3A_484, %gather3A_40 : vector<16xf32>
        %mul3A_486 = arith.mulf %sub3A_479, %sub3A_479 : vector<16xf32>
        %mul3A_487 = arith.mulf %sub3A_482, %sub3A_482 : vector<16xf32>
        %add3A_488 = arith.addf %mul3A_486, %mul3A_487 : vector<16xf32>
        %mul3A_489 = arith.mulf %sub3A_485, %sub3A_485 : vector<16xf32>
        %add3A_490 = arith.addf %add3A_488, %mul3A_489 : vector<16xf32>
        %le3A_491 = vector.broadcast %scan3A_23 : f32 to vector<16xf32>
        %le3A_492 = arith.cmpf ole, %add3A_490, %le3A_491 : vector<16xf32>
        %bitcast3A_493 = vector.bitcast %add3A_490 : vector<16xf32> to vector<16xi32>
        %add3A_494 = vector.broadcast %add3A_476 : i32 to vector<16xi32>
        %add3A_495 = arith.addi %add3A_494, %iota3A : vector<16xi32>
        %add3A_496 = arith.constant 1343554297 : i32
        %add3A_497 = vector.broadcast %add3A_496 : i32 to vector<16xi32>
        %add3A_498 = arith.addi %add3A_497, %add3A_495 : vector<16xi32>
        %select_n3A_499 = arith.select %le3A_492, %bitcast3A_493, %add3A_498 : vector<16xi1>, vector<16xi32>
        %lt3A = vector.broadcast %scan3A_100 : i32 to vector<16xi32>
        %lt3A_500 = arith.cmpi slt, %select_n3A_124, %lt3A : vector<16xi32>
        %lt3A_501 = vector.broadcast %scan3A_100 : i32 to vector<16xi32>
        %lt3A_502 = arith.cmpi slt, %select_n3A_149, %lt3A_501 : vector<16xi32>
        %or3A = arith.ori %lt3A_500, %lt3A_502 : vector<16xi1>
        %lt3A_503 = vector.broadcast %scan3A_100 : i32 to vector<16xi32>
        %lt3A_504 = arith.cmpi slt, %select_n3A_174, %lt3A_503 : vector<16xi32>
        %or3A_505 = arith.ori %or3A, %lt3A_504 : vector<16xi1>
        %lt3A_506 = vector.broadcast %scan3A_100 : i32 to vector<16xi32>
        %lt3A_507 = arith.cmpi slt, %select_n3A_199, %lt3A_506 : vector<16xi32>
        %or3A_508 = arith.ori %or3A_505, %lt3A_507 : vector<16xi1>
        %lt3A_509 = vector.broadcast %scan3A_100 : i32 to vector<16xi32>
        %lt3A_510 = arith.cmpi slt, %select_n3A_224, %lt3A_509 : vector<16xi32>
        %or3A_511 = arith.ori %or3A_508, %lt3A_510 : vector<16xi1>
        %lt3A_512 = vector.broadcast %scan3A_100 : i32 to vector<16xi32>
        %lt3A_513 = arith.cmpi slt, %select_n3A_249, %lt3A_512 : vector<16xi32>
        %or3A_514 = arith.ori %or3A_511, %lt3A_513 : vector<16xi1>
        %lt3A_515 = vector.broadcast %scan3A_100 : i32 to vector<16xi32>
        %lt3A_516 = arith.cmpi slt, %select_n3A_274, %lt3A_515 : vector<16xi32>
        %or3A_517 = arith.ori %or3A_514, %lt3A_516 : vector<16xi1>
        %lt3A_518 = vector.broadcast %scan3A_100 : i32 to vector<16xi32>
        %lt3A_519 = arith.cmpi slt, %select_n3A_299, %lt3A_518 : vector<16xi32>
        %or3A_520 = arith.ori %or3A_517, %lt3A_519 : vector<16xi1>
        %lt3A_521 = vector.broadcast %scan3A_100 : i32 to vector<16xi32>
        %lt3A_522 = arith.cmpi slt, %select_n3A_324, %lt3A_521 : vector<16xi32>
        %or3A_523 = arith.ori %or3A_520, %lt3A_522 : vector<16xi1>
        %lt3A_524 = vector.broadcast %scan3A_100 : i32 to vector<16xi32>
        %lt3A_525 = arith.cmpi slt, %select_n3A_349, %lt3A_524 : vector<16xi32>
        %or3A_526 = arith.ori %or3A_523, %lt3A_525 : vector<16xi1>
        %lt3A_527 = vector.broadcast %scan3A_100 : i32 to vector<16xi32>
        %lt3A_528 = arith.cmpi slt, %select_n3A_374, %lt3A_527 : vector<16xi32>
        %or3A_529 = arith.ori %or3A_526, %lt3A_528 : vector<16xi1>
        %lt3A_530 = vector.broadcast %scan3A_100 : i32 to vector<16xi32>
        %lt3A_531 = arith.cmpi slt, %select_n3A_399, %lt3A_530 : vector<16xi32>
        %or3A_532 = arith.ori %or3A_529, %lt3A_531 : vector<16xi1>
        %lt3A_533 = vector.broadcast %scan3A_100 : i32 to vector<16xi32>
        %lt3A_534 = arith.cmpi slt, %select_n3A_424, %lt3A_533 : vector<16xi32>
        %or3A_535 = arith.ori %or3A_532, %lt3A_534 : vector<16xi1>
        %lt3A_536 = vector.broadcast %scan3A_100 : i32 to vector<16xi32>
        %lt3A_537 = arith.cmpi slt, %select_n3A_449, %lt3A_536 : vector<16xi32>
        %or3A_538 = arith.ori %or3A_535, %lt3A_537 : vector<16xi1>
        %lt3A_539 = vector.broadcast %scan3A_100 : i32 to vector<16xi32>
        %lt3A_540 = arith.cmpi slt, %select_n3A_474, %lt3A_539 : vector<16xi32>
        %or3A_541 = arith.ori %or3A_538, %lt3A_540 : vector<16xi1>
        %lt3A_542 = vector.broadcast %scan3A_100 : i32 to vector<16xi32>
        %lt3A_543 = arith.cmpi slt, %select_n3A_499, %lt3A_542 : vector<16xi32>
        %or3A_544 = arith.ori %or3A_541, %lt3A_543 : vector<16xi1>
        %reduce_or3A = arith.constant 1.000000e+00 : f32
        %reduce_or3A_545 = arith.constant 0.000000e+00 : f32
        %reduce_or3A_546 = vector.broadcast %reduce_or3A : f32 to vector<16xf32>
        %reduce_or3A_547 = vector.broadcast %reduce_or3A_545 : f32 to vector<16xf32>
        %reduce_or3A_548 = arith.select %or3A_544, %reduce_or3A_546, %reduce_or3A_547 : vector<16xi1>, vector<16xf32>
        %reduce_or3A_549 = arith.constant true
        %reduce_or3A_550 = vector.broadcast %reduce_or3A_549 : i1 to vector<16xi1>
        %reduce_or3A_551 = tpu.scan <max>, %reduce_or3A_548 masked %reduce_or3A_550 : vector<16xf32>, vector<16xi1> -> vector<16xf32>
        %reduce_or3A_552 = vector.extract %reduce_or3A_551[15] : f32 from vector<16xf32>
        %reduce_or3A_553 = arith.constant 0.000000e+00 : f32
        %reduce_or3A_554 = arith.cmpf ogt, %reduce_or3A_552, %reduce_or3A_553 : f32
        %convert_element_type3A = arith.extui %reduce_or3A_554 : i1 to i32
        %cond3A = arith.constant 0 : i32
        %cond3A_555 = arith.cmpi ne, %convert_element_type3A, %cond3A : i32
        %cond3A_556:5 = scf.if %cond3A_555 -> (vector<16xi32>, vector<16xi32>, vector<16xi32>, vector<16xi32>, i32) {
          %add3A_557 = arith.constant 0 : i32
          %add3A_558 = arith.addi %mul3A_102, %add3A_557 : i32
          %add3A_559 = vector.broadcast %add3A_558 : i32 to vector<16xi32>
          %add3A_560 = arith.addi %add3A_559, %iota3A : vector<16xi32>
          %broadcast_in_dim3A_561 = arith.constant true
          %broadcast_in_dim3A_562 = vector.broadcast %broadcast_in_dim3A_561 : i1 to vector<16xi1>
          %while3A:6 = scf.while (%while3A_668 = %scan3A_96, %while3A_669 = %scan3A_97, %while3A_670 = %scan3A_98, %while3A_671 = %scan3A_99, %while3A_672 = %scan3A_100, %while3A_673 = %broadcast_in_dim3A_562) : (vector<16xi32>, vector<16xi32>, vector<16xi32>, vector<16xi32>, i32, vector<16xi1>) -> (vector<16xi32>, vector<16xi32>, vector<16xi32>, vector<16xi32>, i32, vector<16xi1>) {
            %lt3A_674 = vector.broadcast %while3A_672 : i32 to vector<16xi32>
            %lt3A_675 = arith.cmpi slt, %select_n3A_124, %lt3A_674 : vector<16xi32>
            %and3A_676 = arith.andi %lt3A_675, %while3A_673 : vector<16xi1>
            %reduce_or3A_677 = arith.constant 1.000000e+00 : f32
            %reduce_or3A_678 = arith.constant 0.000000e+00 : f32
            %reduce_or3A_679 = vector.broadcast %reduce_or3A_677 : f32 to vector<16xf32>
            %reduce_or3A_680 = vector.broadcast %reduce_or3A_678 : f32 to vector<16xf32>
            %reduce_or3A_681 = arith.select %and3A_676, %reduce_or3A_679, %reduce_or3A_680 : vector<16xi1>, vector<16xf32>
            %reduce_or3A_682 = arith.constant true
            %reduce_or3A_683 = vector.broadcast %reduce_or3A_682 : i1 to vector<16xi1>
            %reduce_or3A_684 = tpu.scan <max>, %reduce_or3A_681 masked %reduce_or3A_683 : vector<16xf32>, vector<16xi1> -> vector<16xf32>
            %reduce_or3A_685 = vector.extract %reduce_or3A_684[15] : f32 from vector<16xf32>
            %reduce_or3A_686 = arith.constant 0.000000e+00 : f32
            %reduce_or3A_687 = arith.cmpf ogt, %reduce_or3A_685, %reduce_or3A_686 : f32
            scf.condition(%reduce_or3A_687) %while3A_668, %while3A_669, %while3A_670, %while3A_671, %while3A_672, %while3A_673 : vector<16xi32>, vector<16xi32>, vector<16xi32>, vector<16xi32>, i32, vector<16xi1>
          } do {
          ^bb0(%while3A_668: vector<16xi32>, %while3A_669: vector<16xi32>, %while3A_670: vector<16xi32>, %while3A_671: vector<16xi32>, %while3A_672: i32, %while3A_673: vector<16xi1>):
            %lt3A_674 = vector.broadcast %while3A_672 : i32 to vector<16xi32>
            %lt3A_675 = arith.cmpi slt, %select_n3A_124, %lt3A_674 : vector<16xi32>
            %and3A_676 = arith.andi %lt3A_675, %while3A_673 : vector<16xi1>
            %all_reduce_ffs3A = tpu.all_reduce %and3A_676 {dim = 0 : i64, kind = #tpu.reduction_kind<find_first_set>} : vector<16xi1> -> vector<16xi32>
            %eq3A = arith.cmpi eq, %iota3A, %all_reduce_ffs3A : vector<16xi32>
            %broadcast_in_dim3A_677 = vector.broadcast %scan3A : i32 to vector<16xi32>
            %select_n3A_678 = arith.select %eq3A, %select_n3A_124, %broadcast_in_dim3A_677 : vector<16xi1>, vector<16xi32>
            %reduce_min3A = arith.constant true
            %reduce_min3A_679 = vector.broadcast %reduce_min3A : i1 to vector<16xi1>
            %reduce_min3A_680 = arith.constant -2147483648 : i32
            %reduce_min3A_681 = vector.broadcast %reduce_min3A_680 : i32 to vector<16xi32>
            %reduce_min3A_682 = arith.xori %select_n3A_678, %reduce_min3A_681 : vector<16xi32>
            %reduce_min3A_683 = tpu.scan <min>, %reduce_min3A_682 masked %reduce_min3A_679 : vector<16xi32>, vector<16xi1> -> vector<16xi32>
            %reduce_min3A_684 = arith.xori %reduce_min3A_683, %reduce_min3A_681 : vector<16xi32>
            %reduce_min3A_685 = vector.extract %reduce_min3A_684[15] : i32 from vector<16xi32>
            %broadcast_in_dim3A_686 = vector.broadcast %scan3A : i32 to vector<16xi32>
            %select_n3A_687 = arith.select %eq3A, %add3A_560, %broadcast_in_dim3A_686 : vector<16xi1>, vector<16xi32>
            %reduce_min3A_688 = arith.constant true
            %reduce_min3A_689 = vector.broadcast %reduce_min3A_688 : i1 to vector<16xi1>
            %reduce_min3A_690 = arith.constant -2147483648 : i32
            %reduce_min3A_691 = vector.broadcast %reduce_min3A_690 : i32 to vector<16xi32>
            %reduce_min3A_692 = arith.xori %select_n3A_687, %reduce_min3A_691 : vector<16xi32>
            %reduce_min3A_693 = tpu.scan <min>, %reduce_min3A_692 masked %reduce_min3A_689 : vector<16xi32>, vector<16xi1> -> vector<16xi32>
            %reduce_min3A_694 = arith.xori %reduce_min3A_693, %reduce_min3A_691 : vector<16xi32>
            %reduce_min3A_695 = vector.extract %reduce_min3A_694[15] : i32 from vector<16xi32>
            %reduce_max3A = arith.constant true
            %reduce_max3A_696 = vector.broadcast %reduce_max3A : i1 to vector<16xi1>
            %reduce_max3A_697 = arith.constant -2147483648 : i32
            %reduce_max3A_698 = vector.broadcast %reduce_max3A_697 : i32 to vector<16xi32>
            %reduce_max3A_699 = arith.xori %while3A_668, %reduce_max3A_698 : vector<16xi32>
            %reduce_max3A_700 = tpu.scan <max>, %reduce_max3A_699 masked %reduce_max3A_696 : vector<16xi32>, vector<16xi1> -> vector<16xi32>
            %reduce_max3A_701 = arith.xori %reduce_max3A_700, %reduce_max3A_698 : vector<16xi32>
            %reduce_max3A_702 = vector.extract %reduce_max3A_701[15] : i32 from vector<16xi32>
            %reduce_max3A_703 = arith.constant true
            %reduce_max3A_704 = vector.broadcast %reduce_max3A_703 : i1 to vector<16xi1>
            %reduce_max3A_705 = arith.constant -2147483648 : i32
            %reduce_max3A_706 = vector.broadcast %reduce_max3A_705 : i32 to vector<16xi32>
            %reduce_max3A_707 = arith.xori %while3A_669, %reduce_max3A_706 : vector<16xi32>
            %reduce_max3A_708 = tpu.scan <max>, %reduce_max3A_707 masked %reduce_max3A_704 : vector<16xi32>, vector<16xi1> -> vector<16xi32>
            %reduce_max3A_709 = arith.xori %reduce_max3A_708, %reduce_max3A_706 : vector<16xi32>
            %reduce_max3A_710 = vector.extract %reduce_max3A_709[15] : i32 from vector<16xi32>
            %max3A = arith.maxsi %reduce_max3A_702, %reduce_max3A_710 : i32
            %eq3A_711 = vector.broadcast %max3A : i32 to vector<16xi32>
            %eq3A_712 = arith.cmpi eq, %while3A_668, %eq3A_711 : vector<16xi32>
            %jit3A_713 = arith.constant -1 : i32
            %broadcast_in_dim3A_714 = vector.broadcast %jit3A_713 : i32 to vector<16xi32>
            %select_n3A_715 = arith.select %eq3A_712, %while3A_670, %broadcast_in_dim3A_714 : vector<16xi1>, vector<16xi32>
            %reduce_max3A_716 = arith.constant true
            %reduce_max3A_717 = vector.broadcast %reduce_max3A_716 : i1 to vector<16xi1>
            %reduce_max3A_718 = arith.constant -2147483648 : i32
            %reduce_max3A_719 = vector.broadcast %reduce_max3A_718 : i32 to vector<16xi32>
            %reduce_max3A_720 = arith.xori %select_n3A_715, %reduce_max3A_719 : vector<16xi32>
            %reduce_max3A_721 = tpu.scan <max>, %reduce_max3A_720 masked %reduce_max3A_717 : vector<16xi32>, vector<16xi1> -> vector<16xi32>
            %reduce_max3A_722 = arith.xori %reduce_max3A_721, %reduce_max3A_719 : vector<16xi32>
            %reduce_max3A_723 = vector.extract %reduce_max3A_722[15] : i32 from vector<16xi32>
            %eq3A_724 = vector.broadcast %max3A : i32 to vector<16xi32>
            %eq3A_725 = arith.cmpi eq, %while3A_669, %eq3A_724 : vector<16xi32>
            %jit3A_726 = arith.constant -1 : i32
            %broadcast_in_dim3A_727 = vector.broadcast %jit3A_726 : i32 to vector<16xi32>
            %select_n3A_728 = arith.select %eq3A_725, %while3A_671, %broadcast_in_dim3A_727 : vector<16xi1>, vector<16xi32>
            %reduce_max3A_729 = arith.constant true
            %reduce_max3A_730 = vector.broadcast %reduce_max3A_729 : i1 to vector<16xi1>
            %reduce_max3A_731 = arith.constant -2147483648 : i32
            %reduce_max3A_732 = vector.broadcast %reduce_max3A_731 : i32 to vector<16xi32>
            %reduce_max3A_733 = arith.xori %select_n3A_728, %reduce_max3A_732 : vector<16xi32>
            %reduce_max3A_734 = tpu.scan <max>, %reduce_max3A_733 masked %reduce_max3A_730 : vector<16xi32>, vector<16xi1> -> vector<16xi32>
            %reduce_max3A_735 = arith.xori %reduce_max3A_734, %reduce_max3A_732 : vector<16xi32>
            %reduce_max3A_736 = vector.extract %reduce_max3A_735[15] : i32 from vector<16xi32>
            %max3A_737 = arith.maxsi %reduce_max3A_723, %reduce_max3A_736 : i32
            %eq3A_738 = vector.broadcast %max3A : i32 to vector<16xi32>
            %eq3A_739 = arith.cmpi eq, %while3A_668, %eq3A_738 : vector<16xi32>
            %eq3A_740 = vector.broadcast %max3A_737 : i32 to vector<16xi32>
            %eq3A_741 = arith.cmpi eq, %while3A_670, %eq3A_740 : vector<16xi32>
            %and3A_742 = arith.andi %eq3A_739, %eq3A_741 : vector<16xi1>
            %eq3A_743 = vector.broadcast %max3A : i32 to vector<16xi32>
            %eq3A_744 = arith.cmpi eq, %while3A_669, %eq3A_743 : vector<16xi32>
            %eq3A_745 = vector.broadcast %max3A_737 : i32 to vector<16xi32>
            %eq3A_746 = arith.cmpi eq, %while3A_671, %eq3A_745 : vector<16xi32>
            %and3A_747 = arith.andi %eq3A_744, %eq3A_746 : vector<16xi1>
            %broadcast_in_dim3A_748 = vector.broadcast %reduce_min3A_685 : i32 to vector<16xi32>
            %select_n3A_749 = arith.select %and3A_742, %broadcast_in_dim3A_748, %while3A_668 : vector<16xi1>, vector<16xi32>
            %broadcast_in_dim3A_750 = vector.broadcast %reduce_min3A_685 : i32 to vector<16xi32>
            %select_n3A_751 = arith.select %and3A_747, %broadcast_in_dim3A_750, %while3A_669 : vector<16xi1>, vector<16xi32>
            %broadcast_in_dim3A_752 = vector.broadcast %reduce_min3A_695 : i32 to vector<16xi32>
            %select_n3A_753 = arith.select %and3A_742, %broadcast_in_dim3A_752, %while3A_670 : vector<16xi1>, vector<16xi32>
            %broadcast_in_dim3A_754 = vector.broadcast %reduce_min3A_695 : i32 to vector<16xi32>
            %select_n3A_755 = arith.select %and3A_747, %broadcast_in_dim3A_754, %while3A_671 : vector<16xi1>, vector<16xi32>
            %reduce_max3A_756 = arith.constant true
            %reduce_max3A_757 = vector.broadcast %reduce_max3A_756 : i1 to vector<16xi1>
            %reduce_max3A_758 = arith.constant -2147483648 : i32
            %reduce_max3A_759 = vector.broadcast %reduce_max3A_758 : i32 to vector<16xi32>
            %reduce_max3A_760 = arith.xori %select_n3A_749, %reduce_max3A_759 : vector<16xi32>
            %reduce_max3A_761 = tpu.scan <max>, %reduce_max3A_760 masked %reduce_max3A_757 : vector<16xi32>, vector<16xi1> -> vector<16xi32>
            %reduce_max3A_762 = arith.xori %reduce_max3A_761, %reduce_max3A_759 : vector<16xi32>
            %reduce_max3A_763 = vector.extract %reduce_max3A_762[15] : i32 from vector<16xi32>
            %reduce_max3A_764 = arith.constant true
            %reduce_max3A_765 = vector.broadcast %reduce_max3A_764 : i1 to vector<16xi1>
            %reduce_max3A_766 = arith.constant -2147483648 : i32
            %reduce_max3A_767 = vector.broadcast %reduce_max3A_766 : i32 to vector<16xi32>
            %reduce_max3A_768 = arith.xori %select_n3A_751, %reduce_max3A_767 : vector<16xi32>
            %reduce_max3A_769 = tpu.scan <max>, %reduce_max3A_768 masked %reduce_max3A_765 : vector<16xi32>, vector<16xi1> -> vector<16xi32>
            %reduce_max3A_770 = arith.xori %reduce_max3A_769, %reduce_max3A_767 : vector<16xi32>
            %reduce_max3A_771 = vector.extract %reduce_max3A_770[15] : i32 from vector<16xi32>
            %max3A_772 = arith.maxsi %reduce_max3A_763, %reduce_max3A_771 : i32
            %not3A = arith.constant dense<true> : vector<16xi1>
            %not3A_773 = arith.xori %eq3A, %not3A : vector<16xi1>
            %and3A_774 = arith.andi %while3A_673, %not3A_773 : vector<16xi1>
            scf.yield %select_n3A_749, %select_n3A_751, %select_n3A_753, %select_n3A_755, %max3A_772, %and3A_774 : vector<16xi32>, vector<16xi32>, vector<16xi32>, vector<16xi32>, i32, vector<16xi1>
          }
          %add3A_563 = arith.constant 16 : i32
          %add3A_564 = arith.addi %mul3A_102, %add3A_563 : i32
          %add3A_565 = vector.broadcast %add3A_564 : i32 to vector<16xi32>
          %add3A_566 = arith.addi %add3A_565, %iota3A : vector<16xi32>
          %broadcast_in_dim3A_567 = arith.constant true
          %broadcast_in_dim3A_568 = vector.broadcast %broadcast_in_dim3A_567 : i1 to vector<16xi1>
          %while3A_569:6 = scf.while (%while3A_668 = %while3A#0, %while3A_669 = %while3A#1, %while3A_670 = %while3A#2, %while3A_671 = %while3A#3, %while3A_672 = %while3A#4, %while3A_673 = %broadcast_in_dim3A_568) : (vector<16xi32>, vector<16xi32>, vector<16xi32>, vector<16xi32>, i32, vector<16xi1>) -> (vector<16xi32>, vector<16xi32>, vector<16xi32>, vector<16xi32>, i32, vector<16xi1>) {
            %lt3A_674 = vector.broadcast %while3A_672 : i32 to vector<16xi32>
            %lt3A_675 = arith.cmpi slt, %select_n3A_149, %lt3A_674 : vector<16xi32>
            %and3A_676 = arith.andi %lt3A_675, %while3A_673 : vector<16xi1>
            %reduce_or3A_677 = arith.constant 1.000000e+00 : f32
            %reduce_or3A_678 = arith.constant 0.000000e+00 : f32
            %reduce_or3A_679 = vector.broadcast %reduce_or3A_677 : f32 to vector<16xf32>
            %reduce_or3A_680 = vector.broadcast %reduce_or3A_678 : f32 to vector<16xf32>
            %reduce_or3A_681 = arith.select %and3A_676, %reduce_or3A_679, %reduce_or3A_680 : vector<16xi1>, vector<16xf32>
            %reduce_or3A_682 = arith.constant true
            %reduce_or3A_683 = vector.broadcast %reduce_or3A_682 : i1 to vector<16xi1>
            %reduce_or3A_684 = tpu.scan <max>, %reduce_or3A_681 masked %reduce_or3A_683 : vector<16xf32>, vector<16xi1> -> vector<16xf32>
            %reduce_or3A_685 = vector.extract %reduce_or3A_684[15] : f32 from vector<16xf32>
            %reduce_or3A_686 = arith.constant 0.000000e+00 : f32
            %reduce_or3A_687 = arith.cmpf ogt, %reduce_or3A_685, %reduce_or3A_686 : f32
            scf.condition(%reduce_or3A_687) %while3A_668, %while3A_669, %while3A_670, %while3A_671, %while3A_672, %while3A_673 : vector<16xi32>, vector<16xi32>, vector<16xi32>, vector<16xi32>, i32, vector<16xi1>
          } do {
          ^bb0(%while3A_668: vector<16xi32>, %while3A_669: vector<16xi32>, %while3A_670: vector<16xi32>, %while3A_671: vector<16xi32>, %while3A_672: i32, %while3A_673: vector<16xi1>):
            %lt3A_674 = vector.broadcast %while3A_672 : i32 to vector<16xi32>
            %lt3A_675 = arith.cmpi slt, %select_n3A_149, %lt3A_674 : vector<16xi32>
            %and3A_676 = arith.andi %lt3A_675, %while3A_673 : vector<16xi1>
            %all_reduce_ffs3A = tpu.all_reduce %and3A_676 {dim = 0 : i64, kind = #tpu.reduction_kind<find_first_set>} : vector<16xi1> -> vector<16xi32>
            %eq3A = arith.cmpi eq, %iota3A, %all_reduce_ffs3A : vector<16xi32>
            %broadcast_in_dim3A_677 = vector.broadcast %scan3A : i32 to vector<16xi32>
            %select_n3A_678 = arith.select %eq3A, %select_n3A_149, %broadcast_in_dim3A_677 : vector<16xi1>, vector<16xi32>
            %reduce_min3A = arith.constant true
            %reduce_min3A_679 = vector.broadcast %reduce_min3A : i1 to vector<16xi1>
            %reduce_min3A_680 = arith.constant -2147483648 : i32
            %reduce_min3A_681 = vector.broadcast %reduce_min3A_680 : i32 to vector<16xi32>
            %reduce_min3A_682 = arith.xori %select_n3A_678, %reduce_min3A_681 : vector<16xi32>
            %reduce_min3A_683 = tpu.scan <min>, %reduce_min3A_682 masked %reduce_min3A_679 : vector<16xi32>, vector<16xi1> -> vector<16xi32>
            %reduce_min3A_684 = arith.xori %reduce_min3A_683, %reduce_min3A_681 : vector<16xi32>
            %reduce_min3A_685 = vector.extract %reduce_min3A_684[15] : i32 from vector<16xi32>
            %broadcast_in_dim3A_686 = vector.broadcast %scan3A : i32 to vector<16xi32>
            %select_n3A_687 = arith.select %eq3A, %add3A_566, %broadcast_in_dim3A_686 : vector<16xi1>, vector<16xi32>
            %reduce_min3A_688 = arith.constant true
            %reduce_min3A_689 = vector.broadcast %reduce_min3A_688 : i1 to vector<16xi1>
            %reduce_min3A_690 = arith.constant -2147483648 : i32
            %reduce_min3A_691 = vector.broadcast %reduce_min3A_690 : i32 to vector<16xi32>
            %reduce_min3A_692 = arith.xori %select_n3A_687, %reduce_min3A_691 : vector<16xi32>
            %reduce_min3A_693 = tpu.scan <min>, %reduce_min3A_692 masked %reduce_min3A_689 : vector<16xi32>, vector<16xi1> -> vector<16xi32>
            %reduce_min3A_694 = arith.xori %reduce_min3A_693, %reduce_min3A_691 : vector<16xi32>
            %reduce_min3A_695 = vector.extract %reduce_min3A_694[15] : i32 from vector<16xi32>
            %reduce_max3A = arith.constant true
            %reduce_max3A_696 = vector.broadcast %reduce_max3A : i1 to vector<16xi1>
            %reduce_max3A_697 = arith.constant -2147483648 : i32
            %reduce_max3A_698 = vector.broadcast %reduce_max3A_697 : i32 to vector<16xi32>
            %reduce_max3A_699 = arith.xori %while3A_668, %reduce_max3A_698 : vector<16xi32>
            %reduce_max3A_700 = tpu.scan <max>, %reduce_max3A_699 masked %reduce_max3A_696 : vector<16xi32>, vector<16xi1> -> vector<16xi32>
            %reduce_max3A_701 = arith.xori %reduce_max3A_700, %reduce_max3A_698 : vector<16xi32>
            %reduce_max3A_702 = vector.extract %reduce_max3A_701[15] : i32 from vector<16xi32>
            %reduce_max3A_703 = arith.constant true
            %reduce_max3A_704 = vector.broadcast %reduce_max3A_703 : i1 to vector<16xi1>
            %reduce_max3A_705 = arith.constant -2147483648 : i32
            %reduce_max3A_706 = vector.broadcast %reduce_max3A_705 : i32 to vector<16xi32>
            %reduce_max3A_707 = arith.xori %while3A_669, %reduce_max3A_706 : vector<16xi32>
            %reduce_max3A_708 = tpu.scan <max>, %reduce_max3A_707 masked %reduce_max3A_704 : vector<16xi32>, vector<16xi1> -> vector<16xi32>
            %reduce_max3A_709 = arith.xori %reduce_max3A_708, %reduce_max3A_706 : vector<16xi32>
            %reduce_max3A_710 = vector.extract %reduce_max3A_709[15] : i32 from vector<16xi32>
            %max3A = arith.maxsi %reduce_max3A_702, %reduce_max3A_710 : i32
            %eq3A_711 = vector.broadcast %max3A : i32 to vector<16xi32>
            %eq3A_712 = arith.cmpi eq, %while3A_668, %eq3A_711 : vector<16xi32>
            %jit3A_713 = arith.constant -1 : i32
            %broadcast_in_dim3A_714 = vector.broadcast %jit3A_713 : i32 to vector<16xi32>
            %select_n3A_715 = arith.select %eq3A_712, %while3A_670, %broadcast_in_dim3A_714 : vector<16xi1>, vector<16xi32>
            %reduce_max3A_716 = arith.constant true
            %reduce_max3A_717 = vector.broadcast %reduce_max3A_716 : i1 to vector<16xi1>
            %reduce_max3A_718 = arith.constant -2147483648 : i32
            %reduce_max3A_719 = vector.broadcast %reduce_max3A_718 : i32 to vector<16xi32>
            %reduce_max3A_720 = arith.xori %select_n3A_715, %reduce_max3A_719 : vector<16xi32>
            %reduce_max3A_721 = tpu.scan <max>, %reduce_max3A_720 masked %reduce_max3A_717 : vector<16xi32>, vector<16xi1> -> vector<16xi32>
            %reduce_max3A_722 = arith.xori %reduce_max3A_721, %reduce_max3A_719 : vector<16xi32>
            %reduce_max3A_723 = vector.extract %reduce_max3A_722[15] : i32 from vector<16xi32>
            %eq3A_724 = vector.broadcast %max3A : i32 to vector<16xi32>
            %eq3A_725 = arith.cmpi eq, %while3A_669, %eq3A_724 : vector<16xi32>
            %jit3A_726 = arith.constant -1 : i32
            %broadcast_in_dim3A_727 = vector.broadcast %jit3A_726 : i32 to vector<16xi32>
            %select_n3A_728 = arith.select %eq3A_725, %while3A_671, %broadcast_in_dim3A_727 : vector<16xi1>, vector<16xi32>
            %reduce_max3A_729 = arith.constant true
            %reduce_max3A_730 = vector.broadcast %reduce_max3A_729 : i1 to vector<16xi1>
            %reduce_max3A_731 = arith.constant -2147483648 : i32
            %reduce_max3A_732 = vector.broadcast %reduce_max3A_731 : i32 to vector<16xi32>
            %reduce_max3A_733 = arith.xori %select_n3A_728, %reduce_max3A_732 : vector<16xi32>
            %reduce_max3A_734 = tpu.scan <max>, %reduce_max3A_733 masked %reduce_max3A_730 : vector<16xi32>, vector<16xi1> -> vector<16xi32>
            %reduce_max3A_735 = arith.xori %reduce_max3A_734, %reduce_max3A_732 : vector<16xi32>
            %reduce_max3A_736 = vector.extract %reduce_max3A_735[15] : i32 from vector<16xi32>
            %max3A_737 = arith.maxsi %reduce_max3A_723, %reduce_max3A_736 : i32
            %eq3A_738 = vector.broadcast %max3A : i32 to vector<16xi32>
            %eq3A_739 = arith.cmpi eq, %while3A_668, %eq3A_738 : vector<16xi32>
            %eq3A_740 = vector.broadcast %max3A_737 : i32 to vector<16xi32>
            %eq3A_741 = arith.cmpi eq, %while3A_670, %eq3A_740 : vector<16xi32>
            %and3A_742 = arith.andi %eq3A_739, %eq3A_741 : vector<16xi1>
            %eq3A_743 = vector.broadcast %max3A : i32 to vector<16xi32>
            %eq3A_744 = arith.cmpi eq, %while3A_669, %eq3A_743 : vector<16xi32>
            %eq3A_745 = vector.broadcast %max3A_737 : i32 to vector<16xi32>
            %eq3A_746 = arith.cmpi eq, %while3A_671, %eq3A_745 : vector<16xi32>
            %and3A_747 = arith.andi %eq3A_744, %eq3A_746 : vector<16xi1>
            %broadcast_in_dim3A_748 = vector.broadcast %reduce_min3A_685 : i32 to vector<16xi32>
            %select_n3A_749 = arith.select %and3A_742, %broadcast_in_dim3A_748, %while3A_668 : vector<16xi1>, vector<16xi32>
            %broadcast_in_dim3A_750 = vector.broadcast %reduce_min3A_685 : i32 to vector<16xi32>
            %select_n3A_751 = arith.select %and3A_747, %broadcast_in_dim3A_750, %while3A_669 : vector<16xi1>, vector<16xi32>
            %broadcast_in_dim3A_752 = vector.broadcast %reduce_min3A_695 : i32 to vector<16xi32>
            %select_n3A_753 = arith.select %and3A_742, %broadcast_in_dim3A_752, %while3A_670 : vector<16xi1>, vector<16xi32>
            %broadcast_in_dim3A_754 = vector.broadcast %reduce_min3A_695 : i32 to vector<16xi32>
            %select_n3A_755 = arith.select %and3A_747, %broadcast_in_dim3A_754, %while3A_671 : vector<16xi1>, vector<16xi32>
            %reduce_max3A_756 = arith.constant true
            %reduce_max3A_757 = vector.broadcast %reduce_max3A_756 : i1 to vector<16xi1>
            %reduce_max3A_758 = arith.constant -2147483648 : i32
            %reduce_max3A_759 = vector.broadcast %reduce_max3A_758 : i32 to vector<16xi32>
            %reduce_max3A_760 = arith.xori %select_n3A_749, %reduce_max3A_759 : vector<16xi32>
            %reduce_max3A_761 = tpu.scan <max>, %reduce_max3A_760 masked %reduce_max3A_757 : vector<16xi32>, vector<16xi1> -> vector<16xi32>
            %reduce_max3A_762 = arith.xori %reduce_max3A_761, %reduce_max3A_759 : vector<16xi32>
            %reduce_max3A_763 = vector.extract %reduce_max3A_762[15] : i32 from vector<16xi32>
            %reduce_max3A_764 = arith.constant true
            %reduce_max3A_765 = vector.broadcast %reduce_max3A_764 : i1 to vector<16xi1>
            %reduce_max3A_766 = arith.constant -2147483648 : i32
            %reduce_max3A_767 = vector.broadcast %reduce_max3A_766 : i32 to vector<16xi32>
            %reduce_max3A_768 = arith.xori %select_n3A_751, %reduce_max3A_767 : vector<16xi32>
            %reduce_max3A_769 = tpu.scan <max>, %reduce_max3A_768 masked %reduce_max3A_765 : vector<16xi32>, vector<16xi1> -> vector<16xi32>
            %reduce_max3A_770 = arith.xori %reduce_max3A_769, %reduce_max3A_767 : vector<16xi32>
            %reduce_max3A_771 = vector.extract %reduce_max3A_770[15] : i32 from vector<16xi32>
            %max3A_772 = arith.maxsi %reduce_max3A_763, %reduce_max3A_771 : i32
            %not3A = arith.constant dense<true> : vector<16xi1>
            %not3A_773 = arith.xori %eq3A, %not3A : vector<16xi1>
            %and3A_774 = arith.andi %while3A_673, %not3A_773 : vector<16xi1>
            scf.yield %select_n3A_749, %select_n3A_751, %select_n3A_753, %select_n3A_755, %max3A_772, %and3A_774 : vector<16xi32>, vector<16xi32>, vector<16xi32>, vector<16xi32>, i32, vector<16xi1>
          }
          %add3A_570 = arith.constant 32 : i32
          %add3A_571 = arith.addi %mul3A_102, %add3A_570 : i32
          %add3A_572 = vector.broadcast %add3A_571 : i32 to vector<16xi32>
          %add3A_573 = arith.addi %add3A_572, %iota3A : vector<16xi32>
          %broadcast_in_dim3A_574 = arith.constant true
          %broadcast_in_dim3A_575 = vector.broadcast %broadcast_in_dim3A_574 : i1 to vector<16xi1>
          %while3A_576:6 = scf.while (%while3A_668 = %while3A_569#0, %while3A_669 = %while3A_569#1, %while3A_670 = %while3A_569#2, %while3A_671 = %while3A_569#3, %while3A_672 = %while3A_569#4, %while3A_673 = %broadcast_in_dim3A_575) : (vector<16xi32>, vector<16xi32>, vector<16xi32>, vector<16xi32>, i32, vector<16xi1>) -> (vector<16xi32>, vector<16xi32>, vector<16xi32>, vector<16xi32>, i32, vector<16xi1>) {
            %lt3A_674 = vector.broadcast %while3A_672 : i32 to vector<16xi32>
            %lt3A_675 = arith.cmpi slt, %select_n3A_174, %lt3A_674 : vector<16xi32>
            %and3A_676 = arith.andi %lt3A_675, %while3A_673 : vector<16xi1>
            %reduce_or3A_677 = arith.constant 1.000000e+00 : f32
            %reduce_or3A_678 = arith.constant 0.000000e+00 : f32
            %reduce_or3A_679 = vector.broadcast %reduce_or3A_677 : f32 to vector<16xf32>
            %reduce_or3A_680 = vector.broadcast %reduce_or3A_678 : f32 to vector<16xf32>
            %reduce_or3A_681 = arith.select %and3A_676, %reduce_or3A_679, %reduce_or3A_680 : vector<16xi1>, vector<16xf32>
            %reduce_or3A_682 = arith.constant true
            %reduce_or3A_683 = vector.broadcast %reduce_or3A_682 : i1 to vector<16xi1>
            %reduce_or3A_684 = tpu.scan <max>, %reduce_or3A_681 masked %reduce_or3A_683 : vector<16xf32>, vector<16xi1> -> vector<16xf32>
            %reduce_or3A_685 = vector.extract %reduce_or3A_684[15] : f32 from vector<16xf32>
            %reduce_or3A_686 = arith.constant 0.000000e+00 : f32
            %reduce_or3A_687 = arith.cmpf ogt, %reduce_or3A_685, %reduce_or3A_686 : f32
            scf.condition(%reduce_or3A_687) %while3A_668, %while3A_669, %while3A_670, %while3A_671, %while3A_672, %while3A_673 : vector<16xi32>, vector<16xi32>, vector<16xi32>, vector<16xi32>, i32, vector<16xi1>
          } do {
          ^bb0(%while3A_668: vector<16xi32>, %while3A_669: vector<16xi32>, %while3A_670: vector<16xi32>, %while3A_671: vector<16xi32>, %while3A_672: i32, %while3A_673: vector<16xi1>):
            %lt3A_674 = vector.broadcast %while3A_672 : i32 to vector<16xi32>
            %lt3A_675 = arith.cmpi slt, %select_n3A_174, %lt3A_674 : vector<16xi32>
            %and3A_676 = arith.andi %lt3A_675, %while3A_673 : vector<16xi1>
            %all_reduce_ffs3A = tpu.all_reduce %and3A_676 {dim = 0 : i64, kind = #tpu.reduction_kind<find_first_set>} : vector<16xi1> -> vector<16xi32>
            %eq3A = arith.cmpi eq, %iota3A, %all_reduce_ffs3A : vector<16xi32>
            %broadcast_in_dim3A_677 = vector.broadcast %scan3A : i32 to vector<16xi32>
            %select_n3A_678 = arith.select %eq3A, %select_n3A_174, %broadcast_in_dim3A_677 : vector<16xi1>, vector<16xi32>
            %reduce_min3A = arith.constant true
            %reduce_min3A_679 = vector.broadcast %reduce_min3A : i1 to vector<16xi1>
            %reduce_min3A_680 = arith.constant -2147483648 : i32
            %reduce_min3A_681 = vector.broadcast %reduce_min3A_680 : i32 to vector<16xi32>
            %reduce_min3A_682 = arith.xori %select_n3A_678, %reduce_min3A_681 : vector<16xi32>
            %reduce_min3A_683 = tpu.scan <min>, %reduce_min3A_682 masked %reduce_min3A_679 : vector<16xi32>, vector<16xi1> -> vector<16xi32>
            %reduce_min3A_684 = arith.xori %reduce_min3A_683, %reduce_min3A_681 : vector<16xi32>
            %reduce_min3A_685 = vector.extract %reduce_min3A_684[15] : i32 from vector<16xi32>
            %broadcast_in_dim3A_686 = vector.broadcast %scan3A : i32 to vector<16xi32>
            %select_n3A_687 = arith.select %eq3A, %add3A_573, %broadcast_in_dim3A_686 : vector<16xi1>, vector<16xi32>
            %reduce_min3A_688 = arith.constant true
            %reduce_min3A_689 = vector.broadcast %reduce_min3A_688 : i1 to vector<16xi1>
            %reduce_min3A_690 = arith.constant -2147483648 : i32
            %reduce_min3A_691 = vector.broadcast %reduce_min3A_690 : i32 to vector<16xi32>
            %reduce_min3A_692 = arith.xori %select_n3A_687, %reduce_min3A_691 : vector<16xi32>
            %reduce_min3A_693 = tpu.scan <min>, %reduce_min3A_692 masked %reduce_min3A_689 : vector<16xi32>, vector<16xi1> -> vector<16xi32>
            %reduce_min3A_694 = arith.xori %reduce_min3A_693, %reduce_min3A_691 : vector<16xi32>
            %reduce_min3A_695 = vector.extract %reduce_min3A_694[15] : i32 from vector<16xi32>
            %reduce_max3A = arith.constant true
            %reduce_max3A_696 = vector.broadcast %reduce_max3A : i1 to vector<16xi1>
            %reduce_max3A_697 = arith.constant -2147483648 : i32
            %reduce_max3A_698 = vector.broadcast %reduce_max3A_697 : i32 to vector<16xi32>
            %reduce_max3A_699 = arith.xori %while3A_668, %reduce_max3A_698 : vector<16xi32>
            %reduce_max3A_700 = tpu.scan <max>, %reduce_max3A_699 masked %reduce_max3A_696 : vector<16xi32>, vector<16xi1> -> vector<16xi32>
            %reduce_max3A_701 = arith.xori %reduce_max3A_700, %reduce_max3A_698 : vector<16xi32>
            %reduce_max3A_702 = vector.extract %reduce_max3A_701[15] : i32 from vector<16xi32>
            %reduce_max3A_703 = arith.constant true
            %reduce_max3A_704 = vector.broadcast %reduce_max3A_703 : i1 to vector<16xi1>
            %reduce_max3A_705 = arith.constant -2147483648 : i32
            %reduce_max3A_706 = vector.broadcast %reduce_max3A_705 : i32 to vector<16xi32>
            %reduce_max3A_707 = arith.xori %while3A_669, %reduce_max3A_706 : vector<16xi32>
            %reduce_max3A_708 = tpu.scan <max>, %reduce_max3A_707 masked %reduce_max3A_704 : vector<16xi32>, vector<16xi1> -> vector<16xi32>
            %reduce_max3A_709 = arith.xori %reduce_max3A_708, %reduce_max3A_706 : vector<16xi32>
            %reduce_max3A_710 = vector.extract %reduce_max3A_709[15] : i32 from vector<16xi32>
            %max3A = arith.maxsi %reduce_max3A_702, %reduce_max3A_710 : i32
            %eq3A_711 = vector.broadcast %max3A : i32 to vector<16xi32>
            %eq3A_712 = arith.cmpi eq, %while3A_668, %eq3A_711 : vector<16xi32>
            %jit3A_713 = arith.constant -1 : i32
            %broadcast_in_dim3A_714 = vector.broadcast %jit3A_713 : i32 to vector<16xi32>
            %select_n3A_715 = arith.select %eq3A_712, %while3A_670, %broadcast_in_dim3A_714 : vector<16xi1>, vector<16xi32>
            %reduce_max3A_716 = arith.constant true
            %reduce_max3A_717 = vector.broadcast %reduce_max3A_716 : i1 to vector<16xi1>
            %reduce_max3A_718 = arith.constant -2147483648 : i32
            %reduce_max3A_719 = vector.broadcast %reduce_max3A_718 : i32 to vector<16xi32>
            %reduce_max3A_720 = arith.xori %select_n3A_715, %reduce_max3A_719 : vector<16xi32>
            %reduce_max3A_721 = tpu.scan <max>, %reduce_max3A_720 masked %reduce_max3A_717 : vector<16xi32>, vector<16xi1> -> vector<16xi32>
            %reduce_max3A_722 = arith.xori %reduce_max3A_721, %reduce_max3A_719 : vector<16xi32>
            %reduce_max3A_723 = vector.extract %reduce_max3A_722[15] : i32 from vector<16xi32>
            %eq3A_724 = vector.broadcast %max3A : i32 to vector<16xi32>
            %eq3A_725 = arith.cmpi eq, %while3A_669, %eq3A_724 : vector<16xi32>
            %jit3A_726 = arith.constant -1 : i32
            %broadcast_in_dim3A_727 = vector.broadcast %jit3A_726 : i32 to vector<16xi32>
            %select_n3A_728 = arith.select %eq3A_725, %while3A_671, %broadcast_in_dim3A_727 : vector<16xi1>, vector<16xi32>
            %reduce_max3A_729 = arith.constant true
            %reduce_max3A_730 = vector.broadcast %reduce_max3A_729 : i1 to vector<16xi1>
            %reduce_max3A_731 = arith.constant -2147483648 : i32
            %reduce_max3A_732 = vector.broadcast %reduce_max3A_731 : i32 to vector<16xi32>
            %reduce_max3A_733 = arith.xori %select_n3A_728, %reduce_max3A_732 : vector<16xi32>
            %reduce_max3A_734 = tpu.scan <max>, %reduce_max3A_733 masked %reduce_max3A_730 : vector<16xi32>, vector<16xi1> -> vector<16xi32>
            %reduce_max3A_735 = arith.xori %reduce_max3A_734, %reduce_max3A_732 : vector<16xi32>
            %reduce_max3A_736 = vector.extract %reduce_max3A_735[15] : i32 from vector<16xi32>
            %max3A_737 = arith.maxsi %reduce_max3A_723, %reduce_max3A_736 : i32
            %eq3A_738 = vector.broadcast %max3A : i32 to vector<16xi32>
            %eq3A_739 = arith.cmpi eq, %while3A_668, %eq3A_738 : vector<16xi32>
            %eq3A_740 = vector.broadcast %max3A_737 : i32 to vector<16xi32>
            %eq3A_741 = arith.cmpi eq, %while3A_670, %eq3A_740 : vector<16xi32>
            %and3A_742 = arith.andi %eq3A_739, %eq3A_741 : vector<16xi1>
            %eq3A_743 = vector.broadcast %max3A : i32 to vector<16xi32>
            %eq3A_744 = arith.cmpi eq, %while3A_669, %eq3A_743 : vector<16xi32>
            %eq3A_745 = vector.broadcast %max3A_737 : i32 to vector<16xi32>
            %eq3A_746 = arith.cmpi eq, %while3A_671, %eq3A_745 : vector<16xi32>
            %and3A_747 = arith.andi %eq3A_744, %eq3A_746 : vector<16xi1>
            %broadcast_in_dim3A_748 = vector.broadcast %reduce_min3A_685 : i32 to vector<16xi32>
            %select_n3A_749 = arith.select %and3A_742, %broadcast_in_dim3A_748, %while3A_668 : vector<16xi1>, vector<16xi32>
            %broadcast_in_dim3A_750 = vector.broadcast %reduce_min3A_685 : i32 to vector<16xi32>
            %select_n3A_751 = arith.select %and3A_747, %broadcast_in_dim3A_750, %while3A_669 : vector<16xi1>, vector<16xi32>
            %broadcast_in_dim3A_752 = vector.broadcast %reduce_min3A_695 : i32 to vector<16xi32>
            %select_n3A_753 = arith.select %and3A_742, %broadcast_in_dim3A_752, %while3A_670 : vector<16xi1>, vector<16xi32>
            %broadcast_in_dim3A_754 = vector.broadcast %reduce_min3A_695 : i32 to vector<16xi32>
            %select_n3A_755 = arith.select %and3A_747, %broadcast_in_dim3A_754, %while3A_671 : vector<16xi1>, vector<16xi32>
            %reduce_max3A_756 = arith.constant true
            %reduce_max3A_757 = vector.broadcast %reduce_max3A_756 : i1 to vector<16xi1>
            %reduce_max3A_758 = arith.constant -2147483648 : i32
            %reduce_max3A_759 = vector.broadcast %reduce_max3A_758 : i32 to vector<16xi32>
            %reduce_max3A_760 = arith.xori %select_n3A_749, %reduce_max3A_759 : vector<16xi32>
            %reduce_max3A_761 = tpu.scan <max>, %reduce_max3A_760 masked %reduce_max3A_757 : vector<16xi32>, vector<16xi1> -> vector<16xi32>
            %reduce_max3A_762 = arith.xori %reduce_max3A_761, %reduce_max3A_759 : vector<16xi32>
            %reduce_max3A_763 = vector.extract %reduce_max3A_762[15] : i32 from vector<16xi32>
            %reduce_max3A_764 = arith.constant true
            %reduce_max3A_765 = vector.broadcast %reduce_max3A_764 : i1 to vector<16xi1>
            %reduce_max3A_766 = arith.constant -2147483648 : i32
            %reduce_max3A_767 = vector.broadcast %reduce_max3A_766 : i32 to vector<16xi32>
            %reduce_max3A_768 = arith.xori %select_n3A_751, %reduce_max3A_767 : vector<16xi32>
            %reduce_max3A_769 = tpu.scan <max>, %reduce_max3A_768 masked %reduce_max3A_765 : vector<16xi32>, vector<16xi1> -> vector<16xi32>
            %reduce_max3A_770 = arith.xori %reduce_max3A_769, %reduce_max3A_767 : vector<16xi32>
            %reduce_max3A_771 = vector.extract %reduce_max3A_770[15] : i32 from vector<16xi32>
            %max3A_772 = arith.maxsi %reduce_max3A_763, %reduce_max3A_771 : i32
            %not3A = arith.constant dense<true> : vector<16xi1>
            %not3A_773 = arith.xori %eq3A, %not3A : vector<16xi1>
            %and3A_774 = arith.andi %while3A_673, %not3A_773 : vector<16xi1>
            scf.yield %select_n3A_749, %select_n3A_751, %select_n3A_753, %select_n3A_755, %max3A_772, %and3A_774 : vector<16xi32>, vector<16xi32>, vector<16xi32>, vector<16xi32>, i32, vector<16xi1>
          }
          %add3A_577 = arith.constant 48 : i32
          %add3A_578 = arith.addi %mul3A_102, %add3A_577 : i32
          %add3A_579 = vector.broadcast %add3A_578 : i32 to vector<16xi32>
          %add3A_580 = arith.addi %add3A_579, %iota3A : vector<16xi32>
          %broadcast_in_dim3A_581 = arith.constant true
          %broadcast_in_dim3A_582 = vector.broadcast %broadcast_in_dim3A_581 : i1 to vector<16xi1>
          %while3A_583:6 = scf.while (%while3A_668 = %while3A_576#0, %while3A_669 = %while3A_576#1, %while3A_670 = %while3A_576#2, %while3A_671 = %while3A_576#3, %while3A_672 = %while3A_576#4, %while3A_673 = %broadcast_in_dim3A_582) : (vector<16xi32>, vector<16xi32>, vector<16xi32>, vector<16xi32>, i32, vector<16xi1>) -> (vector<16xi32>, vector<16xi32>, vector<16xi32>, vector<16xi32>, i32, vector<16xi1>) {
            %lt3A_674 = vector.broadcast %while3A_672 : i32 to vector<16xi32>
            %lt3A_675 = arith.cmpi slt, %select_n3A_199, %lt3A_674 : vector<16xi32>
            %and3A_676 = arith.andi %lt3A_675, %while3A_673 : vector<16xi1>
            %reduce_or3A_677 = arith.constant 1.000000e+00 : f32
            %reduce_or3A_678 = arith.constant 0.000000e+00 : f32
            %reduce_or3A_679 = vector.broadcast %reduce_or3A_677 : f32 to vector<16xf32>
            %reduce_or3A_680 = vector.broadcast %reduce_or3A_678 : f32 to vector<16xf32>
            %reduce_or3A_681 = arith.select %and3A_676, %reduce_or3A_679, %reduce_or3A_680 : vector<16xi1>, vector<16xf32>
            %reduce_or3A_682 = arith.constant true
            %reduce_or3A_683 = vector.broadcast %reduce_or3A_682 : i1 to vector<16xi1>
            %reduce_or3A_684 = tpu.scan <max>, %reduce_or3A_681 masked %reduce_or3A_683 : vector<16xf32>, vector<16xi1> -> vector<16xf32>
            %reduce_or3A_685 = vector.extract %reduce_or3A_684[15] : f32 from vector<16xf32>
            %reduce_or3A_686 = arith.constant 0.000000e+00 : f32
            %reduce_or3A_687 = arith.cmpf ogt, %reduce_or3A_685, %reduce_or3A_686 : f32
            scf.condition(%reduce_or3A_687) %while3A_668, %while3A_669, %while3A_670, %while3A_671, %while3A_672, %while3A_673 : vector<16xi32>, vector<16xi32>, vector<16xi32>, vector<16xi32>, i32, vector<16xi1>
          } do {
          ^bb0(%while3A_668: vector<16xi32>, %while3A_669: vector<16xi32>, %while3A_670: vector<16xi32>, %while3A_671: vector<16xi32>, %while3A_672: i32, %while3A_673: vector<16xi1>):
            %lt3A_674 = vector.broadcast %while3A_672 : i32 to vector<16xi32>
            %lt3A_675 = arith.cmpi slt, %select_n3A_199, %lt3A_674 : vector<16xi32>
            %and3A_676 = arith.andi %lt3A_675, %while3A_673 : vector<16xi1>
            %all_reduce_ffs3A = tpu.all_reduce %and3A_676 {dim = 0 : i64, kind = #tpu.reduction_kind<find_first_set>} : vector<16xi1> -> vector<16xi32>
            %eq3A = arith.cmpi eq, %iota3A, %all_reduce_ffs3A : vector<16xi32>
            %broadcast_in_dim3A_677 = vector.broadcast %scan3A : i32 to vector<16xi32>
            %select_n3A_678 = arith.select %eq3A, %select_n3A_199, %broadcast_in_dim3A_677 : vector<16xi1>, vector<16xi32>
            %reduce_min3A = arith.constant true
            %reduce_min3A_679 = vector.broadcast %reduce_min3A : i1 to vector<16xi1>
            %reduce_min3A_680 = arith.constant -2147483648 : i32
            %reduce_min3A_681 = vector.broadcast %reduce_min3A_680 : i32 to vector<16xi32>
            %reduce_min3A_682 = arith.xori %select_n3A_678, %reduce_min3A_681 : vector<16xi32>
            %reduce_min3A_683 = tpu.scan <min>, %reduce_min3A_682 masked %reduce_min3A_679 : vector<16xi32>, vector<16xi1> -> vector<16xi32>
            %reduce_min3A_684 = arith.xori %reduce_min3A_683, %reduce_min3A_681 : vector<16xi32>
            %reduce_min3A_685 = vector.extract %reduce_min3A_684[15] : i32 from vector<16xi32>
            %broadcast_in_dim3A_686 = vector.broadcast %scan3A : i32 to vector<16xi32>
            %select_n3A_687 = arith.select %eq3A, %add3A_580, %broadcast_in_dim3A_686 : vector<16xi1>, vector<16xi32>
            %reduce_min3A_688 = arith.constant true
            %reduce_min3A_689 = vector.broadcast %reduce_min3A_688 : i1 to vector<16xi1>
            %reduce_min3A_690 = arith.constant -2147483648 : i32
            %reduce_min3A_691 = vector.broadcast %reduce_min3A_690 : i32 to vector<16xi32>
            %reduce_min3A_692 = arith.xori %select_n3A_687, %reduce_min3A_691 : vector<16xi32>
            %reduce_min3A_693 = tpu.scan <min>, %reduce_min3A_692 masked %reduce_min3A_689 : vector<16xi32>, vector<16xi1> -> vector<16xi32>
            %reduce_min3A_694 = arith.xori %reduce_min3A_693, %reduce_min3A_691 : vector<16xi32>
            %reduce_min3A_695 = vector.extract %reduce_min3A_694[15] : i32 from vector<16xi32>
            %reduce_max3A = arith.constant true
            %reduce_max3A_696 = vector.broadcast %reduce_max3A : i1 to vector<16xi1>
            %reduce_max3A_697 = arith.constant -2147483648 : i32
            %reduce_max3A_698 = vector.broadcast %reduce_max3A_697 : i32 to vector<16xi32>
            %reduce_max3A_699 = arith.xori %while3A_668, %reduce_max3A_698 : vector<16xi32>
            %reduce_max3A_700 = tpu.scan <max>, %reduce_max3A_699 masked %reduce_max3A_696 : vector<16xi32>, vector<16xi1> -> vector<16xi32>
            %reduce_max3A_701 = arith.xori %reduce_max3A_700, %reduce_max3A_698 : vector<16xi32>
            %reduce_max3A_702 = vector.extract %reduce_max3A_701[15] : i32 from vector<16xi32>
            %reduce_max3A_703 = arith.constant true
            %reduce_max3A_704 = vector.broadcast %reduce_max3A_703 : i1 to vector<16xi1>
            %reduce_max3A_705 = arith.constant -2147483648 : i32
            %reduce_max3A_706 = vector.broadcast %reduce_max3A_705 : i32 to vector<16xi32>
            %reduce_max3A_707 = arith.xori %while3A_669, %reduce_max3A_706 : vector<16xi32>
            %reduce_max3A_708 = tpu.scan <max>, %reduce_max3A_707 masked %reduce_max3A_704 : vector<16xi32>, vector<16xi1> -> vector<16xi32>
            %reduce_max3A_709 = arith.xori %reduce_max3A_708, %reduce_max3A_706 : vector<16xi32>
            %reduce_max3A_710 = vector.extract %reduce_max3A_709[15] : i32 from vector<16xi32>
            %max3A = arith.maxsi %reduce_max3A_702, %reduce_max3A_710 : i32
            %eq3A_711 = vector.broadcast %max3A : i32 to vector<16xi32>
            %eq3A_712 = arith.cmpi eq, %while3A_668, %eq3A_711 : vector<16xi32>
            %jit3A_713 = arith.constant -1 : i32
            %broadcast_in_dim3A_714 = vector.broadcast %jit3A_713 : i32 to vector<16xi32>
            %select_n3A_715 = arith.select %eq3A_712, %while3A_670, %broadcast_in_dim3A_714 : vector<16xi1>, vector<16xi32>
            %reduce_max3A_716 = arith.constant true
            %reduce_max3A_717 = vector.broadcast %reduce_max3A_716 : i1 to vector<16xi1>
            %reduce_max3A_718 = arith.constant -2147483648 : i32
            %reduce_max3A_719 = vector.broadcast %reduce_max3A_718 : i32 to vector<16xi32>
            %reduce_max3A_720 = arith.xori %select_n3A_715, %reduce_max3A_719 : vector<16xi32>
            %reduce_max3A_721 = tpu.scan <max>, %reduce_max3A_720 masked %reduce_max3A_717 : vector<16xi32>, vector<16xi1> -> vector<16xi32>
            %reduce_max3A_722 = arith.xori %reduce_max3A_721, %reduce_max3A_719 : vector<16xi32>
            %reduce_max3A_723 = vector.extract %reduce_max3A_722[15] : i32 from vector<16xi32>
            %eq3A_724 = vector.broadcast %max3A : i32 to vector<16xi32>
            %eq3A_725 = arith.cmpi eq, %while3A_669, %eq3A_724 : vector<16xi32>
            %jit3A_726 = arith.constant -1 : i32
            %broadcast_in_dim3A_727 = vector.broadcast %jit3A_726 : i32 to vector<16xi32>
            %select_n3A_728 = arith.select %eq3A_725, %while3A_671, %broadcast_in_dim3A_727 : vector<16xi1>, vector<16xi32>
            %reduce_max3A_729 = arith.constant true
            %reduce_max3A_730 = vector.broadcast %reduce_max3A_729 : i1 to vector<16xi1>
            %reduce_max3A_731 = arith.constant -2147483648 : i32
            %reduce_max3A_732 = vector.broadcast %reduce_max3A_731 : i32 to vector<16xi32>
            %reduce_max3A_733 = arith.xori %select_n3A_728, %reduce_max3A_732 : vector<16xi32>
            %reduce_max3A_734 = tpu.scan <max>, %reduce_max3A_733 masked %reduce_max3A_730 : vector<16xi32>, vector<16xi1> -> vector<16xi32>
            %reduce_max3A_735 = arith.xori %reduce_max3A_734, %reduce_max3A_732 : vector<16xi32>
            %reduce_max3A_736 = vector.extract %reduce_max3A_735[15] : i32 from vector<16xi32>
            %max3A_737 = arith.maxsi %reduce_max3A_723, %reduce_max3A_736 : i32
            %eq3A_738 = vector.broadcast %max3A : i32 to vector<16xi32>
            %eq3A_739 = arith.cmpi eq, %while3A_668, %eq3A_738 : vector<16xi32>
            %eq3A_740 = vector.broadcast %max3A_737 : i32 to vector<16xi32>
            %eq3A_741 = arith.cmpi eq, %while3A_670, %eq3A_740 : vector<16xi32>
            %and3A_742 = arith.andi %eq3A_739, %eq3A_741 : vector<16xi1>
            %eq3A_743 = vector.broadcast %max3A : i32 to vector<16xi32>
            %eq3A_744 = arith.cmpi eq, %while3A_669, %eq3A_743 : vector<16xi32>
            %eq3A_745 = vector.broadcast %max3A_737 : i32 to vector<16xi32>
            %eq3A_746 = arith.cmpi eq, %while3A_671, %eq3A_745 : vector<16xi32>
            %and3A_747 = arith.andi %eq3A_744, %eq3A_746 : vector<16xi1>
            %broadcast_in_dim3A_748 = vector.broadcast %reduce_min3A_685 : i32 to vector<16xi32>
            %select_n3A_749 = arith.select %and3A_742, %broadcast_in_dim3A_748, %while3A_668 : vector<16xi1>, vector<16xi32>
            %broadcast_in_dim3A_750 = vector.broadcast %reduce_min3A_685 : i32 to vector<16xi32>
            %select_n3A_751 = arith.select %and3A_747, %broadcast_in_dim3A_750, %while3A_669 : vector<16xi1>, vector<16xi32>
            %broadcast_in_dim3A_752 = vector.broadcast %reduce_min3A_695 : i32 to vector<16xi32>
            %select_n3A_753 = arith.select %and3A_742, %broadcast_in_dim3A_752, %while3A_670 : vector<16xi1>, vector<16xi32>
            %broadcast_in_dim3A_754 = vector.broadcast %reduce_min3A_695 : i32 to vector<16xi32>
            %select_n3A_755 = arith.select %and3A_747, %broadcast_in_dim3A_754, %while3A_671 : vector<16xi1>, vector<16xi32>
            %reduce_max3A_756 = arith.constant true
            %reduce_max3A_757 = vector.broadcast %reduce_max3A_756 : i1 to vector<16xi1>
            %reduce_max3A_758 = arith.constant -2147483648 : i32
            %reduce_max3A_759 = vector.broadcast %reduce_max3A_758 : i32 to vector<16xi32>
            %reduce_max3A_760 = arith.xori %select_n3A_749, %reduce_max3A_759 : vector<16xi32>
            %reduce_max3A_761 = tpu.scan <max>, %reduce_max3A_760 masked %reduce_max3A_757 : vector<16xi32>, vector<16xi1> -> vector<16xi32>
            %reduce_max3A_762 = arith.xori %reduce_max3A_761, %reduce_max3A_759 : vector<16xi32>
            %reduce_max3A_763 = vector.extract %reduce_max3A_762[15] : i32 from vector<16xi32>
            %reduce_max3A_764 = arith.constant true
            %reduce_max3A_765 = vector.broadcast %reduce_max3A_764 : i1 to vector<16xi1>
            %reduce_max3A_766 = arith.constant -2147483648 : i32
            %reduce_max3A_767 = vector.broadcast %reduce_max3A_766 : i32 to vector<16xi32>
            %reduce_max3A_768 = arith.xori %select_n3A_751, %reduce_max3A_767 : vector<16xi32>
            %reduce_max3A_769 = tpu.scan <max>, %reduce_max3A_768 masked %reduce_max3A_765 : vector<16xi32>, vector<16xi1> -> vector<16xi32>
            %reduce_max3A_770 = arith.xori %reduce_max3A_769, %reduce_max3A_767 : vector<16xi32>
            %reduce_max3A_771 = vector.extract %reduce_max3A_770[15] : i32 from vector<16xi32>
            %max3A_772 = arith.maxsi %reduce_max3A_763, %reduce_max3A_771 : i32
            %not3A = arith.constant dense<true> : vector<16xi1>
            %not3A_773 = arith.xori %eq3A, %not3A : vector<16xi1>
            %and3A_774 = arith.andi %while3A_673, %not3A_773 : vector<16xi1>
            scf.yield %select_n3A_749, %select_n3A_751, %select_n3A_753, %select_n3A_755, %max3A_772, %and3A_774 : vector<16xi32>, vector<16xi32>, vector<16xi32>, vector<16xi32>, i32, vector<16xi1>
          }
          %add3A_584 = arith.constant 64 : i32
          %add3A_585 = arith.addi %mul3A_102, %add3A_584 : i32
          %add3A_586 = vector.broadcast %add3A_585 : i32 to vector<16xi32>
          %add3A_587 = arith.addi %add3A_586, %iota3A : vector<16xi32>
          %broadcast_in_dim3A_588 = arith.constant true
          %broadcast_in_dim3A_589 = vector.broadcast %broadcast_in_dim3A_588 : i1 to vector<16xi1>
          %while3A_590:6 = scf.while (%while3A_668 = %while3A_583#0, %while3A_669 = %while3A_583#1, %while3A_670 = %while3A_583#2, %while3A_671 = %while3A_583#3, %while3A_672 = %while3A_583#4, %while3A_673 = %broadcast_in_dim3A_589) : (vector<16xi32>, vector<16xi32>, vector<16xi32>, vector<16xi32>, i32, vector<16xi1>) -> (vector<16xi32>, vector<16xi32>, vector<16xi32>, vector<16xi32>, i32, vector<16xi1>) {
            %lt3A_674 = vector.broadcast %while3A_672 : i32 to vector<16xi32>
            %lt3A_675 = arith.cmpi slt, %select_n3A_224, %lt3A_674 : vector<16xi32>
            %and3A_676 = arith.andi %lt3A_675, %while3A_673 : vector<16xi1>
            %reduce_or3A_677 = arith.constant 1.000000e+00 : f32
            %reduce_or3A_678 = arith.constant 0.000000e+00 : f32
            %reduce_or3A_679 = vector.broadcast %reduce_or3A_677 : f32 to vector<16xf32>
            %reduce_or3A_680 = vector.broadcast %reduce_or3A_678 : f32 to vector<16xf32>
            %reduce_or3A_681 = arith.select %and3A_676, %reduce_or3A_679, %reduce_or3A_680 : vector<16xi1>, vector<16xf32>
            %reduce_or3A_682 = arith.constant true
            %reduce_or3A_683 = vector.broadcast %reduce_or3A_682 : i1 to vector<16xi1>
            %reduce_or3A_684 = tpu.scan <max>, %reduce_or3A_681 masked %reduce_or3A_683 : vector<16xf32>, vector<16xi1> -> vector<16xf32>
            %reduce_or3A_685 = vector.extract %reduce_or3A_684[15] : f32 from vector<16xf32>
            %reduce_or3A_686 = arith.constant 0.000000e+00 : f32
            %reduce_or3A_687 = arith.cmpf ogt, %reduce_or3A_685, %reduce_or3A_686 : f32
            scf.condition(%reduce_or3A_687) %while3A_668, %while3A_669, %while3A_670, %while3A_671, %while3A_672, %while3A_673 : vector<16xi32>, vector<16xi32>, vector<16xi32>, vector<16xi32>, i32, vector<16xi1>
          } do {
          ^bb0(%while3A_668: vector<16xi32>, %while3A_669: vector<16xi32>, %while3A_670: vector<16xi32>, %while3A_671: vector<16xi32>, %while3A_672: i32, %while3A_673: vector<16xi1>):
            %lt3A_674 = vector.broadcast %while3A_672 : i32 to vector<16xi32>
            %lt3A_675 = arith.cmpi slt, %select_n3A_224, %lt3A_674 : vector<16xi32>
            %and3A_676 = arith.andi %lt3A_675, %while3A_673 : vector<16xi1>
            %all_reduce_ffs3A = tpu.all_reduce %and3A_676 {dim = 0 : i64, kind = #tpu.reduction_kind<find_first_set>} : vector<16xi1> -> vector<16xi32>
            %eq3A = arith.cmpi eq, %iota3A, %all_reduce_ffs3A : vector<16xi32>
            %broadcast_in_dim3A_677 = vector.broadcast %scan3A : i32 to vector<16xi32>
            %select_n3A_678 = arith.select %eq3A, %select_n3A_224, %broadcast_in_dim3A_677 : vector<16xi1>, vector<16xi32>
            %reduce_min3A = arith.constant true
            %reduce_min3A_679 = vector.broadcast %reduce_min3A : i1 to vector<16xi1>
            %reduce_min3A_680 = arith.constant -2147483648 : i32
            %reduce_min3A_681 = vector.broadcast %reduce_min3A_680 : i32 to vector<16xi32>
            %reduce_min3A_682 = arith.xori %select_n3A_678, %reduce_min3A_681 : vector<16xi32>
            %reduce_min3A_683 = tpu.scan <min>, %reduce_min3A_682 masked %reduce_min3A_679 : vector<16xi32>, vector<16xi1> -> vector<16xi32>
            %reduce_min3A_684 = arith.xori %reduce_min3A_683, %reduce_min3A_681 : vector<16xi32>
            %reduce_min3A_685 = vector.extract %reduce_min3A_684[15] : i32 from vector<16xi32>
            %broadcast_in_dim3A_686 = vector.broadcast %scan3A : i32 to vector<16xi32>
            %select_n3A_687 = arith.select %eq3A, %add3A_587, %broadcast_in_dim3A_686 : vector<16xi1>, vector<16xi32>
            %reduce_min3A_688 = arith.constant true
            %reduce_min3A_689 = vector.broadcast %reduce_min3A_688 : i1 to vector<16xi1>
            %reduce_min3A_690 = arith.constant -2147483648 : i32
            %reduce_min3A_691 = vector.broadcast %reduce_min3A_690 : i32 to vector<16xi32>
            %reduce_min3A_692 = arith.xori %select_n3A_687, %reduce_min3A_691 : vector<16xi32>
            %reduce_min3A_693 = tpu.scan <min>, %reduce_min3A_692 masked %reduce_min3A_689 : vector<16xi32>, vector<16xi1> -> vector<16xi32>
            %reduce_min3A_694 = arith.xori %reduce_min3A_693, %reduce_min3A_691 : vector<16xi32>
            %reduce_min3A_695 = vector.extract %reduce_min3A_694[15] : i32 from vector<16xi32>
            %reduce_max3A = arith.constant true
            %reduce_max3A_696 = vector.broadcast %reduce_max3A : i1 to vector<16xi1>
            %reduce_max3A_697 = arith.constant -2147483648 : i32
            %reduce_max3A_698 = vector.broadcast %reduce_max3A_697 : i32 to vector<16xi32>
            %reduce_max3A_699 = arith.xori %while3A_668, %reduce_max3A_698 : vector<16xi32>
            %reduce_max3A_700 = tpu.scan <max>, %reduce_max3A_699 masked %reduce_max3A_696 : vector<16xi32>, vector<16xi1> -> vector<16xi32>
            %reduce_max3A_701 = arith.xori %reduce_max3A_700, %reduce_max3A_698 : vector<16xi32>
            %reduce_max3A_702 = vector.extract %reduce_max3A_701[15] : i32 from vector<16xi32>
            %reduce_max3A_703 = arith.constant true
            %reduce_max3A_704 = vector.broadcast %reduce_max3A_703 : i1 to vector<16xi1>
            %reduce_max3A_705 = arith.constant -2147483648 : i32
            %reduce_max3A_706 = vector.broadcast %reduce_max3A_705 : i32 to vector<16xi32>
            %reduce_max3A_707 = arith.xori %while3A_669, %reduce_max3A_706 : vector<16xi32>
            %reduce_max3A_708 = tpu.scan <max>, %reduce_max3A_707 masked %reduce_max3A_704 : vector<16xi32>, vector<16xi1> -> vector<16xi32>
            %reduce_max3A_709 = arith.xori %reduce_max3A_708, %reduce_max3A_706 : vector<16xi32>
            %reduce_max3A_710 = vector.extract %reduce_max3A_709[15] : i32 from vector<16xi32>
            %max3A = arith.maxsi %reduce_max3A_702, %reduce_max3A_710 : i32
            %eq3A_711 = vector.broadcast %max3A : i32 to vector<16xi32>
            %eq3A_712 = arith.cmpi eq, %while3A_668, %eq3A_711 : vector<16xi32>
            %jit3A_713 = arith.constant -1 : i32
            %broadcast_in_dim3A_714 = vector.broadcast %jit3A_713 : i32 to vector<16xi32>
            %select_n3A_715 = arith.select %eq3A_712, %while3A_670, %broadcast_in_dim3A_714 : vector<16xi1>, vector<16xi32>
            %reduce_max3A_716 = arith.constant true
            %reduce_max3A_717 = vector.broadcast %reduce_max3A_716 : i1 to vector<16xi1>
            %reduce_max3A_718 = arith.constant -2147483648 : i32
            %reduce_max3A_719 = vector.broadcast %reduce_max3A_718 : i32 to vector<16xi32>
            %reduce_max3A_720 = arith.xori %select_n3A_715, %reduce_max3A_719 : vector<16xi32>
            %reduce_max3A_721 = tpu.scan <max>, %reduce_max3A_720 masked %reduce_max3A_717 : vector<16xi32>, vector<16xi1> -> vector<16xi32>
            %reduce_max3A_722 = arith.xori %reduce_max3A_721, %reduce_max3A_719 : vector<16xi32>
            %reduce_max3A_723 = vector.extract %reduce_max3A_722[15] : i32 from vector<16xi32>
            %eq3A_724 = vector.broadcast %max3A : i32 to vector<16xi32>
            %eq3A_725 = arith.cmpi eq, %while3A_669, %eq3A_724 : vector<16xi32>
            %jit3A_726 = arith.constant -1 : i32
            %broadcast_in_dim3A_727 = vector.broadcast %jit3A_726 : i32 to vector<16xi32>
            %select_n3A_728 = arith.select %eq3A_725, %while3A_671, %broadcast_in_dim3A_727 : vector<16xi1>, vector<16xi32>
            %reduce_max3A_729 = arith.constant true
            %reduce_max3A_730 = vector.broadcast %reduce_max3A_729 : i1 to vector<16xi1>
            %reduce_max3A_731 = arith.constant -2147483648 : i32
            %reduce_max3A_732 = vector.broadcast %reduce_max3A_731 : i32 to vector<16xi32>
            %reduce_max3A_733 = arith.xori %select_n3A_728, %reduce_max3A_732 : vector<16xi32>
            %reduce_max3A_734 = tpu.scan <max>, %reduce_max3A_733 masked %reduce_max3A_730 : vector<16xi32>, vector<16xi1> -> vector<16xi32>
            %reduce_max3A_735 = arith.xori %reduce_max3A_734, %reduce_max3A_732 : vector<16xi32>
            %reduce_max3A_736 = vector.extract %reduce_max3A_735[15] : i32 from vector<16xi32>
            %max3A_737 = arith.maxsi %reduce_max3A_723, %reduce_max3A_736 : i32
            %eq3A_738 = vector.broadcast %max3A : i32 to vector<16xi32>
            %eq3A_739 = arith.cmpi eq, %while3A_668, %eq3A_738 : vector<16xi32>
            %eq3A_740 = vector.broadcast %max3A_737 : i32 to vector<16xi32>
            %eq3A_741 = arith.cmpi eq, %while3A_670, %eq3A_740 : vector<16xi32>
            %and3A_742 = arith.andi %eq3A_739, %eq3A_741 : vector<16xi1>
            %eq3A_743 = vector.broadcast %max3A : i32 to vector<16xi32>
            %eq3A_744 = arith.cmpi eq, %while3A_669, %eq3A_743 : vector<16xi32>
            %eq3A_745 = vector.broadcast %max3A_737 : i32 to vector<16xi32>
            %eq3A_746 = arith.cmpi eq, %while3A_671, %eq3A_745 : vector<16xi32>
            %and3A_747 = arith.andi %eq3A_744, %eq3A_746 : vector<16xi1>
            %broadcast_in_dim3A_748 = vector.broadcast %reduce_min3A_685 : i32 to vector<16xi32>
            %select_n3A_749 = arith.select %and3A_742, %broadcast_in_dim3A_748, %while3A_668 : vector<16xi1>, vector<16xi32>
            %broadcast_in_dim3A_750 = vector.broadcast %reduce_min3A_685 : i32 to vector<16xi32>
            %select_n3A_751 = arith.select %and3A_747, %broadcast_in_dim3A_750, %while3A_669 : vector<16xi1>, vector<16xi32>
            %broadcast_in_dim3A_752 = vector.broadcast %reduce_min3A_695 : i32 to vector<16xi32>
            %select_n3A_753 = arith.select %and3A_742, %broadcast_in_dim3A_752, %while3A_670 : vector<16xi1>, vector<16xi32>
            %broadcast_in_dim3A_754 = vector.broadcast %reduce_min3A_695 : i32 to vector<16xi32>
            %select_n3A_755 = arith.select %and3A_747, %broadcast_in_dim3A_754, %while3A_671 : vector<16xi1>, vector<16xi32>
            %reduce_max3A_756 = arith.constant true
            %reduce_max3A_757 = vector.broadcast %reduce_max3A_756 : i1 to vector<16xi1>
            %reduce_max3A_758 = arith.constant -2147483648 : i32
            %reduce_max3A_759 = vector.broadcast %reduce_max3A_758 : i32 to vector<16xi32>
            %reduce_max3A_760 = arith.xori %select_n3A_749, %reduce_max3A_759 : vector<16xi32>
            %reduce_max3A_761 = tpu.scan <max>, %reduce_max3A_760 masked %reduce_max3A_757 : vector<16xi32>, vector<16xi1> -> vector<16xi32>
            %reduce_max3A_762 = arith.xori %reduce_max3A_761, %reduce_max3A_759 : vector<16xi32>
            %reduce_max3A_763 = vector.extract %reduce_max3A_762[15] : i32 from vector<16xi32>
            %reduce_max3A_764 = arith.constant true
            %reduce_max3A_765 = vector.broadcast %reduce_max3A_764 : i1 to vector<16xi1>
            %reduce_max3A_766 = arith.constant -2147483648 : i32
            %reduce_max3A_767 = vector.broadcast %reduce_max3A_766 : i32 to vector<16xi32>
            %reduce_max3A_768 = arith.xori %select_n3A_751, %reduce_max3A_767 : vector<16xi32>
            %reduce_max3A_769 = tpu.scan <max>, %reduce_max3A_768 masked %reduce_max3A_765 : vector<16xi32>, vector<16xi1> -> vector<16xi32>
            %reduce_max3A_770 = arith.xori %reduce_max3A_769, %reduce_max3A_767 : vector<16xi32>
            %reduce_max3A_771 = vector.extract %reduce_max3A_770[15] : i32 from vector<16xi32>
            %max3A_772 = arith.maxsi %reduce_max3A_763, %reduce_max3A_771 : i32
            %not3A = arith.constant dense<true> : vector<16xi1>
            %not3A_773 = arith.xori %eq3A, %not3A : vector<16xi1>
            %and3A_774 = arith.andi %while3A_673, %not3A_773 : vector<16xi1>
            scf.yield %select_n3A_749, %select_n3A_751, %select_n3A_753, %select_n3A_755, %max3A_772, %and3A_774 : vector<16xi32>, vector<16xi32>, vector<16xi32>, vector<16xi32>, i32, vector<16xi1>
          }
          %add3A_591 = arith.constant 80 : i32
          %add3A_592 = arith.addi %mul3A_102, %add3A_591 : i32
          %add3A_593 = vector.broadcast %add3A_592 : i32 to vector<16xi32>
          %add3A_594 = arith.addi %add3A_593, %iota3A : vector<16xi32>
          %broadcast_in_dim3A_595 = arith.constant true
          %broadcast_in_dim3A_596 = vector.broadcast %broadcast_in_dim3A_595 : i1 to vector<16xi1>
          %while3A_597:6 = scf.while (%while3A_668 = %while3A_590#0, %while3A_669 = %while3A_590#1, %while3A_670 = %while3A_590#2, %while3A_671 = %while3A_590#3, %while3A_672 = %while3A_590#4, %while3A_673 = %broadcast_in_dim3A_596) : (vector<16xi32>, vector<16xi32>, vector<16xi32>, vector<16xi32>, i32, vector<16xi1>) -> (vector<16xi32>, vector<16xi32>, vector<16xi32>, vector<16xi32>, i32, vector<16xi1>) {
            %lt3A_674 = vector.broadcast %while3A_672 : i32 to vector<16xi32>
            %lt3A_675 = arith.cmpi slt, %select_n3A_249, %lt3A_674 : vector<16xi32>
            %and3A_676 = arith.andi %lt3A_675, %while3A_673 : vector<16xi1>
            %reduce_or3A_677 = arith.constant 1.000000e+00 : f32
            %reduce_or3A_678 = arith.constant 0.000000e+00 : f32
            %reduce_or3A_679 = vector.broadcast %reduce_or3A_677 : f32 to vector<16xf32>
            %reduce_or3A_680 = vector.broadcast %reduce_or3A_678 : f32 to vector<16xf32>
            %reduce_or3A_681 = arith.select %and3A_676, %reduce_or3A_679, %reduce_or3A_680 : vector<16xi1>, vector<16xf32>
            %reduce_or3A_682 = arith.constant true
            %reduce_or3A_683 = vector.broadcast %reduce_or3A_682 : i1 to vector<16xi1>
            %reduce_or3A_684 = tpu.scan <max>, %reduce_or3A_681 masked %reduce_or3A_683 : vector<16xf32>, vector<16xi1> -> vector<16xf32>
            %reduce_or3A_685 = vector.extract %reduce_or3A_684[15] : f32 from vector<16xf32>
            %reduce_or3A_686 = arith.constant 0.000000e+00 : f32
            %reduce_or3A_687 = arith.cmpf ogt, %reduce_or3A_685, %reduce_or3A_686 : f32
            scf.condition(%reduce_or3A_687) %while3A_668, %while3A_669, %while3A_670, %while3A_671, %while3A_672, %while3A_673 : vector<16xi32>, vector<16xi32>, vector<16xi32>, vector<16xi32>, i32, vector<16xi1>
          } do {
          ^bb0(%while3A_668: vector<16xi32>, %while3A_669: vector<16xi32>, %while3A_670: vector<16xi32>, %while3A_671: vector<16xi32>, %while3A_672: i32, %while3A_673: vector<16xi1>):
            %lt3A_674 = vector.broadcast %while3A_672 : i32 to vector<16xi32>
            %lt3A_675 = arith.cmpi slt, %select_n3A_249, %lt3A_674 : vector<16xi32>
            %and3A_676 = arith.andi %lt3A_675, %while3A_673 : vector<16xi1>
            %all_reduce_ffs3A = tpu.all_reduce %and3A_676 {dim = 0 : i64, kind = #tpu.reduction_kind<find_first_set>} : vector<16xi1> -> vector<16xi32>
            %eq3A = arith.cmpi eq, %iota3A, %all_reduce_ffs3A : vector<16xi32>
            %broadcast_in_dim3A_677 = vector.broadcast %scan3A : i32 to vector<16xi32>
            %select_n3A_678 = arith.select %eq3A, %select_n3A_249, %broadcast_in_dim3A_677 : vector<16xi1>, vector<16xi32>
            %reduce_min3A = arith.constant true
            %reduce_min3A_679 = vector.broadcast %reduce_min3A : i1 to vector<16xi1>
            %reduce_min3A_680 = arith.constant -2147483648 : i32
            %reduce_min3A_681 = vector.broadcast %reduce_min3A_680 : i32 to vector<16xi32>
            %reduce_min3A_682 = arith.xori %select_n3A_678, %reduce_min3A_681 : vector<16xi32>
            %reduce_min3A_683 = tpu.scan <min>, %reduce_min3A_682 masked %reduce_min3A_679 : vector<16xi32>, vector<16xi1> -> vector<16xi32>
            %reduce_min3A_684 = arith.xori %reduce_min3A_683, %reduce_min3A_681 : vector<16xi32>
            %reduce_min3A_685 = vector.extract %reduce_min3A_684[15] : i32 from vector<16xi32>
            %broadcast_in_dim3A_686 = vector.broadcast %scan3A : i32 to vector<16xi32>
            %select_n3A_687 = arith.select %eq3A, %add3A_594, %broadcast_in_dim3A_686 : vector<16xi1>, vector<16xi32>
            %reduce_min3A_688 = arith.constant true
            %reduce_min3A_689 = vector.broadcast %reduce_min3A_688 : i1 to vector<16xi1>
            %reduce_min3A_690 = arith.constant -2147483648 : i32
            %reduce_min3A_691 = vector.broadcast %reduce_min3A_690 : i32 to vector<16xi32>
            %reduce_min3A_692 = arith.xori %select_n3A_687, %reduce_min3A_691 : vector<16xi32>
            %reduce_min3A_693 = tpu.scan <min>, %reduce_min3A_692 masked %reduce_min3A_689 : vector<16xi32>, vector<16xi1> -> vector<16xi32>
            %reduce_min3A_694 = arith.xori %reduce_min3A_693, %reduce_min3A_691 : vector<16xi32>
            %reduce_min3A_695 = vector.extract %reduce_min3A_694[15] : i32 from vector<16xi32>
            %reduce_max3A = arith.constant true
            %reduce_max3A_696 = vector.broadcast %reduce_max3A : i1 to vector<16xi1>
            %reduce_max3A_697 = arith.constant -2147483648 : i32
            %reduce_max3A_698 = vector.broadcast %reduce_max3A_697 : i32 to vector<16xi32>
            %reduce_max3A_699 = arith.xori %while3A_668, %reduce_max3A_698 : vector<16xi32>
            %reduce_max3A_700 = tpu.scan <max>, %reduce_max3A_699 masked %reduce_max3A_696 : vector<16xi32>, vector<16xi1> -> vector<16xi32>
            %reduce_max3A_701 = arith.xori %reduce_max3A_700, %reduce_max3A_698 : vector<16xi32>
            %reduce_max3A_702 = vector.extract %reduce_max3A_701[15] : i32 from vector<16xi32>
            %reduce_max3A_703 = arith.constant true
            %reduce_max3A_704 = vector.broadcast %reduce_max3A_703 : i1 to vector<16xi1>
            %reduce_max3A_705 = arith.constant -2147483648 : i32
            %reduce_max3A_706 = vector.broadcast %reduce_max3A_705 : i32 to vector<16xi32>
            %reduce_max3A_707 = arith.xori %while3A_669, %reduce_max3A_706 : vector<16xi32>
            %reduce_max3A_708 = tpu.scan <max>, %reduce_max3A_707 masked %reduce_max3A_704 : vector<16xi32>, vector<16xi1> -> vector<16xi32>
            %reduce_max3A_709 = arith.xori %reduce_max3A_708, %reduce_max3A_706 : vector<16xi32>
            %reduce_max3A_710 = vector.extract %reduce_max3A_709[15] : i32 from vector<16xi32>
            %max3A = arith.maxsi %reduce_max3A_702, %reduce_max3A_710 : i32
            %eq3A_711 = vector.broadcast %max3A : i32 to vector<16xi32>
            %eq3A_712 = arith.cmpi eq, %while3A_668, %eq3A_711 : vector<16xi32>
            %jit3A_713 = arith.constant -1 : i32
            %broadcast_in_dim3A_714 = vector.broadcast %jit3A_713 : i32 to vector<16xi32>
            %select_n3A_715 = arith.select %eq3A_712, %while3A_670, %broadcast_in_dim3A_714 : vector<16xi1>, vector<16xi32>
            %reduce_max3A_716 = arith.constant true
            %reduce_max3A_717 = vector.broadcast %reduce_max3A_716 : i1 to vector<16xi1>
            %reduce_max3A_718 = arith.constant -2147483648 : i32
            %reduce_max3A_719 = vector.broadcast %reduce_max3A_718 : i32 to vector<16xi32>
            %reduce_max3A_720 = arith.xori %select_n3A_715, %reduce_max3A_719 : vector<16xi32>
            %reduce_max3A_721 = tpu.scan <max>, %reduce_max3A_720 masked %reduce_max3A_717 : vector<16xi32>, vector<16xi1> -> vector<16xi32>
            %reduce_max3A_722 = arith.xori %reduce_max3A_721, %reduce_max3A_719 : vector<16xi32>
            %reduce_max3A_723 = vector.extract %reduce_max3A_722[15] : i32 from vector<16xi32>
            %eq3A_724 = vector.broadcast %max3A : i32 to vector<16xi32>
            %eq3A_725 = arith.cmpi eq, %while3A_669, %eq3A_724 : vector<16xi32>
            %jit3A_726 = arith.constant -1 : i32
            %broadcast_in_dim3A_727 = vector.broadcast %jit3A_726 : i32 to vector<16xi32>
            %select_n3A_728 = arith.select %eq3A_725, %while3A_671, %broadcast_in_dim3A_727 : vector<16xi1>, vector<16xi32>
            %reduce_max3A_729 = arith.constant true
            %reduce_max3A_730 = vector.broadcast %reduce_max3A_729 : i1 to vector<16xi1>
            %reduce_max3A_731 = arith.constant -2147483648 : i32
            %reduce_max3A_732 = vector.broadcast %reduce_max3A_731 : i32 to vector<16xi32>
            %reduce_max3A_733 = arith.xori %select_n3A_728, %reduce_max3A_732 : vector<16xi32>
            %reduce_max3A_734 = tpu.scan <max>, %reduce_max3A_733 masked %reduce_max3A_730 : vector<16xi32>, vector<16xi1> -> vector<16xi32>
            %reduce_max3A_735 = arith.xori %reduce_max3A_734, %reduce_max3A_732 : vector<16xi32>
            %reduce_max3A_736 = vector.extract %reduce_max3A_735[15] : i32 from vector<16xi32>
            %max3A_737 = arith.maxsi %reduce_max3A_723, %reduce_max3A_736 : i32
            %eq3A_738 = vector.broadcast %max3A : i32 to vector<16xi32>
            %eq3A_739 = arith.cmpi eq, %while3A_668, %eq3A_738 : vector<16xi32>
            %eq3A_740 = vector.broadcast %max3A_737 : i32 to vector<16xi32>
            %eq3A_741 = arith.cmpi eq, %while3A_670, %eq3A_740 : vector<16xi32>
            %and3A_742 = arith.andi %eq3A_739, %eq3A_741 : vector<16xi1>
            %eq3A_743 = vector.broadcast %max3A : i32 to vector<16xi32>
            %eq3A_744 = arith.cmpi eq, %while3A_669, %eq3A_743 : vector<16xi32>
            %eq3A_745 = vector.broadcast %max3A_737 : i32 to vector<16xi32>
            %eq3A_746 = arith.cmpi eq, %while3A_671, %eq3A_745 : vector<16xi32>
            %and3A_747 = arith.andi %eq3A_744, %eq3A_746 : vector<16xi1>
            %broadcast_in_dim3A_748 = vector.broadcast %reduce_min3A_685 : i32 to vector<16xi32>
            %select_n3A_749 = arith.select %and3A_742, %broadcast_in_dim3A_748, %while3A_668 : vector<16xi1>, vector<16xi32>
            %broadcast_in_dim3A_750 = vector.broadcast %reduce_min3A_685 : i32 to vector<16xi32>
            %select_n3A_751 = arith.select %and3A_747, %broadcast_in_dim3A_750, %while3A_669 : vector<16xi1>, vector<16xi32>
            %broadcast_in_dim3A_752 = vector.broadcast %reduce_min3A_695 : i32 to vector<16xi32>
            %select_n3A_753 = arith.select %and3A_742, %broadcast_in_dim3A_752, %while3A_670 : vector<16xi1>, vector<16xi32>
            %broadcast_in_dim3A_754 = vector.broadcast %reduce_min3A_695 : i32 to vector<16xi32>
            %select_n3A_755 = arith.select %and3A_747, %broadcast_in_dim3A_754, %while3A_671 : vector<16xi1>, vector<16xi32>
            %reduce_max3A_756 = arith.constant true
            %reduce_max3A_757 = vector.broadcast %reduce_max3A_756 : i1 to vector<16xi1>
            %reduce_max3A_758 = arith.constant -2147483648 : i32
            %reduce_max3A_759 = vector.broadcast %reduce_max3A_758 : i32 to vector<16xi32>
            %reduce_max3A_760 = arith.xori %select_n3A_749, %reduce_max3A_759 : vector<16xi32>
            %reduce_max3A_761 = tpu.scan <max>, %reduce_max3A_760 masked %reduce_max3A_757 : vector<16xi32>, vector<16xi1> -> vector<16xi32>
            %reduce_max3A_762 = arith.xori %reduce_max3A_761, %reduce_max3A_759 : vector<16xi32>
            %reduce_max3A_763 = vector.extract %reduce_max3A_762[15] : i32 from vector<16xi32>
            %reduce_max3A_764 = arith.constant true
            %reduce_max3A_765 = vector.broadcast %reduce_max3A_764 : i1 to vector<16xi1>
            %reduce_max3A_766 = arith.constant -2147483648 : i32
            %reduce_max3A_767 = vector.broadcast %reduce_max3A_766 : i32 to vector<16xi32>
            %reduce_max3A_768 = arith.xori %select_n3A_751, %reduce_max3A_767 : vector<16xi32>
            %reduce_max3A_769 = tpu.scan <max>, %reduce_max3A_768 masked %reduce_max3A_765 : vector<16xi32>, vector<16xi1> -> vector<16xi32>
            %reduce_max3A_770 = arith.xori %reduce_max3A_769, %reduce_max3A_767 : vector<16xi32>
            %reduce_max3A_771 = vector.extract %reduce_max3A_770[15] : i32 from vector<16xi32>
            %max3A_772 = arith.maxsi %reduce_max3A_763, %reduce_max3A_771 : i32
            %not3A = arith.constant dense<true> : vector<16xi1>
            %not3A_773 = arith.xori %eq3A, %not3A : vector<16xi1>
            %and3A_774 = arith.andi %while3A_673, %not3A_773 : vector<16xi1>
            scf.yield %select_n3A_749, %select_n3A_751, %select_n3A_753, %select_n3A_755, %max3A_772, %and3A_774 : vector<16xi32>, vector<16xi32>, vector<16xi32>, vector<16xi32>, i32, vector<16xi1>
          }
          %add3A_598 = arith.constant 96 : i32
          %add3A_599 = arith.addi %mul3A_102, %add3A_598 : i32
          %add3A_600 = vector.broadcast %add3A_599 : i32 to vector<16xi32>
          %add3A_601 = arith.addi %add3A_600, %iota3A : vector<16xi32>
          %broadcast_in_dim3A_602 = arith.constant true
          %broadcast_in_dim3A_603 = vector.broadcast %broadcast_in_dim3A_602 : i1 to vector<16xi1>
          %while3A_604:6 = scf.while (%while3A_668 = %while3A_597#0, %while3A_669 = %while3A_597#1, %while3A_670 = %while3A_597#2, %while3A_671 = %while3A_597#3, %while3A_672 = %while3A_597#4, %while3A_673 = %broadcast_in_dim3A_603) : (vector<16xi32>, vector<16xi32>, vector<16xi32>, vector<16xi32>, i32, vector<16xi1>) -> (vector<16xi32>, vector<16xi32>, vector<16xi32>, vector<16xi32>, i32, vector<16xi1>) {
            %lt3A_674 = vector.broadcast %while3A_672 : i32 to vector<16xi32>
            %lt3A_675 = arith.cmpi slt, %select_n3A_274, %lt3A_674 : vector<16xi32>
            %and3A_676 = arith.andi %lt3A_675, %while3A_673 : vector<16xi1>
            %reduce_or3A_677 = arith.constant 1.000000e+00 : f32
            %reduce_or3A_678 = arith.constant 0.000000e+00 : f32
            %reduce_or3A_679 = vector.broadcast %reduce_or3A_677 : f32 to vector<16xf32>
            %reduce_or3A_680 = vector.broadcast %reduce_or3A_678 : f32 to vector<16xf32>
            %reduce_or3A_681 = arith.select %and3A_676, %reduce_or3A_679, %reduce_or3A_680 : vector<16xi1>, vector<16xf32>
            %reduce_or3A_682 = arith.constant true
            %reduce_or3A_683 = vector.broadcast %reduce_or3A_682 : i1 to vector<16xi1>
            %reduce_or3A_684 = tpu.scan <max>, %reduce_or3A_681 masked %reduce_or3A_683 : vector<16xf32>, vector<16xi1> -> vector<16xf32>
            %reduce_or3A_685 = vector.extract %reduce_or3A_684[15] : f32 from vector<16xf32>
            %reduce_or3A_686 = arith.constant 0.000000e+00 : f32
            %reduce_or3A_687 = arith.cmpf ogt, %reduce_or3A_685, %reduce_or3A_686 : f32
            scf.condition(%reduce_or3A_687) %while3A_668, %while3A_669, %while3A_670, %while3A_671, %while3A_672, %while3A_673 : vector<16xi32>, vector<16xi32>, vector<16xi32>, vector<16xi32>, i32, vector<16xi1>
          } do {
          ^bb0(%while3A_668: vector<16xi32>, %while3A_669: vector<16xi32>, %while3A_670: vector<16xi32>, %while3A_671: vector<16xi32>, %while3A_672: i32, %while3A_673: vector<16xi1>):
            %lt3A_674 = vector.broadcast %while3A_672 : i32 to vector<16xi32>
            %lt3A_675 = arith.cmpi slt, %select_n3A_274, %lt3A_674 : vector<16xi32>
            %and3A_676 = arith.andi %lt3A_675, %while3A_673 : vector<16xi1>
            %all_reduce_ffs3A = tpu.all_reduce %and3A_676 {dim = 0 : i64, kind = #tpu.reduction_kind<find_first_set>} : vector<16xi1> -> vector<16xi32>
            %eq3A = arith.cmpi eq, %iota3A, %all_reduce_ffs3A : vector<16xi32>
            %broadcast_in_dim3A_677 = vector.broadcast %scan3A : i32 to vector<16xi32>
            %select_n3A_678 = arith.select %eq3A, %select_n3A_274, %broadcast_in_dim3A_677 : vector<16xi1>, vector<16xi32>
            %reduce_min3A = arith.constant true
            %reduce_min3A_679 = vector.broadcast %reduce_min3A : i1 to vector<16xi1>
            %reduce_min3A_680 = arith.constant -2147483648 : i32
            %reduce_min3A_681 = vector.broadcast %reduce_min3A_680 : i32 to vector<16xi32>
            %reduce_min3A_682 = arith.xori %select_n3A_678, %reduce_min3A_681 : vector<16xi32>
            %reduce_min3A_683 = tpu.scan <min>, %reduce_min3A_682 masked %reduce_min3A_679 : vector<16xi32>, vector<16xi1> -> vector<16xi32>
            %reduce_min3A_684 = arith.xori %reduce_min3A_683, %reduce_min3A_681 : vector<16xi32>
            %reduce_min3A_685 = vector.extract %reduce_min3A_684[15] : i32 from vector<16xi32>
            %broadcast_in_dim3A_686 = vector.broadcast %scan3A : i32 to vector<16xi32>
            %select_n3A_687 = arith.select %eq3A, %add3A_601, %broadcast_in_dim3A_686 : vector<16xi1>, vector<16xi32>
            %reduce_min3A_688 = arith.constant true
            %reduce_min3A_689 = vector.broadcast %reduce_min3A_688 : i1 to vector<16xi1>
            %reduce_min3A_690 = arith.constant -2147483648 : i32
            %reduce_min3A_691 = vector.broadcast %reduce_min3A_690 : i32 to vector<16xi32>
            %reduce_min3A_692 = arith.xori %select_n3A_687, %reduce_min3A_691 : vector<16xi32>
            %reduce_min3A_693 = tpu.scan <min>, %reduce_min3A_692 masked %reduce_min3A_689 : vector<16xi32>, vector<16xi1> -> vector<16xi32>
            %reduce_min3A_694 = arith.xori %reduce_min3A_693, %reduce_min3A_691 : vector<16xi32>
            %reduce_min3A_695 = vector.extract %reduce_min3A_694[15] : i32 from vector<16xi32>
            %reduce_max3A = arith.constant true
            %reduce_max3A_696 = vector.broadcast %reduce_max3A : i1 to vector<16xi1>
            %reduce_max3A_697 = arith.constant -2147483648 : i32
            %reduce_max3A_698 = vector.broadcast %reduce_max3A_697 : i32 to vector<16xi32>
            %reduce_max3A_699 = arith.xori %while3A_668, %reduce_max3A_698 : vector<16xi32>
            %reduce_max3A_700 = tpu.scan <max>, %reduce_max3A_699 masked %reduce_max3A_696 : vector<16xi32>, vector<16xi1> -> vector<16xi32>
            %reduce_max3A_701 = arith.xori %reduce_max3A_700, %reduce_max3A_698 : vector<16xi32>
            %reduce_max3A_702 = vector.extract %reduce_max3A_701[15] : i32 from vector<16xi32>
            %reduce_max3A_703 = arith.constant true
            %reduce_max3A_704 = vector.broadcast %reduce_max3A_703 : i1 to vector<16xi1>
            %reduce_max3A_705 = arith.constant -2147483648 : i32
            %reduce_max3A_706 = vector.broadcast %reduce_max3A_705 : i32 to vector<16xi32>
            %reduce_max3A_707 = arith.xori %while3A_669, %reduce_max3A_706 : vector<16xi32>
            %reduce_max3A_708 = tpu.scan <max>, %reduce_max3A_707 masked %reduce_max3A_704 : vector<16xi32>, vector<16xi1> -> vector<16xi32>
            %reduce_max3A_709 = arith.xori %reduce_max3A_708, %reduce_max3A_706 : vector<16xi32>
            %reduce_max3A_710 = vector.extract %reduce_max3A_709[15] : i32 from vector<16xi32>
            %max3A = arith.maxsi %reduce_max3A_702, %reduce_max3A_710 : i32
            %eq3A_711 = vector.broadcast %max3A : i32 to vector<16xi32>
            %eq3A_712 = arith.cmpi eq, %while3A_668, %eq3A_711 : vector<16xi32>
            %jit3A_713 = arith.constant -1 : i32
            %broadcast_in_dim3A_714 = vector.broadcast %jit3A_713 : i32 to vector<16xi32>
            %select_n3A_715 = arith.select %eq3A_712, %while3A_670, %broadcast_in_dim3A_714 : vector<16xi1>, vector<16xi32>
            %reduce_max3A_716 = arith.constant true
            %reduce_max3A_717 = vector.broadcast %reduce_max3A_716 : i1 to vector<16xi1>
            %reduce_max3A_718 = arith.constant -2147483648 : i32
            %reduce_max3A_719 = vector.broadcast %reduce_max3A_718 : i32 to vector<16xi32>
            %reduce_max3A_720 = arith.xori %select_n3A_715, %reduce_max3A_719 : vector<16xi32>
            %reduce_max3A_721 = tpu.scan <max>, %reduce_max3A_720 masked %reduce_max3A_717 : vector<16xi32>, vector<16xi1> -> vector<16xi32>
            %reduce_max3A_722 = arith.xori %reduce_max3A_721, %reduce_max3A_719 : vector<16xi32>
            %reduce_max3A_723 = vector.extract %reduce_max3A_722[15] : i32 from vector<16xi32>
            %eq3A_724 = vector.broadcast %max3A : i32 to vector<16xi32>
            %eq3A_725 = arith.cmpi eq, %while3A_669, %eq3A_724 : vector<16xi32>
            %jit3A_726 = arith.constant -1 : i32
            %broadcast_in_dim3A_727 = vector.broadcast %jit3A_726 : i32 to vector<16xi32>
            %select_n3A_728 = arith.select %eq3A_725, %while3A_671, %broadcast_in_dim3A_727 : vector<16xi1>, vector<16xi32>
            %reduce_max3A_729 = arith.constant true
            %reduce_max3A_730 = vector.broadcast %reduce_max3A_729 : i1 to vector<16xi1>
            %reduce_max3A_731 = arith.constant -2147483648 : i32
            %reduce_max3A_732 = vector.broadcast %reduce_max3A_731 : i32 to vector<16xi32>
            %reduce_max3A_733 = arith.xori %select_n3A_728, %reduce_max3A_732 : vector<16xi32>
            %reduce_max3A_734 = tpu.scan <max>, %reduce_max3A_733 masked %reduce_max3A_730 : vector<16xi32>, vector<16xi1> -> vector<16xi32>
            %reduce_max3A_735 = arith.xori %reduce_max3A_734, %reduce_max3A_732 : vector<16xi32>
            %reduce_max3A_736 = vector.extract %reduce_max3A_735[15] : i32 from vector<16xi32>
            %max3A_737 = arith.maxsi %reduce_max3A_723, %reduce_max3A_736 : i32
            %eq3A_738 = vector.broadcast %max3A : i32 to vector<16xi32>
            %eq3A_739 = arith.cmpi eq, %while3A_668, %eq3A_738 : vector<16xi32>
            %eq3A_740 = vector.broadcast %max3A_737 : i32 to vector<16xi32>
            %eq3A_741 = arith.cmpi eq, %while3A_670, %eq3A_740 : vector<16xi32>
            %and3A_742 = arith.andi %eq3A_739, %eq3A_741 : vector<16xi1>
            %eq3A_743 = vector.broadcast %max3A : i32 to vector<16xi32>
            %eq3A_744 = arith.cmpi eq, %while3A_669, %eq3A_743 : vector<16xi32>
            %eq3A_745 = vector.broadcast %max3A_737 : i32 to vector<16xi32>
            %eq3A_746 = arith.cmpi eq, %while3A_671, %eq3A_745 : vector<16xi32>
            %and3A_747 = arith.andi %eq3A_744, %eq3A_746 : vector<16xi1>
            %broadcast_in_dim3A_748 = vector.broadcast %reduce_min3A_685 : i32 to vector<16xi32>
            %select_n3A_749 = arith.select %and3A_742, %broadcast_in_dim3A_748, %while3A_668 : vector<16xi1>, vector<16xi32>
            %broadcast_in_dim3A_750 = vector.broadcast %reduce_min3A_685 : i32 to vector<16xi32>
            %select_n3A_751 = arith.select %and3A_747, %broadcast_in_dim3A_750, %while3A_669 : vector<16xi1>, vector<16xi32>
            %broadcast_in_dim3A_752 = vector.broadcast %reduce_min3A_695 : i32 to vector<16xi32>
            %select_n3A_753 = arith.select %and3A_742, %broadcast_in_dim3A_752, %while3A_670 : vector<16xi1>, vector<16xi32>
            %broadcast_in_dim3A_754 = vector.broadcast %reduce_min3A_695 : i32 to vector<16xi32>
            %select_n3A_755 = arith.select %and3A_747, %broadcast_in_dim3A_754, %while3A_671 : vector<16xi1>, vector<16xi32>
            %reduce_max3A_756 = arith.constant true
            %reduce_max3A_757 = vector.broadcast %reduce_max3A_756 : i1 to vector<16xi1>
            %reduce_max3A_758 = arith.constant -2147483648 : i32
            %reduce_max3A_759 = vector.broadcast %reduce_max3A_758 : i32 to vector<16xi32>
            %reduce_max3A_760 = arith.xori %select_n3A_749, %reduce_max3A_759 : vector<16xi32>
            %reduce_max3A_761 = tpu.scan <max>, %reduce_max3A_760 masked %reduce_max3A_757 : vector<16xi32>, vector<16xi1> -> vector<16xi32>
            %reduce_max3A_762 = arith.xori %reduce_max3A_761, %reduce_max3A_759 : vector<16xi32>
            %reduce_max3A_763 = vector.extract %reduce_max3A_762[15] : i32 from vector<16xi32>
            %reduce_max3A_764 = arith.constant true
            %reduce_max3A_765 = vector.broadcast %reduce_max3A_764 : i1 to vector<16xi1>
            %reduce_max3A_766 = arith.constant -2147483648 : i32
            %reduce_max3A_767 = vector.broadcast %reduce_max3A_766 : i32 to vector<16xi32>
            %reduce_max3A_768 = arith.xori %select_n3A_751, %reduce_max3A_767 : vector<16xi32>
            %reduce_max3A_769 = tpu.scan <max>, %reduce_max3A_768 masked %reduce_max3A_765 : vector<16xi32>, vector<16xi1> -> vector<16xi32>
            %reduce_max3A_770 = arith.xori %reduce_max3A_769, %reduce_max3A_767 : vector<16xi32>
            %reduce_max3A_771 = vector.extract %reduce_max3A_770[15] : i32 from vector<16xi32>
            %max3A_772 = arith.maxsi %reduce_max3A_763, %reduce_max3A_771 : i32
            %not3A = arith.constant dense<true> : vector<16xi1>
            %not3A_773 = arith.xori %eq3A, %not3A : vector<16xi1>
            %and3A_774 = arith.andi %while3A_673, %not3A_773 : vector<16xi1>
            scf.yield %select_n3A_749, %select_n3A_751, %select_n3A_753, %select_n3A_755, %max3A_772, %and3A_774 : vector<16xi32>, vector<16xi32>, vector<16xi32>, vector<16xi32>, i32, vector<16xi1>
          }
          %add3A_605 = arith.constant 112 : i32
          %add3A_606 = arith.addi %mul3A_102, %add3A_605 : i32
          %add3A_607 = vector.broadcast %add3A_606 : i32 to vector<16xi32>
          %add3A_608 = arith.addi %add3A_607, %iota3A : vector<16xi32>
          %broadcast_in_dim3A_609 = arith.constant true
          %broadcast_in_dim3A_610 = vector.broadcast %broadcast_in_dim3A_609 : i1 to vector<16xi1>
          %while3A_611:6 = scf.while (%while3A_668 = %while3A_604#0, %while3A_669 = %while3A_604#1, %while3A_670 = %while3A_604#2, %while3A_671 = %while3A_604#3, %while3A_672 = %while3A_604#4, %while3A_673 = %broadcast_in_dim3A_610) : (vector<16xi32>, vector<16xi32>, vector<16xi32>, vector<16xi32>, i32, vector<16xi1>) -> (vector<16xi32>, vector<16xi32>, vector<16xi32>, vector<16xi32>, i32, vector<16xi1>) {
            %lt3A_674 = vector.broadcast %while3A_672 : i32 to vector<16xi32>
            %lt3A_675 = arith.cmpi slt, %select_n3A_299, %lt3A_674 : vector<16xi32>
            %and3A_676 = arith.andi %lt3A_675, %while3A_673 : vector<16xi1>
            %reduce_or3A_677 = arith.constant 1.000000e+00 : f32
            %reduce_or3A_678 = arith.constant 0.000000e+00 : f32
            %reduce_or3A_679 = vector.broadcast %reduce_or3A_677 : f32 to vector<16xf32>
            %reduce_or3A_680 = vector.broadcast %reduce_or3A_678 : f32 to vector<16xf32>
            %reduce_or3A_681 = arith.select %and3A_676, %reduce_or3A_679, %reduce_or3A_680 : vector<16xi1>, vector<16xf32>
            %reduce_or3A_682 = arith.constant true
            %reduce_or3A_683 = vector.broadcast %reduce_or3A_682 : i1 to vector<16xi1>
            %reduce_or3A_684 = tpu.scan <max>, %reduce_or3A_681 masked %reduce_or3A_683 : vector<16xf32>, vector<16xi1> -> vector<16xf32>
            %reduce_or3A_685 = vector.extract %reduce_or3A_684[15] : f32 from vector<16xf32>
            %reduce_or3A_686 = arith.constant 0.000000e+00 : f32
            %reduce_or3A_687 = arith.cmpf ogt, %reduce_or3A_685, %reduce_or3A_686 : f32
            scf.condition(%reduce_or3A_687) %while3A_668, %while3A_669, %while3A_670, %while3A_671, %while3A_672, %while3A_673 : vector<16xi32>, vector<16xi32>, vector<16xi32>, vector<16xi32>, i32, vector<16xi1>
          } do {
          ^bb0(%while3A_668: vector<16xi32>, %while3A_669: vector<16xi32>, %while3A_670: vector<16xi32>, %while3A_671: vector<16xi32>, %while3A_672: i32, %while3A_673: vector<16xi1>):
            %lt3A_674 = vector.broadcast %while3A_672 : i32 to vector<16xi32>
            %lt3A_675 = arith.cmpi slt, %select_n3A_299, %lt3A_674 : vector<16xi32>
            %and3A_676 = arith.andi %lt3A_675, %while3A_673 : vector<16xi1>
            %all_reduce_ffs3A = tpu.all_reduce %and3A_676 {dim = 0 : i64, kind = #tpu.reduction_kind<find_first_set>} : vector<16xi1> -> vector<16xi32>
            %eq3A = arith.cmpi eq, %iota3A, %all_reduce_ffs3A : vector<16xi32>
            %broadcast_in_dim3A_677 = vector.broadcast %scan3A : i32 to vector<16xi32>
            %select_n3A_678 = arith.select %eq3A, %select_n3A_299, %broadcast_in_dim3A_677 : vector<16xi1>, vector<16xi32>
            %reduce_min3A = arith.constant true
            %reduce_min3A_679 = vector.broadcast %reduce_min3A : i1 to vector<16xi1>
            %reduce_min3A_680 = arith.constant -2147483648 : i32
            %reduce_min3A_681 = vector.broadcast %reduce_min3A_680 : i32 to vector<16xi32>
            %reduce_min3A_682 = arith.xori %select_n3A_678, %reduce_min3A_681 : vector<16xi32>
            %reduce_min3A_683 = tpu.scan <min>, %reduce_min3A_682 masked %reduce_min3A_679 : vector<16xi32>, vector<16xi1> -> vector<16xi32>
            %reduce_min3A_684 = arith.xori %reduce_min3A_683, %reduce_min3A_681 : vector<16xi32>
            %reduce_min3A_685 = vector.extract %reduce_min3A_684[15] : i32 from vector<16xi32>
            %broadcast_in_dim3A_686 = vector.broadcast %scan3A : i32 to vector<16xi32>
            %select_n3A_687 = arith.select %eq3A, %add3A_608, %broadcast_in_dim3A_686 : vector<16xi1>, vector<16xi32>
            %reduce_min3A_688 = arith.constant true
            %reduce_min3A_689 = vector.broadcast %reduce_min3A_688 : i1 to vector<16xi1>
            %reduce_min3A_690 = arith.constant -2147483648 : i32
            %reduce_min3A_691 = vector.broadcast %reduce_min3A_690 : i32 to vector<16xi32>
            %reduce_min3A_692 = arith.xori %select_n3A_687, %reduce_min3A_691 : vector<16xi32>
            %reduce_min3A_693 = tpu.scan <min>, %reduce_min3A_692 masked %reduce_min3A_689 : vector<16xi32>, vector<16xi1> -> vector<16xi32>
            %reduce_min3A_694 = arith.xori %reduce_min3A_693, %reduce_min3A_691 : vector<16xi32>
            %reduce_min3A_695 = vector.extract %reduce_min3A_694[15] : i32 from vector<16xi32>
            %reduce_max3A = arith.constant true
            %reduce_max3A_696 = vector.broadcast %reduce_max3A : i1 to vector<16xi1>
            %reduce_max3A_697 = arith.constant -2147483648 : i32
            %reduce_max3A_698 = vector.broadcast %reduce_max3A_697 : i32 to vector<16xi32>
            %reduce_max3A_699 = arith.xori %while3A_668, %reduce_max3A_698 : vector<16xi32>
            %reduce_max3A_700 = tpu.scan <max>, %reduce_max3A_699 masked %reduce_max3A_696 : vector<16xi32>, vector<16xi1> -> vector<16xi32>
            %reduce_max3A_701 = arith.xori %reduce_max3A_700, %reduce_max3A_698 : vector<16xi32>
            %reduce_max3A_702 = vector.extract %reduce_max3A_701[15] : i32 from vector<16xi32>
            %reduce_max3A_703 = arith.constant true
            %reduce_max3A_704 = vector.broadcast %reduce_max3A_703 : i1 to vector<16xi1>
            %reduce_max3A_705 = arith.constant -2147483648 : i32
            %reduce_max3A_706 = vector.broadcast %reduce_max3A_705 : i32 to vector<16xi32>
            %reduce_max3A_707 = arith.xori %while3A_669, %reduce_max3A_706 : vector<16xi32>
            %reduce_max3A_708 = tpu.scan <max>, %reduce_max3A_707 masked %reduce_max3A_704 : vector<16xi32>, vector<16xi1> -> vector<16xi32>
            %reduce_max3A_709 = arith.xori %reduce_max3A_708, %reduce_max3A_706 : vector<16xi32>
            %reduce_max3A_710 = vector.extract %reduce_max3A_709[15] : i32 from vector<16xi32>
            %max3A = arith.maxsi %reduce_max3A_702, %reduce_max3A_710 : i32
            %eq3A_711 = vector.broadcast %max3A : i32 to vector<16xi32>
            %eq3A_712 = arith.cmpi eq, %while3A_668, %eq3A_711 : vector<16xi32>
            %jit3A_713 = arith.constant -1 : i32
            %broadcast_in_dim3A_714 = vector.broadcast %jit3A_713 : i32 to vector<16xi32>
            %select_n3A_715 = arith.select %eq3A_712, %while3A_670, %broadcast_in_dim3A_714 : vector<16xi1>, vector<16xi32>
            %reduce_max3A_716 = arith.constant true
            %reduce_max3A_717 = vector.broadcast %reduce_max3A_716 : i1 to vector<16xi1>
            %reduce_max3A_718 = arith.constant -2147483648 : i32
            %reduce_max3A_719 = vector.broadcast %reduce_max3A_718 : i32 to vector<16xi32>
            %reduce_max3A_720 = arith.xori %select_n3A_715, %reduce_max3A_719 : vector<16xi32>
            %reduce_max3A_721 = tpu.scan <max>, %reduce_max3A_720 masked %reduce_max3A_717 : vector<16xi32>, vector<16xi1> -> vector<16xi32>
            %reduce_max3A_722 = arith.xori %reduce_max3A_721, %reduce_max3A_719 : vector<16xi32>
            %reduce_max3A_723 = vector.extract %reduce_max3A_722[15] : i32 from vector<16xi32>
            %eq3A_724 = vector.broadcast %max3A : i32 to vector<16xi32>
            %eq3A_725 = arith.cmpi eq, %while3A_669, %eq3A_724 : vector<16xi32>
            %jit3A_726 = arith.constant -1 : i32
            %broadcast_in_dim3A_727 = vector.broadcast %jit3A_726 : i32 to vector<16xi32>
            %select_n3A_728 = arith.select %eq3A_725, %while3A_671, %broadcast_in_dim3A_727 : vector<16xi1>, vector<16xi32>
            %reduce_max3A_729 = arith.constant true
            %reduce_max3A_730 = vector.broadcast %reduce_max3A_729 : i1 to vector<16xi1>
            %reduce_max3A_731 = arith.constant -2147483648 : i32
            %reduce_max3A_732 = vector.broadcast %reduce_max3A_731 : i32 to vector<16xi32>
            %reduce_max3A_733 = arith.xori %select_n3A_728, %reduce_max3A_732 : vector<16xi32>
            %reduce_max3A_734 = tpu.scan <max>, %reduce_max3A_733 masked %reduce_max3A_730 : vector<16xi32>, vector<16xi1> -> vector<16xi32>
            %reduce_max3A_735 = arith.xori %reduce_max3A_734, %reduce_max3A_732 : vector<16xi32>
            %reduce_max3A_736 = vector.extract %reduce_max3A_735[15] : i32 from vector<16xi32>
            %max3A_737 = arith.maxsi %reduce_max3A_723, %reduce_max3A_736 : i32
            %eq3A_738 = vector.broadcast %max3A : i32 to vector<16xi32>
            %eq3A_739 = arith.cmpi eq, %while3A_668, %eq3A_738 : vector<16xi32>
            %eq3A_740 = vector.broadcast %max3A_737 : i32 to vector<16xi32>
            %eq3A_741 = arith.cmpi eq, %while3A_670, %eq3A_740 : vector<16xi32>
            %and3A_742 = arith.andi %eq3A_739, %eq3A_741 : vector<16xi1>
            %eq3A_743 = vector.broadcast %max3A : i32 to vector<16xi32>
            %eq3A_744 = arith.cmpi eq, %while3A_669, %eq3A_743 : vector<16xi32>
            %eq3A_745 = vector.broadcast %max3A_737 : i32 to vector<16xi32>
            %eq3A_746 = arith.cmpi eq, %while3A_671, %eq3A_745 : vector<16xi32>
            %and3A_747 = arith.andi %eq3A_744, %eq3A_746 : vector<16xi1>
            %broadcast_in_dim3A_748 = vector.broadcast %reduce_min3A_685 : i32 to vector<16xi32>
            %select_n3A_749 = arith.select %and3A_742, %broadcast_in_dim3A_748, %while3A_668 : vector<16xi1>, vector<16xi32>
            %broadcast_in_dim3A_750 = vector.broadcast %reduce_min3A_685 : i32 to vector<16xi32>
            %select_n3A_751 = arith.select %and3A_747, %broadcast_in_dim3A_750, %while3A_669 : vector<16xi1>, vector<16xi32>
            %broadcast_in_dim3A_752 = vector.broadcast %reduce_min3A_695 : i32 to vector<16xi32>
            %select_n3A_753 = arith.select %and3A_742, %broadcast_in_dim3A_752, %while3A_670 : vector<16xi1>, vector<16xi32>
            %broadcast_in_dim3A_754 = vector.broadcast %reduce_min3A_695 : i32 to vector<16xi32>
            %select_n3A_755 = arith.select %and3A_747, %broadcast_in_dim3A_754, %while3A_671 : vector<16xi1>, vector<16xi32>
            %reduce_max3A_756 = arith.constant true
            %reduce_max3A_757 = vector.broadcast %reduce_max3A_756 : i1 to vector<16xi1>
            %reduce_max3A_758 = arith.constant -2147483648 : i32
            %reduce_max3A_759 = vector.broadcast %reduce_max3A_758 : i32 to vector<16xi32>
            %reduce_max3A_760 = arith.xori %select_n3A_749, %reduce_max3A_759 : vector<16xi32>
            %reduce_max3A_761 = tpu.scan <max>, %reduce_max3A_760 masked %reduce_max3A_757 : vector<16xi32>, vector<16xi1> -> vector<16xi32>
            %reduce_max3A_762 = arith.xori %reduce_max3A_761, %reduce_max3A_759 : vector<16xi32>
            %reduce_max3A_763 = vector.extract %reduce_max3A_762[15] : i32 from vector<16xi32>
            %reduce_max3A_764 = arith.constant true
            %reduce_max3A_765 = vector.broadcast %reduce_max3A_764 : i1 to vector<16xi1>
            %reduce_max3A_766 = arith.constant -2147483648 : i32
            %reduce_max3A_767 = vector.broadcast %reduce_max3A_766 : i32 to vector<16xi32>
            %reduce_max3A_768 = arith.xori %select_n3A_751, %reduce_max3A_767 : vector<16xi32>
            %reduce_max3A_769 = tpu.scan <max>, %reduce_max3A_768 masked %reduce_max3A_765 : vector<16xi32>, vector<16xi1> -> vector<16xi32>
            %reduce_max3A_770 = arith.xori %reduce_max3A_769, %reduce_max3A_767 : vector<16xi32>
            %reduce_max3A_771 = vector.extract %reduce_max3A_770[15] : i32 from vector<16xi32>
            %max3A_772 = arith.maxsi %reduce_max3A_763, %reduce_max3A_771 : i32
            %not3A = arith.constant dense<true> : vector<16xi1>
            %not3A_773 = arith.xori %eq3A, %not3A : vector<16xi1>
            %and3A_774 = arith.andi %while3A_673, %not3A_773 : vector<16xi1>
            scf.yield %select_n3A_749, %select_n3A_751, %select_n3A_753, %select_n3A_755, %max3A_772, %and3A_774 : vector<16xi32>, vector<16xi32>, vector<16xi32>, vector<16xi32>, i32, vector<16xi1>
          }
          %add3A_612 = arith.constant 128 : i32
          %add3A_613 = arith.addi %mul3A_102, %add3A_612 : i32
          %add3A_614 = vector.broadcast %add3A_613 : i32 to vector<16xi32>
          %add3A_615 = arith.addi %add3A_614, %iota3A : vector<16xi32>
          %broadcast_in_dim3A_616 = arith.constant true
          %broadcast_in_dim3A_617 = vector.broadcast %broadcast_in_dim3A_616 : i1 to vector<16xi1>
          %while3A_618:6 = scf.while (%while3A_668 = %while3A_611#0, %while3A_669 = %while3A_611#1, %while3A_670 = %while3A_611#2, %while3A_671 = %while3A_611#3, %while3A_672 = %while3A_611#4, %while3A_673 = %broadcast_in_dim3A_617) : (vector<16xi32>, vector<16xi32>, vector<16xi32>, vector<16xi32>, i32, vector<16xi1>) -> (vector<16xi32>, vector<16xi32>, vector<16xi32>, vector<16xi32>, i32, vector<16xi1>) {
            %lt3A_674 = vector.broadcast %while3A_672 : i32 to vector<16xi32>
            %lt3A_675 = arith.cmpi slt, %select_n3A_324, %lt3A_674 : vector<16xi32>
            %and3A_676 = arith.andi %lt3A_675, %while3A_673 : vector<16xi1>
            %reduce_or3A_677 = arith.constant 1.000000e+00 : f32
            %reduce_or3A_678 = arith.constant 0.000000e+00 : f32
            %reduce_or3A_679 = vector.broadcast %reduce_or3A_677 : f32 to vector<16xf32>
            %reduce_or3A_680 = vector.broadcast %reduce_or3A_678 : f32 to vector<16xf32>
            %reduce_or3A_681 = arith.select %and3A_676, %reduce_or3A_679, %reduce_or3A_680 : vector<16xi1>, vector<16xf32>
            %reduce_or3A_682 = arith.constant true
            %reduce_or3A_683 = vector.broadcast %reduce_or3A_682 : i1 to vector<16xi1>
            %reduce_or3A_684 = tpu.scan <max>, %reduce_or3A_681 masked %reduce_or3A_683 : vector<16xf32>, vector<16xi1> -> vector<16xf32>
            %reduce_or3A_685 = vector.extract %reduce_or3A_684[15] : f32 from vector<16xf32>
            %reduce_or3A_686 = arith.constant 0.000000e+00 : f32
            %reduce_or3A_687 = arith.cmpf ogt, %reduce_or3A_685, %reduce_or3A_686 : f32
            scf.condition(%reduce_or3A_687) %while3A_668, %while3A_669, %while3A_670, %while3A_671, %while3A_672, %while3A_673 : vector<16xi32>, vector<16xi32>, vector<16xi32>, vector<16xi32>, i32, vector<16xi1>
          } do {
          ^bb0(%while3A_668: vector<16xi32>, %while3A_669: vector<16xi32>, %while3A_670: vector<16xi32>, %while3A_671: vector<16xi32>, %while3A_672: i32, %while3A_673: vector<16xi1>):
            %lt3A_674 = vector.broadcast %while3A_672 : i32 to vector<16xi32>
            %lt3A_675 = arith.cmpi slt, %select_n3A_324, %lt3A_674 : vector<16xi32>
            %and3A_676 = arith.andi %lt3A_675, %while3A_673 : vector<16xi1>
            %all_reduce_ffs3A = tpu.all_reduce %and3A_676 {dim = 0 : i64, kind = #tpu.reduction_kind<find_first_set>} : vector<16xi1> -> vector<16xi32>
            %eq3A = arith.cmpi eq, %iota3A, %all_reduce_ffs3A : vector<16xi32>
            %broadcast_in_dim3A_677 = vector.broadcast %scan3A : i32 to vector<16xi32>
            %select_n3A_678 = arith.select %eq3A, %select_n3A_324, %broadcast_in_dim3A_677 : vector<16xi1>, vector<16xi32>
            %reduce_min3A = arith.constant true
            %reduce_min3A_679 = vector.broadcast %reduce_min3A : i1 to vector<16xi1>
            %reduce_min3A_680 = arith.constant -2147483648 : i32
            %reduce_min3A_681 = vector.broadcast %reduce_min3A_680 : i32 to vector<16xi32>
            %reduce_min3A_682 = arith.xori %select_n3A_678, %reduce_min3A_681 : vector<16xi32>
            %reduce_min3A_683 = tpu.scan <min>, %reduce_min3A_682 masked %reduce_min3A_679 : vector<16xi32>, vector<16xi1> -> vector<16xi32>
            %reduce_min3A_684 = arith.xori %reduce_min3A_683, %reduce_min3A_681 : vector<16xi32>
            %reduce_min3A_685 = vector.extract %reduce_min3A_684[15] : i32 from vector<16xi32>
            %broadcast_in_dim3A_686 = vector.broadcast %scan3A : i32 to vector<16xi32>
            %select_n3A_687 = arith.select %eq3A, %add3A_615, %broadcast_in_dim3A_686 : vector<16xi1>, vector<16xi32>
            %reduce_min3A_688 = arith.constant true
            %reduce_min3A_689 = vector.broadcast %reduce_min3A_688 : i1 to vector<16xi1>
            %reduce_min3A_690 = arith.constant -2147483648 : i32
            %reduce_min3A_691 = vector.broadcast %reduce_min3A_690 : i32 to vector<16xi32>
            %reduce_min3A_692 = arith.xori %select_n3A_687, %reduce_min3A_691 : vector<16xi32>
            %reduce_min3A_693 = tpu.scan <min>, %reduce_min3A_692 masked %reduce_min3A_689 : vector<16xi32>, vector<16xi1> -> vector<16xi32>
            %reduce_min3A_694 = arith.xori %reduce_min3A_693, %reduce_min3A_691 : vector<16xi32>
            %reduce_min3A_695 = vector.extract %reduce_min3A_694[15] : i32 from vector<16xi32>
            %reduce_max3A = arith.constant true
            %reduce_max3A_696 = vector.broadcast %reduce_max3A : i1 to vector<16xi1>
            %reduce_max3A_697 = arith.constant -2147483648 : i32
            %reduce_max3A_698 = vector.broadcast %reduce_max3A_697 : i32 to vector<16xi32>
            %reduce_max3A_699 = arith.xori %while3A_668, %reduce_max3A_698 : vector<16xi32>
            %reduce_max3A_700 = tpu.scan <max>, %reduce_max3A_699 masked %reduce_max3A_696 : vector<16xi32>, vector<16xi1> -> vector<16xi32>
            %reduce_max3A_701 = arith.xori %reduce_max3A_700, %reduce_max3A_698 : vector<16xi32>
            %reduce_max3A_702 = vector.extract %reduce_max3A_701[15] : i32 from vector<16xi32>
            %reduce_max3A_703 = arith.constant true
            %reduce_max3A_704 = vector.broadcast %reduce_max3A_703 : i1 to vector<16xi1>
            %reduce_max3A_705 = arith.constant -2147483648 : i32
            %reduce_max3A_706 = vector.broadcast %reduce_max3A_705 : i32 to vector<16xi32>
            %reduce_max3A_707 = arith.xori %while3A_669, %reduce_max3A_706 : vector<16xi32>
            %reduce_max3A_708 = tpu.scan <max>, %reduce_max3A_707 masked %reduce_max3A_704 : vector<16xi32>, vector<16xi1> -> vector<16xi32>
            %reduce_max3A_709 = arith.xori %reduce_max3A_708, %reduce_max3A_706 : vector<16xi32>
            %reduce_max3A_710 = vector.extract %reduce_max3A_709[15] : i32 from vector<16xi32>
            %max3A = arith.maxsi %reduce_max3A_702, %reduce_max3A_710 : i32
            %eq3A_711 = vector.broadcast %max3A : i32 to vector<16xi32>
            %eq3A_712 = arith.cmpi eq, %while3A_668, %eq3A_711 : vector<16xi32>
            %jit3A_713 = arith.constant -1 : i32
            %broadcast_in_dim3A_714 = vector.broadcast %jit3A_713 : i32 to vector<16xi32>
            %select_n3A_715 = arith.select %eq3A_712, %while3A_670, %broadcast_in_dim3A_714 : vector<16xi1>, vector<16xi32>
            %reduce_max3A_716 = arith.constant true
            %reduce_max3A_717 = vector.broadcast %reduce_max3A_716 : i1 to vector<16xi1>
            %reduce_max3A_718 = arith.constant -2147483648 : i32
            %reduce_max3A_719 = vector.broadcast %reduce_max3A_718 : i32 to vector<16xi32>
            %reduce_max3A_720 = arith.xori %select_n3A_715, %reduce_max3A_719 : vector<16xi32>
            %reduce_max3A_721 = tpu.scan <max>, %reduce_max3A_720 masked %reduce_max3A_717 : vector<16xi32>, vector<16xi1> -> vector<16xi32>
            %reduce_max3A_722 = arith.xori %reduce_max3A_721, %reduce_max3A_719 : vector<16xi32>
            %reduce_max3A_723 = vector.extract %reduce_max3A_722[15] : i32 from vector<16xi32>
            %eq3A_724 = vector.broadcast %max3A : i32 to vector<16xi32>
            %eq3A_725 = arith.cmpi eq, %while3A_669, %eq3A_724 : vector<16xi32>
            %jit3A_726 = arith.constant -1 : i32
            %broadcast_in_dim3A_727 = vector.broadcast %jit3A_726 : i32 to vector<16xi32>
            %select_n3A_728 = arith.select %eq3A_725, %while3A_671, %broadcast_in_dim3A_727 : vector<16xi1>, vector<16xi32>
            %reduce_max3A_729 = arith.constant true
            %reduce_max3A_730 = vector.broadcast %reduce_max3A_729 : i1 to vector<16xi1>
            %reduce_max3A_731 = arith.constant -2147483648 : i32
            %reduce_max3A_732 = vector.broadcast %reduce_max3A_731 : i32 to vector<16xi32>
            %reduce_max3A_733 = arith.xori %select_n3A_728, %reduce_max3A_732 : vector<16xi32>
            %reduce_max3A_734 = tpu.scan <max>, %reduce_max3A_733 masked %reduce_max3A_730 : vector<16xi32>, vector<16xi1> -> vector<16xi32>
            %reduce_max3A_735 = arith.xori %reduce_max3A_734, %reduce_max3A_732 : vector<16xi32>
            %reduce_max3A_736 = vector.extract %reduce_max3A_735[15] : i32 from vector<16xi32>
            %max3A_737 = arith.maxsi %reduce_max3A_723, %reduce_max3A_736 : i32
            %eq3A_738 = vector.broadcast %max3A : i32 to vector<16xi32>
            %eq3A_739 = arith.cmpi eq, %while3A_668, %eq3A_738 : vector<16xi32>
            %eq3A_740 = vector.broadcast %max3A_737 : i32 to vector<16xi32>
            %eq3A_741 = arith.cmpi eq, %while3A_670, %eq3A_740 : vector<16xi32>
            %and3A_742 = arith.andi %eq3A_739, %eq3A_741 : vector<16xi1>
            %eq3A_743 = vector.broadcast %max3A : i32 to vector<16xi32>
            %eq3A_744 = arith.cmpi eq, %while3A_669, %eq3A_743 : vector<16xi32>
            %eq3A_745 = vector.broadcast %max3A_737 : i32 to vector<16xi32>
            %eq3A_746 = arith.cmpi eq, %while3A_671, %eq3A_745 : vector<16xi32>
            %and3A_747 = arith.andi %eq3A_744, %eq3A_746 : vector<16xi1>
            %broadcast_in_dim3A_748 = vector.broadcast %reduce_min3A_685 : i32 to vector<16xi32>
            %select_n3A_749 = arith.select %and3A_742, %broadcast_in_dim3A_748, %while3A_668 : vector<16xi1>, vector<16xi32>
            %broadcast_in_dim3A_750 = vector.broadcast %reduce_min3A_685 : i32 to vector<16xi32>
            %select_n3A_751 = arith.select %and3A_747, %broadcast_in_dim3A_750, %while3A_669 : vector<16xi1>, vector<16xi32>
            %broadcast_in_dim3A_752 = vector.broadcast %reduce_min3A_695 : i32 to vector<16xi32>
            %select_n3A_753 = arith.select %and3A_742, %broadcast_in_dim3A_752, %while3A_670 : vector<16xi1>, vector<16xi32>
            %broadcast_in_dim3A_754 = vector.broadcast %reduce_min3A_695 : i32 to vector<16xi32>
            %select_n3A_755 = arith.select %and3A_747, %broadcast_in_dim3A_754, %while3A_671 : vector<16xi1>, vector<16xi32>
            %reduce_max3A_756 = arith.constant true
            %reduce_max3A_757 = vector.broadcast %reduce_max3A_756 : i1 to vector<16xi1>
            %reduce_max3A_758 = arith.constant -2147483648 : i32
            %reduce_max3A_759 = vector.broadcast %reduce_max3A_758 : i32 to vector<16xi32>
            %reduce_max3A_760 = arith.xori %select_n3A_749, %reduce_max3A_759 : vector<16xi32>
            %reduce_max3A_761 = tpu.scan <max>, %reduce_max3A_760 masked %reduce_max3A_757 : vector<16xi32>, vector<16xi1> -> vector<16xi32>
            %reduce_max3A_762 = arith.xori %reduce_max3A_761, %reduce_max3A_759 : vector<16xi32>
            %reduce_max3A_763 = vector.extract %reduce_max3A_762[15] : i32 from vector<16xi32>
            %reduce_max3A_764 = arith.constant true
            %reduce_max3A_765 = vector.broadcast %reduce_max3A_764 : i1 to vector<16xi1>
            %reduce_max3A_766 = arith.constant -2147483648 : i32
            %reduce_max3A_767 = vector.broadcast %reduce_max3A_766 : i32 to vector<16xi32>
            %reduce_max3A_768 = arith.xori %select_n3A_751, %reduce_max3A_767 : vector<16xi32>
            %reduce_max3A_769 = tpu.scan <max>, %reduce_max3A_768 masked %reduce_max3A_765 : vector<16xi32>, vector<16xi1> -> vector<16xi32>
            %reduce_max3A_770 = arith.xori %reduce_max3A_769, %reduce_max3A_767 : vector<16xi32>
            %reduce_max3A_771 = vector.extract %reduce_max3A_770[15] : i32 from vector<16xi32>
            %max3A_772 = arith.maxsi %reduce_max3A_763, %reduce_max3A_771 : i32
            %not3A = arith.constant dense<true> : vector<16xi1>
            %not3A_773 = arith.xori %eq3A, %not3A : vector<16xi1>
            %and3A_774 = arith.andi %while3A_673, %not3A_773 : vector<16xi1>
            scf.yield %select_n3A_749, %select_n3A_751, %select_n3A_753, %select_n3A_755, %max3A_772, %and3A_774 : vector<16xi32>, vector<16xi32>, vector<16xi32>, vector<16xi32>, i32, vector<16xi1>
          }
          %add3A_619 = arith.constant 144 : i32
          %add3A_620 = arith.addi %mul3A_102, %add3A_619 : i32
          %add3A_621 = vector.broadcast %add3A_620 : i32 to vector<16xi32>
          %add3A_622 = arith.addi %add3A_621, %iota3A : vector<16xi32>
          %broadcast_in_dim3A_623 = arith.constant true
          %broadcast_in_dim3A_624 = vector.broadcast %broadcast_in_dim3A_623 : i1 to vector<16xi1>
          %while3A_625:6 = scf.while (%while3A_668 = %while3A_618#0, %while3A_669 = %while3A_618#1, %while3A_670 = %while3A_618#2, %while3A_671 = %while3A_618#3, %while3A_672 = %while3A_618#4, %while3A_673 = %broadcast_in_dim3A_624) : (vector<16xi32>, vector<16xi32>, vector<16xi32>, vector<16xi32>, i32, vector<16xi1>) -> (vector<16xi32>, vector<16xi32>, vector<16xi32>, vector<16xi32>, i32, vector<16xi1>) {
            %lt3A_674 = vector.broadcast %while3A_672 : i32 to vector<16xi32>
            %lt3A_675 = arith.cmpi slt, %select_n3A_349, %lt3A_674 : vector<16xi32>
            %and3A_676 = arith.andi %lt3A_675, %while3A_673 : vector<16xi1>
            %reduce_or3A_677 = arith.constant 1.000000e+00 : f32
            %reduce_or3A_678 = arith.constant 0.000000e+00 : f32
            %reduce_or3A_679 = vector.broadcast %reduce_or3A_677 : f32 to vector<16xf32>
            %reduce_or3A_680 = vector.broadcast %reduce_or3A_678 : f32 to vector<16xf32>
            %reduce_or3A_681 = arith.select %and3A_676, %reduce_or3A_679, %reduce_or3A_680 : vector<16xi1>, vector<16xf32>
            %reduce_or3A_682 = arith.constant true
            %reduce_or3A_683 = vector.broadcast %reduce_or3A_682 : i1 to vector<16xi1>
            %reduce_or3A_684 = tpu.scan <max>, %reduce_or3A_681 masked %reduce_or3A_683 : vector<16xf32>, vector<16xi1> -> vector<16xf32>
            %reduce_or3A_685 = vector.extract %reduce_or3A_684[15] : f32 from vector<16xf32>
            %reduce_or3A_686 = arith.constant 0.000000e+00 : f32
            %reduce_or3A_687 = arith.cmpf ogt, %reduce_or3A_685, %reduce_or3A_686 : f32
            scf.condition(%reduce_or3A_687) %while3A_668, %while3A_669, %while3A_670, %while3A_671, %while3A_672, %while3A_673 : vector<16xi32>, vector<16xi32>, vector<16xi32>, vector<16xi32>, i32, vector<16xi1>
          } do {
          ^bb0(%while3A_668: vector<16xi32>, %while3A_669: vector<16xi32>, %while3A_670: vector<16xi32>, %while3A_671: vector<16xi32>, %while3A_672: i32, %while3A_673: vector<16xi1>):
            %lt3A_674 = vector.broadcast %while3A_672 : i32 to vector<16xi32>
            %lt3A_675 = arith.cmpi slt, %select_n3A_349, %lt3A_674 : vector<16xi32>
            %and3A_676 = arith.andi %lt3A_675, %while3A_673 : vector<16xi1>
            %all_reduce_ffs3A = tpu.all_reduce %and3A_676 {dim = 0 : i64, kind = #tpu.reduction_kind<find_first_set>} : vector<16xi1> -> vector<16xi32>
            %eq3A = arith.cmpi eq, %iota3A, %all_reduce_ffs3A : vector<16xi32>
            %broadcast_in_dim3A_677 = vector.broadcast %scan3A : i32 to vector<16xi32>
            %select_n3A_678 = arith.select %eq3A, %select_n3A_349, %broadcast_in_dim3A_677 : vector<16xi1>, vector<16xi32>
            %reduce_min3A = arith.constant true
            %reduce_min3A_679 = vector.broadcast %reduce_min3A : i1 to vector<16xi1>
            %reduce_min3A_680 = arith.constant -2147483648 : i32
            %reduce_min3A_681 = vector.broadcast %reduce_min3A_680 : i32 to vector<16xi32>
            %reduce_min3A_682 = arith.xori %select_n3A_678, %reduce_min3A_681 : vector<16xi32>
            %reduce_min3A_683 = tpu.scan <min>, %reduce_min3A_682 masked %reduce_min3A_679 : vector<16xi32>, vector<16xi1> -> vector<16xi32>
            %reduce_min3A_684 = arith.xori %reduce_min3A_683, %reduce_min3A_681 : vector<16xi32>
            %reduce_min3A_685 = vector.extract %reduce_min3A_684[15] : i32 from vector<16xi32>
            %broadcast_in_dim3A_686 = vector.broadcast %scan3A : i32 to vector<16xi32>
            %select_n3A_687 = arith.select %eq3A, %add3A_622, %broadcast_in_dim3A_686 : vector<16xi1>, vector<16xi32>
            %reduce_min3A_688 = arith.constant true
            %reduce_min3A_689 = vector.broadcast %reduce_min3A_688 : i1 to vector<16xi1>
            %reduce_min3A_690 = arith.constant -2147483648 : i32
            %reduce_min3A_691 = vector.broadcast %reduce_min3A_690 : i32 to vector<16xi32>
            %reduce_min3A_692 = arith.xori %select_n3A_687, %reduce_min3A_691 : vector<16xi32>
            %reduce_min3A_693 = tpu.scan <min>, %reduce_min3A_692 masked %reduce_min3A_689 : vector<16xi32>, vector<16xi1> -> vector<16xi32>
            %reduce_min3A_694 = arith.xori %reduce_min3A_693, %reduce_min3A_691 : vector<16xi32>
            %reduce_min3A_695 = vector.extract %reduce_min3A_694[15] : i32 from vector<16xi32>
            %reduce_max3A = arith.constant true
            %reduce_max3A_696 = vector.broadcast %reduce_max3A : i1 to vector<16xi1>
            %reduce_max3A_697 = arith.constant -2147483648 : i32
            %reduce_max3A_698 = vector.broadcast %reduce_max3A_697 : i32 to vector<16xi32>
            %reduce_max3A_699 = arith.xori %while3A_668, %reduce_max3A_698 : vector<16xi32>
            %reduce_max3A_700 = tpu.scan <max>, %reduce_max3A_699 masked %reduce_max3A_696 : vector<16xi32>, vector<16xi1> -> vector<16xi32>
            %reduce_max3A_701 = arith.xori %reduce_max3A_700, %reduce_max3A_698 : vector<16xi32>
            %reduce_max3A_702 = vector.extract %reduce_max3A_701[15] : i32 from vector<16xi32>
            %reduce_max3A_703 = arith.constant true
            %reduce_max3A_704 = vector.broadcast %reduce_max3A_703 : i1 to vector<16xi1>
            %reduce_max3A_705 = arith.constant -2147483648 : i32
            %reduce_max3A_706 = vector.broadcast %reduce_max3A_705 : i32 to vector<16xi32>
            %reduce_max3A_707 = arith.xori %while3A_669, %reduce_max3A_706 : vector<16xi32>
            %reduce_max3A_708 = tpu.scan <max>, %reduce_max3A_707 masked %reduce_max3A_704 : vector<16xi32>, vector<16xi1> -> vector<16xi32>
            %reduce_max3A_709 = arith.xori %reduce_max3A_708, %reduce_max3A_706 : vector<16xi32>
            %reduce_max3A_710 = vector.extract %reduce_max3A_709[15] : i32 from vector<16xi32>
            %max3A = arith.maxsi %reduce_max3A_702, %reduce_max3A_710 : i32
            %eq3A_711 = vector.broadcast %max3A : i32 to vector<16xi32>
            %eq3A_712 = arith.cmpi eq, %while3A_668, %eq3A_711 : vector<16xi32>
            %jit3A_713 = arith.constant -1 : i32
            %broadcast_in_dim3A_714 = vector.broadcast %jit3A_713 : i32 to vector<16xi32>
            %select_n3A_715 = arith.select %eq3A_712, %while3A_670, %broadcast_in_dim3A_714 : vector<16xi1>, vector<16xi32>
            %reduce_max3A_716 = arith.constant true
            %reduce_max3A_717 = vector.broadcast %reduce_max3A_716 : i1 to vector<16xi1>
            %reduce_max3A_718 = arith.constant -2147483648 : i32
            %reduce_max3A_719 = vector.broadcast %reduce_max3A_718 : i32 to vector<16xi32>
            %reduce_max3A_720 = arith.xori %select_n3A_715, %reduce_max3A_719 : vector<16xi32>
            %reduce_max3A_721 = tpu.scan <max>, %reduce_max3A_720 masked %reduce_max3A_717 : vector<16xi32>, vector<16xi1> -> vector<16xi32>
            %reduce_max3A_722 = arith.xori %reduce_max3A_721, %reduce_max3A_719 : vector<16xi32>
            %reduce_max3A_723 = vector.extract %reduce_max3A_722[15] : i32 from vector<16xi32>
            %eq3A_724 = vector.broadcast %max3A : i32 to vector<16xi32>
            %eq3A_725 = arith.cmpi eq, %while3A_669, %eq3A_724 : vector<16xi32>
            %jit3A_726 = arith.constant -1 : i32
            %broadcast_in_dim3A_727 = vector.broadcast %jit3A_726 : i32 to vector<16xi32>
            %select_n3A_728 = arith.select %eq3A_725, %while3A_671, %broadcast_in_dim3A_727 : vector<16xi1>, vector<16xi32>
            %reduce_max3A_729 = arith.constant true
            %reduce_max3A_730 = vector.broadcast %reduce_max3A_729 : i1 to vector<16xi1>
            %reduce_max3A_731 = arith.constant -2147483648 : i32
            %reduce_max3A_732 = vector.broadcast %reduce_max3A_731 : i32 to vector<16xi32>
            %reduce_max3A_733 = arith.xori %select_n3A_728, %reduce_max3A_732 : vector<16xi32>
            %reduce_max3A_734 = tpu.scan <max>, %reduce_max3A_733 masked %reduce_max3A_730 : vector<16xi32>, vector<16xi1> -> vector<16xi32>
            %reduce_max3A_735 = arith.xori %reduce_max3A_734, %reduce_max3A_732 : vector<16xi32>
            %reduce_max3A_736 = vector.extract %reduce_max3A_735[15] : i32 from vector<16xi32>
            %max3A_737 = arith.maxsi %reduce_max3A_723, %reduce_max3A_736 : i32
            %eq3A_738 = vector.broadcast %max3A : i32 to vector<16xi32>
            %eq3A_739 = arith.cmpi eq, %while3A_668, %eq3A_738 : vector<16xi32>
            %eq3A_740 = vector.broadcast %max3A_737 : i32 to vector<16xi32>
            %eq3A_741 = arith.cmpi eq, %while3A_670, %eq3A_740 : vector<16xi32>
            %and3A_742 = arith.andi %eq3A_739, %eq3A_741 : vector<16xi1>
            %eq3A_743 = vector.broadcast %max3A : i32 to vector<16xi32>
            %eq3A_744 = arith.cmpi eq, %while3A_669, %eq3A_743 : vector<16xi32>
            %eq3A_745 = vector.broadcast %max3A_737 : i32 to vector<16xi32>
            %eq3A_746 = arith.cmpi eq, %while3A_671, %eq3A_745 : vector<16xi32>
            %and3A_747 = arith.andi %eq3A_744, %eq3A_746 : vector<16xi1>
            %broadcast_in_dim3A_748 = vector.broadcast %reduce_min3A_685 : i32 to vector<16xi32>
            %select_n3A_749 = arith.select %and3A_742, %broadcast_in_dim3A_748, %while3A_668 : vector<16xi1>, vector<16xi32>
            %broadcast_in_dim3A_750 = vector.broadcast %reduce_min3A_685 : i32 to vector<16xi32>
            %select_n3A_751 = arith.select %and3A_747, %broadcast_in_dim3A_750, %while3A_669 : vector<16xi1>, vector<16xi32>
            %broadcast_in_dim3A_752 = vector.broadcast %reduce_min3A_695 : i32 to vector<16xi32>
            %select_n3A_753 = arith.select %and3A_742, %broadcast_in_dim3A_752, %while3A_670 : vector<16xi1>, vector<16xi32>
            %broadcast_in_dim3A_754 = vector.broadcast %reduce_min3A_695 : i32 to vector<16xi32>
            %select_n3A_755 = arith.select %and3A_747, %broadcast_in_dim3A_754, %while3A_671 : vector<16xi1>, vector<16xi32>
            %reduce_max3A_756 = arith.constant true
            %reduce_max3A_757 = vector.broadcast %reduce_max3A_756 : i1 to vector<16xi1>
            %reduce_max3A_758 = arith.constant -2147483648 : i32
            %reduce_max3A_759 = vector.broadcast %reduce_max3A_758 : i32 to vector<16xi32>
            %reduce_max3A_760 = arith.xori %select_n3A_749, %reduce_max3A_759 : vector<16xi32>
            %reduce_max3A_761 = tpu.scan <max>, %reduce_max3A_760 masked %reduce_max3A_757 : vector<16xi32>, vector<16xi1> -> vector<16xi32>
            %reduce_max3A_762 = arith.xori %reduce_max3A_761, %reduce_max3A_759 : vector<16xi32>
            %reduce_max3A_763 = vector.extract %reduce_max3A_762[15] : i32 from vector<16xi32>
            %reduce_max3A_764 = arith.constant true
            %reduce_max3A_765 = vector.broadcast %reduce_max3A_764 : i1 to vector<16xi1>
            %reduce_max3A_766 = arith.constant -2147483648 : i32
            %reduce_max3A_767 = vector.broadcast %reduce_max3A_766 : i32 to vector<16xi32>
            %reduce_max3A_768 = arith.xori %select_n3A_751, %reduce_max3A_767 : vector<16xi32>
            %reduce_max3A_769 = tpu.scan <max>, %reduce_max3A_768 masked %reduce_max3A_765 : vector<16xi32>, vector<16xi1> -> vector<16xi32>
            %reduce_max3A_770 = arith.xori %reduce_max3A_769, %reduce_max3A_767 : vector<16xi32>
            %reduce_max3A_771 = vector.extract %reduce_max3A_770[15] : i32 from vector<16xi32>
            %max3A_772 = arith.maxsi %reduce_max3A_763, %reduce_max3A_771 : i32
            %not3A = arith.constant dense<true> : vector<16xi1>
            %not3A_773 = arith.xori %eq3A, %not3A : vector<16xi1>
            %and3A_774 = arith.andi %while3A_673, %not3A_773 : vector<16xi1>
            scf.yield %select_n3A_749, %select_n3A_751, %select_n3A_753, %select_n3A_755, %max3A_772, %and3A_774 : vector<16xi32>, vector<16xi32>, vector<16xi32>, vector<16xi32>, i32, vector<16xi1>
          }
          %add3A_626 = arith.constant 160 : i32
          %add3A_627 = arith.addi %mul3A_102, %add3A_626 : i32
          %add3A_628 = vector.broadcast %add3A_627 : i32 to vector<16xi32>
          %add3A_629 = arith.addi %add3A_628, %iota3A : vector<16xi32>
          %broadcast_in_dim3A_630 = arith.constant true
          %broadcast_in_dim3A_631 = vector.broadcast %broadcast_in_dim3A_630 : i1 to vector<16xi1>
          %while3A_632:6 = scf.while (%while3A_668 = %while3A_625#0, %while3A_669 = %while3A_625#1, %while3A_670 = %while3A_625#2, %while3A_671 = %while3A_625#3, %while3A_672 = %while3A_625#4, %while3A_673 = %broadcast_in_dim3A_631) : (vector<16xi32>, vector<16xi32>, vector<16xi32>, vector<16xi32>, i32, vector<16xi1>) -> (vector<16xi32>, vector<16xi32>, vector<16xi32>, vector<16xi32>, i32, vector<16xi1>) {
            %lt3A_674 = vector.broadcast %while3A_672 : i32 to vector<16xi32>
            %lt3A_675 = arith.cmpi slt, %select_n3A_374, %lt3A_674 : vector<16xi32>
            %and3A_676 = arith.andi %lt3A_675, %while3A_673 : vector<16xi1>
            %reduce_or3A_677 = arith.constant 1.000000e+00 : f32
            %reduce_or3A_678 = arith.constant 0.000000e+00 : f32
            %reduce_or3A_679 = vector.broadcast %reduce_or3A_677 : f32 to vector<16xf32>
            %reduce_or3A_680 = vector.broadcast %reduce_or3A_678 : f32 to vector<16xf32>
            %reduce_or3A_681 = arith.select %and3A_676, %reduce_or3A_679, %reduce_or3A_680 : vector<16xi1>, vector<16xf32>
            %reduce_or3A_682 = arith.constant true
            %reduce_or3A_683 = vector.broadcast %reduce_or3A_682 : i1 to vector<16xi1>
            %reduce_or3A_684 = tpu.scan <max>, %reduce_or3A_681 masked %reduce_or3A_683 : vector<16xf32>, vector<16xi1> -> vector<16xf32>
            %reduce_or3A_685 = vector.extract %reduce_or3A_684[15] : f32 from vector<16xf32>
            %reduce_or3A_686 = arith.constant 0.000000e+00 : f32
            %reduce_or3A_687 = arith.cmpf ogt, %reduce_or3A_685, %reduce_or3A_686 : f32
            scf.condition(%reduce_or3A_687) %while3A_668, %while3A_669, %while3A_670, %while3A_671, %while3A_672, %while3A_673 : vector<16xi32>, vector<16xi32>, vector<16xi32>, vector<16xi32>, i32, vector<16xi1>
          } do {
          ^bb0(%while3A_668: vector<16xi32>, %while3A_669: vector<16xi32>, %while3A_670: vector<16xi32>, %while3A_671: vector<16xi32>, %while3A_672: i32, %while3A_673: vector<16xi1>):
            %lt3A_674 = vector.broadcast %while3A_672 : i32 to vector<16xi32>
            %lt3A_675 = arith.cmpi slt, %select_n3A_374, %lt3A_674 : vector<16xi32>
            %and3A_676 = arith.andi %lt3A_675, %while3A_673 : vector<16xi1>
            %all_reduce_ffs3A = tpu.all_reduce %and3A_676 {dim = 0 : i64, kind = #tpu.reduction_kind<find_first_set>} : vector<16xi1> -> vector<16xi32>
            %eq3A = arith.cmpi eq, %iota3A, %all_reduce_ffs3A : vector<16xi32>
            %broadcast_in_dim3A_677 = vector.broadcast %scan3A : i32 to vector<16xi32>
            %select_n3A_678 = arith.select %eq3A, %select_n3A_374, %broadcast_in_dim3A_677 : vector<16xi1>, vector<16xi32>
            %reduce_min3A = arith.constant true
            %reduce_min3A_679 = vector.broadcast %reduce_min3A : i1 to vector<16xi1>
            %reduce_min3A_680 = arith.constant -2147483648 : i32
            %reduce_min3A_681 = vector.broadcast %reduce_min3A_680 : i32 to vector<16xi32>
            %reduce_min3A_682 = arith.xori %select_n3A_678, %reduce_min3A_681 : vector<16xi32>
            %reduce_min3A_683 = tpu.scan <min>, %reduce_min3A_682 masked %reduce_min3A_679 : vector<16xi32>, vector<16xi1> -> vector<16xi32>
            %reduce_min3A_684 = arith.xori %reduce_min3A_683, %reduce_min3A_681 : vector<16xi32>
            %reduce_min3A_685 = vector.extract %reduce_min3A_684[15] : i32 from vector<16xi32>
            %broadcast_in_dim3A_686 = vector.broadcast %scan3A : i32 to vector<16xi32>
            %select_n3A_687 = arith.select %eq3A, %add3A_629, %broadcast_in_dim3A_686 : vector<16xi1>, vector<16xi32>
            %reduce_min3A_688 = arith.constant true
            %reduce_min3A_689 = vector.broadcast %reduce_min3A_688 : i1 to vector<16xi1>
            %reduce_min3A_690 = arith.constant -2147483648 : i32
            %reduce_min3A_691 = vector.broadcast %reduce_min3A_690 : i32 to vector<16xi32>
            %reduce_min3A_692 = arith.xori %select_n3A_687, %reduce_min3A_691 : vector<16xi32>
            %reduce_min3A_693 = tpu.scan <min>, %reduce_min3A_692 masked %reduce_min3A_689 : vector<16xi32>, vector<16xi1> -> vector<16xi32>
            %reduce_min3A_694 = arith.xori %reduce_min3A_693, %reduce_min3A_691 : vector<16xi32>
            %reduce_min3A_695 = vector.extract %reduce_min3A_694[15] : i32 from vector<16xi32>
            %reduce_max3A = arith.constant true
            %reduce_max3A_696 = vector.broadcast %reduce_max3A : i1 to vector<16xi1>
            %reduce_max3A_697 = arith.constant -2147483648 : i32
            %reduce_max3A_698 = vector.broadcast %reduce_max3A_697 : i32 to vector<16xi32>
            %reduce_max3A_699 = arith.xori %while3A_668, %reduce_max3A_698 : vector<16xi32>
            %reduce_max3A_700 = tpu.scan <max>, %reduce_max3A_699 masked %reduce_max3A_696 : vector<16xi32>, vector<16xi1> -> vector<16xi32>
            %reduce_max3A_701 = arith.xori %reduce_max3A_700, %reduce_max3A_698 : vector<16xi32>
            %reduce_max3A_702 = vector.extract %reduce_max3A_701[15] : i32 from vector<16xi32>
            %reduce_max3A_703 = arith.constant true
            %reduce_max3A_704 = vector.broadcast %reduce_max3A_703 : i1 to vector<16xi1>
            %reduce_max3A_705 = arith.constant -2147483648 : i32
            %reduce_max3A_706 = vector.broadcast %reduce_max3A_705 : i32 to vector<16xi32>
            %reduce_max3A_707 = arith.xori %while3A_669, %reduce_max3A_706 : vector<16xi32>
            %reduce_max3A_708 = tpu.scan <max>, %reduce_max3A_707 masked %reduce_max3A_704 : vector<16xi32>, vector<16xi1> -> vector<16xi32>
            %reduce_max3A_709 = arith.xori %reduce_max3A_708, %reduce_max3A_706 : vector<16xi32>
            %reduce_max3A_710 = vector.extract %reduce_max3A_709[15] : i32 from vector<16xi32>
            %max3A = arith.maxsi %reduce_max3A_702, %reduce_max3A_710 : i32
            %eq3A_711 = vector.broadcast %max3A : i32 to vector<16xi32>
            %eq3A_712 = arith.cmpi eq, %while3A_668, %eq3A_711 : vector<16xi32>
            %jit3A_713 = arith.constant -1 : i32
            %broadcast_in_dim3A_714 = vector.broadcast %jit3A_713 : i32 to vector<16xi32>
            %select_n3A_715 = arith.select %eq3A_712, %while3A_670, %broadcast_in_dim3A_714 : vector<16xi1>, vector<16xi32>
            %reduce_max3A_716 = arith.constant true
            %reduce_max3A_717 = vector.broadcast %reduce_max3A_716 : i1 to vector<16xi1>
            %reduce_max3A_718 = arith.constant -2147483648 : i32
            %reduce_max3A_719 = vector.broadcast %reduce_max3A_718 : i32 to vector<16xi32>
            %reduce_max3A_720 = arith.xori %select_n3A_715, %reduce_max3A_719 : vector<16xi32>
            %reduce_max3A_721 = tpu.scan <max>, %reduce_max3A_720 masked %reduce_max3A_717 : vector<16xi32>, vector<16xi1> -> vector<16xi32>
            %reduce_max3A_722 = arith.xori %reduce_max3A_721, %reduce_max3A_719 : vector<16xi32>
            %reduce_max3A_723 = vector.extract %reduce_max3A_722[15] : i32 from vector<16xi32>
            %eq3A_724 = vector.broadcast %max3A : i32 to vector<16xi32>
            %eq3A_725 = arith.cmpi eq, %while3A_669, %eq3A_724 : vector<16xi32>
            %jit3A_726 = arith.constant -1 : i32
            %broadcast_in_dim3A_727 = vector.broadcast %jit3A_726 : i32 to vector<16xi32>
            %select_n3A_728 = arith.select %eq3A_725, %while3A_671, %broadcast_in_dim3A_727 : vector<16xi1>, vector<16xi32>
            %reduce_max3A_729 = arith.constant true
            %reduce_max3A_730 = vector.broadcast %reduce_max3A_729 : i1 to vector<16xi1>
            %reduce_max3A_731 = arith.constant -2147483648 : i32
            %reduce_max3A_732 = vector.broadcast %reduce_max3A_731 : i32 to vector<16xi32>
            %reduce_max3A_733 = arith.xori %select_n3A_728, %reduce_max3A_732 : vector<16xi32>
            %reduce_max3A_734 = tpu.scan <max>, %reduce_max3A_733 masked %reduce_max3A_730 : vector<16xi32>, vector<16xi1> -> vector<16xi32>
            %reduce_max3A_735 = arith.xori %reduce_max3A_734, %reduce_max3A_732 : vector<16xi32>
            %reduce_max3A_736 = vector.extract %reduce_max3A_735[15] : i32 from vector<16xi32>
            %max3A_737 = arith.maxsi %reduce_max3A_723, %reduce_max3A_736 : i32
            %eq3A_738 = vector.broadcast %max3A : i32 to vector<16xi32>
            %eq3A_739 = arith.cmpi eq, %while3A_668, %eq3A_738 : vector<16xi32>
            %eq3A_740 = vector.broadcast %max3A_737 : i32 to vector<16xi32>
            %eq3A_741 = arith.cmpi eq, %while3A_670, %eq3A_740 : vector<16xi32>
            %and3A_742 = arith.andi %eq3A_739, %eq3A_741 : vector<16xi1>
            %eq3A_743 = vector.broadcast %max3A : i32 to vector<16xi32>
            %eq3A_744 = arith.cmpi eq, %while3A_669, %eq3A_743 : vector<16xi32>
            %eq3A_745 = vector.broadcast %max3A_737 : i32 to vector<16xi32>
            %eq3A_746 = arith.cmpi eq, %while3A_671, %eq3A_745 : vector<16xi32>
            %and3A_747 = arith.andi %eq3A_744, %eq3A_746 : vector<16xi1>
            %broadcast_in_dim3A_748 = vector.broadcast %reduce_min3A_685 : i32 to vector<16xi32>
            %select_n3A_749 = arith.select %and3A_742, %broadcast_in_dim3A_748, %while3A_668 : vector<16xi1>, vector<16xi32>
            %broadcast_in_dim3A_750 = vector.broadcast %reduce_min3A_685 : i32 to vector<16xi32>
            %select_n3A_751 = arith.select %and3A_747, %broadcast_in_dim3A_750, %while3A_669 : vector<16xi1>, vector<16xi32>
            %broadcast_in_dim3A_752 = vector.broadcast %reduce_min3A_695 : i32 to vector<16xi32>
            %select_n3A_753 = arith.select %and3A_742, %broadcast_in_dim3A_752, %while3A_670 : vector<16xi1>, vector<16xi32>
            %broadcast_in_dim3A_754 = vector.broadcast %reduce_min3A_695 : i32 to vector<16xi32>
            %select_n3A_755 = arith.select %and3A_747, %broadcast_in_dim3A_754, %while3A_671 : vector<16xi1>, vector<16xi32>
            %reduce_max3A_756 = arith.constant true
            %reduce_max3A_757 = vector.broadcast %reduce_max3A_756 : i1 to vector<16xi1>
            %reduce_max3A_758 = arith.constant -2147483648 : i32
            %reduce_max3A_759 = vector.broadcast %reduce_max3A_758 : i32 to vector<16xi32>
            %reduce_max3A_760 = arith.xori %select_n3A_749, %reduce_max3A_759 : vector<16xi32>
            %reduce_max3A_761 = tpu.scan <max>, %reduce_max3A_760 masked %reduce_max3A_757 : vector<16xi32>, vector<16xi1> -> vector<16xi32>
            %reduce_max3A_762 = arith.xori %reduce_max3A_761, %reduce_max3A_759 : vector<16xi32>
            %reduce_max3A_763 = vector.extract %reduce_max3A_762[15] : i32 from vector<16xi32>
            %reduce_max3A_764 = arith.constant true
            %reduce_max3A_765 = vector.broadcast %reduce_max3A_764 : i1 to vector<16xi1>
            %reduce_max3A_766 = arith.constant -2147483648 : i32
            %reduce_max3A_767 = vector.broadcast %reduce_max3A_766 : i32 to vector<16xi32>
            %reduce_max3A_768 = arith.xori %select_n3A_751, %reduce_max3A_767 : vector<16xi32>
            %reduce_max3A_769 = tpu.scan <max>, %reduce_max3A_768 masked %reduce_max3A_765 : vector<16xi32>, vector<16xi1> -> vector<16xi32>
            %reduce_max3A_770 = arith.xori %reduce_max3A_769, %reduce_max3A_767 : vector<16xi32>
            %reduce_max3A_771 = vector.extract %reduce_max3A_770[15] : i32 from vector<16xi32>
            %max3A_772 = arith.maxsi %reduce_max3A_763, %reduce_max3A_771 : i32
            %not3A = arith.constant dense<true> : vector<16xi1>
            %not3A_773 = arith.xori %eq3A, %not3A : vector<16xi1>
            %and3A_774 = arith.andi %while3A_673, %not3A_773 : vector<16xi1>
            scf.yield %select_n3A_749, %select_n3A_751, %select_n3A_753, %select_n3A_755, %max3A_772, %and3A_774 : vector<16xi32>, vector<16xi32>, vector<16xi32>, vector<16xi32>, i32, vector<16xi1>
          }
          %add3A_633 = arith.constant 176 : i32
          %add3A_634 = arith.addi %mul3A_102, %add3A_633 : i32
          %add3A_635 = vector.broadcast %add3A_634 : i32 to vector<16xi32>
          %add3A_636 = arith.addi %add3A_635, %iota3A : vector<16xi32>
          %broadcast_in_dim3A_637 = arith.constant true
          %broadcast_in_dim3A_638 = vector.broadcast %broadcast_in_dim3A_637 : i1 to vector<16xi1>
          %while3A_639:6 = scf.while (%while3A_668 = %while3A_632#0, %while3A_669 = %while3A_632#1, %while3A_670 = %while3A_632#2, %while3A_671 = %while3A_632#3, %while3A_672 = %while3A_632#4, %while3A_673 = %broadcast_in_dim3A_638) : (vector<16xi32>, vector<16xi32>, vector<16xi32>, vector<16xi32>, i32, vector<16xi1>) -> (vector<16xi32>, vector<16xi32>, vector<16xi32>, vector<16xi32>, i32, vector<16xi1>) {
            %lt3A_674 = vector.broadcast %while3A_672 : i32 to vector<16xi32>
            %lt3A_675 = arith.cmpi slt, %select_n3A_399, %lt3A_674 : vector<16xi32>
            %and3A_676 = arith.andi %lt3A_675, %while3A_673 : vector<16xi1>
            %reduce_or3A_677 = arith.constant 1.000000e+00 : f32
            %reduce_or3A_678 = arith.constant 0.000000e+00 : f32
            %reduce_or3A_679 = vector.broadcast %reduce_or3A_677 : f32 to vector<16xf32>
            %reduce_or3A_680 = vector.broadcast %reduce_or3A_678 : f32 to vector<16xf32>
            %reduce_or3A_681 = arith.select %and3A_676, %reduce_or3A_679, %reduce_or3A_680 : vector<16xi1>, vector<16xf32>
            %reduce_or3A_682 = arith.constant true
            %reduce_or3A_683 = vector.broadcast %reduce_or3A_682 : i1 to vector<16xi1>
            %reduce_or3A_684 = tpu.scan <max>, %reduce_or3A_681 masked %reduce_or3A_683 : vector<16xf32>, vector<16xi1> -> vector<16xf32>
            %reduce_or3A_685 = vector.extract %reduce_or3A_684[15] : f32 from vector<16xf32>
            %reduce_or3A_686 = arith.constant 0.000000e+00 : f32
            %reduce_or3A_687 = arith.cmpf ogt, %reduce_or3A_685, %reduce_or3A_686 : f32
            scf.condition(%reduce_or3A_687) %while3A_668, %while3A_669, %while3A_670, %while3A_671, %while3A_672, %while3A_673 : vector<16xi32>, vector<16xi32>, vector<16xi32>, vector<16xi32>, i32, vector<16xi1>
          } do {
          ^bb0(%while3A_668: vector<16xi32>, %while3A_669: vector<16xi32>, %while3A_670: vector<16xi32>, %while3A_671: vector<16xi32>, %while3A_672: i32, %while3A_673: vector<16xi1>):
            %lt3A_674 = vector.broadcast %while3A_672 : i32 to vector<16xi32>
            %lt3A_675 = arith.cmpi slt, %select_n3A_399, %lt3A_674 : vector<16xi32>
            %and3A_676 = arith.andi %lt3A_675, %while3A_673 : vector<16xi1>
            %all_reduce_ffs3A = tpu.all_reduce %and3A_676 {dim = 0 : i64, kind = #tpu.reduction_kind<find_first_set>} : vector<16xi1> -> vector<16xi32>
            %eq3A = arith.cmpi eq, %iota3A, %all_reduce_ffs3A : vector<16xi32>
            %broadcast_in_dim3A_677 = vector.broadcast %scan3A : i32 to vector<16xi32>
            %select_n3A_678 = arith.select %eq3A, %select_n3A_399, %broadcast_in_dim3A_677 : vector<16xi1>, vector<16xi32>
            %reduce_min3A = arith.constant true
            %reduce_min3A_679 = vector.broadcast %reduce_min3A : i1 to vector<16xi1>
            %reduce_min3A_680 = arith.constant -2147483648 : i32
            %reduce_min3A_681 = vector.broadcast %reduce_min3A_680 : i32 to vector<16xi32>
            %reduce_min3A_682 = arith.xori %select_n3A_678, %reduce_min3A_681 : vector<16xi32>
            %reduce_min3A_683 = tpu.scan <min>, %reduce_min3A_682 masked %reduce_min3A_679 : vector<16xi32>, vector<16xi1> -> vector<16xi32>
            %reduce_min3A_684 = arith.xori %reduce_min3A_683, %reduce_min3A_681 : vector<16xi32>
            %reduce_min3A_685 = vector.extract %reduce_min3A_684[15] : i32 from vector<16xi32>
            %broadcast_in_dim3A_686 = vector.broadcast %scan3A : i32 to vector<16xi32>
            %select_n3A_687 = arith.select %eq3A, %add3A_636, %broadcast_in_dim3A_686 : vector<16xi1>, vector<16xi32>
            %reduce_min3A_688 = arith.constant true
            %reduce_min3A_689 = vector.broadcast %reduce_min3A_688 : i1 to vector<16xi1>
            %reduce_min3A_690 = arith.constant -2147483648 : i32
            %reduce_min3A_691 = vector.broadcast %reduce_min3A_690 : i32 to vector<16xi32>
            %reduce_min3A_692 = arith.xori %select_n3A_687, %reduce_min3A_691 : vector<16xi32>
            %reduce_min3A_693 = tpu.scan <min>, %reduce_min3A_692 masked %reduce_min3A_689 : vector<16xi32>, vector<16xi1> -> vector<16xi32>
            %reduce_min3A_694 = arith.xori %reduce_min3A_693, %reduce_min3A_691 : vector<16xi32>
            %reduce_min3A_695 = vector.extract %reduce_min3A_694[15] : i32 from vector<16xi32>
            %reduce_max3A = arith.constant true
            %reduce_max3A_696 = vector.broadcast %reduce_max3A : i1 to vector<16xi1>
            %reduce_max3A_697 = arith.constant -2147483648 : i32
            %reduce_max3A_698 = vector.broadcast %reduce_max3A_697 : i32 to vector<16xi32>
            %reduce_max3A_699 = arith.xori %while3A_668, %reduce_max3A_698 : vector<16xi32>
            %reduce_max3A_700 = tpu.scan <max>, %reduce_max3A_699 masked %reduce_max3A_696 : vector<16xi32>, vector<16xi1> -> vector<16xi32>
            %reduce_max3A_701 = arith.xori %reduce_max3A_700, %reduce_max3A_698 : vector<16xi32>
            %reduce_max3A_702 = vector.extract %reduce_max3A_701[15] : i32 from vector<16xi32>
            %reduce_max3A_703 = arith.constant true
            %reduce_max3A_704 = vector.broadcast %reduce_max3A_703 : i1 to vector<16xi1>
            %reduce_max3A_705 = arith.constant -2147483648 : i32
            %reduce_max3A_706 = vector.broadcast %reduce_max3A_705 : i32 to vector<16xi32>
            %reduce_max3A_707 = arith.xori %while3A_669, %reduce_max3A_706 : vector<16xi32>
            %reduce_max3A_708 = tpu.scan <max>, %reduce_max3A_707 masked %reduce_max3A_704 : vector<16xi32>, vector<16xi1> -> vector<16xi32>
            %reduce_max3A_709 = arith.xori %reduce_max3A_708, %reduce_max3A_706 : vector<16xi32>
            %reduce_max3A_710 = vector.extract %reduce_max3A_709[15] : i32 from vector<16xi32>
            %max3A = arith.maxsi %reduce_max3A_702, %reduce_max3A_710 : i32
            %eq3A_711 = vector.broadcast %max3A : i32 to vector<16xi32>
            %eq3A_712 = arith.cmpi eq, %while3A_668, %eq3A_711 : vector<16xi32>
            %jit3A_713 = arith.constant -1 : i32
            %broadcast_in_dim3A_714 = vector.broadcast %jit3A_713 : i32 to vector<16xi32>
            %select_n3A_715 = arith.select %eq3A_712, %while3A_670, %broadcast_in_dim3A_714 : vector<16xi1>, vector<16xi32>
            %reduce_max3A_716 = arith.constant true
            %reduce_max3A_717 = vector.broadcast %reduce_max3A_716 : i1 to vector<16xi1>
            %reduce_max3A_718 = arith.constant -2147483648 : i32
            %reduce_max3A_719 = vector.broadcast %reduce_max3A_718 : i32 to vector<16xi32>
            %reduce_max3A_720 = arith.xori %select_n3A_715, %reduce_max3A_719 : vector<16xi32>
            %reduce_max3A_721 = tpu.scan <max>, %reduce_max3A_720 masked %reduce_max3A_717 : vector<16xi32>, vector<16xi1> -> vector<16xi32>
            %reduce_max3A_722 = arith.xori %reduce_max3A_721, %reduce_max3A_719 : vector<16xi32>
            %reduce_max3A_723 = vector.extract %reduce_max3A_722[15] : i32 from vector<16xi32>
            %eq3A_724 = vector.broadcast %max3A : i32 to vector<16xi32>
            %eq3A_725 = arith.cmpi eq, %while3A_669, %eq3A_724 : vector<16xi32>
            %jit3A_726 = arith.constant -1 : i32
            %broadcast_in_dim3A_727 = vector.broadcast %jit3A_726 : i32 to vector<16xi32>
            %select_n3A_728 = arith.select %eq3A_725, %while3A_671, %broadcast_in_dim3A_727 : vector<16xi1>, vector<16xi32>
            %reduce_max3A_729 = arith.constant true
            %reduce_max3A_730 = vector.broadcast %reduce_max3A_729 : i1 to vector<16xi1>
            %reduce_max3A_731 = arith.constant -2147483648 : i32
            %reduce_max3A_732 = vector.broadcast %reduce_max3A_731 : i32 to vector<16xi32>
            %reduce_max3A_733 = arith.xori %select_n3A_728, %reduce_max3A_732 : vector<16xi32>
            %reduce_max3A_734 = tpu.scan <max>, %reduce_max3A_733 masked %reduce_max3A_730 : vector<16xi32>, vector<16xi1> -> vector<16xi32>
            %reduce_max3A_735 = arith.xori %reduce_max3A_734, %reduce_max3A_732 : vector<16xi32>
            %reduce_max3A_736 = vector.extract %reduce_max3A_735[15] : i32 from vector<16xi32>
            %max3A_737 = arith.maxsi %reduce_max3A_723, %reduce_max3A_736 : i32
            %eq3A_738 = vector.broadcast %max3A : i32 to vector<16xi32>
            %eq3A_739 = arith.cmpi eq, %while3A_668, %eq3A_738 : vector<16xi32>
            %eq3A_740 = vector.broadcast %max3A_737 : i32 to vector<16xi32>
            %eq3A_741 = arith.cmpi eq, %while3A_670, %eq3A_740 : vector<16xi32>
            %and3A_742 = arith.andi %eq3A_739, %eq3A_741 : vector<16xi1>
            %eq3A_743 = vector.broadcast %max3A : i32 to vector<16xi32>
            %eq3A_744 = arith.cmpi eq, %while3A_669, %eq3A_743 : vector<16xi32>
            %eq3A_745 = vector.broadcast %max3A_737 : i32 to vector<16xi32>
            %eq3A_746 = arith.cmpi eq, %while3A_671, %eq3A_745 : vector<16xi32>
            %and3A_747 = arith.andi %eq3A_744, %eq3A_746 : vector<16xi1>
            %broadcast_in_dim3A_748 = vector.broadcast %reduce_min3A_685 : i32 to vector<16xi32>
            %select_n3A_749 = arith.select %and3A_742, %broadcast_in_dim3A_748, %while3A_668 : vector<16xi1>, vector<16xi32>
            %broadcast_in_dim3A_750 = vector.broadcast %reduce_min3A_685 : i32 to vector<16xi32>
            %select_n3A_751 = arith.select %and3A_747, %broadcast_in_dim3A_750, %while3A_669 : vector<16xi1>, vector<16xi32>
            %broadcast_in_dim3A_752 = vector.broadcast %reduce_min3A_695 : i32 to vector<16xi32>
            %select_n3A_753 = arith.select %and3A_742, %broadcast_in_dim3A_752, %while3A_670 : vector<16xi1>, vector<16xi32>
            %broadcast_in_dim3A_754 = vector.broadcast %reduce_min3A_695 : i32 to vector<16xi32>
            %select_n3A_755 = arith.select %and3A_747, %broadcast_in_dim3A_754, %while3A_671 : vector<16xi1>, vector<16xi32>
            %reduce_max3A_756 = arith.constant true
            %reduce_max3A_757 = vector.broadcast %reduce_max3A_756 : i1 to vector<16xi1>
            %reduce_max3A_758 = arith.constant -2147483648 : i32
            %reduce_max3A_759 = vector.broadcast %reduce_max3A_758 : i32 to vector<16xi32>
            %reduce_max3A_760 = arith.xori %select_n3A_749, %reduce_max3A_759 : vector<16xi32>
            %reduce_max3A_761 = tpu.scan <max>, %reduce_max3A_760 masked %reduce_max3A_757 : vector<16xi32>, vector<16xi1> -> vector<16xi32>
            %reduce_max3A_762 = arith.xori %reduce_max3A_761, %reduce_max3A_759 : vector<16xi32>
            %reduce_max3A_763 = vector.extract %reduce_max3A_762[15] : i32 from vector<16xi32>
            %reduce_max3A_764 = arith.constant true
            %reduce_max3A_765 = vector.broadcast %reduce_max3A_764 : i1 to vector<16xi1>
            %reduce_max3A_766 = arith.constant -2147483648 : i32
            %reduce_max3A_767 = vector.broadcast %reduce_max3A_766 : i32 to vector<16xi32>
            %reduce_max3A_768 = arith.xori %select_n3A_751, %reduce_max3A_767 : vector<16xi32>
            %reduce_max3A_769 = tpu.scan <max>, %reduce_max3A_768 masked %reduce_max3A_765 : vector<16xi32>, vector<16xi1> -> vector<16xi32>
            %reduce_max3A_770 = arith.xori %reduce_max3A_769, %reduce_max3A_767 : vector<16xi32>
            %reduce_max3A_771 = vector.extract %reduce_max3A_770[15] : i32 from vector<16xi32>
            %max3A_772 = arith.maxsi %reduce_max3A_763, %reduce_max3A_771 : i32
            %not3A = arith.constant dense<true> : vector<16xi1>
            %not3A_773 = arith.xori %eq3A, %not3A : vector<16xi1>
            %and3A_774 = arith.andi %while3A_673, %not3A_773 : vector<16xi1>
            scf.yield %select_n3A_749, %select_n3A_751, %select_n3A_753, %select_n3A_755, %max3A_772, %and3A_774 : vector<16xi32>, vector<16xi32>, vector<16xi32>, vector<16xi32>, i32, vector<16xi1>
          }
          %add3A_640 = arith.constant 192 : i32
          %add3A_641 = arith.addi %mul3A_102, %add3A_640 : i32
          %add3A_642 = vector.broadcast %add3A_641 : i32 to vector<16xi32>
          %add3A_643 = arith.addi %add3A_642, %iota3A : vector<16xi32>
          %broadcast_in_dim3A_644 = arith.constant true
          %broadcast_in_dim3A_645 = vector.broadcast %broadcast_in_dim3A_644 : i1 to vector<16xi1>
          %while3A_646:6 = scf.while (%while3A_668 = %while3A_639#0, %while3A_669 = %while3A_639#1, %while3A_670 = %while3A_639#2, %while3A_671 = %while3A_639#3, %while3A_672 = %while3A_639#4, %while3A_673 = %broadcast_in_dim3A_645) : (vector<16xi32>, vector<16xi32>, vector<16xi32>, vector<16xi32>, i32, vector<16xi1>) -> (vector<16xi32>, vector<16xi32>, vector<16xi32>, vector<16xi32>, i32, vector<16xi1>) {
            %lt3A_674 = vector.broadcast %while3A_672 : i32 to vector<16xi32>
            %lt3A_675 = arith.cmpi slt, %select_n3A_424, %lt3A_674 : vector<16xi32>
            %and3A_676 = arith.andi %lt3A_675, %while3A_673 : vector<16xi1>
            %reduce_or3A_677 = arith.constant 1.000000e+00 : f32
            %reduce_or3A_678 = arith.constant 0.000000e+00 : f32
            %reduce_or3A_679 = vector.broadcast %reduce_or3A_677 : f32 to vector<16xf32>
            %reduce_or3A_680 = vector.broadcast %reduce_or3A_678 : f32 to vector<16xf32>
            %reduce_or3A_681 = arith.select %and3A_676, %reduce_or3A_679, %reduce_or3A_680 : vector<16xi1>, vector<16xf32>
            %reduce_or3A_682 = arith.constant true
            %reduce_or3A_683 = vector.broadcast %reduce_or3A_682 : i1 to vector<16xi1>
            %reduce_or3A_684 = tpu.scan <max>, %reduce_or3A_681 masked %reduce_or3A_683 : vector<16xf32>, vector<16xi1> -> vector<16xf32>
            %reduce_or3A_685 = vector.extract %reduce_or3A_684[15] : f32 from vector<16xf32>
            %reduce_or3A_686 = arith.constant 0.000000e+00 : f32
            %reduce_or3A_687 = arith.cmpf ogt, %reduce_or3A_685, %reduce_or3A_686 : f32
            scf.condition(%reduce_or3A_687) %while3A_668, %while3A_669, %while3A_670, %while3A_671, %while3A_672, %while3A_673 : vector<16xi32>, vector<16xi32>, vector<16xi32>, vector<16xi32>, i32, vector<16xi1>
          } do {
          ^bb0(%while3A_668: vector<16xi32>, %while3A_669: vector<16xi32>, %while3A_670: vector<16xi32>, %while3A_671: vector<16xi32>, %while3A_672: i32, %while3A_673: vector<16xi1>):
            %lt3A_674 = vector.broadcast %while3A_672 : i32 to vector<16xi32>
            %lt3A_675 = arith.cmpi slt, %select_n3A_424, %lt3A_674 : vector<16xi32>
            %and3A_676 = arith.andi %lt3A_675, %while3A_673 : vector<16xi1>
            %all_reduce_ffs3A = tpu.all_reduce %and3A_676 {dim = 0 : i64, kind = #tpu.reduction_kind<find_first_set>} : vector<16xi1> -> vector<16xi32>
            %eq3A = arith.cmpi eq, %iota3A, %all_reduce_ffs3A : vector<16xi32>
            %broadcast_in_dim3A_677 = vector.broadcast %scan3A : i32 to vector<16xi32>
            %select_n3A_678 = arith.select %eq3A, %select_n3A_424, %broadcast_in_dim3A_677 : vector<16xi1>, vector<16xi32>
            %reduce_min3A = arith.constant true
            %reduce_min3A_679 = vector.broadcast %reduce_min3A : i1 to vector<16xi1>
            %reduce_min3A_680 = arith.constant -2147483648 : i32
            %reduce_min3A_681 = vector.broadcast %reduce_min3A_680 : i32 to vector<16xi32>
            %reduce_min3A_682 = arith.xori %select_n3A_678, %reduce_min3A_681 : vector<16xi32>
            %reduce_min3A_683 = tpu.scan <min>, %reduce_min3A_682 masked %reduce_min3A_679 : vector<16xi32>, vector<16xi1> -> vector<16xi32>
            %reduce_min3A_684 = arith.xori %reduce_min3A_683, %reduce_min3A_681 : vector<16xi32>
            %reduce_min3A_685 = vector.extract %reduce_min3A_684[15] : i32 from vector<16xi32>
            %broadcast_in_dim3A_686 = vector.broadcast %scan3A : i32 to vector<16xi32>
            %select_n3A_687 = arith.select %eq3A, %add3A_643, %broadcast_in_dim3A_686 : vector<16xi1>, vector<16xi32>
            %reduce_min3A_688 = arith.constant true
            %reduce_min3A_689 = vector.broadcast %reduce_min3A_688 : i1 to vector<16xi1>
            %reduce_min3A_690 = arith.constant -2147483648 : i32
            %reduce_min3A_691 = vector.broadcast %reduce_min3A_690 : i32 to vector<16xi32>
            %reduce_min3A_692 = arith.xori %select_n3A_687, %reduce_min3A_691 : vector<16xi32>
            %reduce_min3A_693 = tpu.scan <min>, %reduce_min3A_692 masked %reduce_min3A_689 : vector<16xi32>, vector<16xi1> -> vector<16xi32>
            %reduce_min3A_694 = arith.xori %reduce_min3A_693, %reduce_min3A_691 : vector<16xi32>
            %reduce_min3A_695 = vector.extract %reduce_min3A_694[15] : i32 from vector<16xi32>
            %reduce_max3A = arith.constant true
            %reduce_max3A_696 = vector.broadcast %reduce_max3A : i1 to vector<16xi1>
            %reduce_max3A_697 = arith.constant -2147483648 : i32
            %reduce_max3A_698 = vector.broadcast %reduce_max3A_697 : i32 to vector<16xi32>
            %reduce_max3A_699 = arith.xori %while3A_668, %reduce_max3A_698 : vector<16xi32>
            %reduce_max3A_700 = tpu.scan <max>, %reduce_max3A_699 masked %reduce_max3A_696 : vector<16xi32>, vector<16xi1> -> vector<16xi32>
            %reduce_max3A_701 = arith.xori %reduce_max3A_700, %reduce_max3A_698 : vector<16xi32>
            %reduce_max3A_702 = vector.extract %reduce_max3A_701[15] : i32 from vector<16xi32>
            %reduce_max3A_703 = arith.constant true
            %reduce_max3A_704 = vector.broadcast %reduce_max3A_703 : i1 to vector<16xi1>
            %reduce_max3A_705 = arith.constant -2147483648 : i32
            %reduce_max3A_706 = vector.broadcast %reduce_max3A_705 : i32 to vector<16xi32>
            %reduce_max3A_707 = arith.xori %while3A_669, %reduce_max3A_706 : vector<16xi32>
            %reduce_max3A_708 = tpu.scan <max>, %reduce_max3A_707 masked %reduce_max3A_704 : vector<16xi32>, vector<16xi1> -> vector<16xi32>
            %reduce_max3A_709 = arith.xori %reduce_max3A_708, %reduce_max3A_706 : vector<16xi32>
            %reduce_max3A_710 = vector.extract %reduce_max3A_709[15] : i32 from vector<16xi32>
            %max3A = arith.maxsi %reduce_max3A_702, %reduce_max3A_710 : i32
            %eq3A_711 = vector.broadcast %max3A : i32 to vector<16xi32>
            %eq3A_712 = arith.cmpi eq, %while3A_668, %eq3A_711 : vector<16xi32>
            %jit3A_713 = arith.constant -1 : i32
            %broadcast_in_dim3A_714 = vector.broadcast %jit3A_713 : i32 to vector<16xi32>
            %select_n3A_715 = arith.select %eq3A_712, %while3A_670, %broadcast_in_dim3A_714 : vector<16xi1>, vector<16xi32>
            %reduce_max3A_716 = arith.constant true
            %reduce_max3A_717 = vector.broadcast %reduce_max3A_716 : i1 to vector<16xi1>
            %reduce_max3A_718 = arith.constant -2147483648 : i32
            %reduce_max3A_719 = vector.broadcast %reduce_max3A_718 : i32 to vector<16xi32>
            %reduce_max3A_720 = arith.xori %select_n3A_715, %reduce_max3A_719 : vector<16xi32>
            %reduce_max3A_721 = tpu.scan <max>, %reduce_max3A_720 masked %reduce_max3A_717 : vector<16xi32>, vector<16xi1> -> vector<16xi32>
            %reduce_max3A_722 = arith.xori %reduce_max3A_721, %reduce_max3A_719 : vector<16xi32>
            %reduce_max3A_723 = vector.extract %reduce_max3A_722[15] : i32 from vector<16xi32>
            %eq3A_724 = vector.broadcast %max3A : i32 to vector<16xi32>
            %eq3A_725 = arith.cmpi eq, %while3A_669, %eq3A_724 : vector<16xi32>
            %jit3A_726 = arith.constant -1 : i32
            %broadcast_in_dim3A_727 = vector.broadcast %jit3A_726 : i32 to vector<16xi32>
            %select_n3A_728 = arith.select %eq3A_725, %while3A_671, %broadcast_in_dim3A_727 : vector<16xi1>, vector<16xi32>
            %reduce_max3A_729 = arith.constant true
            %reduce_max3A_730 = vector.broadcast %reduce_max3A_729 : i1 to vector<16xi1>
            %reduce_max3A_731 = arith.constant -2147483648 : i32
            %reduce_max3A_732 = vector.broadcast %reduce_max3A_731 : i32 to vector<16xi32>
            %reduce_max3A_733 = arith.xori %select_n3A_728, %reduce_max3A_732 : vector<16xi32>
            %reduce_max3A_734 = tpu.scan <max>, %reduce_max3A_733 masked %reduce_max3A_730 : vector<16xi32>, vector<16xi1> -> vector<16xi32>
            %reduce_max3A_735 = arith.xori %reduce_max3A_734, %reduce_max3A_732 : vector<16xi32>
            %reduce_max3A_736 = vector.extract %reduce_max3A_735[15] : i32 from vector<16xi32>
            %max3A_737 = arith.maxsi %reduce_max3A_723, %reduce_max3A_736 : i32
            %eq3A_738 = vector.broadcast %max3A : i32 to vector<16xi32>
            %eq3A_739 = arith.cmpi eq, %while3A_668, %eq3A_738 : vector<16xi32>
            %eq3A_740 = vector.broadcast %max3A_737 : i32 to vector<16xi32>
            %eq3A_741 = arith.cmpi eq, %while3A_670, %eq3A_740 : vector<16xi32>
            %and3A_742 = arith.andi %eq3A_739, %eq3A_741 : vector<16xi1>
            %eq3A_743 = vector.broadcast %max3A : i32 to vector<16xi32>
            %eq3A_744 = arith.cmpi eq, %while3A_669, %eq3A_743 : vector<16xi32>
            %eq3A_745 = vector.broadcast %max3A_737 : i32 to vector<16xi32>
            %eq3A_746 = arith.cmpi eq, %while3A_671, %eq3A_745 : vector<16xi32>
            %and3A_747 = arith.andi %eq3A_744, %eq3A_746 : vector<16xi1>
            %broadcast_in_dim3A_748 = vector.broadcast %reduce_min3A_685 : i32 to vector<16xi32>
            %select_n3A_749 = arith.select %and3A_742, %broadcast_in_dim3A_748, %while3A_668 : vector<16xi1>, vector<16xi32>
            %broadcast_in_dim3A_750 = vector.broadcast %reduce_min3A_685 : i32 to vector<16xi32>
            %select_n3A_751 = arith.select %and3A_747, %broadcast_in_dim3A_750, %while3A_669 : vector<16xi1>, vector<16xi32>
            %broadcast_in_dim3A_752 = vector.broadcast %reduce_min3A_695 : i32 to vector<16xi32>
            %select_n3A_753 = arith.select %and3A_742, %broadcast_in_dim3A_752, %while3A_670 : vector<16xi1>, vector<16xi32>
            %broadcast_in_dim3A_754 = vector.broadcast %reduce_min3A_695 : i32 to vector<16xi32>
            %select_n3A_755 = arith.select %and3A_747, %broadcast_in_dim3A_754, %while3A_671 : vector<16xi1>, vector<16xi32>
            %reduce_max3A_756 = arith.constant true
            %reduce_max3A_757 = vector.broadcast %reduce_max3A_756 : i1 to vector<16xi1>
            %reduce_max3A_758 = arith.constant -2147483648 : i32
            %reduce_max3A_759 = vector.broadcast %reduce_max3A_758 : i32 to vector<16xi32>
            %reduce_max3A_760 = arith.xori %select_n3A_749, %reduce_max3A_759 : vector<16xi32>
            %reduce_max3A_761 = tpu.scan <max>, %reduce_max3A_760 masked %reduce_max3A_757 : vector<16xi32>, vector<16xi1> -> vector<16xi32>
            %reduce_max3A_762 = arith.xori %reduce_max3A_761, %reduce_max3A_759 : vector<16xi32>
            %reduce_max3A_763 = vector.extract %reduce_max3A_762[15] : i32 from vector<16xi32>
            %reduce_max3A_764 = arith.constant true
            %reduce_max3A_765 = vector.broadcast %reduce_max3A_764 : i1 to vector<16xi1>
            %reduce_max3A_766 = arith.constant -2147483648 : i32
            %reduce_max3A_767 = vector.broadcast %reduce_max3A_766 : i32 to vector<16xi32>
            %reduce_max3A_768 = arith.xori %select_n3A_751, %reduce_max3A_767 : vector<16xi32>
            %reduce_max3A_769 = tpu.scan <max>, %reduce_max3A_768 masked %reduce_max3A_765 : vector<16xi32>, vector<16xi1> -> vector<16xi32>
            %reduce_max3A_770 = arith.xori %reduce_max3A_769, %reduce_max3A_767 : vector<16xi32>
            %reduce_max3A_771 = vector.extract %reduce_max3A_770[15] : i32 from vector<16xi32>
            %max3A_772 = arith.maxsi %reduce_max3A_763, %reduce_max3A_771 : i32
            %not3A = arith.constant dense<true> : vector<16xi1>
            %not3A_773 = arith.xori %eq3A, %not3A : vector<16xi1>
            %and3A_774 = arith.andi %while3A_673, %not3A_773 : vector<16xi1>
            scf.yield %select_n3A_749, %select_n3A_751, %select_n3A_753, %select_n3A_755, %max3A_772, %and3A_774 : vector<16xi32>, vector<16xi32>, vector<16xi32>, vector<16xi32>, i32, vector<16xi1>
          }
          %add3A_647 = arith.constant 208 : i32
          %add3A_648 = arith.addi %mul3A_102, %add3A_647 : i32
          %add3A_649 = vector.broadcast %add3A_648 : i32 to vector<16xi32>
          %add3A_650 = arith.addi %add3A_649, %iota3A : vector<16xi32>
          %broadcast_in_dim3A_651 = arith.constant true
          %broadcast_in_dim3A_652 = vector.broadcast %broadcast_in_dim3A_651 : i1 to vector<16xi1>
          %while3A_653:6 = scf.while (%while3A_668 = %while3A_646#0, %while3A_669 = %while3A_646#1, %while3A_670 = %while3A_646#2, %while3A_671 = %while3A_646#3, %while3A_672 = %while3A_646#4, %while3A_673 = %broadcast_in_dim3A_652) : (vector<16xi32>, vector<16xi32>, vector<16xi32>, vector<16xi32>, i32, vector<16xi1>) -> (vector<16xi32>, vector<16xi32>, vector<16xi32>, vector<16xi32>, i32, vector<16xi1>) {
            %lt3A_674 = vector.broadcast %while3A_672 : i32 to vector<16xi32>
            %lt3A_675 = arith.cmpi slt, %select_n3A_449, %lt3A_674 : vector<16xi32>
            %and3A_676 = arith.andi %lt3A_675, %while3A_673 : vector<16xi1>
            %reduce_or3A_677 = arith.constant 1.000000e+00 : f32
            %reduce_or3A_678 = arith.constant 0.000000e+00 : f32
            %reduce_or3A_679 = vector.broadcast %reduce_or3A_677 : f32 to vector<16xf32>
            %reduce_or3A_680 = vector.broadcast %reduce_or3A_678 : f32 to vector<16xf32>
            %reduce_or3A_681 = arith.select %and3A_676, %reduce_or3A_679, %reduce_or3A_680 : vector<16xi1>, vector<16xf32>
            %reduce_or3A_682 = arith.constant true
            %reduce_or3A_683 = vector.broadcast %reduce_or3A_682 : i1 to vector<16xi1>
            %reduce_or3A_684 = tpu.scan <max>, %reduce_or3A_681 masked %reduce_or3A_683 : vector<16xf32>, vector<16xi1> -> vector<16xf32>
            %reduce_or3A_685 = vector.extract %reduce_or3A_684[15] : f32 from vector<16xf32>
            %reduce_or3A_686 = arith.constant 0.000000e+00 : f32
            %reduce_or3A_687 = arith.cmpf ogt, %reduce_or3A_685, %reduce_or3A_686 : f32
            scf.condition(%reduce_or3A_687) %while3A_668, %while3A_669, %while3A_670, %while3A_671, %while3A_672, %while3A_673 : vector<16xi32>, vector<16xi32>, vector<16xi32>, vector<16xi32>, i32, vector<16xi1>
          } do {
          ^bb0(%while3A_668: vector<16xi32>, %while3A_669: vector<16xi32>, %while3A_670: vector<16xi32>, %while3A_671: vector<16xi32>, %while3A_672: i32, %while3A_673: vector<16xi1>):
            %lt3A_674 = vector.broadcast %while3A_672 : i32 to vector<16xi32>
            %lt3A_675 = arith.cmpi slt, %select_n3A_449, %lt3A_674 : vector<16xi32>
            %and3A_676 = arith.andi %lt3A_675, %while3A_673 : vector<16xi1>
            %all_reduce_ffs3A = tpu.all_reduce %and3A_676 {dim = 0 : i64, kind = #tpu.reduction_kind<find_first_set>} : vector<16xi1> -> vector<16xi32>
            %eq3A = arith.cmpi eq, %iota3A, %all_reduce_ffs3A : vector<16xi32>
            %broadcast_in_dim3A_677 = vector.broadcast %scan3A : i32 to vector<16xi32>
            %select_n3A_678 = arith.select %eq3A, %select_n3A_449, %broadcast_in_dim3A_677 : vector<16xi1>, vector<16xi32>
            %reduce_min3A = arith.constant true
            %reduce_min3A_679 = vector.broadcast %reduce_min3A : i1 to vector<16xi1>
            %reduce_min3A_680 = arith.constant -2147483648 : i32
            %reduce_min3A_681 = vector.broadcast %reduce_min3A_680 : i32 to vector<16xi32>
            %reduce_min3A_682 = arith.xori %select_n3A_678, %reduce_min3A_681 : vector<16xi32>
            %reduce_min3A_683 = tpu.scan <min>, %reduce_min3A_682 masked %reduce_min3A_679 : vector<16xi32>, vector<16xi1> -> vector<16xi32>
            %reduce_min3A_684 = arith.xori %reduce_min3A_683, %reduce_min3A_681 : vector<16xi32>
            %reduce_min3A_685 = vector.extract %reduce_min3A_684[15] : i32 from vector<16xi32>
            %broadcast_in_dim3A_686 = vector.broadcast %scan3A : i32 to vector<16xi32>
            %select_n3A_687 = arith.select %eq3A, %add3A_650, %broadcast_in_dim3A_686 : vector<16xi1>, vector<16xi32>
            %reduce_min3A_688 = arith.constant true
            %reduce_min3A_689 = vector.broadcast %reduce_min3A_688 : i1 to vector<16xi1>
            %reduce_min3A_690 = arith.constant -2147483648 : i32
            %reduce_min3A_691 = vector.broadcast %reduce_min3A_690 : i32 to vector<16xi32>
            %reduce_min3A_692 = arith.xori %select_n3A_687, %reduce_min3A_691 : vector<16xi32>
            %reduce_min3A_693 = tpu.scan <min>, %reduce_min3A_692 masked %reduce_min3A_689 : vector<16xi32>, vector<16xi1> -> vector<16xi32>
            %reduce_min3A_694 = arith.xori %reduce_min3A_693, %reduce_min3A_691 : vector<16xi32>
            %reduce_min3A_695 = vector.extract %reduce_min3A_694[15] : i32 from vector<16xi32>
            %reduce_max3A = arith.constant true
            %reduce_max3A_696 = vector.broadcast %reduce_max3A : i1 to vector<16xi1>
            %reduce_max3A_697 = arith.constant -2147483648 : i32
            %reduce_max3A_698 = vector.broadcast %reduce_max3A_697 : i32 to vector<16xi32>
            %reduce_max3A_699 = arith.xori %while3A_668, %reduce_max3A_698 : vector<16xi32>
            %reduce_max3A_700 = tpu.scan <max>, %reduce_max3A_699 masked %reduce_max3A_696 : vector<16xi32>, vector<16xi1> -> vector<16xi32>
            %reduce_max3A_701 = arith.xori %reduce_max3A_700, %reduce_max3A_698 : vector<16xi32>
            %reduce_max3A_702 = vector.extract %reduce_max3A_701[15] : i32 from vector<16xi32>
            %reduce_max3A_703 = arith.constant true
            %reduce_max3A_704 = vector.broadcast %reduce_max3A_703 : i1 to vector<16xi1>
            %reduce_max3A_705 = arith.constant -2147483648 : i32
            %reduce_max3A_706 = vector.broadcast %reduce_max3A_705 : i32 to vector<16xi32>
            %reduce_max3A_707 = arith.xori %while3A_669, %reduce_max3A_706 : vector<16xi32>
            %reduce_max3A_708 = tpu.scan <max>, %reduce_max3A_707 masked %reduce_max3A_704 : vector<16xi32>, vector<16xi1> -> vector<16xi32>
            %reduce_max3A_709 = arith.xori %reduce_max3A_708, %reduce_max3A_706 : vector<16xi32>
            %reduce_max3A_710 = vector.extract %reduce_max3A_709[15] : i32 from vector<16xi32>
            %max3A = arith.maxsi %reduce_max3A_702, %reduce_max3A_710 : i32
            %eq3A_711 = vector.broadcast %max3A : i32 to vector<16xi32>
            %eq3A_712 = arith.cmpi eq, %while3A_668, %eq3A_711 : vector<16xi32>
            %jit3A_713 = arith.constant -1 : i32
            %broadcast_in_dim3A_714 = vector.broadcast %jit3A_713 : i32 to vector<16xi32>
            %select_n3A_715 = arith.select %eq3A_712, %while3A_670, %broadcast_in_dim3A_714 : vector<16xi1>, vector<16xi32>
            %reduce_max3A_716 = arith.constant true
            %reduce_max3A_717 = vector.broadcast %reduce_max3A_716 : i1 to vector<16xi1>
            %reduce_max3A_718 = arith.constant -2147483648 : i32
            %reduce_max3A_719 = vector.broadcast %reduce_max3A_718 : i32 to vector<16xi32>
            %reduce_max3A_720 = arith.xori %select_n3A_715, %reduce_max3A_719 : vector<16xi32>
            %reduce_max3A_721 = tpu.scan <max>, %reduce_max3A_720 masked %reduce_max3A_717 : vector<16xi32>, vector<16xi1> -> vector<16xi32>
            %reduce_max3A_722 = arith.xori %reduce_max3A_721, %reduce_max3A_719 : vector<16xi32>
            %reduce_max3A_723 = vector.extract %reduce_max3A_722[15] : i32 from vector<16xi32>
            %eq3A_724 = vector.broadcast %max3A : i32 to vector<16xi32>
            %eq3A_725 = arith.cmpi eq, %while3A_669, %eq3A_724 : vector<16xi32>
            %jit3A_726 = arith.constant -1 : i32
            %broadcast_in_dim3A_727 = vector.broadcast %jit3A_726 : i32 to vector<16xi32>
            %select_n3A_728 = arith.select %eq3A_725, %while3A_671, %broadcast_in_dim3A_727 : vector<16xi1>, vector<16xi32>
            %reduce_max3A_729 = arith.constant true
            %reduce_max3A_730 = vector.broadcast %reduce_max3A_729 : i1 to vector<16xi1>
            %reduce_max3A_731 = arith.constant -2147483648 : i32
            %reduce_max3A_732 = vector.broadcast %reduce_max3A_731 : i32 to vector<16xi32>
            %reduce_max3A_733 = arith.xori %select_n3A_728, %reduce_max3A_732 : vector<16xi32>
            %reduce_max3A_734 = tpu.scan <max>, %reduce_max3A_733 masked %reduce_max3A_730 : vector<16xi32>, vector<16xi1> -> vector<16xi32>
            %reduce_max3A_735 = arith.xori %reduce_max3A_734, %reduce_max3A_732 : vector<16xi32>
            %reduce_max3A_736 = vector.extract %reduce_max3A_735[15] : i32 from vector<16xi32>
            %max3A_737 = arith.maxsi %reduce_max3A_723, %reduce_max3A_736 : i32
            %eq3A_738 = vector.broadcast %max3A : i32 to vector<16xi32>
            %eq3A_739 = arith.cmpi eq, %while3A_668, %eq3A_738 : vector<16xi32>
            %eq3A_740 = vector.broadcast %max3A_737 : i32 to vector<16xi32>
            %eq3A_741 = arith.cmpi eq, %while3A_670, %eq3A_740 : vector<16xi32>
            %and3A_742 = arith.andi %eq3A_739, %eq3A_741 : vector<16xi1>
            %eq3A_743 = vector.broadcast %max3A : i32 to vector<16xi32>
            %eq3A_744 = arith.cmpi eq, %while3A_669, %eq3A_743 : vector<16xi32>
            %eq3A_745 = vector.broadcast %max3A_737 : i32 to vector<16xi32>
            %eq3A_746 = arith.cmpi eq, %while3A_671, %eq3A_745 : vector<16xi32>
            %and3A_747 = arith.andi %eq3A_744, %eq3A_746 : vector<16xi1>
            %broadcast_in_dim3A_748 = vector.broadcast %reduce_min3A_685 : i32 to vector<16xi32>
            %select_n3A_749 = arith.select %and3A_742, %broadcast_in_dim3A_748, %while3A_668 : vector<16xi1>, vector<16xi32>
            %broadcast_in_dim3A_750 = vector.broadcast %reduce_min3A_685 : i32 to vector<16xi32>
            %select_n3A_751 = arith.select %and3A_747, %broadcast_in_dim3A_750, %while3A_669 : vector<16xi1>, vector<16xi32>
            %broadcast_in_dim3A_752 = vector.broadcast %reduce_min3A_695 : i32 to vector<16xi32>
            %select_n3A_753 = arith.select %and3A_742, %broadcast_in_dim3A_752, %while3A_670 : vector<16xi1>, vector<16xi32>
            %broadcast_in_dim3A_754 = vector.broadcast %reduce_min3A_695 : i32 to vector<16xi32>
            %select_n3A_755 = arith.select %and3A_747, %broadcast_in_dim3A_754, %while3A_671 : vector<16xi1>, vector<16xi32>
            %reduce_max3A_756 = arith.constant true
            %reduce_max3A_757 = vector.broadcast %reduce_max3A_756 : i1 to vector<16xi1>
            %reduce_max3A_758 = arith.constant -2147483648 : i32
            %reduce_max3A_759 = vector.broadcast %reduce_max3A_758 : i32 to vector<16xi32>
            %reduce_max3A_760 = arith.xori %select_n3A_749, %reduce_max3A_759 : vector<16xi32>
            %reduce_max3A_761 = tpu.scan <max>, %reduce_max3A_760 masked %reduce_max3A_757 : vector<16xi32>, vector<16xi1> -> vector<16xi32>
            %reduce_max3A_762 = arith.xori %reduce_max3A_761, %reduce_max3A_759 : vector<16xi32>
            %reduce_max3A_763 = vector.extract %reduce_max3A_762[15] : i32 from vector<16xi32>
            %reduce_max3A_764 = arith.constant true
            %reduce_max3A_765 = vector.broadcast %reduce_max3A_764 : i1 to vector<16xi1>
            %reduce_max3A_766 = arith.constant -2147483648 : i32
            %reduce_max3A_767 = vector.broadcast %reduce_max3A_766 : i32 to vector<16xi32>
            %reduce_max3A_768 = arith.xori %select_n3A_751, %reduce_max3A_767 : vector<16xi32>
            %reduce_max3A_769 = tpu.scan <max>, %reduce_max3A_768 masked %reduce_max3A_765 : vector<16xi32>, vector<16xi1> -> vector<16xi32>
            %reduce_max3A_770 = arith.xori %reduce_max3A_769, %reduce_max3A_767 : vector<16xi32>
            %reduce_max3A_771 = vector.extract %reduce_max3A_770[15] : i32 from vector<16xi32>
            %max3A_772 = arith.maxsi %reduce_max3A_763, %reduce_max3A_771 : i32
            %not3A = arith.constant dense<true> : vector<16xi1>
            %not3A_773 = arith.xori %eq3A, %not3A : vector<16xi1>
            %and3A_774 = arith.andi %while3A_673, %not3A_773 : vector<16xi1>
            scf.yield %select_n3A_749, %select_n3A_751, %select_n3A_753, %select_n3A_755, %max3A_772, %and3A_774 : vector<16xi32>, vector<16xi32>, vector<16xi32>, vector<16xi32>, i32, vector<16xi1>
          }
          %add3A_654 = arith.constant 224 : i32
          %add3A_655 = arith.addi %mul3A_102, %add3A_654 : i32
          %add3A_656 = vector.broadcast %add3A_655 : i32 to vector<16xi32>
          %add3A_657 = arith.addi %add3A_656, %iota3A : vector<16xi32>
          %broadcast_in_dim3A_658 = arith.constant true
          %broadcast_in_dim3A_659 = vector.broadcast %broadcast_in_dim3A_658 : i1 to vector<16xi1>
          %while3A_660:6 = scf.while (%while3A_668 = %while3A_653#0, %while3A_669 = %while3A_653#1, %while3A_670 = %while3A_653#2, %while3A_671 = %while3A_653#3, %while3A_672 = %while3A_653#4, %while3A_673 = %broadcast_in_dim3A_659) : (vector<16xi32>, vector<16xi32>, vector<16xi32>, vector<16xi32>, i32, vector<16xi1>) -> (vector<16xi32>, vector<16xi32>, vector<16xi32>, vector<16xi32>, i32, vector<16xi1>) {
            %lt3A_674 = vector.broadcast %while3A_672 : i32 to vector<16xi32>
            %lt3A_675 = arith.cmpi slt, %select_n3A_474, %lt3A_674 : vector<16xi32>
            %and3A_676 = arith.andi %lt3A_675, %while3A_673 : vector<16xi1>
            %reduce_or3A_677 = arith.constant 1.000000e+00 : f32
            %reduce_or3A_678 = arith.constant 0.000000e+00 : f32
            %reduce_or3A_679 = vector.broadcast %reduce_or3A_677 : f32 to vector<16xf32>
            %reduce_or3A_680 = vector.broadcast %reduce_or3A_678 : f32 to vector<16xf32>
            %reduce_or3A_681 = arith.select %and3A_676, %reduce_or3A_679, %reduce_or3A_680 : vector<16xi1>, vector<16xf32>
            %reduce_or3A_682 = arith.constant true
            %reduce_or3A_683 = vector.broadcast %reduce_or3A_682 : i1 to vector<16xi1>
            %reduce_or3A_684 = tpu.scan <max>, %reduce_or3A_681 masked %reduce_or3A_683 : vector<16xf32>, vector<16xi1> -> vector<16xf32>
            %reduce_or3A_685 = vector.extract %reduce_or3A_684[15] : f32 from vector<16xf32>
            %reduce_or3A_686 = arith.constant 0.000000e+00 : f32
            %reduce_or3A_687 = arith.cmpf ogt, %reduce_or3A_685, %reduce_or3A_686 : f32
            scf.condition(%reduce_or3A_687) %while3A_668, %while3A_669, %while3A_670, %while3A_671, %while3A_672, %while3A_673 : vector<16xi32>, vector<16xi32>, vector<16xi32>, vector<16xi32>, i32, vector<16xi1>
          } do {
          ^bb0(%while3A_668: vector<16xi32>, %while3A_669: vector<16xi32>, %while3A_670: vector<16xi32>, %while3A_671: vector<16xi32>, %while3A_672: i32, %while3A_673: vector<16xi1>):
            %lt3A_674 = vector.broadcast %while3A_672 : i32 to vector<16xi32>
            %lt3A_675 = arith.cmpi slt, %select_n3A_474, %lt3A_674 : vector<16xi32>
            %and3A_676 = arith.andi %lt3A_675, %while3A_673 : vector<16xi1>
            %all_reduce_ffs3A = tpu.all_reduce %and3A_676 {dim = 0 : i64, kind = #tpu.reduction_kind<find_first_set>} : vector<16xi1> -> vector<16xi32>
            %eq3A = arith.cmpi eq, %iota3A, %all_reduce_ffs3A : vector<16xi32>
            %broadcast_in_dim3A_677 = vector.broadcast %scan3A : i32 to vector<16xi32>
            %select_n3A_678 = arith.select %eq3A, %select_n3A_474, %broadcast_in_dim3A_677 : vector<16xi1>, vector<16xi32>
            %reduce_min3A = arith.constant true
            %reduce_min3A_679 = vector.broadcast %reduce_min3A : i1 to vector<16xi1>
            %reduce_min3A_680 = arith.constant -2147483648 : i32
            %reduce_min3A_681 = vector.broadcast %reduce_min3A_680 : i32 to vector<16xi32>
            %reduce_min3A_682 = arith.xori %select_n3A_678, %reduce_min3A_681 : vector<16xi32>
            %reduce_min3A_683 = tpu.scan <min>, %reduce_min3A_682 masked %reduce_min3A_679 : vector<16xi32>, vector<16xi1> -> vector<16xi32>
            %reduce_min3A_684 = arith.xori %reduce_min3A_683, %reduce_min3A_681 : vector<16xi32>
            %reduce_min3A_685 = vector.extract %reduce_min3A_684[15] : i32 from vector<16xi32>
            %broadcast_in_dim3A_686 = vector.broadcast %scan3A : i32 to vector<16xi32>
            %select_n3A_687 = arith.select %eq3A, %add3A_657, %broadcast_in_dim3A_686 : vector<16xi1>, vector<16xi32>
            %reduce_min3A_688 = arith.constant true
            %reduce_min3A_689 = vector.broadcast %reduce_min3A_688 : i1 to vector<16xi1>
            %reduce_min3A_690 = arith.constant -2147483648 : i32
            %reduce_min3A_691 = vector.broadcast %reduce_min3A_690 : i32 to vector<16xi32>
            %reduce_min3A_692 = arith.xori %select_n3A_687, %reduce_min3A_691 : vector<16xi32>
            %reduce_min3A_693 = tpu.scan <min>, %reduce_min3A_692 masked %reduce_min3A_689 : vector<16xi32>, vector<16xi1> -> vector<16xi32>
            %reduce_min3A_694 = arith.xori %reduce_min3A_693, %reduce_min3A_691 : vector<16xi32>
            %reduce_min3A_695 = vector.extract %reduce_min3A_694[15] : i32 from vector<16xi32>
            %reduce_max3A = arith.constant true
            %reduce_max3A_696 = vector.broadcast %reduce_max3A : i1 to vector<16xi1>
            %reduce_max3A_697 = arith.constant -2147483648 : i32
            %reduce_max3A_698 = vector.broadcast %reduce_max3A_697 : i32 to vector<16xi32>
            %reduce_max3A_699 = arith.xori %while3A_668, %reduce_max3A_698 : vector<16xi32>
            %reduce_max3A_700 = tpu.scan <max>, %reduce_max3A_699 masked %reduce_max3A_696 : vector<16xi32>, vector<16xi1> -> vector<16xi32>
            %reduce_max3A_701 = arith.xori %reduce_max3A_700, %reduce_max3A_698 : vector<16xi32>
            %reduce_max3A_702 = vector.extract %reduce_max3A_701[15] : i32 from vector<16xi32>
            %reduce_max3A_703 = arith.constant true
            %reduce_max3A_704 = vector.broadcast %reduce_max3A_703 : i1 to vector<16xi1>
            %reduce_max3A_705 = arith.constant -2147483648 : i32
            %reduce_max3A_706 = vector.broadcast %reduce_max3A_705 : i32 to vector<16xi32>
            %reduce_max3A_707 = arith.xori %while3A_669, %reduce_max3A_706 : vector<16xi32>
            %reduce_max3A_708 = tpu.scan <max>, %reduce_max3A_707 masked %reduce_max3A_704 : vector<16xi32>, vector<16xi1> -> vector<16xi32>
            %reduce_max3A_709 = arith.xori %reduce_max3A_708, %reduce_max3A_706 : vector<16xi32>
            %reduce_max3A_710 = vector.extract %reduce_max3A_709[15] : i32 from vector<16xi32>
            %max3A = arith.maxsi %reduce_max3A_702, %reduce_max3A_710 : i32
            %eq3A_711 = vector.broadcast %max3A : i32 to vector<16xi32>
            %eq3A_712 = arith.cmpi eq, %while3A_668, %eq3A_711 : vector<16xi32>
            %jit3A_713 = arith.constant -1 : i32
            %broadcast_in_dim3A_714 = vector.broadcast %jit3A_713 : i32 to vector<16xi32>
            %select_n3A_715 = arith.select %eq3A_712, %while3A_670, %broadcast_in_dim3A_714 : vector<16xi1>, vector<16xi32>
            %reduce_max3A_716 = arith.constant true
            %reduce_max3A_717 = vector.broadcast %reduce_max3A_716 : i1 to vector<16xi1>
            %reduce_max3A_718 = arith.constant -2147483648 : i32
            %reduce_max3A_719 = vector.broadcast %reduce_max3A_718 : i32 to vector<16xi32>
            %reduce_max3A_720 = arith.xori %select_n3A_715, %reduce_max3A_719 : vector<16xi32>
            %reduce_max3A_721 = tpu.scan <max>, %reduce_max3A_720 masked %reduce_max3A_717 : vector<16xi32>, vector<16xi1> -> vector<16xi32>
            %reduce_max3A_722 = arith.xori %reduce_max3A_721, %reduce_max3A_719 : vector<16xi32>
            %reduce_max3A_723 = vector.extract %reduce_max3A_722[15] : i32 from vector<16xi32>
            %eq3A_724 = vector.broadcast %max3A : i32 to vector<16xi32>
            %eq3A_725 = arith.cmpi eq, %while3A_669, %eq3A_724 : vector<16xi32>
            %jit3A_726 = arith.constant -1 : i32
            %broadcast_in_dim3A_727 = vector.broadcast %jit3A_726 : i32 to vector<16xi32>
            %select_n3A_728 = arith.select %eq3A_725, %while3A_671, %broadcast_in_dim3A_727 : vector<16xi1>, vector<16xi32>
            %reduce_max3A_729 = arith.constant true
            %reduce_max3A_730 = vector.broadcast %reduce_max3A_729 : i1 to vector<16xi1>
            %reduce_max3A_731 = arith.constant -2147483648 : i32
            %reduce_max3A_732 = vector.broadcast %reduce_max3A_731 : i32 to vector<16xi32>
            %reduce_max3A_733 = arith.xori %select_n3A_728, %reduce_max3A_732 : vector<16xi32>
            %reduce_max3A_734 = tpu.scan <max>, %reduce_max3A_733 masked %reduce_max3A_730 : vector<16xi32>, vector<16xi1> -> vector<16xi32>
            %reduce_max3A_735 = arith.xori %reduce_max3A_734, %reduce_max3A_732 : vector<16xi32>
            %reduce_max3A_736 = vector.extract %reduce_max3A_735[15] : i32 from vector<16xi32>
            %max3A_737 = arith.maxsi %reduce_max3A_723, %reduce_max3A_736 : i32
            %eq3A_738 = vector.broadcast %max3A : i32 to vector<16xi32>
            %eq3A_739 = arith.cmpi eq, %while3A_668, %eq3A_738 : vector<16xi32>
            %eq3A_740 = vector.broadcast %max3A_737 : i32 to vector<16xi32>
            %eq3A_741 = arith.cmpi eq, %while3A_670, %eq3A_740 : vector<16xi32>
            %and3A_742 = arith.andi %eq3A_739, %eq3A_741 : vector<16xi1>
            %eq3A_743 = vector.broadcast %max3A : i32 to vector<16xi32>
            %eq3A_744 = arith.cmpi eq, %while3A_669, %eq3A_743 : vector<16xi32>
            %eq3A_745 = vector.broadcast %max3A_737 : i32 to vector<16xi32>
            %eq3A_746 = arith.cmpi eq, %while3A_671, %eq3A_745 : vector<16xi32>
            %and3A_747 = arith.andi %eq3A_744, %eq3A_746 : vector<16xi1>
            %broadcast_in_dim3A_748 = vector.broadcast %reduce_min3A_685 : i32 to vector<16xi32>
            %select_n3A_749 = arith.select %and3A_742, %broadcast_in_dim3A_748, %while3A_668 : vector<16xi1>, vector<16xi32>
            %broadcast_in_dim3A_750 = vector.broadcast %reduce_min3A_685 : i32 to vector<16xi32>
            %select_n3A_751 = arith.select %and3A_747, %broadcast_in_dim3A_750, %while3A_669 : vector<16xi1>, vector<16xi32>
            %broadcast_in_dim3A_752 = vector.broadcast %reduce_min3A_695 : i32 to vector<16xi32>
            %select_n3A_753 = arith.select %and3A_742, %broadcast_in_dim3A_752, %while3A_670 : vector<16xi1>, vector<16xi32>
            %broadcast_in_dim3A_754 = vector.broadcast %reduce_min3A_695 : i32 to vector<16xi32>
            %select_n3A_755 = arith.select %and3A_747, %broadcast_in_dim3A_754, %while3A_671 : vector<16xi1>, vector<16xi32>
            %reduce_max3A_756 = arith.constant true
            %reduce_max3A_757 = vector.broadcast %reduce_max3A_756 : i1 to vector<16xi1>
            %reduce_max3A_758 = arith.constant -2147483648 : i32
            %reduce_max3A_759 = vector.broadcast %reduce_max3A_758 : i32 to vector<16xi32>
            %reduce_max3A_760 = arith.xori %select_n3A_749, %reduce_max3A_759 : vector<16xi32>
            %reduce_max3A_761 = tpu.scan <max>, %reduce_max3A_760 masked %reduce_max3A_757 : vector<16xi32>, vector<16xi1> -> vector<16xi32>
            %reduce_max3A_762 = arith.xori %reduce_max3A_761, %reduce_max3A_759 : vector<16xi32>
            %reduce_max3A_763 = vector.extract %reduce_max3A_762[15] : i32 from vector<16xi32>
            %reduce_max3A_764 = arith.constant true
            %reduce_max3A_765 = vector.broadcast %reduce_max3A_764 : i1 to vector<16xi1>
            %reduce_max3A_766 = arith.constant -2147483648 : i32
            %reduce_max3A_767 = vector.broadcast %reduce_max3A_766 : i32 to vector<16xi32>
            %reduce_max3A_768 = arith.xori %select_n3A_751, %reduce_max3A_767 : vector<16xi32>
            %reduce_max3A_769 = tpu.scan <max>, %reduce_max3A_768 masked %reduce_max3A_765 : vector<16xi32>, vector<16xi1> -> vector<16xi32>
            %reduce_max3A_770 = arith.xori %reduce_max3A_769, %reduce_max3A_767 : vector<16xi32>
            %reduce_max3A_771 = vector.extract %reduce_max3A_770[15] : i32 from vector<16xi32>
            %max3A_772 = arith.maxsi %reduce_max3A_763, %reduce_max3A_771 : i32
            %not3A = arith.constant dense<true> : vector<16xi1>
            %not3A_773 = arith.xori %eq3A, %not3A : vector<16xi1>
            %and3A_774 = arith.andi %while3A_673, %not3A_773 : vector<16xi1>
            scf.yield %select_n3A_749, %select_n3A_751, %select_n3A_753, %select_n3A_755, %max3A_772, %and3A_774 : vector<16xi32>, vector<16xi32>, vector<16xi32>, vector<16xi32>, i32, vector<16xi1>
          }
          %add3A_661 = arith.constant 240 : i32
          %add3A_662 = arith.addi %mul3A_102, %add3A_661 : i32
          %add3A_663 = vector.broadcast %add3A_662 : i32 to vector<16xi32>
          %add3A_664 = arith.addi %add3A_663, %iota3A : vector<16xi32>
          %broadcast_in_dim3A_665 = arith.constant true
          %broadcast_in_dim3A_666 = vector.broadcast %broadcast_in_dim3A_665 : i1 to vector<16xi1>
          %while3A_667:6 = scf.while (%while3A_668 = %while3A_660#0, %while3A_669 = %while3A_660#1, %while3A_670 = %while3A_660#2, %while3A_671 = %while3A_660#3, %while3A_672 = %while3A_660#4, %while3A_673 = %broadcast_in_dim3A_666) : (vector<16xi32>, vector<16xi32>, vector<16xi32>, vector<16xi32>, i32, vector<16xi1>) -> (vector<16xi32>, vector<16xi32>, vector<16xi32>, vector<16xi32>, i32, vector<16xi1>) {
            %lt3A_674 = vector.broadcast %while3A_672 : i32 to vector<16xi32>
            %lt3A_675 = arith.cmpi slt, %select_n3A_499, %lt3A_674 : vector<16xi32>
            %and3A_676 = arith.andi %lt3A_675, %while3A_673 : vector<16xi1>
            %reduce_or3A_677 = arith.constant 1.000000e+00 : f32
            %reduce_or3A_678 = arith.constant 0.000000e+00 : f32
            %reduce_or3A_679 = vector.broadcast %reduce_or3A_677 : f32 to vector<16xf32>
            %reduce_or3A_680 = vector.broadcast %reduce_or3A_678 : f32 to vector<16xf32>
            %reduce_or3A_681 = arith.select %and3A_676, %reduce_or3A_679, %reduce_or3A_680 : vector<16xi1>, vector<16xf32>
            %reduce_or3A_682 = arith.constant true
            %reduce_or3A_683 = vector.broadcast %reduce_or3A_682 : i1 to vector<16xi1>
            %reduce_or3A_684 = tpu.scan <max>, %reduce_or3A_681 masked %reduce_or3A_683 : vector<16xf32>, vector<16xi1> -> vector<16xf32>
            %reduce_or3A_685 = vector.extract %reduce_or3A_684[15] : f32 from vector<16xf32>
            %reduce_or3A_686 = arith.constant 0.000000e+00 : f32
            %reduce_or3A_687 = arith.cmpf ogt, %reduce_or3A_685, %reduce_or3A_686 : f32
            scf.condition(%reduce_or3A_687) %while3A_668, %while3A_669, %while3A_670, %while3A_671, %while3A_672, %while3A_673 : vector<16xi32>, vector<16xi32>, vector<16xi32>, vector<16xi32>, i32, vector<16xi1>
          } do {
          ^bb0(%while3A_668: vector<16xi32>, %while3A_669: vector<16xi32>, %while3A_670: vector<16xi32>, %while3A_671: vector<16xi32>, %while3A_672: i32, %while3A_673: vector<16xi1>):
            %lt3A_674 = vector.broadcast %while3A_672 : i32 to vector<16xi32>
            %lt3A_675 = arith.cmpi slt, %select_n3A_499, %lt3A_674 : vector<16xi32>
            %and3A_676 = arith.andi %lt3A_675, %while3A_673 : vector<16xi1>
            %all_reduce_ffs3A = tpu.all_reduce %and3A_676 {dim = 0 : i64, kind = #tpu.reduction_kind<find_first_set>} : vector<16xi1> -> vector<16xi32>
            %eq3A = arith.cmpi eq, %iota3A, %all_reduce_ffs3A : vector<16xi32>
            %broadcast_in_dim3A_677 = vector.broadcast %scan3A : i32 to vector<16xi32>
            %select_n3A_678 = arith.select %eq3A, %select_n3A_499, %broadcast_in_dim3A_677 : vector<16xi1>, vector<16xi32>
            %reduce_min3A = arith.constant true
            %reduce_min3A_679 = vector.broadcast %reduce_min3A : i1 to vector<16xi1>
            %reduce_min3A_680 = arith.constant -2147483648 : i32
            %reduce_min3A_681 = vector.broadcast %reduce_min3A_680 : i32 to vector<16xi32>
            %reduce_min3A_682 = arith.xori %select_n3A_678, %reduce_min3A_681 : vector<16xi32>
            %reduce_min3A_683 = tpu.scan <min>, %reduce_min3A_682 masked %reduce_min3A_679 : vector<16xi32>, vector<16xi1> -> vector<16xi32>
            %reduce_min3A_684 = arith.xori %reduce_min3A_683, %reduce_min3A_681 : vector<16xi32>
            %reduce_min3A_685 = vector.extract %reduce_min3A_684[15] : i32 from vector<16xi32>
            %broadcast_in_dim3A_686 = vector.broadcast %scan3A : i32 to vector<16xi32>
            %select_n3A_687 = arith.select %eq3A, %add3A_664, %broadcast_in_dim3A_686 : vector<16xi1>, vector<16xi32>
            %reduce_min3A_688 = arith.constant true
            %reduce_min3A_689 = vector.broadcast %reduce_min3A_688 : i1 to vector<16xi1>
            %reduce_min3A_690 = arith.constant -2147483648 : i32
            %reduce_min3A_691 = vector.broadcast %reduce_min3A_690 : i32 to vector<16xi32>
            %reduce_min3A_692 = arith.xori %select_n3A_687, %reduce_min3A_691 : vector<16xi32>
            %reduce_min3A_693 = tpu.scan <min>, %reduce_min3A_692 masked %reduce_min3A_689 : vector<16xi32>, vector<16xi1> -> vector<16xi32>
            %reduce_min3A_694 = arith.xori %reduce_min3A_693, %reduce_min3A_691 : vector<16xi32>
            %reduce_min3A_695 = vector.extract %reduce_min3A_694[15] : i32 from vector<16xi32>
            %reduce_max3A = arith.constant true
            %reduce_max3A_696 = vector.broadcast %reduce_max3A : i1 to vector<16xi1>
            %reduce_max3A_697 = arith.constant -2147483648 : i32
            %reduce_max3A_698 = vector.broadcast %reduce_max3A_697 : i32 to vector<16xi32>
            %reduce_max3A_699 = arith.xori %while3A_668, %reduce_max3A_698 : vector<16xi32>
            %reduce_max3A_700 = tpu.scan <max>, %reduce_max3A_699 masked %reduce_max3A_696 : vector<16xi32>, vector<16xi1> -> vector<16xi32>
            %reduce_max3A_701 = arith.xori %reduce_max3A_700, %reduce_max3A_698 : vector<16xi32>
            %reduce_max3A_702 = vector.extract %reduce_max3A_701[15] : i32 from vector<16xi32>
            %reduce_max3A_703 = arith.constant true
            %reduce_max3A_704 = vector.broadcast %reduce_max3A_703 : i1 to vector<16xi1>
            %reduce_max3A_705 = arith.constant -2147483648 : i32
            %reduce_max3A_706 = vector.broadcast %reduce_max3A_705 : i32 to vector<16xi32>
            %reduce_max3A_707 = arith.xori %while3A_669, %reduce_max3A_706 : vector<16xi32>
            %reduce_max3A_708 = tpu.scan <max>, %reduce_max3A_707 masked %reduce_max3A_704 : vector<16xi32>, vector<16xi1> -> vector<16xi32>
            %reduce_max3A_709 = arith.xori %reduce_max3A_708, %reduce_max3A_706 : vector<16xi32>
            %reduce_max3A_710 = vector.extract %reduce_max3A_709[15] : i32 from vector<16xi32>
            %max3A = arith.maxsi %reduce_max3A_702, %reduce_max3A_710 : i32
            %eq3A_711 = vector.broadcast %max3A : i32 to vector<16xi32>
            %eq3A_712 = arith.cmpi eq, %while3A_668, %eq3A_711 : vector<16xi32>
            %jit3A_713 = arith.constant -1 : i32
            %broadcast_in_dim3A_714 = vector.broadcast %jit3A_713 : i32 to vector<16xi32>
            %select_n3A_715 = arith.select %eq3A_712, %while3A_670, %broadcast_in_dim3A_714 : vector<16xi1>, vector<16xi32>
            %reduce_max3A_716 = arith.constant true
            %reduce_max3A_717 = vector.broadcast %reduce_max3A_716 : i1 to vector<16xi1>
            %reduce_max3A_718 = arith.constant -2147483648 : i32
            %reduce_max3A_719 = vector.broadcast %reduce_max3A_718 : i32 to vector<16xi32>
            %reduce_max3A_720 = arith.xori %select_n3A_715, %reduce_max3A_719 : vector<16xi32>
            %reduce_max3A_721 = tpu.scan <max>, %reduce_max3A_720 masked %reduce_max3A_717 : vector<16xi32>, vector<16xi1> -> vector<16xi32>
            %reduce_max3A_722 = arith.xori %reduce_max3A_721, %reduce_max3A_719 : vector<16xi32>
            %reduce_max3A_723 = vector.extract %reduce_max3A_722[15] : i32 from vector<16xi32>
            %eq3A_724 = vector.broadcast %max3A : i32 to vector<16xi32>
            %eq3A_725 = arith.cmpi eq, %while3A_669, %eq3A_724 : vector<16xi32>
            %jit3A_726 = arith.constant -1 : i32
            %broadcast_in_dim3A_727 = vector.broadcast %jit3A_726 : i32 to vector<16xi32>
            %select_n3A_728 = arith.select %eq3A_725, %while3A_671, %broadcast_in_dim3A_727 : vector<16xi1>, vector<16xi32>
            %reduce_max3A_729 = arith.constant true
            %reduce_max3A_730 = vector.broadcast %reduce_max3A_729 : i1 to vector<16xi1>
            %reduce_max3A_731 = arith.constant -2147483648 : i32
            %reduce_max3A_732 = vector.broadcast %reduce_max3A_731 : i32 to vector<16xi32>
            %reduce_max3A_733 = arith.xori %select_n3A_728, %reduce_max3A_732 : vector<16xi32>
            %reduce_max3A_734 = tpu.scan <max>, %reduce_max3A_733 masked %reduce_max3A_730 : vector<16xi32>, vector<16xi1> -> vector<16xi32>
            %reduce_max3A_735 = arith.xori %reduce_max3A_734, %reduce_max3A_732 : vector<16xi32>
            %reduce_max3A_736 = vector.extract %reduce_max3A_735[15] : i32 from vector<16xi32>
            %max3A_737 = arith.maxsi %reduce_max3A_723, %reduce_max3A_736 : i32
            %eq3A_738 = vector.broadcast %max3A : i32 to vector<16xi32>
            %eq3A_739 = arith.cmpi eq, %while3A_668, %eq3A_738 : vector<16xi32>
            %eq3A_740 = vector.broadcast %max3A_737 : i32 to vector<16xi32>
            %eq3A_741 = arith.cmpi eq, %while3A_670, %eq3A_740 : vector<16xi32>
            %and3A_742 = arith.andi %eq3A_739, %eq3A_741 : vector<16xi1>
            %eq3A_743 = vector.broadcast %max3A : i32 to vector<16xi32>
            %eq3A_744 = arith.cmpi eq, %while3A_669, %eq3A_743 : vector<16xi32>
            %eq3A_745 = vector.broadcast %max3A_737 : i32 to vector<16xi32>
            %eq3A_746 = arith.cmpi eq, %while3A_671, %eq3A_745 : vector<16xi32>
            %and3A_747 = arith.andi %eq3A_744, %eq3A_746 : vector<16xi1>
            %broadcast_in_dim3A_748 = vector.broadcast %reduce_min3A_685 : i32 to vector<16xi32>
            %select_n3A_749 = arith.select %and3A_742, %broadcast_in_dim3A_748, %while3A_668 : vector<16xi1>, vector<16xi32>
            %broadcast_in_dim3A_750 = vector.broadcast %reduce_min3A_685 : i32 to vector<16xi32>
            %select_n3A_751 = arith.select %and3A_747, %broadcast_in_dim3A_750, %while3A_669 : vector<16xi1>, vector<16xi32>
            %broadcast_in_dim3A_752 = vector.broadcast %reduce_min3A_695 : i32 to vector<16xi32>
            %select_n3A_753 = arith.select %and3A_742, %broadcast_in_dim3A_752, %while3A_670 : vector<16xi1>, vector<16xi32>
            %broadcast_in_dim3A_754 = vector.broadcast %reduce_min3A_695 : i32 to vector<16xi32>
            %select_n3A_755 = arith.select %and3A_747, %broadcast_in_dim3A_754, %while3A_671 : vector<16xi1>, vector<16xi32>
            %reduce_max3A_756 = arith.constant true
            %reduce_max3A_757 = vector.broadcast %reduce_max3A_756 : i1 to vector<16xi1>
            %reduce_max3A_758 = arith.constant -2147483648 : i32
            %reduce_max3A_759 = vector.broadcast %reduce_max3A_758 : i32 to vector<16xi32>
            %reduce_max3A_760 = arith.xori %select_n3A_749, %reduce_max3A_759 : vector<16xi32>
            %reduce_max3A_761 = tpu.scan <max>, %reduce_max3A_760 masked %reduce_max3A_757 : vector<16xi32>, vector<16xi1> -> vector<16xi32>
            %reduce_max3A_762 = arith.xori %reduce_max3A_761, %reduce_max3A_759 : vector<16xi32>
            %reduce_max3A_763 = vector.extract %reduce_max3A_762[15] : i32 from vector<16xi32>
            %reduce_max3A_764 = arith.constant true
            %reduce_max3A_765 = vector.broadcast %reduce_max3A_764 : i1 to vector<16xi1>
            %reduce_max3A_766 = arith.constant -2147483648 : i32
            %reduce_max3A_767 = vector.broadcast %reduce_max3A_766 : i32 to vector<16xi32>
            %reduce_max3A_768 = arith.xori %select_n3A_751, %reduce_max3A_767 : vector<16xi32>
            %reduce_max3A_769 = tpu.scan <max>, %reduce_max3A_768 masked %reduce_max3A_765 : vector<16xi32>, vector<16xi1> -> vector<16xi32>
            %reduce_max3A_770 = arith.xori %reduce_max3A_769, %reduce_max3A_767 : vector<16xi32>
            %reduce_max3A_771 = vector.extract %reduce_max3A_770[15] : i32 from vector<16xi32>
            %max3A_772 = arith.maxsi %reduce_max3A_763, %reduce_max3A_771 : i32
            %not3A = arith.constant dense<true> : vector<16xi1>
            %not3A_773 = arith.xori %eq3A, %not3A : vector<16xi1>
            %and3A_774 = arith.andi %while3A_673, %not3A_773 : vector<16xi1>
            scf.yield %select_n3A_749, %select_n3A_751, %select_n3A_753, %select_n3A_755, %max3A_772, %and3A_774 : vector<16xi32>, vector<16xi32>, vector<16xi32>, vector<16xi32>, i32, vector<16xi1>
          }
          scf.yield %while3A_667#0, %while3A_667#1, %while3A_667#2, %while3A_667#3, %while3A_667#4 : vector<16xi32>, vector<16xi32>, vector<16xi32>, vector<16xi32>, i32
        } else {
          scf.yield %scan3A_96, %scan3A_97, %scan3A_98, %scan3A_99, %scan3A_100 : vector<16xi32>, vector<16xi32>, vector<16xi32>, vector<16xi32>, i32
        }
        scf.yield %cond3A_556#0, %cond3A_556#1, %cond3A_556#2, %cond3A_556#3, %cond3A_556#4 : vector<16xi32>, vector<16xi32>, vector<16xi32>, vector<16xi32>, i32
      }
      %scan3A_54 = arith.constant 64 : i32
      %broadcast_in_dim3A_55 = arith.constant 0 : i32
      %broadcast_in_dim3A_56 = vector.broadcast %broadcast_in_dim3A_55 : i32 to vector<16xi32>
      %scan3A_57 = arith.constant 0 : i32
      %scan3A_58 = arith.constant 32 : i32
      %scan3A_59 = arith.addi %scan3A_57, %scan3A_58 : i32
      %scan3A_60 = arith.constant 1 : i32
      %scan3A_61:4 = scf.for %scan3A_95 = %scan3A_57 to %scan3A_59 step %scan3A_60 iter_args(%scan3A_96 = %scan3A_53#0, %scan3A_97 = %scan3A_53#1, %scan3A_98 = %broadcast_in_dim3A_56, %scan3A_99 = %broadcast_in_dim3A_56) -> (vector<16xi32>, vector<16xi32>, vector<16xi32>, vector<16xi32>)  : i32 {
        %reduce_min3A = arith.constant true
        %reduce_min3A_100 = vector.broadcast %reduce_min3A : i1 to vector<16xi1>
        %reduce_min3A_101 = arith.constant -2147483648 : i32
        %reduce_min3A_102 = vector.broadcast %reduce_min3A_101 : i32 to vector<16xi32>
        %reduce_min3A_103 = arith.xori %scan3A_96, %reduce_min3A_102 : vector<16xi32>
        %reduce_min3A_104 = tpu.scan <min>, %reduce_min3A_103 masked %reduce_min3A_100 : vector<16xi32>, vector<16xi1> -> vector<16xi32>
        %reduce_min3A_105 = arith.xori %reduce_min3A_104, %reduce_min3A_102 : vector<16xi32>
        %reduce_min3A_106 = vector.extract %reduce_min3A_105[15] : i32 from vector<16xi32>
        %reduce_min3A_107 = arith.constant true
        %reduce_min3A_108 = vector.broadcast %reduce_min3A_107 : i1 to vector<16xi1>
        %reduce_min3A_109 = arith.constant -2147483648 : i32
        %reduce_min3A_110 = vector.broadcast %reduce_min3A_109 : i32 to vector<16xi32>
        %reduce_min3A_111 = arith.xori %scan3A_97, %reduce_min3A_110 : vector<16xi32>
        %reduce_min3A_112 = tpu.scan <min>, %reduce_min3A_111 masked %reduce_min3A_108 : vector<16xi32>, vector<16xi1> -> vector<16xi32>
        %reduce_min3A_113 = arith.xori %reduce_min3A_112, %reduce_min3A_110 : vector<16xi32>
        %reduce_min3A_114 = vector.extract %reduce_min3A_113[15] : i32 from vector<16xi32>
        %min3A = arith.minsi %reduce_min3A_106, %reduce_min3A_114 : i32
        %eq3A = vector.broadcast %min3A : i32 to vector<16xi32>
        %eq3A_115 = arith.cmpi eq, %scan3A_96, %eq3A : vector<16xi32>
        %broadcast_in_dim3A_116 = vector.broadcast %scan3A : i32 to vector<16xi32>
        %select_n3A_117 = arith.select %eq3A_115, %scan3A_53#2, %broadcast_in_dim3A_116 : vector<16xi1>, vector<16xi32>
        %reduce_min3A_118 = arith.constant true
        %reduce_min3A_119 = vector.broadcast %reduce_min3A_118 : i1 to vector<16xi1>
        %reduce_min3A_120 = arith.constant -2147483648 : i32
        %reduce_min3A_121 = vector.broadcast %reduce_min3A_120 : i32 to vector<16xi32>
        %reduce_min3A_122 = arith.xori %select_n3A_117, %reduce_min3A_121 : vector<16xi32>
        %reduce_min3A_123 = tpu.scan <min>, %reduce_min3A_122 masked %reduce_min3A_119 : vector<16xi32>, vector<16xi1> -> vector<16xi32>
        %reduce_min3A_124 = arith.xori %reduce_min3A_123, %reduce_min3A_121 : vector<16xi32>
        %reduce_min3A_125 = vector.extract %reduce_min3A_124[15] : i32 from vector<16xi32>
        %eq3A_126 = vector.broadcast %min3A : i32 to vector<16xi32>
        %eq3A_127 = arith.cmpi eq, %scan3A_97, %eq3A_126 : vector<16xi32>
        %broadcast_in_dim3A_128 = vector.broadcast %scan3A : i32 to vector<16xi32>
        %select_n3A_129 = arith.select %eq3A_127, %scan3A_53#3, %broadcast_in_dim3A_128 : vector<16xi1>, vector<16xi32>
        %reduce_min3A_130 = arith.constant true
        %reduce_min3A_131 = vector.broadcast %reduce_min3A_130 : i1 to vector<16xi1>
        %reduce_min3A_132 = arith.constant -2147483648 : i32
        %reduce_min3A_133 = vector.broadcast %reduce_min3A_132 : i32 to vector<16xi32>
        %reduce_min3A_134 = arith.xori %select_n3A_129, %reduce_min3A_133 : vector<16xi32>
        %reduce_min3A_135 = tpu.scan <min>, %reduce_min3A_134 masked %reduce_min3A_131 : vector<16xi32>, vector<16xi1> -> vector<16xi32>
        %reduce_min3A_136 = arith.xori %reduce_min3A_135, %reduce_min3A_133 : vector<16xi32>
        %reduce_min3A_137 = vector.extract %reduce_min3A_136[15] : i32 from vector<16xi32>
        %min3A_138 = arith.minsi %reduce_min3A_125, %reduce_min3A_137 : i32
        %eq3A_139 = vector.broadcast %min3A : i32 to vector<16xi32>
        %eq3A_140 = arith.cmpi eq, %scan3A_96, %eq3A_139 : vector<16xi32>
        %eq3A_141 = vector.broadcast %min3A_138 : i32 to vector<16xi32>
        %eq3A_142 = arith.cmpi eq, %scan3A_53#2, %eq3A_141 : vector<16xi32>
        %and3A_143 = arith.andi %eq3A_140, %eq3A_142 : vector<16xi1>
        %eq3A_144 = vector.broadcast %min3A : i32 to vector<16xi32>
        %eq3A_145 = arith.cmpi eq, %scan3A_97, %eq3A_144 : vector<16xi32>
        %eq3A_146 = vector.broadcast %min3A_138 : i32 to vector<16xi32>
        %eq3A_147 = arith.cmpi eq, %scan3A_53#3, %eq3A_146 : vector<16xi32>
        %and3A_148 = arith.andi %eq3A_145, %eq3A_147 : vector<16xi1>
        %broadcast_in_dim3A_149 = vector.broadcast %scan3A : i32 to vector<16xi32>
        %select_n3A_150 = arith.select %and3A_143, %broadcast_in_dim3A_149, %scan3A_96 : vector<16xi1>, vector<16xi32>
        %broadcast_in_dim3A_151 = vector.broadcast %scan3A : i32 to vector<16xi32>
        %select_n3A_152 = arith.select %and3A_148, %broadcast_in_dim3A_151, %scan3A_97 : vector<16xi1>, vector<16xi32>
        %eq3A_153 = vector.broadcast %scan3A_95 : i32 to vector<16xi32>
        %eq3A_154 = arith.cmpi eq, %iota3A, %eq3A_153 : vector<16xi32>
        %broadcast_in_dim3A_155 = vector.broadcast %min3A_138 : i32 to vector<16xi32>
        %select_n3A_156 = arith.select %eq3A_154, %broadcast_in_dim3A_155, %scan3A_98 : vector<16xi1>, vector<16xi32>
        %sub3A_157 = arith.constant 16 : i32
        %sub3A_158 = arith.subi %scan3A_95, %sub3A_157 : i32
        %eq3A_159 = vector.broadcast %sub3A_158 : i32 to vector<16xi32>
        %eq3A_160 = arith.cmpi eq, %iota3A, %eq3A_159 : vector<16xi32>
        %broadcast_in_dim3A_161 = vector.broadcast %min3A_138 : i32 to vector<16xi32>
        %select_n3A_162 = arith.select %eq3A_160, %broadcast_in_dim3A_161, %scan3A_99 : vector<16xi1>, vector<16xi32>
        scf.yield %select_n3A_150, %select_n3A_152, %select_n3A_156, %select_n3A_162 : vector<16xi32>, vector<16xi32>, vector<16xi32>, vector<16xi32>
      }
      %scan3A_62 = arith.constant 32 : i32
      %mul3A_63 = arith.constant 32 : i32
      %mul3A_64 = arith.muli %scan3A_37, %mul3A_63 : i32
      %gather3A_65 = tpu.vector_load_idx %arg11[%scan3A_61#2] : memref<16384xf32, #tpu.memory_space<vmem>>[vector<16xi32>], vector<16xf32>,
      %sub3A_66 = arith.subf %gather3A_65, %gather3A : vector<16xf32>
      %swap3A = arith.index_cast %mul3A_64 : i32 to index
      %swap3A_67 = tpu.vector_load %arg17[%swap3A] {strides = array<i32>} : memref<4096xf32, #tpu.memory_space<vmem>>, vector<16xf32>,
      tpu.vector_store %arg17[%swap3A], %sub3A_66 {strides = array<i32>} : memref<4096xf32, #tpu.memory_space<vmem>>, vector<16xf32>,
      %gather3A_68 = tpu.vector_load_idx %arg12[%scan3A_61#2] : memref<16384xf32, #tpu.memory_space<vmem>>[vector<16xi32>], vector<16xf32>,
      %sub3A_69 = arith.subf %gather3A_68, %gather3A_39 : vector<16xf32>
      %swap3A_70 = arith.index_cast %mul3A_64 : i32 to index
      %swap3A_71 = tpu.vector_load %arg18[%swap3A_70] {strides = array<i32>} : memref<4096xf32, #tpu.memory_space<vmem>>, vector<16xf32>,
      tpu.vector_store %arg18[%swap3A_70], %sub3A_69 {strides = array<i32>} : memref<4096xf32, #tpu.memory_space<vmem>>, vector<16xf32>,
      %gather3A_72 = tpu.vector_load_idx %arg13[%scan3A_61#2] : memref<16384xf32, #tpu.memory_space<vmem>>[vector<16xi32>], vector<16xf32>,
      %sub3A_73 = arith.subf %gather3A_72, %gather3A_40 : vector<16xf32>
      %swap3A_74 = arith.index_cast %mul3A_64 : i32 to index
      %swap3A_75 = tpu.vector_load %arg19[%swap3A_74] {strides = array<i32>} : memref<4096xf32, #tpu.memory_space<vmem>>, vector<16xf32>,
      tpu.vector_store %arg19[%swap3A_74], %sub3A_73 {strides = array<i32>} : memref<4096xf32, #tpu.memory_space<vmem>>, vector<16xf32>,
      %gather3A_76 = tpu.vector_load_idx %arg11[%scan3A_61#3] : memref<16384xf32, #tpu.memory_space<vmem>>[vector<16xi32>], vector<16xf32>,
      %sub3A_77 = arith.subf %gather3A_76, %gather3A : vector<16xf32>
      %add3A_78 = arith.constant 16 : i32
      %add3A_79 = arith.addi %mul3A_64, %add3A_78 : i32
      %swap3A_80 = arith.index_cast %add3A_79 : i32 to index
      %swap3A_81 = tpu.vector_load %arg17[%swap3A_80] {strides = array<i32>} : memref<4096xf32, #tpu.memory_space<vmem>>, vector<16xf32>,
      tpu.vector_store %arg17[%swap3A_80], %sub3A_77 {strides = array<i32>} : memref<4096xf32, #tpu.memory_space<vmem>>, vector<16xf32>,
      %gather3A_82 = tpu.vector_load_idx %arg12[%scan3A_61#3] : memref<16384xf32, #tpu.memory_space<vmem>>[vector<16xi32>], vector<16xf32>,
      %sub3A_83 = arith.subf %gather3A_82, %gather3A_39 : vector<16xf32>
      %add3A_84 = arith.constant 16 : i32
      %add3A_85 = arith.addi %mul3A_64, %add3A_84 : i32
      %swap3A_86 = arith.index_cast %add3A_85 : i32 to index
      %swap3A_87 = tpu.vector_load %arg18[%swap3A_86] {strides = array<i32>} : memref<4096xf32, #tpu.memory_space<vmem>>, vector<16xf32>,
      tpu.vector_store %arg18[%swap3A_86], %sub3A_83 {strides = array<i32>} : memref<4096xf32, #tpu.memory_space<vmem>>, vector<16xf32>,
      %gather3A_88 = tpu.vector_load_idx %arg13[%scan3A_61#3] : memref<16384xf32, #tpu.memory_space<vmem>>[vector<16xi32>], vector<16xf32>,
      %sub3A_89 = arith.subf %gather3A_88, %gather3A_40 : vector<16xf32>
      %add3A_90 = arith.constant 16 : i32
      %add3A_91 = arith.addi %mul3A_64, %add3A_90 : i32
      %swap3A_92 = arith.index_cast %add3A_91 : i32 to index
      %swap3A_93 = tpu.vector_load %arg19[%swap3A_92] {strides = array<i32>} : memref<4096xf32, #tpu.memory_space<vmem>>, vector<16xf32>,
      tpu.vector_store %arg19[%swap3A_92], %sub3A_89 {strides = array<i32>} : memref<4096xf32, #tpu.memory_space<vmem>>, vector<16xf32>,
      %scan3A_94 = arith.constant 0 : i32
      scf.yield %scan3A_94 : i32
    }
    %scan3A_30 = arith.constant 128 : i32
    %mul3A_31 = arith.constant 4096 : i32
    %mul3A_32 = arith.muli %add3A, %mul3A_31 : i32
    "tpu.region"() ({
      %run_scoped3A = tpu.sem_alloc : memref<!tpu.dma_semaphore, #tpu.memory_space<semaphore_mem>>
      %dma_start3A = tpu.memref_slice %arg8[%mul3A_32] : memref<131072xf32, #tpu.memory_space<hbm>> -> memref<4096xf32, #tpu.memory_space<hbm>>
      %dma_start3A_37 = tpu.memref_slice %arg8[%mul3A_32] : memref<131072xf32, #tpu.memory_space<hbm>> -> memref<4096xf32, #tpu.memory_space<hbm>>
      tpu.enqueue_dma source(%arg17 : memref<4096xf32, #tpu.memory_space<vmem>>) target(%dma_start3A_37 : memref<4096xf32, #tpu.memory_space<hbm>>) target_semaphore(%run_scoped3A : memref<!tpu.dma_semaphore, #tpu.memory_space<semaphore_mem>>)
      %dma_wait3A = tpu.memref_slice %arg8[%mul3A_32] : memref<131072xf32, #tpu.memory_space<hbm>> -> memref<4096xf32, #tpu.memory_space<hbm>>
      %dma_wait3A_38 = tpu.memref_slice %arg8[%mul3A_32] : memref<131072xf32, #tpu.memory_space<hbm>> -> memref<4096xf32, #tpu.memory_space<hbm>>
      tpu.wait_dma2 semaphore(%run_scoped3A : memref<!tpu.dma_semaphore, #tpu.memory_space<semaphore_mem>>) src(%arg17 : memref<4096xf32, #tpu.memory_space<vmem>>) dst(%dma_wait3A_38 : memref<4096xf32, #tpu.memory_space<hbm>>)
      tpu.yield
    }) : () -> ()
    %mul3A_33 = arith.constant 4096 : i32
    %mul3A_34 = arith.muli %add3A, %mul3A_33 : i32
    "tpu.region"() ({
      %run_scoped3A = tpu.sem_alloc : memref<!tpu.dma_semaphore, #tpu.memory_space<semaphore_mem>>
      %dma_start3A = tpu.memref_slice %arg9[%mul3A_34] : memref<131072xf32, #tpu.memory_space<hbm>> -> memref<4096xf32, #tpu.memory_space<hbm>>
      %dma_start3A_37 = tpu.memref_slice %arg9[%mul3A_34] : memref<131072xf32, #tpu.memory_space<hbm>> -> memref<4096xf32, #tpu.memory_space<hbm>>
      tpu.enqueue_dma source(%arg18 : memref<4096xf32, #tpu.memory_space<vmem>>) target(%dma_start3A_37 : memref<4096xf32, #tpu.memory_space<hbm>>) target_semaphore(%run_scoped3A : memref<!tpu.dma_semaphore, #tpu.memory_space<semaphore_mem>>)
      %dma_wait3A = tpu.memref_slice %arg9[%mul3A_34] : memref<131072xf32, #tpu.memory_space<hbm>> -> memref<4096xf32, #tpu.memory_space<hbm>>
      %dma_wait3A_38 = tpu.memref_slice %arg9[%mul3A_34] : memref<131072xf32, #tpu.memory_space<hbm>> -> memref<4096xf32, #tpu.memory_space<hbm>>
      tpu.wait_dma2 semaphore(%run_scoped3A : memref<!tpu.dma_semaphore, #tpu.memory_space<semaphore_mem>>) src(%arg18 : memref<4096xf32, #tpu.memory_space<vmem>>) dst(%dma_wait3A_38 : memref<4096xf32, #tpu.memory_space<hbm>>)
      tpu.yield
    }) : () -> ()
    %mul3A_35 = arith.constant 4096 : i32
    %mul3A_36 = arith.muli %add3A, %mul3A_35 : i32
    "tpu.region"() ({
      %run_scoped3A = tpu.sem_alloc : memref<!tpu.dma_semaphore, #tpu.memory_space<semaphore_mem>>
      %dma_start3A = tpu.memref_slice %arg10[%mul3A_36] : memref<131072xf32, #tpu.memory_space<hbm>> -> memref<4096xf32, #tpu.memory_space<hbm>>
      %dma_start3A_37 = tpu.memref_slice %arg10[%mul3A_36] : memref<131072xf32, #tpu.memory_space<hbm>> -> memref<4096xf32, #tpu.memory_space<hbm>>
      tpu.enqueue_dma source(%arg19 : memref<4096xf32, #tpu.memory_space<vmem>>) target(%dma_start3A_37 : memref<4096xf32, #tpu.memory_space<hbm>>) target_semaphore(%run_scoped3A : memref<!tpu.dma_semaphore, #tpu.memory_space<semaphore_mem>>)
      %dma_wait3A = tpu.memref_slice %arg10[%mul3A_36] : memref<131072xf32, #tpu.memory_space<hbm>> -> memref<4096xf32, #tpu.memory_space<hbm>>
      %dma_wait3A_38 = tpu.memref_slice %arg10[%mul3A_36] : memref<131072xf32, #tpu.memory_space<hbm>> -> memref<4096xf32, #tpu.memory_space<hbm>>
      tpu.wait_dma2 semaphore(%run_scoped3A : memref<!tpu.dma_semaphore, #tpu.memory_space<semaphore_mem>>) src(%arg19 : memref<4096xf32, #tpu.memory_space<vmem>>) dst(%dma_wait3A_38 : memref<4096xf32, #tpu.memory_space<hbm>>)
      tpu.yield
    }) : () -> ()
    return
  }
}

module attributes {stable_mosaic.version = 14 : i64} {
  func.func @_fps_body(%arg0: memref<8x16384xf32, #tpu.memory_space<vmem>>, %arg1: memref<8x16384xf32, #tpu.memory_space<vmem>>, %arg2: memref<8x16384xf32, #tpu.memory_space<vmem>>, %arg3: memref<8x1xf32, #tpu.memory_space<vmem>>, %arg4: memref<8x1xf32, #tpu.memory_space<vmem>>, %arg5: memref<8x1xf32, #tpu.memory_space<vmem>>, %arg6: memref<8x512xf32, #tpu.memory_space<vmem>>, %arg7: memref<8x512xf32, #tpu.memory_space<vmem>>, %arg8: memref<8x512xf32, #tpu.memory_space<vmem>>, %arg9: memref<8x16384xf32, #tpu.memory_space<vmem>>) attributes {dimension_semantics = [], scalar_prefetch = 0 : i64, scratch_operands = 1 : i64, tpu.core_type = #tpu.core_type<tc>} {
    %broadcast_in_dim3A = arith.constant 1.000000e+10 : f32
    %broadcast_in_dim3A_0 = vector.broadcast %broadcast_in_dim3A : f32 to vector<8x16384xf32>
    %swap3A = arith.constant 0 : index
    %swap3A_1 = arith.constant 0 : index
    %swap3A_2 = vector.load %arg9[%swap3A, %swap3A_1] : memref<8x16384xf32, #tpu.memory_space<vmem>>, vector<8x16384xf32>
    tpu.vector_store %arg9[%swap3A, %swap3A_1], %broadcast_in_dim3A_0 {strides = array<i32>} : memref<8x16384xf32, #tpu.memory_space<vmem>>, vector<8x16384xf32>,
    %iota3A = tpu.iota {dimensions = array<i32: 1>} : vector<8x16384xi32>
    %iota3A_3 = tpu.iota {dimensions = array<i32: 1>} : vector<8x512xi32>
    %get3A = arith.constant 0 : index
    %get3A_4 = arith.constant 0 : index
    %get3A_5 = vector.load %arg3[%get3A, %get3A_4] : memref<8x1xf32, #tpu.memory_space<vmem>>, vector<8x1xf32>
    %get3A_6 = arith.constant 0 : index
    %get3A_7 = arith.constant 0 : index
    %get3A_8 = vector.load %arg4[%get3A_6, %get3A_7] : memref<8x1xf32, #tpu.memory_space<vmem>>, vector<8x1xf32>
    %get3A_9 = arith.constant 0 : index
    %get3A_10 = arith.constant 0 : index
    %get3A_11 = vector.load %arg5[%get3A_9, %get3A_10] : memref<8x1xf32, #tpu.memory_space<vmem>>, vector<8x1xf32>
    %scan3A = arith.constant 0 : i32
    %scan3A_12 = arith.constant 512 : i32
    %scan3A_13 = arith.addi %scan3A, %scan3A_12 : i32
    %scan3A_14 = arith.constant 1 : i32
    %scan3A_15:3 = scf.for %scan3A_17 = %scan3A to %scan3A_13 step %scan3A_14 iter_args(%scan3A_18 = %get3A_5, %scan3A_19 = %get3A_8, %scan3A_20 = %get3A_11) -> (vector<8x1xf32>, vector<8x1xf32>, vector<8x1xf32>)  : i32 {
      %eq3A = vector.broadcast %scan3A_17 : i32 to vector<8x512xi32>
      %eq3A_21 = arith.cmpi eq, %iota3A_3, %eq3A : vector<8x512xi32>
      %get3A_22 = arith.constant 0 : index
      %get3A_23 = arith.constant 0 : index
      %get3A_24 = vector.load %arg6[%get3A_22, %get3A_23] : memref<8x512xf32, #tpu.memory_space<vmem>>, vector<8x512xf32>
      %broadcast_in_dim3A_25 = vector.shape_cast %scan3A_18 : vector<8x1xf32> to vector<8x1xf32>
      %broadcast_in_dim3A_26 = vector.broadcast %broadcast_in_dim3A_25 : vector<8x1xf32> to vector<8x512xf32>
      %select_n3A = arith.select %eq3A_21, %broadcast_in_dim3A_26, %get3A_24 : vector<8x512xi1>, vector<8x512xf32>
      %swap3A_27 = arith.constant 0 : index
      %swap3A_28 = arith.constant 0 : index
      %swap3A_29 = vector.load %arg6[%swap3A_27, %swap3A_28] : memref<8x512xf32, #tpu.memory_space<vmem>>, vector<8x512xf32>
      tpu.vector_store %arg6[%swap3A_27, %swap3A_28], %select_n3A {strides = array<i32>} : memref<8x512xf32, #tpu.memory_space<vmem>>, vector<8x512xf32>,
      %eq3A_30 = vector.broadcast %scan3A_17 : i32 to vector<8x512xi32>
      %eq3A_31 = arith.cmpi eq, %iota3A_3, %eq3A_30 : vector<8x512xi32>
      %get3A_32 = arith.constant 0 : index
      %get3A_33 = arith.constant 0 : index
      %get3A_34 = vector.load %arg7[%get3A_32, %get3A_33] : memref<8x512xf32, #tpu.memory_space<vmem>>, vector<8x512xf32>
      %broadcast_in_dim3A_35 = vector.shape_cast %scan3A_19 : vector<8x1xf32> to vector<8x1xf32>
      %broadcast_in_dim3A_36 = vector.broadcast %broadcast_in_dim3A_35 : vector<8x1xf32> to vector<8x512xf32>
      %select_n3A_37 = arith.select %eq3A_31, %broadcast_in_dim3A_36, %get3A_34 : vector<8x512xi1>, vector<8x512xf32>
      %swap3A_38 = arith.constant 0 : index
      %swap3A_39 = arith.constant 0 : index
      %swap3A_40 = vector.load %arg7[%swap3A_38, %swap3A_39] : memref<8x512xf32, #tpu.memory_space<vmem>>, vector<8x512xf32>
      tpu.vector_store %arg7[%swap3A_38, %swap3A_39], %select_n3A_37 {strides = array<i32>} : memref<8x512xf32, #tpu.memory_space<vmem>>, vector<8x512xf32>,
      %eq3A_41 = vector.broadcast %scan3A_17 : i32 to vector<8x512xi32>
      %eq3A_42 = arith.cmpi eq, %iota3A_3, %eq3A_41 : vector<8x512xi32>
      %get3A_43 = arith.constant 0 : index
      %get3A_44 = arith.constant 0 : index
      %get3A_45 = vector.load %arg8[%get3A_43, %get3A_44] : memref<8x512xf32, #tpu.memory_space<vmem>>, vector<8x512xf32>
      %broadcast_in_dim3A_46 = vector.shape_cast %scan3A_20 : vector<8x1xf32> to vector<8x1xf32>
      %broadcast_in_dim3A_47 = vector.broadcast %broadcast_in_dim3A_46 : vector<8x1xf32> to vector<8x512xf32>
      %select_n3A_48 = arith.select %eq3A_42, %broadcast_in_dim3A_47, %get3A_45 : vector<8x512xi1>, vector<8x512xf32>
      %swap3A_49 = arith.constant 0 : index
      %swap3A_50 = arith.constant 0 : index
      %swap3A_51 = vector.load %arg8[%swap3A_49, %swap3A_50] : memref<8x512xf32, #tpu.memory_space<vmem>>, vector<8x512xf32>
      tpu.vector_store %arg8[%swap3A_49, %swap3A_50], %select_n3A_48 {strides = array<i32>} : memref<8x512xf32, #tpu.memory_space<vmem>>, vector<8x512xf32>,
      %get3A_52 = arith.constant 0 : index
      %get3A_53 = arith.constant 0 : index
      %get3A_54 = vector.load %arg0[%get3A_52, %get3A_53] : memref<8x16384xf32, #tpu.memory_space<vmem>>, vector<8x16384xf32>
      %sub3A = vector.broadcast %scan3A_18 : vector<8x1xf32> to vector<8x16384xf32>
      %sub3A_55 = arith.subf %get3A_54, %sub3A : vector<8x16384xf32>
      %get3A_56 = arith.constant 0 : index
      %get3A_57 = arith.constant 0 : index
      %get3A_58 = vector.load %arg1[%get3A_56, %get3A_57] : memref<8x16384xf32, #tpu.memory_space<vmem>>, vector<8x16384xf32>
      %sub3A_59 = vector.broadcast %scan3A_19 : vector<8x1xf32> to vector<8x16384xf32>
      %sub3A_60 = arith.subf %get3A_58, %sub3A_59 : vector<8x16384xf32>
      %get3A_61 = arith.constant 0 : index
      %get3A_62 = arith.constant 0 : index
      %get3A_63 = vector.load %arg2[%get3A_61, %get3A_62] : memref<8x16384xf32, #tpu.memory_space<vmem>>, vector<8x16384xf32>
      %sub3A_64 = vector.broadcast %scan3A_20 : vector<8x1xf32> to vector<8x16384xf32>
      %sub3A_65 = arith.subf %get3A_63, %sub3A_64 : vector<8x16384xf32>
      %mul3A = arith.mulf %sub3A_55, %sub3A_55 : vector<8x16384xf32>
      %mul3A_66 = arith.mulf %sub3A_60, %sub3A_60 : vector<8x16384xf32>
      %add3A = arith.addf %mul3A, %mul3A_66 : vector<8x16384xf32>
      %mul3A_67 = arith.mulf %sub3A_65, %sub3A_65 : vector<8x16384xf32>
      %add3A_68 = arith.addf %add3A, %mul3A_67 : vector<8x16384xf32>
      %get3A_69 = arith.constant 0 : index
      %get3A_70 = arith.constant 0 : index
      %get3A_71 = vector.load %arg9[%get3A_69, %get3A_70] : memref<8x16384xf32, #tpu.memory_space<vmem>>, vector<8x16384xf32>
      %lt3A = arith.cmpf olt, %add3A_68, %get3A_71 : vector<8x16384xf32>
      %select_n3A_72 = arith.select %lt3A, %add3A_68, %get3A_71 : vector<8x16384xi1>, vector<8x16384xf32>
      %swap3A_73 = arith.constant 0 : index
      %swap3A_74 = arith.constant 0 : index
      %swap3A_75 = vector.load %arg9[%swap3A_73, %swap3A_74] : memref<8x16384xf32, #tpu.memory_space<vmem>>, vector<8x16384xf32>
      tpu.vector_store %arg9[%swap3A_73, %swap3A_74], %select_n3A_72 {strides = array<i32>} : memref<8x16384xf32, #tpu.memory_space<vmem>>, vector<8x16384xf32>,
      %reduce_max3A = arith.constant dense<0xFF800000> : vector<8xf32>
      %reduce_max3A_76 = vector.multi_reduction <maximumf>, %select_n3A_72, %reduce_max3A [1] : vector<8x16384xf32> to vector<8xf32>
      %broadcast_in_dim3A_77 = vector.shape_cast %reduce_max3A_76 : vector<8xf32> to vector<8x1xf32>
      %eq3A_78 = vector.broadcast %broadcast_in_dim3A_77 : vector<8x1xf32> to vector<8x16384xf32>
      %eq3A_79 = arith.cmpf oeq, %select_n3A_72, %eq3A_78 : vector<8x16384xf32>
      %jit3A = arith.constant 16384 : i32
      %broadcast_in_dim3A_80 = vector.broadcast %jit3A : i32 to vector<8x16384xi32>
      %select_n3A_81 = arith.select %eq3A_79, %iota3A, %broadcast_in_dim3A_80 : vector<8x16384xi1>, vector<8x16384xi32>
      %reduce_min3A = arith.constant dense<2147483647> : vector<8xi32>
      %reduce_min3A_82 = vector.multi_reduction <minsi>, %select_n3A_81, %reduce_min3A [1] : vector<8x16384xi32> to vector<8xi32>
      %broadcast_in_dim3A_83 = vector.shape_cast %reduce_min3A_82 : vector<8xi32> to vector<8x1xi32>
      %eq3A_84 = vector.broadcast %broadcast_in_dim3A_83 : vector<8x1xi32> to vector<8x16384xi32>
      %eq3A_85 = arith.cmpi eq, %iota3A, %eq3A_84 : vector<8x16384xi32>
      %get3A_86 = arith.constant 0 : index
      %get3A_87 = arith.constant 0 : index
      %get3A_88 = vector.load %arg0[%get3A_86, %get3A_87] : memref<8x16384xf32, #tpu.memory_space<vmem>>, vector<8x16384xf32>
      %jit3A_89 = arith.constant 0.000000e+00 : f32
      %broadcast_in_dim3A_90 = vector.broadcast %jit3A_89 : f32 to vector<8x16384xf32>
      %select_n3A_91 = arith.select %eq3A_85, %get3A_88, %broadcast_in_dim3A_90 : vector<8x16384xi1>, vector<8x16384xf32>
      %reduce_sum3A = arith.constant dense<0.000000e+00> : vector<8xf32>
      %reduce_sum3A_92 = vector.multi_reduction <add>, %select_n3A_91, %reduce_sum3A [1] : vector<8x16384xf32> to vector<8xf32>
      %broadcast_in_dim3A_93 = vector.shape_cast %reduce_sum3A_92 : vector<8xf32> to vector<8x1xf32>
      %get3A_94 = arith.constant 0 : index
      %get3A_95 = arith.constant 0 : index
      %get3A_96 = vector.load %arg1[%get3A_94, %get3A_95] : memref<8x16384xf32, #tpu.memory_space<vmem>>, vector<8x16384xf32>
      %jit3A_97 = arith.constant 0.000000e+00 : f32
      %broadcast_in_dim3A_98 = vector.broadcast %jit3A_97 : f32 to vector<8x16384xf32>
      %select_n3A_99 = arith.select %eq3A_85, %get3A_96, %broadcast_in_dim3A_98 : vector<8x16384xi1>, vector<8x16384xf32>
      %reduce_sum3A_100 = arith.constant dense<0.000000e+00> : vector<8xf32>
      %reduce_sum3A_101 = vector.multi_reduction <add>, %select_n3A_99, %reduce_sum3A_100 [1] : vector<8x16384xf32> to vector<8xf32>
      %broadcast_in_dim3A_102 = vector.shape_cast %reduce_sum3A_101 : vector<8xf32> to vector<8x1xf32>
      %get3A_103 = arith.constant 0 : index
      %get3A_104 = arith.constant 0 : index
      %get3A_105 = vector.load %arg2[%get3A_103, %get3A_104] : memref<8x16384xf32, #tpu.memory_space<vmem>>, vector<8x16384xf32>
      %jit3A_106 = arith.constant 0.000000e+00 : f32
      %broadcast_in_dim3A_107 = vector.broadcast %jit3A_106 : f32 to vector<8x16384xf32>
      %select_n3A_108 = arith.select %eq3A_85, %get3A_105, %broadcast_in_dim3A_107 : vector<8x16384xi1>, vector<8x16384xf32>
      %reduce_sum3A_109 = arith.constant dense<0.000000e+00> : vector<8xf32>
      %reduce_sum3A_110 = vector.multi_reduction <add>, %select_n3A_108, %reduce_sum3A_109 [1] : vector<8x16384xf32> to vector<8xf32>
      %broadcast_in_dim3A_111 = vector.shape_cast %reduce_sum3A_110 : vector<8xf32> to vector<8x1xf32>
      scf.yield %broadcast_in_dim3A_93, %broadcast_in_dim3A_102, %broadcast_in_dim3A_111 : vector<8x1xf32>, vector<8x1xf32>, vector<8x1xf32>
    }
    %scan3A_16 = arith.constant 512 : i32
    return
  }
}

</mosaic_0001>

<sc_bundles>
// kernel: kernel.4.cloned.1.call-start
scs
__scs_entry_jumppad:
0x0: {  	(pc) =	sbr.rel $0x88, $3  }
0x1: {  	(tag) =	ssettag $0x0;
	lr =	simm.s32 $0x1  }
0x2: {  	[smem:$0x3FA0] =	sst lr;
	_ =	strace $0xD0000000  }
0x3: {  	_ = 	snop  }
0x4: {  	_ = 	snop  }
0x5: {  	_ = 	snop  }
0x6: {  	_ = 	snop  }
0x7: {  	_ = 	snop  }
__scs_overlays_trampoline_lowered:
0x8: {  	[smem:$0x3FAF] =	sst s0  }
0x9: {  	[smem:$0x3FB0] =	sst s1  }
0xa: {  	[smem:$0x3FB1] =	sst s2  }
0xb: {  	[smem:$0x3FB2] =	sst s3  }
0xc: {  	[smem:$0x3FB3] =	sst s4  }
0xd: {  	[smem:$0x3FB4] =	sst s5  }
0xe: {  	[smem:$0x3FB5] =	sst s6  }
0xf: {  	[smem:$0x3FB6] =	sst s7  }
0x10: {  	[smem:$0x3FB7] =	sst s8  }
0x11: {  	[smem:$0x3FB8] =	sst s9;
	s0 =	simm.s32 @!p0 $0x0  }
0x12: {  	s1 =	sld [smem:$0x3F9E];
	s0 =	simm.s32 @p0 $0x1  }
0x13: {  	[smem:$0x3FB9] =	sst s0;
	s0 =	simm.s32 @!p1 $0x0  }
0x14: {  	s2 =	sld [smem:$0x3F9D];
	s0 =	simm.s32 @p1 $0x1  }
0x15: {  	[smem:$0x3FBA] =	sst s0;
	s0 =	simm.s32 @!p2 $0x0  }
0x16: {  	s3 =	sld [smem:$0x3FDB];
	s0 =	simm.s32 @p2 $0x1  }
0x17: {  	s4 =	simm.s32 $0x1BF5;
	[smem:$0x3FBC] =	sst s0  }
0x18: {  	s0 =	sld [smem:$0x3F9F];
	_ =	swait.ge [sflag:s4], $0x0  }
0x19: {  	s7 =	sld [smem:$0x3FA0]  }
0x1a: {  	s8 =	sadd.s32 $0xFFFFE003, lr  }
0x1b: {  	s9 =	sadd.s32 $0xFFFFFEF7, lr;
	s5 =	simm.s32 $0xFFFFFFFF;
	p2 =	slt.u32 s8, $0xFFFFF086  }
0x1c: {  	p1 =	slt.u32 s9, $0xF7A;
	s5 =	simm.s32 @!p2 $0x0  }
0x1d: {  	s5 =	simm.s32 @p1 $0x1;
	p0 =	seq.s32 s7, s2  }
0x1e: {  	s7 =	smul.u32 @!p0 $0xF7A, s2;
	p2 =	seq.s32 @!p0 s5, $0x0  }
0x1f: {  	s9 =	smul.u32 $0xF7A, s1;
	s8 =	simm.s32 @!p0 $0x1BF5;
	p2 =	por !p2, p0  }
0x20: {  	[sflag:s8] =	ssyncset.s32 @!p0 $0xFFFFF086;
	s6 =	sadd.s32 @!p0 s3, s7;
	s7 =	simm.s32 @!p0 $0x108  }
0x21: {  	s3 =	sadd.s32 s3, s9;
	s6 =	sadd.s32 @!p0 $0x88, s6;
	s7 =	simm.s32 @p2 $0x1082  }
0x22: {  	[simem:s7], [sflag:s8] =	dma.local @!p0 [hbm:s6], $0xF7A  }
0x23: {  	s9 =	sor.u32 $0xD0000000, s2;
	s6 =	simm.s32 $0x108;
	_ =	swait.ge @!p0 [sflag:s8], $0x0  }
0x24: {  	s3 =	sadd.s32 $0x88, s3;
	s6 =	simm.s32 @!p1 $0x1082;
	[sflag:s4] =	ssyncset.s32 $0xFFFFF086  }
0x25: {  	[simem:s6], [sflag:s4] =	dma.local [hbm:s3], $0xF7A  }
0x26: {  	[smem:$0x3FA0] =	sst s1;
	(tag) =	ssettag s2;
	_ =	strace s9  }
0x27: {  	s1 =	sld [smem:$0x3FB0]  }
0x28: {  	s2 =	sld [smem:$0x3FB1]  }
0x29: {  	s4 =	sld [smem:$0x3FB3]  }
0x2a: {  	p0 =	seq.s32 s5, $0x0;
	s5 =	sld [smem:$0x3FB4]  }
0x2b: {  	s6 =	sld [smem:$0x3FB5]  }
0x2c: {  	s7 =	sld [smem:$0x3FB6]  }
0x2d: {  	s3 =	simm.s32 $0x108;
	s8 =	sld [smem:$0x3FB7]  }
0x2e: {  	s3 =	simm.s32 @!p0 $0x1082;
	s9 =	sld [smem:$0x3FB8]  }
0x2f: {  	lr =	sadd.s32 s0, s3;
	s0 =	sld [smem:$0x3FAF]  }
0x30: {  	s3 =	sld [smem:$0x3FB2]  }
0x31: {  	[smem:$0x3FBB] =	sst s10  }
0x32: {  	s10 =	sld [smem:$0x3FB9];
	_ =	sdelay $0x3  }
0x33: {  	p0 =	seq.s32 s10, $0x1;
	s10 =	sld [smem:$0x3FBB];
	_ =	sdelay $0x3  }
0x34: {  	[smem:$0x3FBB] =	sst s10  }
0x35: {  	s10 =	sld [smem:$0x3FBA];
	_ =	sdelay $0x3  }
0x36: {  	p1 =	seq.s32 s10, $0x1;
	s10 =	sld [smem:$0x3FBB];
	_ =	sdelay $0x3  }
0x37: {  	[smem:$0x3FBB] =	sst s10  }
0x38: {  	s10 =	sld [smem:$0x3FBC]  }
0x39: {  	_ = 	snop;
	(pc) =	sbr.ind lr, $3  }
0x3a: {  	_ = 	snop  }
0x3b: {  	_ = 	snop  }
0x3c: {  	p2 =	seq.s32 s10, $0x1;
	s10 =	sld [smem:$0x3FBB]  }
0x3d: {  	_ =	shalt  }
0x3e: {  	_ =	shalt  }
0x3f: {  	_ =	shalt  }
0x40: {  	_ =	shalt  }
0x41: {  	_ =	shalt  }
0x42: {  	_ =	shalt  }
0x43: {  	_ =	shalt  }
0x44: {  	_ =	shalt  }
0x45: {  	_ =	shalt  }
0x46: {  	_ =	shalt  }
0x47: {  	_ =	shalt  }
0x48: {  	_ =	shalt  }
0x49: {  	_ =	shalt  }
0x4a: {  	_ =	shalt  }
0x4b: {  	_ =	shalt  }
0x4c: {  	_ =	shalt  }
0x4d: {  	_ =	shalt  }
0x4e: {  	_ =	shalt  }
0x4f: {  	_ =	shalt  }
0x50: {  	_ =	shalt  }
0x51: {  	_ =	shalt  }
0x52: {  	_ =	shalt  }
0x53: {  	_ =	shalt  }
0x54: {  	_ =	shalt  }
0x55: {  	_ =	shalt  }
0x56: {  	_ =	shalt  }
0x57: {  	_ =	shalt  }
0x58: {  	_ =	shalt  }
0x59: {  	_ =	shalt  }
0x5a: {  	_ =	shalt  }
0x5b: {  	_ =	shalt  }
0x5c: {  	_ =	shalt  }
0x5d: {  	_ =	shalt  }
0x5e: {  	_ =	shalt  }
0x5f: {  	_ =	shalt  }
0x60: {  	_ =	shalt  }
0x61: {  	_ =	shalt  }
0x62: {  	_ =	shalt  }
0x63: {  	_ =	shalt  }
0x64: {  	_ =	shalt  }
0x65: {  	_ =	shalt  }
0x66: {  	_ =	shalt  }
0x67: {  	_ =	shalt  }
0x68: {  	_ =	shalt  }
0x69: {  	_ =	shalt  }
0x6a: {  	_ =	shalt  }
0x6b: {  	_ =	shalt  }
0x6c: {  	_ =	shalt  }
0x6d: {  	_ =	shalt  }
0x6e: {  	_ =	shalt  }
0x6f: {  	_ =	shalt  }
0x70: {  	_ =	shalt  }
0x71: {  	_ =	shalt  }
0x72: {  	_ =	shalt  }
0x73: {  	_ =	shalt  }
0x74: {  	_ =	shalt  }
0x75: {  	_ =	shalt  }
0x76: {  	_ =	shalt  }
0x77: {  	_ =	shalt  }
0x78: {  	_ =	shalt  }
0x79: {  	_ =	shalt  }
0x7a: {  	_ =	shalt  }
0x7b: {  	_ =	shalt  }
0x7c: {  	_ =	shalt  }
0x7d: {  	_ =	shalt  }
0x7e: {  	_ =	shalt  }
0x7f: {  	_ =	shalt  }
0x80: {  	_ =	shalt  }
0x81: {  	_ =	shalt  }
0x82: {  	_ =	shalt  }
0x83: {  	_ =	shalt  }
0x84: {  	_ =	shalt  }
0x85: {  	_ =	shalt  }
0x86: {  	_ =	shalt  }
0x87: {  	_ =	shalt  }
.Lfunc_end0:
.L_simem_size_0:
called_computation_lowered:
.L_overlay_start_0:
0x88: {  	s2 =	sld [smem:$0x3FD9]  }
0x89: {  	s3 =	sld [smem:$0x3FFE];
	_ =	sdelay $0x1  }
0x8a: {  	s1 =	srdreg.scid  }
0x8b: {  	s0 =	sand.u32 $0x1, s1  }
0x8c: {  	s14 =	sshll.u32 s0, $0xA;
	s2 =	sadd.s32 s3, s2  }
0x8d: {  	s2 =	sadd.s32 s2, s14  }
0x8e: {  	[smem:$0x3FC7] =	sst s2  }
0x8f: {  	_ = 	snop  }
0x90: {  	s2 =	sld [smem:$0x3FD0];
	_ =	sdelay $0x2  }
0x91: {  	s15 =	simm.s32 $0xA;
	s4 =	simm.s32 $0x10  }
0x92: {  	[smem:s4], [sflag:s15] =	dma.local [hbm:s2], $0x1  }
0x93: {  	_ =	swait.eq [sflag:s15], $0x1  }
0x94: {  	[sflag:s15] =	ssyncset.done $0x0  }
0x95: {  	[sflag:s15] =	ssyncadd.s32 $0xFFFFFFFF  }
0x96: {  	s16 =	sld [smem:$0x10];
	(tm) =	ssettm $0x1  }
0x97: {  	s17 =	sld [smem:$0x3FFB];
	_ =	sdelay $0x3  }
0x98: {  	_ =	strace s17  }
0x99: {  	s3 =	sld [smem:$0x3FFC];
	_ =	sdelay $0x3  }
0x9a: {  	_ =	strace s3  }
0x9b: {  	s3 =	sld [smem:$0x3FFD];
	_ =	sdelay $0x3  }
0x9c: {  	_ =	strace s3  }
0x9d: {  	_ =	strace $0x8FFFFFFF  }
0x9e: {  	s18 =	sld [smem:$0x3FDB];
	_ =	sdelay $0x1  }
0x9f: {  	s19 =	simm.s32 $_scs_section_size  }
0xa0: {  	s5 =	simm.s32 $_size__tile_overlayer_lowered;
	s6 =	simm.s32 $_tile_overlayer_lowered  }
0xa1: {  	s22 =	simm.s32 $0x1BFF;
	s21 =	sshll.u32 s6, $0x1;
	s3 =	sadd.s32 s19, s18  }
0xa2: {  	s7 =	simm.s32 $0x0;
	s20 =	sshll.u32 s5, $0x1;
	s5 =	sadd.s32 s21, s3  }
0xa3: {  	[timem:s7], [sflag:s22] =	dma.local [hbm:s5], s20  }
0xa4: {  	_ =	swait.ge [sflag:s22], s20  }
0xa5: {  	s4 =	ssub.s32 $0x0, s20;
	[sflag:s22] =	ssyncset.done $0x0  }
0xa6: {  	[sflag:s22] =	ssyncadd.s32 s4;
	_ =	sdelay $0x1  }
0xa7: {  	s23 =	simm.s32 $0x1B8B  }
0xa8: {  	_ =	swait.ge [sflag:s23], $0x1  }
0xa9: {  	[sflag:s23] =	ssyncset.done $0x0  }
0xaa: {  	s25 =	simm.s32 $0x1B8E;
	s24 =	sld [smem:$0x3FFE];
	[sflag:s23] =	ssyncadd.s32 $0xFFFFFFFF  }
0xab: {  	s26 =	simm.s32 $execute0_lowered;
	[smem:$0x3FD2] =	sst s25  }
0xac: {  	s5 =	sshll.u32 s26, $0x1;
	_ =	strace $0x80000046;
	[dreg:$0x1] =	wrdreg $0xFFFFFFFF  }
0xad: {  	s28 =	simm.s32 $_size_execute0_lowered;
	s3 =	sadd.s32 s3, s5;
	[dreg:$0x0] =	wrdreg $0x0  }
0xae: {  	s5 =	sshll.u32 s28, $0x1;
	[dreg:$0x2] =	wrdreg s3  }
0xaf: {  	[dreg:$0x3] =	wrdreg s5  }
0xb0: {  	[dreg:$0x4] =	wrdreg $0xC0  }
0xb1: {  	_ =	task [dreg:s7], $0x5FFFF  }
0xb2: {  	[dreg:$0x1] =	wrdreg $0xFFFFFFFF  }
0xb3: {  	[dreg:$0x0] =	wrdreg $0x60  }
0xb4: {  	[dreg:$0x2] =	wrdreg s16  }
0xb5: {  	[dreg:$0x3] =	wrdreg s24  }
0xb6: {  	[dreg:$0x4] =	wrdreg $0x9  }
0xb7: {  	_ =	task.clear_ibuf [dreg:s7], $0x5FFFF;
	_ =	strace $0x90000046  }
0xb8: {  	s29 =	simm.s32 $0x9;
	_ =	strace $0x80000048  }
0xb9: {  	_ =	swait.ge [sflag:s29], $0x1  }
0xba: {  	[sflag:s29] =	ssyncadd.s32 $0xFFFFFFFF  }
0xbb: {  	_ =	strace $0x90000048  }
0xbc: {  	_ =	sfence  }
0xbd: {  	s30 =	sld [smem:$0x0];
	_ =	sdelay $0x2  }
0xbe: {  	s31 =	sshll.u32 s1, $0xD;
	s1 =	sshrl.u32 s1, $0x2  }
0xbf: {  	s3 =	sand.u32 $0x4000, s31;
	s1 =	sadd.s32 s1, s30  }
0xc0: {  	s0 =	sor.u32 s3, s0;
	s1 =	sshll.u32 s1, $0x11  }
0xc1: {  	s0 =	sor.u32 s1, s0  }
0xc2: {  	s0 =	sadd.s32 $0x8F2B, s0  }
0xc3: {  	[sflag:s0] =	ssyncadd.remote.s32 $0x1  }
0xc4: {  	_ =	sfence.sel $0xFFFF  }
0xc5: {  	[dreg:$0x0] =	wrdreg $0xFFFFFFFF;
	(pc) =	sbr.abs _section_cstart, $3  }
0xc6: {  	[dreg:$0x1] =	wrdreg $0xFFFFFFFF  }
0xc7: {  	_ =	task.clear_ibuf [dreg:s7], $0x2FFFF;
	_ =	strace $0x9FFFFFFF  }
0xc8: {  	(tm) =	ssettm $0x7FFFFFFF  }
0xc9: {  	_ =	shalt  }
tec
execute0_lowered:
.L_overlay_start_1:
0x0: {  	(tag) =	ssettag $0x1  }
0x1: {  	s0 =	rddreg [dreg:$0x0]  }
0x2: {  	s1 =	rddreg [dreg:$0x1];
	s2 =	simm.s32 $0x0  }
0x3: {  	s5 =	stileid.u32;
	s3 =	srdreg.scid;
	s13 =	simm.s32 $0x80  }
0x4: {  	s14 =	simm.s32 $0x400;
	s15 =	simm.s32 $0x1;
	s16 =	simm.s32 $0x4000  }
0x5: {  	s17 =	simm.s32 $0x8000;
	s18 =	simm.s32 $0xC000;
	s19 =	simm.s32 $0xC080  }
0x6: {  	[smem:$0x7FF] =	sst s2;
	s4 =	sshll.u32 s5, $0x3;
	s3 =	sand.u32 $0x1, s3  }
0x7: {  	s5 =	sshll.u32 s5, $0x1;
	_ =	strace $0x80000047;
	s4 =	sand.u32 $0x70, s4  }
0x8: {  	s5 =	sor.u32 s3, s5;
	s6 =	sadd.s32 s4, s1;
	s0 =	sadd.s32 s0, s4  }
0x9: {  	s7 =	sshll.u32 s5, $0x4;
	[dreg:$0x3] =	wrdreg s0;
	s23 =	sadd.s32 $0x5C00, s6  }
0xa: {  	s7 =	sadd.s32 s7, s1;
	s24 =	sadd.s32 $0x1C00, s6;
	[dreg:$0x4] =	wrdreg s23  }
0xb: {  	s20 =	simm.s32 $0xC100;
	[dreg:$0x5] =	wrdreg s24;
	s25 =	sadd.s32 $0x9C00, s7  }
0xc: {  	s5 =	sshll.u32 s5, $0x9;
	s26 =	sadd.s32 $0x9E00, s7;
	[dreg:$0x6] =	wrdreg s25  }
0xd: {  	s1 =	sadd.s32 s5, s1;
	s28 =	sadd.s32 $0xA000, s7;
	[dreg:$0x7] =	wrdreg s26  }
0xe: {  	s3 =	ssub.s32 $0x2, s3;
	s29 =	sadd.s32 $0x12200, s1;
	[dreg:$0x8] =	wrdreg s28  }
0xf: {  	s8 =	sshrl.u32 s3, $0x1;
	s30 =	sadd.s32 $0xA200, s1;
	[dreg:$0x9] =	wrdreg s29  }
0x10: {  	v0 =	vlaneseq.u32;
	v4 =	vimm.f32 $0.0e+00;
	s3 =	ssub.s32 s3, s8;
	s31 =	sadd.s32 $0xE200, s1;
	[dreg:$0xa] =	wrdreg s30  }
0x11: {  	v1 =	vor.u32 $0x1000000, v0;
	v2 =	vor.u32 $0x1000010, v0;
	v3 =	vadd.s32 $0x501502F9, v0;
	s12 =	smax.u32 s3, $0x1;
	s24 =	simm.s32 $0x0;
	[dreg:$0xb] =	wrdreg s31  }
.LBB2_1:
0x12: {  	s0 =	rddreg [dreg:$0x3]  }
0x13: {  	[tilespmem:s2], [sflag:$0x1] =	stream.strided.gather [hbm4b:s0+s13], $0x4000, s14, s13, $0x38;
	[tilespmem:$0xF180] =	vst v63  }
0x14: {  	_ =	swait.ge [sflag:s15], $0x4000  }
0x15: {  	[sflag:s15] =	ssyncset.done $0x0  }
0x16: {  	s26 =	rddreg [dreg:$0x4];
	[sflag:s15] =	ssyncadd.s32 $0xFFFFC000  }
0x17: {  	[tilespmem:s16], [sflag:$0x1] =	stream.strided.gather [hbm4b:s26+s13], $0x4000, s14, s13, $0x38;
	[tilespmem:$0xF180] =	vst v63  }
0x18: {  	_ =	swait.ge [sflag:s15], $0x4000  }
0x19: {  	[sflag:s15] =	ssyncset.done $0x0  }
0x1a: {  	s28 =	rddreg [dreg:$0x5];
	[sflag:s15] =	ssyncadd.s32 $0xFFFFC000  }
0x1b: {  	[tilespmem:s17], [sflag:$0x1] =	stream.strided.gather [hbm4b:s28+s13], $0x4000, s14, s13, $0x38;
	[tilespmem:$0xF180] =	vst v63  }
0x1c: {  	_ =	swait.ge [sflag:s15], $0x4000  }
0x1d: {  	[sflag:s15] =	ssyncset.done $0x0  }
0x1e: {  	s29 =	rddreg [dreg:$0x6];
	[sflag:s15] =	ssyncadd.s32 $0xFFFFC000  }
0x1f: {  	[tilespmem:s18], [sflag:$0x1] =	stream.linear.gather [hbm4b:s29+s2], $0x80, $0x38;
	[tilespmem:$0xF180] =	vst v63  }
0x20: {  	_ =	swait.ge [sflag:s15], $0x80  }
0x21: {  	[sflag:s15] =	ssyncset.done $0x0  }
0x22: {  	s30 =	rddreg [dreg:$0x7];
	[sflag:s15] =	ssyncadd.s32 $0xFFFFFF80  }
0x23: {  	[tilespmem:s19], [sflag:$0x1] =	stream.linear.gather [hbm4b:s30+s2], $0x80, $0x38;
	[tilespmem:$0xF180] =	vst v63  }
0x24: {  	_ =	swait.ge [sflag:s15], $0x80  }
0x25: {  	[sflag:s15] =	ssyncset.done $0x0  }
0x26: {  	s31 =	rddreg [dreg:$0x8];
	[sflag:s15] =	ssyncadd.s32 $0xFFFFFF80  }
0x27: {  	[tilespmem:s20], [sflag:$0x1] =	stream.linear.gather [hbm4b:s31+s2], $0x80, $0x38;
	[tilespmem:$0xF180] =	vst v63  }
0x28: {  	_ =	swait.ge [sflag:s15], $0x80  }
0x29: {  	[sflag:s15] =	ssyncset.done $0x0  }
0x2a: {  	s25 =	simm.s32 $0x0;
	[sflag:s15] =	ssyncadd.s32 $0xFFFFFF80  }
.LBB2_2:
0x2b: {  	v5 =	vmov s25;
	_ =	sdelay $0x2  }
.Ltmp0:
0x2c: {  	_ = 	snop;
	(pc) =	sbr.rel .LBB2_3-.Ltmp0, $4  }
0x2d: {  	_ = 	snop  }
0x2e: {  	v7 =	vld.idx.msk [tilespmem:v5+s18+$0x0], $0xffff  }
0x2f: {  	v6 =	vld.idx.msk [tilespmem:v5+s19+$0x0], $0xffff  }
0x30: {  	s26 =	simm.s32 $0x0;
	v8 =	vimm.s32 $0x7FFFFFFF;
	s28 =	simm.s32 $0x7FFFFFFF;
	v10 =	vmovc v2;
	v11 =	vmov v1;
	v9 =	vimm.s32 $0x7FFFFFFF;
	v5 =	vld.idx.msk [tilespmem:v5+s20+$0x0], $0xffff  }
.LBB2_37:
0x31: {  	s26 =	sadd.s32 $0x1, s26  }
0x32: {  	p0 =	seq.s32 s26, $0x40  }
.Ltmp1:
0x33: {  	_ = 	snop;
	(pc) =	sbr.rel @p0 .LBB2_38-.Ltmp1, $1  }
0x34: {  	_ =	sdelay $0x3  }
.LBB2_3:
0x35: {  	s29 =	sshll.u32 s26, $0x8  }
0x36: {  	v12 =	vld [tilespmem:s29+$0x0]  }
0x37: {  	v13 =	vld [tilespmem:s29+$0x4000]  }
0x38: {  	v14 =	vld [tilespmem:s29+$0x8000]  }
0x39: {  	v15 =	vld [tilespmem:s29+$0x10]  }
0x3a: {  	v16 =	vld [tilespmem:s29+$0x4010]  }
0x3b: {  	v17 =	vld [tilespmem:s29+$0x8010]  }
0x3c: {  	v18 =	vld [tilespmem:s29+$0x20]  }
0x3d: {  	v19 =	vld [tilespmem:s29+$0x4020];
	v12 =	vsub.f32 v12, v7  }
0x3e: {  	v13 =	vsub.f32 v13, v6;
	v14 =	vsub.f32 v14, v5  }
0x3f: {  	v15 =	vsub.f32 v15, v7;
	v16 =	vsub.f32 v16, v6  }
0x40: {  	v20 =	vld [tilespmem:s29+$0x30];
	v17 =	vsub.f32 v17, v5;
	v12 =	vmul.f32 v12, v12;
	v13 =	vmul.f32 v13, v13  }
0x41: {  	v21 =	vld [tilespmem:s29+$0x8030];
	v18 =	vsub.f32 v18, v7;
	v15 =	vmul.f32 v15, v15;
	v16 =	vmul.f32 v16, v16  }
0x42: {  	v23 =	vld [tilespmem:s29+$0x4040];
	v19 =	vsub.f32 v19, v6;
	v12 =	vadd.f32 v13, v12  }
0x43: {  	v13 =	vmul.f32 v14, v14;
	v14 =	vld [tilespmem:s29+$0x8020];
	v15 =	vadd.f32 v16, v15;
	v16 =	vmul.f32 v17, v17  }
0x44: {  	v17 =	vmul.f32 v18, v18;
	v18 =	vmul.f32 v19, v19;
	v19 =	vld [tilespmem:s29+$0x40]  }
0x45: {  	v22 =	vadd.s32 s29, v3;
	s0 =	sor.u32 $0x30, s29;
	v12 =	vadd.f32 v13, v12;
	v13 =	vld [tilespmem:s29+$0x4030]  }
0x46: {  	v24 =	vadd.s32 s0, v3;
	v15 =	vadd.f32 v16, v15;
	v16 =	vadd.f32 v18, v17;
	v17 =	vld [tilespmem:s29+$0x8040]  }
0x47: {  	s30 =	sor.u32 $0x10, s29;
	v20 =	vsub.f32 v20, v7;
	v18 =	vsub.f32 v21, v5;
	v21 =	vld [tilespmem:s29+$0x50];
	vm0 =	vle.f32 v12, $3.999999910e-02  }
0x48: {  	vm11 =	vle.f32 v15, $3.999999910e-02;
	v40 =	vsel vm0, v12, v22;
	v12 =	vadd.s32 s30, v3  }
0x49: {  	s31 =	sor.u32 $0x20, s29;
	v20 =	vmul.f32 v20, v20;
	v14 =	vsub.f32 v14, v5;
	v38 =	vsel vm11, v15, v12  }
0x4a: {  	v22 =	vld [tilespmem:s29+$0x4050];
	v12 =	vsub.f32 v19, v7;
	v15 =	vsub.f32 v23, v6;
	v19 =	vadd.s32 s31, v3  }
0x4b: {  	vm10 =	vlt.s32 v40, s28;
	v13 =	vsub.f32 v13, v6;
	v14 =	vmul.f32 v14, v14  }
0x4c: {  	v23 =	vld [tilespmem:s29+$0x8060];
	v17 =	vsub.f32 v17, v5;
	v21 =	vsub.f32 v21, v7;
	v12 =	vmul.f32 v12, v12  }
0x4d: {  	vm11 =	vlt.s32 v38, s28;
	v15 =	vmul.f32 v15, v15;
	v13 =	vmul.f32 v13, v13  }
0x4e: {  	vm0 =	vmor vm10, vm11;
	v14 =	vadd.f32 v14, v16;
	v16 =	vmul.f32 v18, v18;
	v18 =	vld [tilespmem:s29+$0x8050]  }
0x4f: {  	v21 =	vmul.f32 v21, v21;
	v22 =	vsub.f32 v22, v6;
	v13 =	vadd.f32 v13, v20  }
0x50: {  	v12 =	vadd.f32 v15, v12;
	v15 =	vmul.f32 v17, v17;
	v17 =	vld [tilespmem:s29+$0x70];
	vm12 =	vle.f32 v14, $3.999999910e-02  }
0x51: {  	s1 =	sor.u32 $0x40, s29;
	v20 =	vld [tilespmem:s29+$0x4060];
	v23 =	vsub.f32 v23, v5;
	v22 =	vmul.f32 v22, v22;
	v13 =	vadd.f32 v16, v13  }
0x52: {  	v36 =	vsel vm12, v14, v19;
	v12 =	vadd.f32 v15, v12;
	v19 =	vadd.s32 s1, v3;
	v16 =	vld [tilespmem:s29+$0x60]  }
0x53: {  	v25 =	vld [tilespmem:s29+$0x4070];
	vm12 =	vlt.s32 v36, s28;
	v18 =	vsub.f32 v18, v5;
	vm1 =	vle.f32 v13, $3.999999910e-02  }
0x54: {  	s21 =	sor.u32 $0x50, s29;
	v14 =	vadd.f32 v22, v21;
	vm13 =	vle.f32 v12, $3.999999910e-02;
	v34 =	vsel vm1, v13, v24;
	v13 =	vld [tilespmem:s29+$0x8070]  }
0x55: {  	v22 =	vadd.s32 s21, v3;
	vm0 =	vmor vm0, vm12;
	v15 =	vmul.f32 v18, v18;
	v18 =	vld [tilespmem:s29+$0x80]  }
0x56: {  	v32 =	vsel vm13, v12, v19;
	v17 =	vsub.f32 v17, v7;
	v20 =	vsub.f32 v20, v6;
	v24 =	vld [tilespmem:s29+$0x4090]  }
0x57: {  	s3 =	sor.u32 $0x80, s29;
	vm13 =	vlt.s32 v34, s28;
	v16 =	vsub.f32 v16, v7;
	v12 =	vadd.f32 v15, v14  }
0x58: {  	v19 =	vsub.f32 v25, v6;
	v25 =	vadd.s32 s3, v3;
	v15 =	vld [tilespmem:s29+$0x8080];
	vm0 =	vmor vm0, vm13  }
0x59: {  	v21 =	vld [tilespmem:s29+$0x4080];
	v14 =	vmul.f32 v16, v16;
	v16 =	vmul.f32 v20, v20;
	vm14 =	vle.f32 v12, $3.999999910e-02  }
0x5a: {  	v20 =	vld [tilespmem:s29+$0x90];
	v30 =	vsel vm14, v12, v22;
	v12 =	vsub.f32 v13, v5;
	v13 =	vsub.f32 v18, v7  }
0x5b: {  	v18 =	vmul.f32 v23, v23;
	v22 =	vsub.f32 v24, v6;
	vm14 =	vlt.s32 v32, s28  }
0x5c: {  	s23 =	sor.u32 $0x70, s29;
	v14 =	vadd.f32 v16, v14;
	v16 =	vmul.f32 v17, v17;
	v17 =	vmul.f32 v19, v19  }
0x5d: {  	v24 =	vadd.s32 s23, v3;
	v19 =	vld [tilespmem:s29+$0x8090];
	vm0 =	vmor vm0, vm14;
	v15 =	vsub.f32 v15, v5  }
0x5e: {  	v12 =	vmul.f32 v12, v12;
	v16 =	vadd.f32 v17, v16;
	v17 =	vsub.f32 v21, v6  }
0x5f: {  	v23 =	vld [tilespmem:s29+$0x40A0];
	v13 =	vmul.f32 v13, v13;
	v14 =	vadd.f32 v18, v14;
	v20 =	vsub.f32 v20, v7  }
0x60: {  	s22 =	sor.u32 $0x60, s29;
	v21 =	vld [tilespmem:s29+$0xA0];
	v15 =	vmul.f32 v15, v15;
	v17 =	vmul.f32 v17, v17;
	v12 =	vadd.f32 v12, v16  }
0x61: {  	v26 =	vld [tilespmem:s29+$0x40C0];
	vm15 =	vle.f32 v14, $3.999999910e-02;
	v16 =	vmul.f32 v20, v20;
	v20 =	vadd.s32 s22, v3  }
0x62: {  	v18 =	vld [tilespmem:s29+$0x80A0];
	v19 =	vsub.f32 v19, v5;
	v13 =	vadd.f32 v17, v13;
	v17 =	vmul.f32 v22, v22  }
0x63: {  	v22 =	vld [tilespmem:s29+$0xB0];
	vm4 =	vle.f32 v12, $3.999999910e-02;
	v29 =	vsel vm15, v14, v20;
	vm15 =	vlt.s32 v30, s28  }
0x64: {  	v27 =	vsel vm4, v12, v24;
	v13 =	vadd.f32 v15, v13;
	v15 =	vadd.f32 v17, v16;
	v16 =	vld [tilespmem:s29+$0x40B0]  }
0x65: {  	v17 =	vmul.f32 v19, v19;
	v19 =	vsub.f32 v21, v7;
	v21 =	vsub.f32 v23, v6;
	v23 =	vld [tilespmem:s29+$0xC0]  }
0x66: {  	vm0 =	vmor vm0, vm15;
	vm4 =	vlt.s32 v29, s28;
	vm2 =	vle.f32 v13, $3.999999910e-02  }
0x67: {  	v12 =	vld [tilespmem:s29+$0x80C0];
	v15 =	vadd.f32 v17, v15;
	v17 =	vmul.f32 v19, v19;
	v19 =	vmul.f32 v21, v21  }
0x68: {  	v21 =	vld [tilespmem:s29+$0x80B0];
	v25 =	vsel vm2, v13, v25;
	v13 =	vsub.f32 v18, v5;
	v18 =	vsub.f32 v22, v7  }
0x69: {  	v24 =	vld [tilespmem:s29+$0x40D0];
	v22 =	vsub.f32 v26, v6;
	vm5 =	vle.f32 v15, $3.999999910e-02;
	v14 =	vadd.f32 v19, v17  }
0x6a: {  	s4 =	sor.u32 $0x90, s29;
	v19 =	vld [tilespmem:s29+$0xD0];
	v16 =	vsub.f32 v16, v6;
	v13 =	vmul.f32 v13, v13;
	v20 =	vsub.f32 v23, v7  }
0x6b: {  	v28 =	vld [tilespmem:s29+$0xE0];
	v17 =	vadd.s32 s4, v3;
	v18 =	vmul.f32 v18, v18;
	v22 =	vmul.f32 v22, v22  }
0x6c: {  	v26 =	vld [tilespmem:s29+$0x80D0];
	v12 =	vsub.f32 v12, v5;
	v16 =	vmul.f32 v16, v16;
	v20 =	vmul.f32 v20, v20  }
0x6d: {  	v23 =	vsel vm5, v15, v17;
	v15 =	vld [tilespmem:s29+$0x40E0];
	v21 =	vsub.f32 v21, v5;
	v13 =	vadd.f32 v13, v14  }
0x6e: {  	v12 =	vmul.f32 v12, v12;
	v14 =	vadd.f32 v16, v18;
	v17 =	vadd.f32 v22, v20  }
0x6f: {  	v16 =	vmul.f32 v21, v21;
	v18 =	vsub.f32 v19, v7;
	v19 =	vsub.f32 v24, v6  }
0x70: {  	vm6 =	vle.f32 v13, $3.999999910e-02;
	v20 =	vld [tilespmem:s29+$0x80E0];
	v21 =	vsub.f32 v28, v7;
	v12 =	vadd.f32 v12, v17  }
0x71: {  	s6 =	sor.u32 $0xB0, s29;
	v17 =	vsub.f32 v26, v5;
	v18 =	vmul.f32 v18, v18;
	v19 =	vmul.f32 v19, v19  }
0x72: {  	s5 =	sor.u32 $0xA0, s29;
	v24 =	vadd.s32 s6, v3;
	v15 =	vsub.f32 v15, v6;
	v14 =	vadd.f32 v16, v14  }
0x73: {  	v16 =	vadd.s32 s5, v3;
	v18 =	vadd.f32 v19, v18;
	v17 =	vmul.f32 v17, v17  }
0x74: {  	v21 =	vmul.f32 v21, v21;
	v15 =	vmul.f32 v15, v15;
	v22 =	vsel vm6, v13, v16  }
0x75: {  	s7 =	sor.u32 $0xC0, s29;
	v26 =	vld [tilespmem:s29+$0xF0];
	vm7 =	vle.f32 v14, $3.999999910e-02;
	v19 =	vsub.f32 v20, v5;
	v13 =	vadd.f32 v17, v18  }
0x76: {  	s8 =	sor.u32 $0xD0, s29;
	v16 =	vadd.s32 s7, v3;
	vm8 =	vle.f32 v12, $3.999999910e-02;
	v20 =	vsel vm7, v14, v24;
	v14 =	vld [tilespmem:s29+$0x40F0]  }
0x77: {  	v17 =	vmul.f32 v19, v19;
	v19 =	vadd.s32 s8, v3;
	vm9 =	vle.f32 v13, $3.999999910e-02  }
0x78: {  	v15 =	vadd.f32 v15, v21;
	v18 =	vsel vm8, v12, v16;
	v16 =	vsel vm9, v13, v19;
	v13 =	vld [tilespmem:s29+$0x80F0]  }
0x79: {  	vm0 =	vmor vm0, vm4;
	vm5 =	vlt.s32 v27, s28  }
0x7a: {  	vm0 =	vmor vm0, vm5;
	v12 =	vadd.f32 v17, v15  }
0x7b: {  	vm7 =	vlt.s32 v25, s28;
	v15 =	vsub.f32 v26, v7;
	v14 =	vsub.f32 v14, v6  }
0x7c: {  	vm0 =	vmor vm0, vm7;
	vm8 =	vlt.s32 v23, s28  }
0x7d: {  	v15 =	vmul.f32 v15, v15;
	v14 =	vmul.f32 v14, v14;
	v13 =	vsub.f32 v13, v5  }
0x7e: {  	vm0 =	vmor vm0, vm8  }
0x7f: {  	vm9 =	vlt.s32 v22, s28;
	v14 =	vadd.f32 v14, v15;
	v13 =	vmul.f32 v13, v13  }
0x80: {  	vm10 =	vlt.s32 v20, s28;
	vm12 =	vlt.s32 v18, s28;
	vm0 =	vmor vm0, vm9  }
0x81: {  	s9 =	sor.u32 $0xE0, s29;
	vm13 =	vlt.s32 v16, s28;
	vm0 =	vmor vm0, vm10;
	v14 =	vadd.f32 v13, v14  }
0x82: {  	s10 =	sor.u32 $0xF0, s29;
	vm6 =	vle.f32 v12, $3.999999910e-02;
	vm0 =	vmor vm0, vm12;
	v13 =	vadd.s32 s9, v3  }
0x83: {  	v13 =	vsel vm6, v12, v13;
	v12 =	vadd.s32 s10, v3;
	vm11 =	vle.f32 v14, $3.999999910e-02  }
0x84: {  	vm0 =	vmor vm0, vm13;
	vm14 =	vlt.s32 v13, s28;
	v12 =	vsel vm11, v14, v12  }
0x85: {  	vm0 =	vmor vm0, vm14;
	vm15 =	vlt.s32 v12, s28  }
0x86: {  	vm0 =	vmor vm0, vm15  }
0x87: {  	v14 =	vsel vm0, $0x3F800000, v4  }
0x88: {  	(xrf0) =	vmax.scan.msk.f32 $0xffff, v14;
	_ =	sdelay $0x5  }
0x89: {  	v14, _, _ =	vpop (xrf0)  }
0x8a: {  	(v2sf) =	vpush v14, $0xF;
	_ =	sdelay $0xe  }
0x8b: {  	s11 =	spop (v2sf)  }
0x8c: {  	p0 =	sgt.f32 s11, $0.0e+00  }
.Ltmp2:
0x8d: {  	_ = 	snop;
	(pc) =	sbr.rel @!p0 .LBB2_37-.Ltmp2, $1  }
0x8e: {  	_ =	sdelay $0x3  }
0x8f: {  	v45 =	vmov s29;
	v43 =	vmov s30  }
0x90: {  	v42 =	vmov s31;
	v41 =	vmov s0;
	v39 =	vmov s1  }
0x91: {  	v37 =	vmov s21;
	v35 =	vmov s22;
	v33 =	vmov s23  }
0x92: {  	v31 =	vmov s3;
	v28 =	vmov s4;
	v26 =	vmov s5  }
0x93: {  	v24 =	vmov s6;
	v21 =	vmov s7;
	v19 =	vmov s8  }
0x94: {  	v17 =	vmov s9;
	v14 =	vmov s10;
	v15 =	vor.u32 $0x80000000, v0  }
0x95: {  	v44 =	vxor.u32 $0x80000000, v40;
	vm0 =	vmmov $0xffff;
	v45 =	vor.u32 v15, v45  }
.LBB2_5:
0x96: {  	vm1 =	vlt.s32 v40, s28  }
0x97: {  	vm1 =	vmand vm0, vm1  }
0x98: {  	v46 =	vsel vm1, $0x3F800000, v4  }
0x99: {  	(xrf0) =	vmax.scan.msk.f32 $0xffff, v46;
	_ =	sdelay $0x5  }
0x9a: {  	v46, _, _ =	vpop (xrf0)  }
0x9b: {  	(v2sf) =	vpush v46, $0xF;
	_ =	sdelay $0xe  }
0x9c: {  	s0 =	spop (v2sf)  }
0x9d: {  	p0 =	sgt.f32 s0, $0.0e+00  }
.Ltmp3:
0x9e: {  	_ = 	snop;
	(pc) =	sbr.rel @!p0 .LBB2_6-.Ltmp3, $1  }
0x9f: {  	_ =	sdelay $0x3  }
0xa0: {  	v46 =	vmctz.xlane vm1;
	_ =	sdelay $0x1  }
0xa1: {  	vm1 =	vne.s32 v46, v0  }
0xa2: {  	v46 =	vsel vm1, $0xFFFFFFFF, v44  }
0xa3: {  	v49 =	vsel vm1, $0xFFFFFFFF, v45;
	(xrf0) =	vmin.scan.msk.u32 $0xffff, v46  }
0xa4: {  	v50 =	vxor.u32 $0x80000000, v9;
	(xrf0) =	vmin.scan.msk.u32 $0xffff, v49  }
0xa5: {  	v51 =	vxor.u32 $0x80000000, v8;
	(xrf0) =	vmax.scan.msk.u32 $0xffff, v50  }
0xa6: {  	(xrf0) =	vmax.scan.msk.u32 $0xffff, v51;
	_ =	sdelay $0x2  }
0xa7: {  	v52, _, _ =	vpop (xrf0)  }
0xa8: {  	v47, _, _ =	vpop (xrf0);
	(v2sf) =	vpush v52, $0xF  }
0xa9: {  	(v2sf) =	vpush v47, $0xF;
	v53, _, _ =	vpop (xrf0)  }
0xaa: {  	(v2sf) =	vpush v53, $0xF;
	v54, _, _ =	vpop (xrf0)  }
0xab: {  	(v2sf) =	vpush v54, $0xF;
	_ =	sdelay $0xb  }
0xac: {  	s0 =	spop (v2sf)  }
0xad: {  	s1 =	spop (v2sf)  }
0xae: {  	s3 =	spop (v2sf)  }
0xaf: {  	s4 =	spop (v2sf)  }
0xb0: {  	s3 =	sxor.u32 $0x80000000, s3;
	s4 =	sxor.u32 $0x80000000, s4  }
0xb1: {  	p0 =	sgt.s32 s3, s4  }
0xb2: {  	s4 =	smov.u32 @p0 s3  }
0xb3: {  	v55 =	vxor.u32 $0x80000000, v11;
	vm2 =	veq.s32 v9, s4  }
0xb4: {  	v56 =	vxor.u32 $0x80000000, v10;
	vm3 =	veq.s32 v8, s4;
	v46 =	vnsel vm2, $0x7FFFFFFF, v55  }
0xb5: {  	v57 =	vnsel vm3, $0x7FFFFFFF, v56;
	(xrf0) =	vmax.scan.msk.u32 $0xffff, v46  }
0xb6: {  	(xrf0) =	vmax.scan.msk.u32 $0xffff, v57;
	_ =	sdelay $0x4  }
0xb7: {  	v58, _, _ =	vpop (xrf0)  }
0xb8: {  	(v2sf) =	vpush v58, $0xF;
	v59, _, _ =	vpop (xrf0)  }
0xb9: {  	(v2sf) =	vpush v59, $0xF;
	_ =	sdelay $0xd  }
0xba: {  	s23 =	spop (v2sf)  }
0xbb: {  	s29 =	spop (v2sf)  }
0xbc: {  	s3 =	sxor.u32 $0x80000000, s23;
	s4 =	sxor.u32 $0x80000000, s29  }
0xbd: {  	p0 =	sgt.s32 s3, s4  }
0xbe: {  	s4 =	smov.u32 @p0 s3  }
0xbf: {  	vm4 =	veq.s32 v11, s4  }
0xc0: {  	s0 =	sxor.u32 $0x80000000, s0;
	vm15 =	veq.s32 v10, s4;
	vm2 =	vmand vm2, vm4  }
0xc1: {  	vm3 =	vmand vm3, vm15;
	v9 =	vsel vm2, s0, v9  }
0xc2: {  	v8 =	vsel vm3, s0, v8;
	v60 =	vxor.u32 $0x80000000, v9  }
0xc3: {  	v61 =	vxor.u32 $0x80000000, v8;
	(xrf0) =	vmax.scan.msk.u32 $0xffff, v60  }
0xc4: {  	(xrf0) =	vmax.scan.msk.u32 $0xffff, v61;
	_ =	sdelay $0x4  }
0xc5: {  	v62, _, _ =	vpop (xrf0)  }
0xc6: {  	(v2sf) =	vpush v62, $0xF;
	v63, _, _ =	vpop (xrf0)  }
0xc7: {  	(v2sf) =	vpush v63, $0xF;
	_ =	sdelay $0xd  }
.Ltmp4:
0xc8: {  	s30 =	spop (v2sf);
	(pc) =	sbr.rel .LBB2_5-.Ltmp4, $4  }
0xc9: {  	s31 =	spop (v2sf)  }
0xca: {  	s0 =	sxor.u32 $0x80000000, s30;
	s28 =	sxor.u32 $0x80000000, s31  }
0xcb: {  	s1 =	sxor.u32 $0x80000000, s1;
	p0 =	sgt.s32 s0, s28  }
0xcc: {  	vm0 =	vmand vm0, vm1;
	v11 =	vsel vm2, s1, v11;
	v10 =	vsel vm3, s1, v10;
	s28 =	smov.u32 @p0 s0  }
.LBB2_6:
0xcd: {  	v40 =	vxor.u32 $0x80000000, v38;
	v43 =	vor.u32 v15, v43;
	vm0 =	vmmov $0xffff  }
.LBB2_7:
0xce: {  	vm1 =	vlt.s32 v38, s28  }
0xcf: {  	vm1 =	vmand vm0, vm1  }
0xd0: {  	v44 =	vsel vm1, $0x3F800000, v4  }
0xd1: {  	(xrf0) =	vmax.scan.msk.f32 $0xffff, v44;
	_ =	sdelay $0x5  }
0xd2: {  	v44, _, _ =	vpop (xrf0)  }
0xd3: {  	(v2sf) =	vpush v44, $0xF;
	_ =	sdelay $0xe  }
0xd4: {  	s0 =	spop (v2sf)  }
0xd5: {  	p0 =	sgt.f32 s0, $0.0e+00  }
.Ltmp5:
0xd6: {  	_ = 	snop;
	(pc) =	sbr.rel @!p0 .LBB2_8-.Ltmp5, $1  }
0xd7: {  	_ =	sdelay $0x3  }
0xd8: {  	v44 =	vmctz.xlane vm1;
	_ =	sdelay $0x1  }
0xd9: {  	vm1 =	vne.s32 v44, v0  }
0xda: {  	v44 =	vsel vm1, $0xFFFFFFFF, v40  }
0xdb: {  	v49 =	vsel vm1, $0xFFFFFFFF, v43;
	(xrf0) =	vmin.scan.msk.u32 $0xffff, v44  }
0xdc: {  	v50 =	vxor.u32 $0x80000000, v9;
	(xrf0) =	vmin.scan.msk.u32 $0xffff, v49  }
0xdd: {  	v51 =	vxor.u32 $0x80000000, v8;
	(xrf0) =	vmax.scan.msk.u32 $0xffff, v50  }
0xde: {  	(xrf0) =	vmax.scan.msk.u32 $0xffff, v51;
	_ =	sdelay $0x2  }
0xdf: {  	v52, _, _ =	vpop (xrf0)  }
0xe0: {  	v45, _, _ =	vpop (xrf0);
	(v2sf) =	vpush v52, $0xF  }
0xe1: {  	(v2sf) =	vpush v45, $0xF;
	v53, _, _ =	vpop (xrf0)  }
0xe2: {  	(v2sf) =	vpush v53, $0xF;
	v54, _, _ =	vpop (xrf0)  }
0xe3: {  	(v2sf) =	vpush v54, $0xF;
	_ =	sdelay $0xb  }
0xe4: {  	s0 =	spop (v2sf)  }
0xe5: {  	s1 =	spop (v2sf)  }
0xe6: {  	s3 =	spop (v2sf)  }
0xe7: {  	s4 =	spop (v2sf)  }
0xe8: {  	s3 =	sxor.u32 $0x80000000, s3;
	s4 =	sxor.u32 $0x80000000, s4  }
0xe9: {  	p0 =	sgt.s32 s3, s4  }
0xea: {  	s4 =	smov.u32 @p0 s3  }
0xeb: {  	v55 =	vxor.u32 $0x80000000, v11;
	vm2 =	veq.s32 v9, s4  }
0xec: {  	v56 =	vxor.u32 $0x80000000, v10;
	vm3 =	veq.s32 v8, s4;
	v44 =	vnsel vm2, $0x7FFFFFFF, v55  }
0xed: {  	v57 =	vnsel vm3, $0x7FFFFFFF, v56;
	(xrf0) =	vmax.scan.msk.u32 $0xffff, v44  }
0xee: {  	(xrf0) =	vmax.scan.msk.u32 $0xffff, v57;
	_ =	sdelay $0x4  }
0xef: {  	v58, _, _ =	vpop (xrf0)  }
0xf0: {  	(v2sf) =	vpush v58, $0xF;
	v59, _, _ =	vpop (xrf0)  }
0xf1: {  	(v2sf) =	vpush v59, $0xF;
	_ =	sdelay $0xd  }
0xf2: {  	s23 =	spop (v2sf)  }
0xf3: {  	s29 =	spop (v2sf)  }
0xf4: {  	s3 =	sxor.u32 $0x80000000, s23;
	s4 =	sxor.u32 $0x80000000, s29  }
0xf5: {  	p0 =	sgt.s32 s3, s4  }
0xf6: {  	s4 =	smov.u32 @p0 s3  }
0xf7: {  	vm4 =	veq.s32 v11, s4  }
0xf8: {  	s0 =	sxor.u32 $0x80000000, s0;
	vm15 =	veq.s32 v10, s4;
	vm2 =	vmand vm2, vm4  }
0xf9: {  	vm3 =	vmand vm3, vm15;
	v9 =	vsel vm2, s0, v9  }
0xfa: {  	v8 =	vsel vm3, s0, v8;
	v60 =	vxor.u32 $0x80000000, v9  }
0xfb: {  	v61 =	vxor.u32 $0x80000000, v8;
	(xrf0) =	vmax.scan.msk.u32 $0xffff, v60  }
0xfc: {  	(xrf0) =	vmax.scan.msk.u32 $0xffff, v61;
	_ =	sdelay $0x4  }
0xfd: {  	v62, _, _ =	vpop (xrf0)  }
0xfe: {  	(v2sf) =	vpush v62, $0xF;
	v63, _, _ =	vpop (xrf0)  }
0xff: {  	(v2sf) =	vpush v63, $0xF;
	_ =	sdelay $0xd  }
.Ltmp6:
0x100: {  	s30 =	spop (v2sf);
	(pc) =	sbr.rel .LBB2_7-.Ltmp6, $4  }
0x101: {  	s31 =	spop (v2sf)  }
0x102: {  	s0 =	sxor.u32 $0x80000000, s30;
	s28 =	sxor.u32 $0x80000000, s31  }
0x103: {  	s1 =	sxor.u32 $0x80000000, s1;
	p0 =	sgt.s32 s0, s28  }
0x104: {  	vm0 =	vmand vm0, vm1;
	v11 =	vsel vm2, s1, v11;
	v10 =	vsel vm3, s1, v10;
	s28 =	smov.u32 @p0 s0  }
.LBB2_8:
0x105: {  	v38 =	vxor.u32 $0x80000000, v36;
	v40 =	vor.u32 v15, v42;
	vm0 =	vmmov $0xffff  }
.LBB2_9:
0x106: {  	vm1 =	vlt.s32 v36, s28  }
0x107: {  	vm1 =	vmand vm0, vm1  }
0x108: {  	v42 =	vsel vm1, $0x3F800000, v4  }
0x109: {  	(xrf0) =	vmax.scan.msk.f32 $0xffff, v42;
	_ =	sdelay $0x5  }
0x10a: {  	v42, _, _ =	vpop (xrf0)  }
0x10b: {  	(v2sf) =	vpush v42, $0xF;
	_ =	sdelay $0xe  }
0x10c: {  	s0 =	spop (v2sf)  }
0x10d: {  	p0 =	sgt.f32 s0, $0.0e+00  }
.Ltmp7:
0x10e: {  	_ = 	snop;
	(pc) =	sbr.rel @!p0 .LBB2_10-.Ltmp7, $1  }
0x10f: {  	_ =	sdelay $0x3  }
0x110: {  	v42 =	vmctz.xlane vm1;
	_ =	sdelay $0x1  }
0x111: {  	vm1 =	vne.s32 v42, v0  }
0x112: {  	v42 =	vsel vm1, $0xFFFFFFFF, v38  }
0x113: {  	v49 =	vsel vm1, $0xFFFFFFFF, v40;
	(xrf0) =	vmin.scan.msk.u32 $0xffff, v42  }
0x114: {  	v50 =	vxor.u32 $0x80000000, v9;
	(xrf0) =	vmin.scan.msk.u32 $0xffff, v49  }
0x115: {  	v51 =	vxor.u32 $0x80000000, v8;
	(xrf0) =	vmax.scan.msk.u32 $0xffff, v50  }
0x116: {  	(xrf0) =	vmax.scan.msk.u32 $0xffff, v51;
	_ =	sdelay $0x2  }
0x117: {  	v52, _, _ =	vpop (xrf0)  }
0x118: {  	v43, _, _ =	vpop (xrf0);
	(v2sf) =	vpush v52, $0xF  }
0x119: {  	(v2sf) =	vpush v43, $0xF;
	v53, _, _ =	vpop (xrf0)  }
0x11a: {  	(v2sf) =	vpush v53, $0xF;
	v54, _, _ =	vpop (xrf0)  }
0x11b: {  	(v2sf) =	vpush v54, $0xF;
	_ =	sdelay $0xb  }
0x11c: {  	s0 =	spop (v2sf)  }
0x11d: {  	s1 =	spop (v2sf)  }
0x11e: {  	s3 =	spop (v2sf)  }
0x11f: {  	s4 =	spop (v2sf)  }
0x120: {  	s3 =	sxor.u32 $0x80000000, s3;
	s4 =	sxor.u32 $0x80000000, s4  }
0x121: {  	p0 =	sgt.s32 s3, s4  }
0x122: {  	s4 =	smov.u32 @p0 s3  }
0x123: {  	v55 =	vxor.u32 $0x80000000, v11;
	vm2 =	veq.s32 v9, s4  }
0x124: {  	v56 =	vxor.u32 $0x80000000, v10;
	vm3 =	veq.s32 v8, s4;
	v42 =	vnsel vm2, $0x7FFFFFFF, v55  }
0x125: {  	v57 =	vnsel vm3, $0x7FFFFFFF, v56;
	(xrf0) =	vmax.scan.msk.u32 $0xffff, v42  }
0x126: {  	(xrf0) =	vmax.scan.msk.u32 $0xffff, v57;
	_ =	sdelay $0x4  }
0x127: {  	v58, _, _ =	vpop (xrf0)  }
0x128: {  	(v2sf) =	vpush v58, $0xF;
	v59, _, _ =	vpop (xrf0)  }
0x129: {  	(v2sf) =	vpush v59, $0xF;
	_ =	sdelay $0xd  }
0x12a: {  	s23 =	spop (v2sf)  }
0x12b: {  	s29 =	spop (v2sf)  }
0x12c: {  	s3 =	sxor.u32 $0x80000000, s23;
	s4 =	sxor.u32 $0x80000000, s29  }
0x12d: {  	p0 =	sgt.s32 s3, s4  }
0x12e: {  	s4 =	smov.u32 @p0 s3  }
0x12f: {  	vm4 =	veq.s32 v11, s4  }
0x130: {  	s0 =	sxor.u32 $0x80000000, s0;
	vm15 =	veq.s32 v10, s4;
	vm2 =	vmand vm2, vm4  }
0x131: {  	vm3 =	vmand vm3, vm15;
	v9 =	vsel vm2, s0, v9  }
0x132: {  	v8 =	vsel vm3, s0, v8;
	v60 =	vxor.u32 $0x80000000, v9  }
0x133: {  	v61 =	vxor.u32 $0x80000000, v8;
	(xrf0) =	vmax.scan.msk.u32 $0xffff, v60  }
0x134: {  	(xrf0) =	vmax.scan.msk.u32 $0xffff, v61;
	_ =	sdelay $0x4  }
0x135: {  	v62, _, _ =	vpop (xrf0)  }
0x136: {  	(v2sf) =	vpush v62, $0xF;
	v63, _, _ =	vpop (xrf0)  }
0x137: {  	(v2sf) =	vpush v63, $0xF;
	_ =	sdelay $0xd  }
.Ltmp8:
0x138: {  	s30 =	spop (v2sf);
	(pc) =	sbr.rel .LBB2_9-.Ltmp8, $4  }
0x139: {  	s31 =	spop (v2sf)  }
0x13a: {  	s0 =	sxor.u32 $0x80000000, s30;
	s28 =	sxor.u32 $0x80000000, s31  }
0x13b: {  	s1 =	sxor.u32 $0x80000000, s1;
	p0 =	sgt.s32 s0, s28  }
0x13c: {  	vm0 =	vmand vm0, vm1;
	v11 =	vsel vm2, s1, v11;
	v10 =	vsel vm3, s1, v10;
	s28 =	smov.u32 @p0 s0  }
.LBB2_10:
0x13d: {  	v36 =	vxor.u32 $0x80000000, v34;
	v38 =	vor.u32 v15, v41;
	vm0 =	vmmov $0xffff  }
.LBB2_11:
0x13e: {  	vm1 =	vlt.s32 v34, s28  }
0x13f: {  	vm1 =	vmand vm0, vm1  }
0x140: {  	v40 =	vsel vm1, $0x3F800000, v4  }
0x141: {  	(xrf0) =	vmax.scan.msk.f32 $0xffff, v40;
	_ =	sdelay $0x5  }
0x142: {  	v40, _, _ =	vpop (xrf0)  }
0x143: {  	(v2sf) =	vpush v40, $0xF;
	_ =	sdelay $0xe  }
0x144: {  	s0 =	spop (v2sf)  }
0x145: {  	p0 =	sgt.f32 s0, $0.0e+00  }
.Ltmp9:
0x146: {  	_ = 	snop;
	(pc) =	sbr.rel @!p0 .LBB2_12-.Ltmp9, $1  }
0x147: {  	_ =	sdelay $0x3  }
0x148: {  	v40 =	vmctz.xlane vm1;
	_ =	sdelay $0x1  }
0x149: {  	vm1 =	vne.s32 v40, v0  }
0x14a: {  	v40 =	vsel vm1, $0xFFFFFFFF, v36  }
0x14b: {  	v49 =	vsel vm1, $0xFFFFFFFF, v38;
	(xrf0) =	vmin.scan.msk.u32 $0xffff, v40  }
0x14c: {  	v50 =	vxor.u32 $0x80000000, v9;
	(xrf0) =	vmin.scan.msk.u32 $0xffff, v49  }
0x14d: {  	v51 =	vxor.u32 $0x80000000, v8;
	(xrf0) =	vmax.scan.msk.u32 $0xffff, v50  }
0x14e: {  	(xrf0) =	vmax.scan.msk.u32 $0xffff, v51;
	_ =	sdelay $0x2  }
0x14f: {  	v52, _, _ =	vpop (xrf0)  }
0x150: {  	v41, _, _ =	vpop (xrf0);
	(v2sf) =	vpush v52, $0xF  }
0x151: {  	(v2sf) =	vpush v41, $0xF;
	v53, _, _ =	vpop (xrf0)  }
0x152: {  	(v2sf) =	vpush v53, $0xF;
	v54, _, _ =	vpop (xrf0)  }
0x153: {  	(v2sf) =	vpush v54, $0xF;
	_ =	sdelay $0xb  }
0x154: {  	s0 =	spop (v2sf)  }
0x155: {  	s1 =	spop (v2sf)  }
0x156: {  	s3 =	spop (v2sf)  }
0x157: {  	s4 =	spop (v2sf)  }
0x158: {  	s3 =	sxor.u32 $0x80000000, s3;
	s4 =	sxor.u32 $0x80000000, s4  }
0x159: {  	p0 =	sgt.s32 s3, s4  }
0x15a: {  	s4 =	smov.u32 @p0 s3  }
0x15b: {  	v55 =	vxor.u32 $0x80000000, v11;
	vm2 =	veq.s32 v9, s4  }
0x15c: {  	v56 =	vxor.u32 $0x80000000, v10;
	vm3 =	veq.s32 v8, s4;
	v40 =	vnsel vm2, $0x7FFFFFFF, v55  }
0x15d: {  	v57 =	vnsel vm3, $0x7FFFFFFF, v56;
	(xrf0) =	vmax.scan.msk.u32 $0xffff, v40  }
0x15e: {  	(xrf0) =	vmax.scan.msk.u32 $0xffff, v57;
	_ =	sdelay $0x4  }
0x15f: {  	v58, _, _ =	vpop (xrf0)  }
0x160: {  	(v2sf) =	vpush v58, $0xF;
	v59, _, _ =	vpop (xrf0)  }
0x161: {  	(v2sf) =	vpush v59, $0xF;
	_ =	sdelay $0xd  }
0x162: {  	s23 =	spop (v2sf)  }
0x163: {  	s29 =	spop (v2sf)  }
0x164: {  	s3 =	sxor.u32 $0x80000000, s23;
	s4 =	sxor.u32 $0x80000000, s29  }
0x165: {  	p0 =	sgt.s32 s3, s4  }
0x166: {  	s4 =	smov.u32 @p0 s3  }
0x167: {  	vm4 =	veq.s32 v11, s4  }
0x168: {  	s0 =	sxor.u32 $0x80000000, s0;
	vm15 =	veq.s32 v10, s4;
	vm2 =	vmand vm2, vm4  }
0x169: {  	vm3 =	vmand vm3, vm15;
	v9 =	vsel vm2, s0, v9  }
0x16a: {  	v8 =	vsel vm3, s0, v8;
	v60 =	vxor.u32 $0x80000000, v9  }
0x16b: {  	v61 =	vxor.u32 $0x80000000, v8;
	(xrf0) =	vmax.scan.msk.u32 $0xffff, v60  }
0x16c: {  	(xrf0) =	vmax.scan.msk.u32 $0xffff, v61;
	_ =	sdelay $0x4  }
0x16d: {  	v62, _, _ =	vpop (xrf0)  }
0x16e: {  	(v2sf) =	vpush v62, $0xF;
	v63, _, _ =	vpop (xrf0)  }
0x16f: {  	(v2sf) =	vpush v63, $0xF;
	_ =	sdelay $0xd  }
.Ltmp10:
0x170: {  	s30 =	spop (v2sf);
	(pc) =	sbr.rel .LBB2_11-.Ltmp10, $4  }
0x171: {  	s31 =	spop (v2sf)  }
0x172: {  	s0 =	sxor.u32 $0x80000000, s30;
	s28 =	sxor.u32 $0x80000000, s31  }
0x173: {  	s1 =	sxor.u32 $0x80000000, s1;
	p0 =	sgt.s32 s0, s28  }
0x174: {  	vm0 =	vmand vm0, vm1;
	v11 =	vsel vm2, s1, v11;
	v10 =	vsel vm3, s1, v10;
	s28 =	smov.u32 @p0 s0  }
.LBB2_12:
0x175: {  	v34 =	vxor.u32 $0x80000000, v32;
	v36 =	vor.u32 v15, v39;
	vm0 =	vmmov $0xffff  }
.LBB2_13:
0x176: {  	vm1 =	vlt.s32 v32, s28  }
0x177: {  	vm1 =	vmand vm0, vm1  }
0x178: {  	v38 =	vsel vm1, $0x3F800000, v4  }
0x179: {  	(xrf0) =	vmax.scan.msk.f32 $0xffff, v38;
	_ =	sdelay $0x5  }
0x17a: {  	v38, _, _ =	vpop (xrf0)  }
0x17b: {  	(v2sf) =	vpush v38, $0xF;
	_ =	sdelay $0xe  }
0x17c: {  	s0 =	spop (v2sf)  }
0x17d: {  	p0 =	sgt.f32 s0, $0.0e+00  }
.Ltmp11:
0x17e: {  	_ = 	snop;
	(pc) =	sbr.rel @!p0 .LBB2_14-.Ltmp11, $1  }
0x17f: {  	_ =	sdelay $0x3  }
0x180: {  	v38 =	vmctz.xlane vm1;
	_ =	sdelay $0x1  }
0x181: {  	vm1 =	vne.s32 v38, v0  }
0x182: {  	v38 =	vsel vm1, $0xFFFFFFFF, v34  }
0x183: {  	v49 =	vsel vm1, $0xFFFFFFFF, v36;
	(xrf0) =	vmin.scan.msk.u32 $0xffff, v38  }
0x184: {  	v50 =	vxor.u32 $0x80000000, v9;
	(xrf0) =	vmin.scan.msk.u32 $0xffff, v49  }
0x185: {  	v51 =	vxor.u32 $0x80000000, v8;
	(xrf0) =	vmax.scan.msk.u32 $0xffff, v50  }
0x186: {  	(xrf0) =	vmax.scan.msk.u32 $0xffff, v51;
	_ =	sdelay $0x2  }
0x187: {  	v52, _, _ =	vpop (xrf0)  }
0x188: {  	v39, _, _ =	vpop (xrf0);
	(v2sf) =	vpush v52, $0xF  }
0x189: {  	(v2sf) =	vpush v39, $0xF;
	v53, _, _ =	vpop (xrf0)  }
0x18a: {  	(v2sf) =	vpush v53, $0xF;
	v54, _, _ =	vpop (xrf0)  }
0x18b: {  	(v2sf) =	vpush v54, $0xF;
	_ =	sdelay $0xb  }
0x18c: {  	s0 =	spop (v2sf)  }
0x18d: {  	s1 =	spop (v2sf)  }
0x18e: {  	s3 =	spop (v2sf)  }
0x18f: {  	s4 =	spop (v2sf)  }
0x190: {  	s3 =	sxor.u32 $0x80000000, s3;
	s4 =	sxor.u32 $0x80000000, s4  }
0x191: {  	p0 =	sgt.s32 s3, s4  }
0x192: {  	s4 =	smov.u32 @p0 s3  }
0x193: {  	v55 =	vxor.u32 $0x80000000, v11;
	vm2 =	veq.s32 v9, s4  }
0x194: {  	v56 =	vxor.u32 $0x80000000, v10;
	vm3 =	veq.s32 v8, s4;
	v38 =	vnsel vm2, $0x7FFFFFFF, v55  }
0x195: {  	v57 =	vnsel vm3, $0x7FFFFFFF, v56;
	(xrf0) =	vmax.scan.msk.u32 $0xffff, v38  }
0x196: {  	(xrf0) =	vmax.scan.msk.u32 $0xffff, v57;
	_ =	sdelay $0x4  }
0x197: {  	v58, _, _ =	vpop (xrf0)  }
0x198: {  	(v2sf) =	vpush v58, $0xF;
	v59, _, _ =	vpop (xrf0)  }
0x199: {  	(v2sf) =	vpush v59, $0xF;
	_ =	sdelay $0xd  }
0x19a: {  	s23 =	spop (v2sf)  }
0x19b: {  	s29 =	spop (v2sf)  }
0x19c: {  	s3 =	sxor.u32 $0x80000000, s23;
	s4 =	sxor.u32 $0x80000000, s29  }
0x19d: {  	p0 =	sgt.s32 s3, s4  }
0x19e: {  	s4 =	smov.u32 @p0 s3  }
0x19f: {  	vm4 =	veq.s32 v11, s4  }
0x1a0: {  	s0 =	sxor.u32 $0x80000000, s0;
	vm15 =	veq.s32 v10, s4;
	vm2 =	vmand vm2, vm4  }
0x1a1: {  	vm3 =	vmand vm3, vm15;
	v9 =	vsel vm2, s0, v9  }
0x1a2: {  	v8 =	vsel vm3, s0, v8;
	v60 =	vxor.u32 $0x80000000, v9  }
0x1a3: {  	v61 =	vxor.u32 $0x80000000, v8;
	(xrf0) =	vmax.scan.msk.u32 $0xffff, v60  }
0x1a4: {  	(xrf0) =	vmax.scan.msk.u32 $0xffff, v61;
	_ =	sdelay $0x4  }
0x1a5: {  	v62, _, _ =	vpop (xrf0)  }
0x1a6: {  	(v2sf) =	vpush v62, $0xF;
	v63, _, _ =	vpop (xrf0)  }
0x1a7: {  	(v2sf) =	vpush v63, $0xF;
	_ =	sdelay $0xd  }
.Ltmp12:
0x1a8: {  	s30 =	spop (v2sf);
	(pc) =	sbr.rel .LBB2_13-.Ltmp12, $4  }
0x1a9: {  	s31 =	spop (v2sf)  }
0x1aa: {  	s0 =	sxor.u32 $0x80000000, s30;
	s28 =	sxor.u32 $0x80000000, s31  }
0x1ab: {  	s1 =	sxor.u32 $0x80000000, s1;
	p0 =	sgt.s32 s0, s28  }
0x1ac: {  	vm0 =	vmand vm0, vm1;
	v11 =	vsel vm2, s1, v11;
	v10 =	vsel vm3, s1, v10;
	s28 =	smov.u32 @p0 s0  }
.LBB2_14:
0x1ad: {  	v32 =	vxor.u32 $0x80000000, v30;
	v34 =	vor.u32 v15, v37;
	vm0 =	vmmov $0xffff  }
.LBB2_15:
0x1ae: {  	vm1 =	vlt.s32 v30, s28  }
0x1af: {  	vm1 =	vmand vm0, vm1  }
0x1b0: {  	v36 =	vsel vm1, $0x3F800000, v4  }
0x1b1: {  	(xrf0) =	vmax.scan.msk.f32 $0xffff, v36;
	_ =	sdelay $0x5  }
0x1b2: {  	v36, _, _ =	vpop (xrf0)  }
0x1b3: {  	(v2sf) =	vpush v36, $0xF;
	_ =	sdelay $0xe  }
0x1b4: {  	s0 =	spop (v2sf)  }
0x1b5: {  	p0 =	sgt.f32 s0, $0.0e+00  }
.Ltmp13:
0x1b6: {  	_ = 	snop;
	(pc) =	sbr.rel @!p0 .LBB2_16-.Ltmp13, $1  }
0x1b7: {  	_ =	sdelay $0x3  }
0x1b8: {  	v36 =	vmctz.xlane vm1;
	_ =	sdelay $0x1  }
0x1b9: {  	vm1 =	vne.s32 v36, v0  }
0x1ba: {  	v36 =	vsel vm1, $0xFFFFFFFF, v32  }
0x1bb: {  	v49 =	vsel vm1, $0xFFFFFFFF, v34;
	(xrf0) =	vmin.scan.msk.u32 $0xffff, v36  }
0x1bc: {  	v50 =	vxor.u32 $0x80000000, v9;
	(xrf0) =	vmin.scan.msk.u32 $0xffff, v49  }
0x1bd: {  	v51 =	vxor.u32 $0x80000000, v8;
	(xrf0) =	vmax.scan.msk.u32 $0xffff, v50  }
0x1be: {  	(xrf0) =	vmax.scan.msk.u32 $0xffff, v51;
	_ =	sdelay $0x2  }
0x1bf: {  	v52, _, _ =	vpop (xrf0)  }
0x1c0: {  	v37, _, _ =	vpop (xrf0);
	(v2sf) =	vpush v52, $0xF  }
0x1c1: {  	(v2sf) =	vpush v37, $0xF;
	v53, _, _ =	vpop (xrf0)  }
0x1c2: {  	(v2sf) =	vpush v53, $0xF;
	v54, _, _ =	vpop (xrf0)  }
0x1c3: {  	(v2sf) =	vpush v54, $0xF;
	_ =	sdelay $0xb  }
0x1c4: {  	s0 =	spop (v2sf)  }
0x1c5: {  	s1 =	spop (v2sf)  }
0x1c6: {  	s3 =	spop (v2sf)  }
0x1c7: {  	s4 =	spop (v2sf)  }
0x1c8: {  	s3 =	sxor.u32 $0x80000000, s3;
	s4 =	sxor.u32 $0x80000000, s4  }
0x1c9: {  	p0 =	sgt.s32 s3, s4  }
0x1ca: {  	s4 =	smov.u32 @p0 s3  }
0x1cb: {  	v55 =	vxor.u32 $0x80000000, v11;
	vm2 =	veq.s32 v9, s4  }
0x1cc: {  	v56 =	vxor.u32 $0x80000000, v10;
	vm3 =	veq.s32 v8, s4;
	v36 =	vnsel vm2, $0x7FFFFFFF, v55  }
0x1cd: {  	v57 =	vnsel vm3, $0x7FFFFFFF, v56;
	(xrf0) =	vmax.scan.msk.u32 $0xffff, v36  }
0x1ce: {  	(xrf0) =	vmax.scan.msk.u32 $0xffff, v57;
	_ =	sdelay $0x4  }
0x1cf: {  	v58, _, _ =	vpop (xrf0)  }
0x1d0: {  	(v2sf) =	vpush v58, $0xF;
	v59, _, _ =	vpop (xrf0)  }
0x1d1: {  	(v2sf) =	vpush v59, $0xF;
	_ =	sdelay $0xd  }
0x1d2: {  	s23 =	spop (v2sf)  }
0x1d3: {  	s29 =	spop (v2sf)  }
0x1d4: {  	s3 =	sxor.u32 $0x80000000, s23;
	s4 =	sxor.u32 $0x80000000, s29  }
0x1d5: {  	p0 =	sgt.s32 s3, s4  }
0x1d6: {  	s4 =	smov.u32 @p0 s3  }
0x1d7: {  	vm4 =	veq.s32 v11, s4  }
0x1d8: {  	s0 =	sxor.u32 $0x80000000, s0;
	vm15 =	veq.s32 v10, s4;
	vm2 =	vmand vm2, vm4  }
0x1d9: {  	vm3 =	vmand vm3, vm15;
	v9 =	vsel vm2, s0, v9  }
0x1da: {  	v8 =	vsel vm3, s0, v8;
	v60 =	vxor.u32 $0x80000000, v9  }
0x1db: {  	v61 =	vxor.u32 $0x80000000, v8;
	(xrf0) =	vmax.scan.msk.u32 $0xffff, v60  }
0x1dc: {  	(xrf0) =	vmax.scan.msk.u32 $0xffff, v61;
	_ =	sdelay $0x4  }
0x1dd: {  	v62, _, _ =	vpop (xrf0)  }
0x1de: {  	(v2sf) =	vpush v62, $0xF;
	v63, _, _ =	vpop (xrf0)  }
0x1df: {  	(v2sf) =	vpush v63, $0xF;
	_ =	sdelay $0xd  }
.Ltmp14:
0x1e0: {  	s30 =	spop (v2sf);
	(pc) =	sbr.rel .LBB2_15-.Ltmp14, $4  }
0x1e1: {  	s31 =	spop (v2sf)  }
0x1e2: {  	s0 =	sxor.u32 $0x80000000, s30;
	s28 =	sxor.u32 $0x80000000, s31  }
0x1e3: {  	s1 =	sxor.u32 $0x80000000, s1;
	p0 =	sgt.s32 s0, s28  }
0x1e4: {  	vm0 =	vmand vm0, vm1;
	v11 =	vsel vm2, s1, v11;
	v10 =	vsel vm3, s1, v10;
	s28 =	smov.u32 @p0 s0  }
.LBB2_16:
0x1e5: {  	v30 =	vxor.u32 $0x80000000, v29;
	v32 =	vor.u32 v15, v35;
	vm0 =	vmmov $0xffff  }
.LBB2_17:
0x1e6: {  	vm1 =	vlt.s32 v29, s28  }
0x1e7: {  	vm1 =	vmand vm0, vm1  }
0x1e8: {  	v34 =	vsel vm1, $0x3F800000, v4  }
0x1e9: {  	(xrf0) =	vmax.scan.msk.f32 $0xffff, v34;
	_ =	sdelay $0x5  }
0x1ea: {  	v34, _, _ =	vpop (xrf0)  }
0x1eb: {  	(v2sf) =	vpush v34, $0xF;
	_ =	sdelay $0xe  }
0x1ec: {  	s0 =	spop (v2sf)  }
0x1ed: {  	p0 =	sgt.f32 s0, $0.0e+00  }
.Ltmp15:
0x1ee: {  	_ = 	snop;
	(pc) =	sbr.rel @!p0 .LBB2_18-.Ltmp15, $1  }
0x1ef: {  	_ =	sdelay $0x3  }
0x1f0: {  	v34 =	vmctz.xlane vm1;
	_ =	sdelay $0x1  }
0x1f1: {  	vm1 =	vne.s32 v34, v0  }
0x1f2: {  	v34 =	vsel vm1, $0xFFFFFFFF, v30  }
0x1f3: {  	v49 =	vsel vm1, $0xFFFFFFFF, v32;
	(xrf0) =	vmin.scan.msk.u32 $0xffff, v34  }
0x1f4: {  	v50 =	vxor.u32 $0x80000000, v9;
	(xrf0) =	vmin.scan.msk.u32 $0xffff, v49  }
0x1f5: {  	v51 =	vxor.u32 $0x80000000, v8;
	(xrf0) =	vmax.scan.msk.u32 $0xffff, v50  }
0x1f6: {  	(xrf0) =	vmax.scan.msk.u32 $0xffff, v51;
	_ =	sdelay $0x2  }
0x1f7: {  	v52, _, _ =	vpop (xrf0)  }
0x1f8: {  	v35, _, _ =	vpop (xrf0);
	(v2sf) =	vpush v52, $0xF  }
0x1f9: {  	(v2sf) =	vpush v35, $0xF;
	v53, _, _ =	vpop (xrf0)  }
0x1fa: {  	(v2sf) =	vpush v53, $0xF;
	v54, _, _ =	vpop (xrf0)  }
0x1fb: {  	(v2sf) =	vpush v54, $0xF;
	_ =	sdelay $0xb  }
0x1fc: {  	s0 =	spop (v2sf)  }
0x1fd: {  	s1 =	spop (v2sf)  }
0x1fe: {  	s3 =	spop (v2sf)  }
0x1ff: {  	s4 =	spop (v2sf)  }
0x200: {  	s3 =	sxor.u32 $0x80000000, s3;
	s4 =	sxor.u32 $0x80000000, s4  }
0x201: {  	p0 =	sgt.s32 s3, s4  }
0x202: {  	s4 =	smov.u32 @p0 s3  }
0x203: {  	v55 =	vxor.u32 $0x80000000, v11;
	vm2 =	veq.s32 v9, s4  }
0x204: {  	v56 =	vxor.u32 $0x80000000, v10;
	vm3 =	veq.s32 v8, s4;
	v34 =	vnsel vm2, $0x7FFFFFFF, v55  }
0x205: {  	v57 =	vnsel vm3, $0x7FFFFFFF, v56;
	(xrf0) =	vmax.scan.msk.u32 $0xffff, v34  }
0x206: {  	(xrf0) =	vmax.scan.msk.u32 $0xffff, v57;
	_ =	sdelay $0x4  }
0x207: {  	v58, _, _ =	vpop (xrf0)  }
0x208: {  	(v2sf) =	vpush v58, $0xF;
	v59, _, _ =	vpop (xrf0)  }
0x209: {  	(v2sf) =	vpush v59, $0xF;
	_ =	sdelay $0xd  }
0x20a: {  	s23 =	spop (v2sf)  }
0x20b: {  	s29 =	spop (v2sf)  }
0x20c: {  	s3 =	sxor.u32 $0x80000000, s23;
	s4 =	sxor.u32 $0x80000000, s29  }
0x20d: {  	p0 =	sgt.s32 s3, s4  }
0x20e: {  	s4 =	smov.u32 @p0 s3  }
0x20f: {  	vm4 =	veq.s32 v11, s4  }
0x210: {  	s0 =	sxor.u32 $0x80000000, s0;
	vm15 =	veq.s32 v10, s4;
	vm2 =	vmand vm2, vm4  }
0x211: {  	vm3 =	vmand vm3, vm15;
	v9 =	vsel vm2, s0, v9  }
0x212: {  	v8 =	vsel vm3, s0, v8;
	v60 =	vxor.u32 $0x80000000, v9  }
0x213: {  	v61 =	vxor.u32 $0x80000000, v8;
	(xrf0) =	vmax.scan.msk.u32 $0xffff, v60  }
0x214: {  	(xrf0) =	vmax.scan.msk.u32 $0xffff, v61;
	_ =	sdelay $0x4  }
0x215: {  	v62, _, _ =	vpop (xrf0)  }
0x216: {  	(v2sf) =	vpush v62, $0xF;
	v63, _, _ =	vpop (xrf0)  }
0x217: {  	(v2sf) =	vpush v63, $0xF;
	_ =	sdelay $0xd  }
.Ltmp16:
0x218: {  	s30 =	spop (v2sf);
	(pc) =	sbr.rel .LBB2_17-.Ltmp16, $4  }
0x219: {  	s31 =	spop (v2sf)  }
0x21a: {  	s0 =	sxor.u32 $0x80000000, s30;
	s28 =	sxor.u32 $0x80000000, s31  }
0x21b: {  	s1 =	sxor.u32 $0x80000000, s1;
	p0 =	sgt.s32 s0, s28  }
0x21c: {  	vm0 =	vmand vm0, vm1;
	v11 =	vsel vm2, s1, v11;
	v10 =	vsel vm3, s1, v10;
	s28 =	smov.u32 @p0 s0  }
.LBB2_18:
0x21d: {  	v29 =	vxor.u32 $0x80000000, v27;
	v30 =	vor.u32 v15, v33;
	vm0 =	vmmov $0xffff  }
.LBB2_19:
0x21e: {  	vm1 =	vlt.s32 v27, s28  }
0x21f: {  	vm1 =	vmand vm0, vm1  }
0x220: {  	v32 =	vsel vm1, $0x3F800000, v4  }
0x221: {  	(xrf0) =	vmax.scan.msk.f32 $0xffff, v32;
	_ =	sdelay $0x5  }
0x222: {  	v32, _, _ =	vpop (xrf0)  }
0x223: {  	(v2sf) =	vpush v32, $0xF;
	_ =	sdelay $0xe  }
0x224: {  	s0 =	spop (v2sf)  }
0x225: {  	p0 =	sgt.f32 s0, $0.0e+00  }
.Ltmp17:
0x226: {  	_ = 	snop;
	(pc) =	sbr.rel @!p0 .LBB2_20-.Ltmp17, $1  }
0x227: {  	_ =	sdelay $0x3  }
0x228: {  	v32 =	vmctz.xlane vm1;
	_ =	sdelay $0x1  }
0x229: {  	vm1 =	vne.s32 v32, v0  }
0x22a: {  	v32 =	vsel vm1, $0xFFFFFFFF, v29  }
0x22b: {  	v49 =	vsel vm1, $0xFFFFFFFF, v30;
	(xrf0) =	vmin.scan.msk.u32 $0xffff, v32  }
0x22c: {  	v50 =	vxor.u32 $0x80000000, v9;
	(xrf0) =	vmin.scan.msk.u32 $0xffff, v49  }
0x22d: {  	v51 =	vxor.u32 $0x80000000, v8;
	(xrf0) =	vmax.scan.msk.u32 $0xffff, v50  }
0x22e: {  	(xrf0) =	vmax.scan.msk.u32 $0xffff, v51;
	_ =	sdelay $0x2  }
0x22f: {  	v52, _, _ =	vpop (xrf0)  }
0x230: {  	v33, _, _ =	vpop (xrf0);
	(v2sf) =	vpush v52, $0xF  }
0x231: {  	(v2sf) =	vpush v33, $0xF;
	v53, _, _ =	vpop (xrf0)  }
0x232: {  	(v2sf) =	vpush v53, $0xF;
	v54, _, _ =	vpop (xrf0)  }
0x233: {  	(v2sf) =	vpush v54, $0xF;
	_ =	sdelay $0xb  }
0x234: {  	s0 =	spop (v2sf)  }
0x235: {  	s1 =	spop (v2sf)  }
0x236: {  	s3 =	spop (v2sf)  }
0x237: {  	s4 =	spop (v2sf)  }
0x238: {  	s3 =	sxor.u32 $0x80000000, s3;
	s4 =	sxor.u32 $0x80000000, s4  }
0x239: {  	p0 =	sgt.s32 s3, s4  }
0x23a: {  	s4 =	smov.u32 @p0 s3  }
0x23b: {  	v55 =	vxor.u32 $0x80000000, v11;
	vm2 =	veq.s32 v9, s4  }
0x23c: {  	v56 =	vxor.u32 $0x80000000, v10;
	vm3 =	veq.s32 v8, s4;
	v32 =	vnsel vm2, $0x7FFFFFFF, v55  }
0x23d: {  	v57 =	vnsel vm3, $0x7FFFFFFF, v56;
	(xrf0) =	vmax.scan.msk.u32 $0xffff, v32  }
0x23e: {  	(xrf0) =	vmax.scan.msk.u32 $0xffff, v57;
	_ =	sdelay $0x4  }
0x23f: {  	v58, _, _ =	vpop (xrf0)  }
0x240: {  	(v2sf) =	vpush v58, $0xF;
	v59, _, _ =	vpop (xrf0)  }
0x241: {  	(v2sf) =	vpush v59, $0xF;
	_ =	sdelay $0xd  }
0x242: {  	s23 =	spop (v2sf)  }
0x243: {  	s29 =	spop (v2sf)  }
0x244: {  	s3 =	sxor.u32 $0x80000000, s23;
	s4 =	sxor.u32 $0x80000000, s29  }
0x245: {  	p0 =	sgt.s32 s3, s4  }
0x246: {  	s4 =	smov.u32 @p0 s3  }
0x247: {  	vm4 =	veq.s32 v11, s4  }
0x248: {  	s0 =	sxor.u32 $0x80000000, s0;
	vm15 =	veq.s32 v10, s4;
	vm2 =	vmand vm2, vm4  }
0x249: {  	vm3 =	vmand vm3, vm15;
	v9 =	vsel vm2, s0, v9  }
0x24a: {  	v8 =	vsel vm3, s0, v8;
	v60 =	vxor.u32 $0x80000000, v9  }
0x24b: {  	v61 =	vxor.u32 $0x80000000, v8;
	(xrf0) =	vmax.scan.msk.u32 $0xffff, v60  }
0x24c: {  	(xrf0) =	vmax.scan.msk.u32 $0xffff, v61;
	_ =	sdelay $0x4  }
0x24d: {  	v62, _, _ =	vpop (xrf0)  }
0x24e: {  	(v2sf) =	vpush v62, $0xF;
	v63, _, _ =	vpop (xrf0)  }
0x24f: {  	(v2sf) =	vpush v63, $0xF;
	_ =	sdelay $0xd  }
.Ltmp18:
0x250: {  	s30 =	spop (v2sf);
	(pc) =	sbr.rel .LBB2_19-.Ltmp18, $4  }
0x251: {  	s31 =	spop (v2sf)  }
0x252: {  	s0 =	sxor.u32 $0x80000000, s30;
	s28 =	sxor.u32 $0x80000000, s31  }
0x253: {  	s1 =	sxor.u32 $0x80000000, s1;
	p0 =	sgt.s32 s0, s28  }
0x254: {  	vm0 =	vmand vm0, vm1;
	v11 =	vsel vm2, s1, v11;
	v10 =	vsel vm3, s1, v10;
	s28 =	smov.u32 @p0 s0  }
.LBB2_20:
0x255: {  	v27 =	vxor.u32 $0x80000000, v25;
	v29 =	vor.u32 v15, v31;
	vm0 =	vmmov $0xffff  }
.LBB2_21:
0x256: {  	vm1 =	vlt.s32 v25, s28  }
0x257: {  	vm1 =	vmand vm0, vm1  }
0x258: {  	v30 =	vsel vm1, $0x3F800000, v4  }
0x259: {  	(xrf0) =	vmax.scan.msk.f32 $0xffff, v30;
	_ =	sdelay $0x5  }
0x25a: {  	v30, _, _ =	vpop (xrf0)  }
0x25b: {  	(v2sf) =	vpush v30, $0xF;
	_ =	sdelay $0xe  }
0x25c: {  	s0 =	spop (v2sf)  }
0x25d: {  	p0 =	sgt.f32 s0, $0.0e+00  }
.Ltmp19:
0x25e: {  	_ = 	snop;
	(pc) =	sbr.rel @!p0 .LBB2_22-.Ltmp19, $1  }
0x25f: {  	_ =	sdelay $0x3  }
0x260: {  	v30 =	vmctz.xlane vm1;
	_ =	sdelay $0x1  }
0x261: {  	vm1 =	vne.s32 v30, v0  }
0x262: {  	v30 =	vsel vm1, $0xFFFFFFFF, v27  }
0x263: {  	(xrf0) =	vmin.scan.msk.u32 $0xffff, v30;
	v30 =	vsel vm1, $0xFFFFFFFF, v29  }
0x264: {  	(xrf0) =	vmin.scan.msk.u32 $0xffff, v30;
	v30 =	vxor.u32 $0x80000000, v9  }
0x265: {  	(xrf0) =	vmax.scan.msk.u32 $0xffff, v30;
	v30 =	vxor.u32 $0x80000000, v8  }
0x266: {  	(xrf0) =	vmax.scan.msk.u32 $0xffff, v30;
	_ =	sdelay $0x2  }
0x267: {  	v30, _, _ =	vpop (xrf0)  }
0x268: {  	v31, _, _ =	vpop (xrf0);
	(v2sf) =	vpush v30, $0xF  }
0x269: {  	(v2sf) =	vpush v31, $0xF;
	v30, _, _ =	vpop (xrf0)  }
0x26a: {  	(v2sf) =	vpush v30, $0xF;
	v30, _, _ =	vpop (xrf0)  }
0x26b: {  	(v2sf) =	vpush v30, $0xF;
	_ =	sdelay $0xb  }
0x26c: {  	s0 =	spop (v2sf)  }
0x26d: {  	s1 =	spop (v2sf)  }
0x26e: {  	s3 =	spop (v2sf)  }
0x26f: {  	s4 =	spop (v2sf)  }
0x270: {  	s3 =	sxor.u32 $0x80000000, s3;
	s4 =	sxor.u32 $0x80000000, s4  }
0x271: {  	p0 =	sgt.s32 s3, s4  }
0x272: {  	s4 =	smov.u32 @p0 s3  }
0x273: {  	v30 =	vxor.u32 $0x80000000, v11;
	vm2 =	veq.s32 v9, s4  }
0x274: {  	v31 =	vxor.u32 $0x80000000, v10;
	vm3 =	veq.s32 v8, s4;
	v30 =	vnsel vm2, $0x7FFFFFFF, v30  }
0x275: {  	(xrf0) =	vmax.scan.msk.u32 $0xffff, v30;
	v30 =	vnsel vm3, $0x7FFFFFFF, v31  }
0x276: {  	(xrf0) =	vmax.scan.msk.u32 $0xffff, v30;
	_ =	sdelay $0x4  }
0x277: {  	v30, _, _ =	vpop (xrf0)  }
0x278: {  	(v2sf) =	vpush v30, $0xF;
	v30, _, _ =	vpop (xrf0)  }
0x279: {  	(v2sf) =	vpush v30, $0xF;
	_ =	sdelay $0xd  }
0x27a: {  	s23 =	spop (v2sf)  }
0x27b: {  	s29 =	spop (v2sf)  }
0x27c: {  	s3 =	sxor.u32 $0x80000000, s23;
	s4 =	sxor.u32 $0x80000000, s29  }
0x27d: {  	p0 =	sgt.s32 s3, s4  }
0x27e: {  	s4 =	smov.u32 @p0 s3  }
0x27f: {  	vm4 =	veq.s32 v11, s4  }
0x280: {  	s0 =	sxor.u32 $0x80000000, s0;
	vm15 =	veq.s32 v10, s4;
	vm2 =	vmand vm2, vm4  }
0x281: {  	vm3 =	vmand vm3, vm15;
	v9 =	vsel vm2, s0, v9  }
0x282: {  	v8 =	vsel vm3, s0, v8;
	v30 =	vxor.u32 $0x80000000, v9  }
0x283: {  	(xrf0) =	vmax.scan.msk.u32 $0xffff, v30;
	v30 =	vxor.u32 $0x80000000, v8  }
0x284: {  	(xrf0) =	vmax.scan.msk.u32 $0xffff, v30;
	_ =	sdelay $0x4  }
0x285: {  	v30, _, _ =	vpop (xrf0)  }
0x286: {  	(v2sf) =	vpush v30, $0xF;
	v30, _, _ =	vpop (xrf0)  }
0x287: {  	(v2sf) =	vpush v30, $0xF;
	_ =	sdelay $0xd  }
.Ltmp20:
0x288: {  	s30 =	spop (v2sf);
	(pc) =	sbr.rel .LBB2_21-.Ltmp20, $4  }
0x289: {  	s31 =	spop (v2sf)  }
0x28a: {  	s0 =	sxor.u32 $0x80000000, s30;
	s28 =	sxor.u32 $0x80000000, s31  }
0x28b: {  	s1 =	sxor.u32 $0x80000000, s1;
	p0 =	sgt.s32 s0, s28  }
0x28c: {  	vm0 =	vmand vm0, vm1;
	v11 =	vsel vm2, s1, v11;
	v10 =	vsel vm3, s1, v10;
	s28 =	smov.u32 @p0 s0  }
.LBB2_22:
0x28d: {  	v25 =	vxor.u32 $0x80000000, v23;
	v27 =	vor.u32 v15, v28;
	vm0 =	vmmov $0xffff  }
.LBB2_23:
0x28e: {  	vm1 =	vlt.s32 v23, s28  }
0x28f: {  	vm1 =	vmand vm0, vm1  }
0x290: {  	v28 =	vsel vm1, $0x3F800000, v4  }
0x291: {  	(xrf0) =	vmax.scan.msk.f32 $0xffff, v28;
	_ =	sdelay $0x5  }
0x292: {  	v28, _, _ =	vpop (xrf0)  }
0x293: {  	(v2sf) =	vpush v28, $0xF;
	_ =	sdelay $0xe  }
0x294: {  	s0 =	spop (v2sf)  }
0x295: {  	p0 =	sgt.f32 s0, $0.0e+00  }
.Ltmp21:
0x296: {  	_ = 	snop;
	(pc) =	sbr.rel @!p0 .LBB2_24-.Ltmp21, $1  }
0x297: {  	_ =	sdelay $0x3  }
0x298: {  	v28 =	vmctz.xlane vm1;
	_ =	sdelay $0x1  }
0x299: {  	vm1 =	vne.s32 v28, v0  }
0x29a: {  	v28 =	vsel vm1, $0xFFFFFFFF, v25  }
0x29b: {  	(xrf0) =	vmin.scan.msk.u32 $0xffff, v28;
	v28 =	vsel vm1, $0xFFFFFFFF, v27  }
0x29c: {  	(xrf0) =	vmin.scan.msk.u32 $0xffff, v28;
	v28 =	vxor.u32 $0x80000000, v9  }
0x29d: {  	(xrf0) =	vmax.scan.msk.u32 $0xffff, v28;
	v28 =	vxor.u32 $0x80000000, v8  }
0x29e: {  	(xrf0) =	vmax.scan.msk.u32 $0xffff, v28;
	_ =	sdelay $0x2  }
0x29f: {  	v28, _, _ =	vpop (xrf0)  }
0x2a0: {  	v29, _, _ =	vpop (xrf0);
	(v2sf) =	vpush v28, $0xF  }
0x2a1: {  	(v2sf) =	vpush v29, $0xF;
	v28, _, _ =	vpop (xrf0)  }
0x2a2: {  	(v2sf) =	vpush v28, $0xF;
	v28, _, _ =	vpop (xrf0)  }
0x2a3: {  	(v2sf) =	vpush v28, $0xF;
	_ =	sdelay $0xb  }
0x2a4: {  	s0 =	spop (v2sf)  }
0x2a5: {  	s1 =	spop (v2sf)  }
0x2a6: {  	s3 =	spop (v2sf)  }
0x2a7: {  	s4 =	spop (v2sf)  }
0x2a8: {  	s3 =	sxor.u32 $0x80000000, s3;
	s4 =	sxor.u32 $0x80000000, s4  }
0x2a9: {  	p0 =	sgt.s32 s3, s4  }
0x2aa: {  	s4 =	smov.u32 @p0 s3  }
0x2ab: {  	v28 =	vxor.u32 $0x80000000, v11;
	vm2 =	veq.s32 v9, s4  }
0x2ac: {  	v29 =	vxor.u32 $0x80000000, v10;
	vm3 =	veq.s32 v8, s4;
	v28 =	vnsel vm2, $0x7FFFFFFF, v28  }
0x2ad: {  	(xrf0) =	vmax.scan.msk.u32 $0xffff, v28;
	v28 =	vnsel vm3, $0x7FFFFFFF, v29  }
0x2ae: {  	(xrf0) =	vmax.scan.msk.u32 $0xffff, v28;
	_ =	sdelay $0x4  }
0x2af: {  	v28, _, _ =	vpop (xrf0)  }
0x2b0: {  	(v2sf) =	vpush v28, $0xF;
	v28, _, _ =	vpop (xrf0)  }
0x2b1: {  	(v2sf) =	vpush v28, $0xF;
	_ =	sdelay $0xd  }
0x2b2: {  	s23 =	spop (v2sf)  }
0x2b3: {  	s29 =	spop (v2sf)  }
0x2b4: {  	s3 =	sxor.u32 $0x80000000, s23;
	s4 =	sxor.u32 $0x80000000, s29  }
0x2b5: {  	p0 =	sgt.s32 s3, s4  }
0x2b6: {  	s4 =	smov.u32 @p0 s3  }
0x2b7: {  	vm4 =	veq.s32 v11, s4  }
0x2b8: {  	s0 =	sxor.u32 $0x80000000, s0;
	vm15 =	veq.s32 v10, s4;
	vm2 =	vmand vm2, vm4  }
0x2b9: {  	vm3 =	vmand vm3, vm15;
	v9 =	vsel vm2, s0, v9  }
0x2ba: {  	v8 =	vsel vm3, s0, v8;
	v28 =	vxor.u32 $0x80000000, v9  }
0x2bb: {  	(xrf0) =	vmax.scan.msk.u32 $0xffff, v28;
	v28 =	vxor.u32 $0x80000000, v8  }
0x2bc: {  	(xrf0) =	vmax.scan.msk.u32 $0xffff, v28;
	_ =	sdelay $0x4  }
0x2bd: {  	v28, _, _ =	vpop (xrf0)  }
0x2be: {  	(v2sf) =	vpush v28, $0xF;
	v28, _, _ =	vpop (xrf0)  }
0x2bf: {  	(v2sf) =	vpush v28, $0xF;
	_ =	sdelay $0xd  }
.Ltmp22:
0x2c0: {  	s30 =	spop (v2sf);
	(pc) =	sbr.rel .LBB2_23-.Ltmp22, $4  }
0x2c1: {  	s31 =	spop (v2sf)  }
0x2c2: {  	s0 =	sxor.u32 $0x80000000, s30;
	s28 =	sxor.u32 $0x80000000, s31  }
0x2c3: {  	s1 =	sxor.u32 $0x80000000, s1;
	p0 =	sgt.s32 s0, s28  }
0x2c4: {  	vm0 =	vmand vm0, vm1;
	v11 =	vsel vm2, s1, v11;
	v10 =	vsel vm3, s1, v10;
	s28 =	smov.u32 @p0 s0  }
.LBB2_24:
0x2c5: {  	v23 =	vxor.u32 $0x80000000, v22;
	v25 =	vor.u32 v15, v26;
	vm0 =	vmmov $0xffff  }
.LBB2_25:
0x2c6: {  	vm1 =	vlt.s32 v22, s28  }
0x2c7: {  	vm1 =	vmand vm0, vm1  }
0x2c8: {  	v26 =	vsel vm1, $0x3F800000, v4  }
0x2c9: {  	(xrf0) =	vmax.scan.msk.f32 $0xffff, v26;
	_ =	sdelay $0x5  }
0x2ca: {  	v26, _, _ =	vpop (xrf0)  }
0x2cb: {  	(v2sf) =	vpush v26, $0xF;
	_ =	sdelay $0xe  }
0x2cc: {  	s0 =	spop (v2sf)  }
0x2cd: {  	p0 =	sgt.f32 s0, $0.0e+00  }
.Ltmp23:
0x2ce: {  	_ = 	snop;
	(pc) =	sbr.rel @!p0 .LBB2_26-.Ltmp23, $1  }
0x2cf: {  	_ =	sdelay $0x3  }
0x2d0: {  	v26 =	vmctz.xlane vm1;
	_ =	sdelay $0x1  }
0x2d1: {  	vm1 =	vne.s32 v26, v0  }
0x2d2: {  	v26 =	vsel vm1, $0xFFFFFFFF, v23  }
0x2d3: {  	(xrf0) =	vmin.scan.msk.u32 $0xffff, v26;
	v26 =	vsel vm1, $0xFFFFFFFF, v25  }
0x2d4: {  	(xrf0) =	vmin.scan.msk.u32 $0xffff, v26;
	v26 =	vxor.u32 $0x80000000, v9  }
0x2d5: {  	(xrf0) =	vmax.scan.msk.u32 $0xffff, v26;
	v26 =	vxor.u32 $0x80000000, v8  }
0x2d6: {  	(xrf0) =	vmax.scan.msk.u32 $0xffff, v26;
	_ =	sdelay $0x2  }
0x2d7: {  	v26, _, _ =	vpop (xrf0)  }
0x2d8: {  	v27, _, _ =	vpop (xrf0);
	(v2sf) =	vpush v26, $0xF  }
0x2d9: {  	(v2sf) =	vpush v27, $0xF;
	v26, _, _ =	vpop (xrf0)  }
0x2da: {  	(v2sf) =	vpush v26, $0xF;
	v26, _, _ =	vpop (xrf0)  }
0x2db: {  	(v2sf) =	vpush v26, $0xF;
	_ =	sdelay $0xb  }
0x2dc: {  	s0 =	spop (v2sf)  }
0x2dd: {  	s1 =	spop (v2sf)  }
0x2de: {  	s3 =	spop (v2sf)  }
0x2df: {  	s4 =	spop (v2sf)  }
0x2e0: {  	s3 =	sxor.u32 $0x80000000, s3;
	s4 =	sxor.u32 $0x80000000, s4  }
0x2e1: {  	p0 =	sgt.s32 s3, s4  }
0x2e2: {  	s4 =	smov.u32 @p0 s3  }
0x2e3: {  	v26 =	vxor.u32 $0x80000000, v11;
	vm2 =	veq.s32 v9, s4  }
0x2e4: {  	v27 =	vxor.u32 $0x80000000, v10;
	vm3 =	veq.s32 v8, s4;
	v26 =	vnsel vm2, $0x7FFFFFFF, v26  }
0x2e5: {  	(xrf0) =	vmax.scan.msk.u32 $0xffff, v26;
	v26 =	vnsel vm3, $0x7FFFFFFF, v27  }
0x2e6: {  	(xrf0) =	vmax.scan.msk.u32 $0xffff, v26;
	_ =	sdelay $0x4  }
0x2e7: {  	v26, _, _ =	vpop (xrf0)  }
0x2e8: {  	(v2sf) =	vpush v26, $0xF;
	v26, _, _ =	vpop (xrf0)  }
0x2e9: {  	(v2sf) =	vpush v26, $0xF;
	_ =	sdelay $0xd  }
0x2ea: {  	s23 =	spop (v2sf)  }
0x2eb: {  	s29 =	spop (v2sf)  }
0x2ec: {  	s3 =	sxor.u32 $0x80000000, s23;
	s4 =	sxor.u32 $0x80000000, s29  }
0x2ed: {  	p0 =	sgt.s32 s3, s4  }
0x2ee: {  	s4 =	smov.u32 @p0 s3  }
0x2ef: {  	vm4 =	veq.s32 v11, s4  }
0x2f0: {  	s0 =	sxor.u32 $0x80000000, s0;
	vm15 =	veq.s32 v10, s4;
	vm2 =	vmand vm2, vm4  }
0x2f1: {  	vm3 =	vmand vm3, vm15;
	v9 =	vsel vm2, s0, v9  }
0x2f2: {  	v8 =	vsel vm3, s0, v8;
	v26 =	vxor.u32 $0x80000000, v9  }
0x2f3: {  	(xrf0) =	vmax.scan.msk.u32 $0xffff, v26;
	v26 =	vxor.u32 $0x80000000, v8  }
0x2f4: {  	(xrf0) =	vmax.scan.msk.u32 $0xffff, v26;
	_ =	sdelay $0x4  }
0x2f5: {  	v26, _, _ =	vpop (xrf0)  }
0x2f6: {  	(v2sf) =	vpush v26, $0xF;
	v26, _, _ =	vpop (xrf0)  }
0x2f7: {  	(v2sf) =	vpush v26, $0xF;
	_ =	sdelay $0xd  }
.Ltmp24:
0x2f8: {  	s30 =	spop (v2sf);
	(pc) =	sbr.rel .LBB2_25-.Ltmp24, $4  }
0x2f9: {  	s31 =	spop (v2sf)  }
0x2fa: {  	s0 =	sxor.u32 $0x80000000, s30;
	s28 =	sxor.u32 $0x80000000, s31  }
0x2fb: {  	s1 =	sxor.u32 $0x80000000, s1;
	p0 =	sgt.s32 s0, s28  }
0x2fc: {  	vm0 =	vmand vm0, vm1;
	v11 =	vsel vm2, s1, v11;
	v10 =	vsel vm3, s1, v10;
	s28 =	smov.u32 @p0 s0  }
.LBB2_26:
0x2fd: {  	v22 =	vxor.u32 $0x80000000, v20;
	v23 =	vor.u32 v15, v24;
	vm0 =	vmmov $0xffff  }
.LBB2_27:
0x2fe: {  	vm1 =	vlt.s32 v20, s28  }
0x2ff: {  	vm1 =	vmand vm0, vm1  }
0x300: {  	v24 =	vsel vm1, $0x3F800000, v4  }
0x301: {  	(xrf0) =	vmax.scan.msk.f32 $0xffff, v24;
	_ =	sdelay $0x5  }
0x302: {  	v24, _, _ =	vpop (xrf0)  }
0x303: {  	(v2sf) =	vpush v24, $0xF;
	_ =	sdelay $0xe  }
0x304: {  	s0 =	spop (v2sf)  }
0x305: {  	p0 =	sgt.f32 s0, $0.0e+00  }
.Ltmp25:
0x306: {  	_ = 	snop;
	(pc) =	sbr.rel @!p0 .LBB2_28-.Ltmp25, $1  }
0x307: {  	_ =	sdelay $0x3  }
0x308: {  	v24 =	vmctz.xlane vm1;
	_ =	sdelay $0x1  }
0x309: {  	vm1 =	vne.s32 v24, v0  }
0x30a: {  	v24 =	vsel vm1, $0xFFFFFFFF, v22  }
0x30b: {  	v49 =	vsel vm1, $0xFFFFFFFF, v23;
	(xrf0) =	vmin.scan.msk.u32 $0xffff, v24  }
0x30c: {  	v50 =	vxor.u32 $0x80000000, v9;
	(xrf0) =	vmin.scan.msk.u32 $0xffff, v49  }
0x30d: {  	v51 =	vxor.u32 $0x80000000, v8;
	(xrf0) =	vmax.scan.msk.u32 $0xffff, v50  }
0x30e: {  	(xrf0) =	vmax.scan.msk.u32 $0xffff, v51;
	_ =	sdelay $0x2  }
0x30f: {  	v52, _, _ =	vpop (xrf0)  }
0x310: {  	v25, _, _ =	vpop (xrf0);
	(v2sf) =	vpush v52, $0xF  }
0x311: {  	(v2sf) =	vpush v25, $0xF;
	v53, _, _ =	vpop (xrf0)  }
0x312: {  	(v2sf) =	vpush v53, $0xF;
	v54, _, _ =	vpop (xrf0)  }
0x313: {  	(v2sf) =	vpush v54, $0xF;
	_ =	sdelay $0xb  }
0x314: {  	s0 =	spop (v2sf)  }
0x315: {  	s1 =	spop (v2sf)  }
0x316: {  	s3 =	spop (v2sf)  }
0x317: {  	s4 =	spop (v2sf)  }
0x318: {  	s3 =	sxor.u32 $0x80000000, s3;
	s4 =	sxor.u32 $0x80000000, s4  }
0x319: {  	p0 =	sgt.s32 s3, s4  }
0x31a: {  	s4 =	smov.u32 @p0 s3  }
0x31b: {  	v55 =	vxor.u32 $0x80000000, v11;
	vm2 =	veq.s32 v9, s4  }
0x31c: {  	v56 =	vxor.u32 $0x80000000, v10;
	vm3 =	veq.s32 v8, s4;
	v24 =	vnsel vm2, $0x7FFFFFFF, v55  }
0x31d: {  	v57 =	vnsel vm3, $0x7FFFFFFF, v56;
	(xrf0) =	vmax.scan.msk.u32 $0xffff, v24  }
0x31e: {  	(xrf0) =	vmax.scan.msk.u32 $0xffff, v57;
	_ =	sdelay $0x4  }
0x31f: {  	v58, _, _ =	vpop (xrf0)  }
0x320: {  	(v2sf) =	vpush v58, $0xF;
	v59, _, _ =	vpop (xrf0)  }
0x321: {  	(v2sf) =	vpush v59, $0xF;
	_ =	sdelay $0xd  }
0x322: {  	s23 =	spop (v2sf)  }
0x323: {  	s29 =	spop (v2sf)  }
0x324: {  	s3 =	sxor.u32 $0x80000000, s23;
	s4 =	sxor.u32 $0x80000000, s29  }
0x325: {  	p0 =	sgt.s32 s3, s4  }
0x326: {  	s4 =	smov.u32 @p0 s3  }
0x327: {  	vm4 =	veq.s32 v11, s4  }
0x328: {  	s0 =	sxor.u32 $0x80000000, s0;
	vm15 =	veq.s32 v10, s4;
	vm2 =	vmand vm2, vm4  }
0x329: {  	vm3 =	vmand vm3, vm15;
	v9 =	vsel vm2, s0, v9  }
0x32a: {  	v8 =	vsel vm3, s0, v8;
	v60 =	vxor.u32 $0x80000000, v9  }
0x32b: {  	v61 =	vxor.u32 $0x80000000, v8;
	(xrf0) =	vmax.scan.msk.u32 $0xffff, v60  }
0x32c: {  	(xrf0) =	vmax.scan.msk.u32 $0xffff, v61;
	_ =	sdelay $0x4  }
0x32d: {  	v62, _, _ =	vpop (xrf0)  }
0x32e: {  	(v2sf) =	vpush v62, $0xF;
	v63, _, _ =	vpop (xrf0)  }
0x32f: {  	(v2sf) =	vpush v63, $0xF;
	_ =	sdelay $0xd  }
.Ltmp26:
0x330: {  	s30 =	spop (v2sf);
	(pc) =	sbr.rel .LBB2_27-.Ltmp26, $4  }
0x331: {  	s31 =	spop (v2sf)  }
0x332: {  	s0 =	sxor.u32 $0x80000000, s30;
	s28 =	sxor.u32 $0x80000000, s31  }
0x333: {  	s1 =	sxor.u32 $0x80000000, s1;
	p0 =	sgt.s32 s0, s28  }
0x334: {  	vm0 =	vmand vm0, vm1;
	v11 =	vsel vm2, s1, v11;
	v10 =	vsel vm3, s1, v10;
	s28 =	smov.u32 @p0 s0  }
.LBB2_28:
0x335: {  	v20 =	vxor.u32 $0x80000000, v18;
	v21 =	vor.u32 v15, v21;
	vm0 =	vmmov $0xffff  }
.LBB2_29:
0x336: {  	vm1 =	vlt.s32 v18, s28  }
0x337: {  	vm1 =	vmand vm0, vm1  }
0x338: {  	v22 =	vsel vm1, $0x3F800000, v4  }
0x339: {  	(xrf0) =	vmax.scan.msk.f32 $0xffff, v22;
	_ =	sdelay $0x5  }
0x33a: {  	v22, _, _ =	vpop (xrf0)  }
0x33b: {  	(v2sf) =	vpush v22, $0xF;
	_ =	sdelay $0xe  }
0x33c: {  	s0 =	spop (v2sf)  }
0x33d: {  	p0 =	sgt.f32 s0, $0.0e+00  }
.Ltmp27:
0x33e: {  	_ = 	snop;
	(pc) =	sbr.rel @!p0 .LBB2_30-.Ltmp27, $1  }
0x33f: {  	_ =	sdelay $0x3  }
0x340: {  	v22 =	vmctz.xlane vm1;
	_ =	sdelay $0x1  }
0x341: {  	vm1 =	vne.s32 v22, v0  }
0x342: {  	v22 =	vsel vm1, $0xFFFFFFFF, v20  }
0x343: {  	(xrf0) =	vmin.scan.msk.u32 $0xffff, v22;
	v22 =	vsel vm1, $0xFFFFFFFF, v21  }
0x344: {  	(xrf0) =	vmin.scan.msk.u32 $0xffff, v22;
	v22 =	vxor.u32 $0x80000000, v9  }
0x345: {  	(xrf0) =	vmax.scan.msk.u32 $0xffff, v22;
	v22 =	vxor.u32 $0x80000000, v8  }
0x346: {  	(xrf0) =	vmax.scan.msk.u32 $0xffff, v22;
	_ =	sdelay $0x2  }
0x347: {  	v22, _, _ =	vpop (xrf0)  }
0x348: {  	v23, _, _ =	vpop (xrf0);
	(v2sf) =	vpush v22, $0xF  }
0x349: {  	(v2sf) =	vpush v23, $0xF;
	v22, _, _ =	vpop (xrf0)  }
0x34a: {  	(v2sf) =	vpush v22, $0xF;
	v22, _, _ =	vpop (xrf0)  }
0x34b: {  	(v2sf) =	vpush v22, $0xF;
	_ =	sdelay $0xb  }
0x34c: {  	s0 =	spop (v2sf)  }
0x34d: {  	s1 =	spop (v2sf)  }
0x34e: {  	s3 =	spop (v2sf)  }
0x34f: {  	s4 =	spop (v2sf)  }
0x350: {  	s3 =	sxor.u32 $0x80000000, s3;
	s4 =	sxor.u32 $0x80000000, s4  }
0x351: {  	p0 =	sgt.s32 s3, s4  }
0x352: {  	s4 =	smov.u32 @p0 s3  }
0x353: {  	v22 =	vxor.u32 $0x80000000, v11;
	vm2 =	veq.s32 v9, s4  }
0x354: {  	v23 =	vxor.u32 $0x80000000, v10;
	vm3 =	veq.s32 v8, s4;
	v22 =	vnsel vm2, $0x7FFFFFFF, v22  }
0x355: {  	(xrf0) =	vmax.scan.msk.u32 $0xffff, v22;
	v22 =	vnsel vm3, $0x7FFFFFFF, v23  }
0x356: {  	(xrf0) =	vmax.scan.msk.u32 $0xffff, v22;
	_ =	sdelay $0x4  }
0x357: {  	v22, _, _ =	vpop (xrf0)  }
0x358: {  	(v2sf) =	vpush v22, $0xF;
	v22, _, _ =	vpop (xrf0)  }
0x359: {  	(v2sf) =	vpush v22, $0xF;
	_ =	sdelay $0xd  }
0x35a: {  	s23 =	spop (v2sf)  }
0x35b: {  	s29 =	spop (v2sf)  }
0x35c: {  	s3 =	sxor.u32 $0x80000000, s23;
	s4 =	sxor.u32 $0x80000000, s29  }
0x35d: {  	p0 =	sgt.s32 s3, s4  }
0x35e: {  	s4 =	smov.u32 @p0 s3  }
0x35f: {  	vm4 =	veq.s32 v11, s4  }
0x360: {  	s0 =	sxor.u32 $0x80000000, s0;
	vm15 =	veq.s32 v10, s4;
	vm2 =	vmand vm2, vm4  }
0x361: {  	vm3 =	vmand vm3, vm15;
	v9 =	vsel vm2, s0, v9  }
0x362: {  	v8 =	vsel vm3, s0, v8;
	v22 =	vxor.u32 $0x80000000, v9  }
0x363: {  	(xrf0) =	vmax.scan.msk.u32 $0xffff, v22;
	v22 =	vxor.u32 $0x80000000, v8  }
0x364: {  	(xrf0) =	vmax.scan.msk.u32 $0xffff, v22;
	_ =	sdelay $0x4  }
0x365: {  	v22, _, _ =	vpop (xrf0)  }
0x366: {  	(v2sf) =	vpush v22, $0xF;
	v22, _, _ =	vpop (xrf0)  }
0x367: {  	(v2sf) =	vpush v22, $0xF;
	_ =	sdelay $0xd  }
.Ltmp28:
0x368: {  	s30 =	spop (v2sf);
	(pc) =	sbr.rel .LBB2_29-.Ltmp28, $4  }
0x369: {  	s31 =	spop (v2sf)  }
0x36a: {  	s0 =	sxor.u32 $0x80000000, s30;
	s28 =	sxor.u32 $0x80000000, s31  }
0x36b: {  	s1 =	sxor.u32 $0x80000000, s1;
	p0 =	sgt.s32 s0, s28  }
0x36c: {  	vm0 =	vmand vm0, vm1;
	v11 =	vsel vm2, s1, v11;
	v10 =	vsel vm3, s1, v10;
	s28 =	smov.u32 @p0 s0  }
.LBB2_30:
0x36d: {  	v18 =	vxor.u32 $0x80000000, v16;
	v19 =	vor.u32 v15, v19;
	vm0 =	vmmov $0xffff  }
.LBB2_31:
0x36e: {  	vm1 =	vlt.s32 v16, s28  }
0x36f: {  	vm1 =	vmand vm0, vm1  }
0x370: {  	v20 =	vsel vm1, $0x3F800000, v4  }
0x371: {  	(xrf0) =	vmax.scan.msk.f32 $0xffff, v20;
	_ =	sdelay $0x5  }
0x372: {  	v20, _, _ =	vpop (xrf0)  }
0x373: {  	(v2sf) =	vpush v20, $0xF;
	_ =	sdelay $0xe  }
0x374: {  	s0 =	spop (v2sf)  }
0x375: {  	p0 =	sgt.f32 s0, $0.0e+00  }
.Ltmp29:
0x376: {  	_ = 	snop;
	(pc) =	sbr.rel @!p0 .LBB2_32-.Ltmp29, $1  }
0x377: {  	_ =	sdelay $0x3  }
0x378: {  	v20 =	vmctz.xlane vm1;
	_ =	sdelay $0x1  }
0x379: {  	vm1 =	vne.s32 v20, v0  }
0x37a: {  	v20 =	vsel vm1, $0xFFFFFFFF, v18  }
0x37b: {  	(xrf0) =	vmin.scan.msk.u32 $0xffff, v20;
	v20 =	vsel vm1, $0xFFFFFFFF, v19  }
0x37c: {  	(xrf0) =	vmin.scan.msk.u32 $0xffff, v20;
	v20 =	vxor.u32 $0x80000000, v9  }
0x37d: {  	(xrf0) =	vmax.scan.msk.u32 $0xffff, v20;
	v20 =	vxor.u32 $0x80000000, v8  }
0x37e: {  	(xrf0) =	vmax.scan.msk.u32 $0xffff, v20;
	_ =	sdelay $0x2  }
0x37f: {  	v20, _, _ =	vpop (xrf0)  }
0x380: {  	v21, _, _ =	vpop (xrf0);
	(v2sf) =	vpush v20, $0xF  }
0x381: {  	(v2sf) =	vpush v21, $0xF;
	v20, _, _ =	vpop (xrf0)  }
0x382: {  	(v2sf) =	vpush v20, $0xF;
	v20, _, _ =	vpop (xrf0)  }
0x383: {  	(v2sf) =	vpush v20, $0xF;
	_ =	sdelay $0xb  }
0x384: {  	s0 =	spop (v2sf)  }
0x385: {  	s1 =	spop (v2sf)  }
0x386: {  	s3 =	spop (v2sf)  }
0x387: {  	s4 =	spop (v2sf)  }
0x388: {  	s3 =	sxor.u32 $0x80000000, s3;
	s4 =	sxor.u32 $0x80000000, s4  }
0x389: {  	p0 =	sgt.s32 s3, s4  }
0x38a: {  	s4 =	smov.u32 @p0 s3  }
0x38b: {  	v20 =	vxor.u32 $0x80000000, v11;
	vm2 =	veq.s32 v9, s4  }
0x38c: {  	v63 =	vxor.u32 $0x80000000, v10;
	vm3 =	veq.s32 v8, s4;
	v20 =	vnsel vm2, $0x7FFFFFFF, v20  }
0x38d: {  	(xrf0) =	vmax.scan.msk.u32 $0xffff, v20;
	v20 =	vnsel vm3, $0x7FFFFFFF, v63  }
0x38e: {  	(xrf0) =	vmax.scan.msk.u32 $0xffff, v20;
	_ =	sdelay $0x4  }
0x38f: {  	v20, _, _ =	vpop (xrf0)  }
0x390: {  	(v2sf) =	vpush v20, $0xF;
	v20, _, _ =	vpop (xrf0)  }
0x391: {  	(v2sf) =	vpush v20, $0xF;
	_ =	sdelay $0xd  }
0x392: {  	s23 =	spop (v2sf)  }
0x393: {  	s29 =	spop (v2sf)  }
0x394: {  	s3 =	sxor.u32 $0x80000000, s23;
	s4 =	sxor.u32 $0x80000000, s29  }
0x395: {  	p0 =	sgt.s32 s3, s4  }
0x396: {  	s4 =	smov.u32 @p0 s3  }
0x397: {  	vm4 =	veq.s32 v11, s4  }
0x398: {  	s0 =	sxor.u32 $0x80000000, s0;
	vm15 =	veq.s32 v10, s4;
	vm2 =	vmand vm2, vm4  }
0x399: {  	vm3 =	vmand vm3, vm15;
	v9 =	vsel vm2, s0, v9  }
0x39a: {  	v8 =	vsel vm3, s0, v8;
	v20 =	vxor.u32 $0x80000000, v9  }
0x39b: {  	(xrf0) =	vmax.scan.msk.u32 $0xffff, v20;
	v20 =	vxor.u32 $0x80000000, v8  }
0x39c: {  	(xrf0) =	vmax.scan.msk.u32 $0xffff, v20;
	_ =	sdelay $0x4  }
0x39d: {  	v20, _, _ =	vpop (xrf0)  }
0x39e: {  	(v2sf) =	vpush v20, $0xF;
	v20, _, _ =	vpop (xrf0)  }
0x39f: {  	(v2sf) =	vpush v20, $0xF;
	_ =	sdelay $0xd  }
.Ltmp30:
0x3a0: {  	s30 =	spop (v2sf);
	(pc) =	sbr.rel .LBB2_31-.Ltmp30, $4  }
0x3a1: {  	s31 =	spop (v2sf)  }
0x3a2: {  	s0 =	sxor.u32 $0x80000000, s30;
	s28 =	sxor.u32 $0x80000000, s31  }
0x3a3: {  	s1 =	sxor.u32 $0x80000000, s1;
	p0 =	sgt.s32 s0, s28  }
0x3a4: {  	vm0 =	vmand vm0, vm1;
	v11 =	vsel vm2, s1, v11;
	v10 =	vsel vm3, s1, v10;
	s28 =	smov.u32 @p0 s0  }
.LBB2_32:
0x3a5: {  	v16 =	vxor.u32 $0x80000000, v13;
	v17 =	vor.u32 v15, v17;
	vm0 =	vmmov $0xffff  }
.LBB2_33:
0x3a6: {  	vm1 =	vlt.s32 v13, s28  }
0x3a7: {  	vm1 =	vmand vm0, vm1  }
0x3a8: {  	v18 =	vsel vm1, $0x3F800000, v4  }
0x3a9: {  	(xrf0) =	vmax.scan.msk.f32 $0xffff, v18;
	_ =	sdelay $0x5  }
0x3aa: {  	v18, _, _ =	vpop (xrf0)  }
0x3ab: {  	(v2sf) =	vpush v18, $0xF;
	_ =	sdelay $0xe  }
0x3ac: {  	s0 =	spop (v2sf)  }
0x3ad: {  	p0 =	sgt.f32 s0, $0.0e+00  }
.Ltmp31:
0x3ae: {  	_ = 	snop;
	(pc) =	sbr.rel @!p0 .LBB2_34-.Ltmp31, $1  }
0x3af: {  	_ =	sdelay $0x3  }
0x3b0: {  	v18 =	vmctz.xlane vm1;
	_ =	sdelay $0x1  }
0x3b1: {  	vm1 =	vne.s32 v18, v0  }
0x3b2: {  	v18 =	vsel vm1, $0xFFFFFFFF, v16  }
0x3b3: {  	(xrf0) =	vmin.scan.msk.u32 $0xffff, v18;
	v18 =	vsel vm1, $0xFFFFFFFF, v17  }
0x3b4: {  	(xrf0) =	vmin.scan.msk.u32 $0xffff, v18;
	v18 =	vxor.u32 $0x80000000, v9  }
0x3b5: {  	(xrf0) =	vmax.scan.msk.u32 $0xffff, v18;
	v18 =	vxor.u32 $0x80000000, v8  }
0x3b6: {  	(xrf0) =	vmax.scan.msk.u32 $0xffff, v18;
	_ =	sdelay $0x2  }
0x3b7: {  	v18, _, _ =	vpop (xrf0)  }
0x3b8: {  	v19, _, _ =	vpop (xrf0);
	(v2sf) =	vpush v18, $0xF  }
0x3b9: {  	(v2sf) =	vpush v19, $0xF;
	v18, _, _ =	vpop (xrf0)  }
0x3ba: {  	(v2sf) =	vpush v18, $0xF;
	v18, _, _ =	vpop (xrf0)  }
0x3bb: {  	(v2sf) =	vpush v18, $0xF;
	_ =	sdelay $0xb  }
0x3bc: {  	s0 =	spop (v2sf)  }
0x3bd: {  	s1 =	spop (v2sf)  }
0x3be: {  	s3 =	spop (v2sf)  }
0x3bf: {  	s4 =	spop (v2sf)  }
0x3c0: {  	s3 =	sxor.u32 $0x80000000, s3;
	s4 =	sxor.u32 $0x80000000, s4  }
0x3c1: {  	p0 =	sgt.s32 s3, s4  }
0x3c2: {  	s4 =	smov.u32 @p0 s3  }
0x3c3: {  	v18 =	vxor.u32 $0x80000000, v11;
	vm2 =	veq.s32 v9, s4  }
0x3c4: {  	v19 =	vxor.u32 $0x80000000, v10;
	vm3 =	veq.s32 v8, s4;
	v18 =	vnsel vm2, $0x7FFFFFFF, v18  }
0x3c5: {  	(xrf0) =	vmax.scan.msk.u32 $0xffff, v18;
	v18 =	vnsel vm3, $0x7FFFFFFF, v19  }
0x3c6: {  	(xrf0) =	vmax.scan.msk.u32 $0xffff, v18;
	_ =	sdelay $0x4  }
0x3c7: {  	v18, _, _ =	vpop (xrf0)  }
0x3c8: {  	(v2sf) =	vpush v18, $0xF;
	v18, _, _ =	vpop (xrf0)  }
0x3c9: {  	(v2sf) =	vpush v18, $0xF;
	_ =	sdelay $0xd  }
0x3ca: {  	s23 =	spop (v2sf)  }
0x3cb: {  	s29 =	spop (v2sf)  }
0x3cc: {  	s3 =	sxor.u32 $0x80000000, s23;
	s4 =	sxor.u32 $0x80000000, s29  }
0x3cd: {  	p0 =	sgt.s32 s3, s4  }
0x3ce: {  	s4 =	smov.u32 @p0 s3  }
0x3cf: {  	vm4 =	veq.s32 v11, s4  }
0x3d0: {  	s0 =	sxor.u32 $0x80000000, s0;
	vm15 =	veq.s32 v10, s4;
	vm2 =	vmand vm2, vm4  }
0x3d1: {  	vm3 =	vmand vm3, vm15;
	v9 =	vsel vm2, s0, v9  }
0x3d2: {  	v8 =	vsel vm3, s0, v8;
	v18 =	vxor.u32 $0x80000000, v9  }
0x3d3: {  	(xrf0) =	vmax.scan.msk.u32 $0xffff, v18;
	v18 =	vxor.u32 $0x80000000, v8  }
0x3d4: {  	(xrf0) =	vmax.scan.msk.u32 $0xffff, v18;
	_ =	sdelay $0x4  }
0x3d5: {  	v18, _, _ =	vpop (xrf0)  }
0x3d6: {  	(v2sf) =	vpush v18, $0xF;
	v18, _, _ =	vpop (xrf0)  }
0x3d7: {  	(v2sf) =	vpush v18, $0xF;
	_ =	sdelay $0xd  }
.Ltmp32:
0x3d8: {  	s30 =	spop (v2sf);
	(pc) =	sbr.rel .LBB2_33-.Ltmp32, $4  }
0x3d9: {  	s31 =	spop (v2sf)  }
0x3da: {  	s0 =	sxor.u32 $0x80000000, s30;
	s28 =	sxor.u32 $0x80000000, s31  }
0x3db: {  	s1 =	sxor.u32 $0x80000000, s1;
	p0 =	sgt.s32 s0, s28  }
0x3dc: {  	vm0 =	vmand vm0, vm1;
	v11 =	vsel vm2, s1, v11;
	v10 =	vsel vm3, s1, v10;
	s28 =	smov.u32 @p0 s0  }
.LBB2_34:
0x3dd: {  	v13 =	vxor.u32 $0x80000000, v12;
	v14 =	vor.u32 v15, v14;
	vm0 =	vmmov $0xffff  }
.LBB2_35:
0x3de: {  	vm1 =	vlt.s32 v12, s28  }
0x3df: {  	vm1 =	vmand vm0, vm1  }
0x3e0: {  	v15 =	vsel vm1, $0x3F800000, v4  }
0x3e1: {  	(xrf0) =	vmax.scan.msk.f32 $0xffff, v15;
	_ =	sdelay $0x5  }
0x3e2: {  	v15, _, _ =	vpop (xrf0)  }
0x3e3: {  	(v2sf) =	vpush v15, $0xF;
	_ =	sdelay $0xe  }
0x3e4: {  	s0 =	spop (v2sf)  }
0x3e5: {  	p0 =	sgt.f32 s0, $0.0e+00  }
.Ltmp33:
0x3e6: {  	_ = 	snop;
	(pc) =	sbr.rel @!p0 .LBB2_37-.Ltmp33, $1  }
0x3e7: {  	_ =	sdelay $0x3  }
0x3e8: {  	v15 =	vmctz.xlane vm1;
	_ =	sdelay $0x1  }
0x3e9: {  	vm1 =	vne.s32 v15, v0  }
0x3ea: {  	v15 =	vsel vm1, $0xFFFFFFFF, v13  }
0x3eb: {  	(xrf0) =	vmin.scan.msk.u32 $0xffff, v15;
	v15 =	vsel vm1, $0xFFFFFFFF, v14  }
0x3ec: {  	(xrf0) =	vmin.scan.msk.u32 $0xffff, v15;
	v15 =	vxor.u32 $0x80000000, v9  }
0x3ed: {  	(xrf0) =	vmax.scan.msk.u32 $0xffff, v15;
	v15 =	vxor.u32 $0x80000000, v8  }
0x3ee: {  	(xrf0) =	vmax.scan.msk.u32 $0xffff, v15;
	_ =	sdelay $0x2  }
0x3ef: {  	v15, _, _ =	vpop (xrf0)  }
0x3f0: {  	v16, _, _ =	vpop (xrf0);
	(v2sf) =	vpush v15, $0xF  }
0x3f1: {  	(v2sf) =	vpush v16, $0xF;
	v15, _, _ =	vpop (xrf0)  }
0x3f2: {  	(v2sf) =	vpush v15, $0xF;
	v15, _, _ =	vpop (xrf0)  }
0x3f3: {  	(v2sf) =	vpush v15, $0xF;
	_ =	sdelay $0xb  }
0x3f4: {  	s0 =	spop (v2sf)  }
0x3f5: {  	s1 =	spop (v2sf)  }
0x3f6: {  	s3 =	spop (v2sf)  }
0x3f7: {  	s4 =	spop (v2sf)  }
0x3f8: {  	s3 =	sxor.u32 $0x80000000, s3;
	s4 =	sxor.u32 $0x80000000, s4  }
0x3f9: {  	p0 =	sgt.s32 s3, s4  }
0x3fa: {  	s4 =	smov.u32 @p0 s3  }
0x3fb: {  	v15 =	vxor.u32 $0x80000000, v11;
	vm2 =	veq.s32 v9, s4  }
0x3fc: {  	v63 =	vxor.u32 $0x80000000, v10;
	vm3 =	veq.s32 v8, s4;
	v15 =	vnsel vm2, $0x7FFFFFFF, v15  }
0x3fd: {  	(xrf0) =	vmax.scan.msk.u32 $0xffff, v15;
	v15 =	vnsel vm3, $0x7FFFFFFF, v63  }
0x3fe: {  	(xrf0) =	vmax.scan.msk.u32 $0xffff, v15;
	_ =	sdelay $0x4  }
0x3ff: {  	v15, _, _ =	vpop (xrf0)  }
0x400: {  	(v2sf) =	vpush v15, $0xF;
	v15, _, _ =	vpop (xrf0)  }
0x401: {  	(v2sf) =	vpush v15, $0xF;
	_ =	sdelay $0xd  }
0x402: {  	s23 =	spop (v2sf)  }
0x403: {  	s29 =	spop (v2sf)  }
0x404: {  	s3 =	sxor.u32 $0x80000000, s23;
	s4 =	sxor.u32 $0x80000000, s29  }
0x405: {  	p0 =	sgt.s32 s3, s4  }
0x406: {  	s4 =	smov.u32 @p0 s3  }
0x407: {  	vm4 =	veq.s32 v11, s4  }
0x408: {  	s0 =	sxor.u32 $0x80000000, s0;
	vm15 =	veq.s32 v10, s4;
	vm2 =	vmand vm2, vm4  }
0x409: {  	vm3 =	vmand vm3, vm15;
	v9 =	vsel vm2, s0, v9  }
0x40a: {  	v8 =	vsel vm3, s0, v8;
	v15 =	vxor.u32 $0x80000000, v9  }
0x40b: {  	(xrf0) =	vmax.scan.msk.u32 $0xffff, v15;
	v15 =	vxor.u32 $0x80000000, v8  }
0x40c: {  	(xrf0) =	vmax.scan.msk.u32 $0xffff, v15;
	_ =	sdelay $0x4  }
0x40d: {  	v15, _, _ =	vpop (xrf0)  }
0x40e: {  	(v2sf) =	vpush v15, $0xF;
	v15, _, _ =	vpop (xrf0)  }
0x40f: {  	(v2sf) =	vpush v15, $0xF;
	_ =	sdelay $0xd  }
.Ltmp34:
0x410: {  	s30 =	spop (v2sf);
	(pc) =	sbr.rel .LBB2_35-.Ltmp34, $4  }
0x411: {  	s31 =	spop (v2sf)  }
0x412: {  	s0 =	sxor.u32 $0x80000000, s30;
	s28 =	sxor.u32 $0x80000000, s31  }
0x413: {  	s1 =	sxor.u32 $0x80000000, s1;
	p0 =	sgt.s32 s0, s28  }
0x414: {  	vm0 =	vmand vm0, vm1;
	v11 =	vsel vm2, s1, v11;
	v10 =	vsel vm3, s1, v10;
	s28 =	smov.u32 @p0 s0  }
.LBB2_38:
0x415: {  	v12 =	vxor.u32 $0x80000000, v8  }
0x416: {  	v15 =	vxor.u32 $0x80000000, v11;
	v16 =	vxor.u32 $0x80000000, v9;
	(xrf0) =	vmin.scan.msk.u32 $0xffff, v12  }
0x417: {  	v14 =	vxor.u32 $0x80000000, v10;
	s0 =	simm.s32 $0x0;
	v13 =	vimm.s32 $0x0;
	s1 =	simm.s32 $0x1;
	v12 =	vimm.s32 $0x0;
	(xrf0) =	vmin.scan.msk.u32 $0xffff, v16  }
.LBB2_39:
0x418: {  	p0 =	sne.s32 s1, $0x1F;
	_ =	sdelay $0x3  }
0x419: {  	v16, _, _ =	vpop (xrf0)  }
0x41a: {  	v17, _, _ =	vpop (xrf0);
	(v2sf) =	vpush v16, $0xF  }
0x41b: {  	(v2sf) =	vpush v17, $0xF;
	_ =	sdelay $0xd  }
0x41c: {  	s3 =	spop (v2sf)  }
0x41d: {  	s4 =	spop (v2sf)  }
0x41e: {  	s3 =	sxor.u32 $0x80000000, s3;
	s4 =	sxor.u32 $0x80000000, s4  }
0x41f: {  	p1 =	slt.s32 s4, s3  }
0x420: {  	s3 =	smov.u32 @p1 s4  }
0x421: {  	vm0 =	veq.s32 v9, s3  }
0x422: {  	vm1 =	veq.s32 v8, s3;
	v16 =	vnsel vm0, $0xFFFFFFFF, v15  }
0x423: {  	v17 =	vnsel vm1, $0xFFFFFFFF, v14;
	(xrf0) =	vmin.scan.msk.u32 $0xffff, v16  }
0x424: {  	(xrf0) =	vmin.scan.msk.u32 $0xffff, v17;
	_ =	sdelay $0x4  }
0x425: {  	v16, _, _ =	vpop (xrf0)  }
0x426: {  	(v2sf) =	vpush v16, $0xF;
	v16, _, _ =	vpop (xrf0)  }
0x427: {  	(v2sf) =	vpush v16, $0xF;
	_ =	sdelay $0xd  }
0x428: {  	s3 =	spop (v2sf)  }
0x429: {  	s4 =	spop (v2sf)  }
0x42a: {  	s5 =	sadd.s32 $0xFFFFFFF0, s0;
	s3 =	sxor.u32 $0x80000000, s3;
	s4 =	sxor.u32 $0x80000000, s4  }
0x42b: {  	v17 =	vmov s5;
	v16 =	vmov s0;
	s0 =	smov.u32 s1;
	p1 =	slt.s32 s3, s4  }
0x42c: {  	vm3 =	veq.s32 v17, v0;
	vm2 =	veq.s32 v16, v0;
	s4 =	smov.u32 @p1 s3  }
0x42d: {  	vm4 =	veq.s32 v11, s4;
	vm5 =	veq.s32 v10, s4;
	v13 =	vsel vm2, s4, v13  }
.Ltmp35:
0x42e: {  	v12 =	vsel vm3, s4, v12;
	vm0 =	vmand vm0, vm4;
	vm1 =	vmand vm1, vm5;
	(pc) =	sbr.rel @p0 .LBB2_39-.Ltmp35, $4  }
0x42f: {  	v9 =	vsel vm0, $0x7FFFFFFF, v9;
	v8 =	vsel vm1, $0x7FFFFFFF, v8  }
0x430: {  	v16 =	vxor.u32 $0x80000000, v8  }
0x431: {  	v17 =	vxor.u32 $0x80000000, v9;
	(xrf0) =	vmin.scan.msk.u32 $0xffff, v16  }
0x432: {  	s1 =	sadd.s32 $0x1, s1;
	(xrf0) =	vmin.scan.msk.u32 $0xffff, v17  }
0x433: {  	_ =	sdelay $0x3  }
0x434: {  	v10, _, _ =	vpop (xrf0)  }
0x435: {  	v11, _, _ =	vpop (xrf0);
	(v2sf) =	vpush v10, $0xF  }
0x436: {  	(v2sf) =	vpush v11, $0xF;
	_ =	sdelay $0xd  }
0x437: {  	s1 =	spop (v2sf)  }
0x438: {  	s3 =	spop (v2sf)  }
0x439: {  	s1 =	sxor.u32 $0x80000000, s1;
	s3 =	sxor.u32 $0x80000000, s3  }
0x43a: {  	p0 =	slt.s32 s3, s1  }
0x43b: {  	s1 =	smov.u32 @p0 s3  }
0x43c: {  	vm0 =	veq.s32 v9, s1  }
0x43d: {  	vm13 =	veq.s32 v8, s1;
	v9 =	vnsel vm0, $0xFFFFFFFF, v15  }
0x43e: {  	v8 =	vnsel vm13, $0xFFFFFFFF, v14;
	(xrf0) =	vmin.scan.msk.u32 $0xffff, v9  }
0x43f: {  	(xrf0) =	vmin.scan.msk.u32 $0xffff, v8;
	_ =	sdelay $0x4  }
0x440: {  	v59, _, _ =	vpop (xrf0)  }
0x441: {  	(v2sf) =	vpush v59, $0xF;
	v60, _, _ =	vpop (xrf0)  }
0x442: {  	(v2sf) =	vpush v60, $0xF;
	_ =	sdelay $0xd  }
0x443: {  	s28 =	spop (v2sf)  }
0x444: {  	s29 =	spop (v2sf)  }
0x445: {  	s1 =	sxor.u32 $0x80000000, s28;
	s3 =	sxor.u32 $0x80000000, s29  }
0x446: {  	v61 =	vmov s0;
	p0 =	slt.s32 s1, s3  }
0x447: {  	vm14 =	veq.s32 v61, v0;
	s3 =	smov.u32 @p0 s1  }
0x448: {  	v8 =	vsel vm14, s3, v13;
	_ =	sdelay $0x4  }
0x449: {  	v62 =	vld.idx.msk [tilespmem:v8+s2+$0x0], $0xffff;
	_ =	sdelay $0x4  }
0x44a: {  	v9 =	vsub.f32 v62, v7  }
0x44b: {  	s30 =	sshll.u32 s25, $0x5  }
0x44c: {  	[tilespmem:s30+$0xC180] =	vst v9  }
0x44d: {  	v9 =	vld.idx.msk [tilespmem:v8+s16+$0x0], $0xffff;
	_ =	sdelay $0x4  }
0x44e: {  	v9 =	vsub.f32 v9, v6;
	_ =	sdelay $0x1  }
0x44f: {  	[tilespmem:s30+$0xD180] =	vst v9  }
0x450: {  	s31 =	sadd.s32 $0xFFFFFFF0, s0;
	v8 =	vld.idx.msk [tilespmem:v8+s17+$0x0], $0xffff  }
0x451: {  	v63 =	vmov s31  }
0x452: {  	vm15 =	veq.s32 v63, v0  }
0x453: {  	v9 =	vsel vm15, s3, v12;
	_ =	sdelay $0x1  }
0x454: {  	v8 =	vsub.f32 v8, v5;
	_ =	sdelay $0x1  }
0x455: {  	[tilespmem:s30+$0xE180] =	vst v8  }
0x456: {  	v8 =	vld.idx.msk [tilespmem:v9+s2+$0x0], $0xffff;
	_ =	sdelay $0x4  }
0x457: {  	v7 =	vsub.f32 v8, v7;
	_ =	sdelay $0x1  }
0x458: {  	[tilespmem:s30+$0xC190] =	vst v7  }
0x459: {  	v7 =	vld.idx.msk [tilespmem:v9+s16+$0x0], $0xffff;
	_ =	sdelay $0x4  }
0x45a: {  	v6 =	vsub.f32 v7, v6;
	_ =	sdelay $0x1  }
0x45b: {  	[tilespmem:s30+$0xD190] =	vst v6  }
0x45c: {  	v6 =	vld.idx.msk [tilespmem:v9+s17+$0x0], $0xffff  }
0x45d: {  	s25 =	sadd.s32 $0x1, s25  }
0x45e: {  	p0 =	sne.s32 s25, $0x80  }
.Ltmp36:
0x45f: {  	_ = 	snop;
	(pc) =	sbr.rel @p0 .LBB2_2-.Ltmp36, $3  }
0x460: {  	_ = 	snop  }
0x461: {  	v5 =	vsub.f32 v6, v5;
	_ =	sdelay $0x1  }
0x462: {  	[tilespmem:s30+$0xE190] =	vst v5  }
0x463: {  	s0 =	rddreg [dreg:$0x9];
	s1 =	simm.s32 $0xC180  }
0x464: {  	[hbm4b:s0+s2] =	stream.linear.scatter [tilespmem:s1], [sflag:$0x1], $0x1000, $0x38;
	[tilespmem:$0xF180] =	vst v63  }
0x465: {  	_ =	swait.ge [sflag:s15], $0x1000  }
0x466: {  	[sflag:s15] =	ssyncset.done $0x0  }
0x467: {  	s29 =	simm.s32 $0xD180;
	s28 =	rddreg [dreg:$0xa];
	[sflag:s15] =	ssyncadd.s32 $0xFFFFF000  }
0x468: {  	[hbm4b:s28+s2] =	stream.linear.scatter [tilespmem:s29], [sflag:$0x1], $0x1000, $0x38;
	[tilespmem:$0xF180] =	vst v63  }
0x469: {  	s24 =	sadd.s32 $0x1, s24;
	_ =	swait.ge [sflag:s15], $0x1000  }
0x46a: {  	s31 =	simm.s32 $0xE180;
	p0 =	sne.s32 s24, s12;
	[sflag:s15] =	ssyncset.done $0x0  }
.Ltmp37:
0x46b: {  	s30 =	rddreg [dreg:$0xb];
	[sflag:s15] =	ssyncadd.s32 $0xFFFFF000;
	(pc) =	sbr.rel @p0 .LBB2_1-.Ltmp37, $4  }
0x46c: {  	[hbm4b:s30+s2] =	stream.linear.scatter [tilespmem:s31], [sflag:$0x1], $0x1000, $0x38;
	[tilespmem:$0xF180] =	vst v63  }
0x46d: {  	_ =	swait.ge [sflag:s15], $0x1000  }
0x46e: {  	[sflag:s15] =	ssyncset.done $0x0  }
0x46f: {  	[sflag:s15] =	ssyncadd.s32 $0xFFFFF000  }
0x470: {  	_ =	sfence.sel $0x180000  }
0x471: {  	[bflag:$0x0] =	sbarrier.arrive $0xFFFF  }
0x472: {  	_ =	strace $0x90000047  }
0x473: {  	s0 =	stileid.u32;
	[bflag:$0x2] =	sbarrier.arrive $0xFFFF  }
0x474: {  	p0 =	sne.s32 s0, $0x0;
	s0 =	rddreg [dreg:$0x2]  }
0x475: {  	s0 =	sadd.s32 @!p0 $0x100000, s0  }
0x476: {  	[sflag:s0] =	ssyncadd.tile.s32 @!p0 $0x1;
	_ =	shalt  }
.Lfunc_end2:
_tile_overlayer_lowered:
.L_overlay_start_2:
0x477: {  	(tag) =	ssettag $0x2  }
0x478: {  	s0 =	rddreg [dreg:$0x0];
	s2 =	stileid.u32  }
0x479: {  	s1 =	rddreg [dreg:$0x1];
	p0 =	sne.s32 s2, $0x0  }
0x47a: {  	s3 =	rddreg [dreg:$0x2];
	[bflag:$0x3] =	sbarrier.arrive $0xFFFF;
	s2 =	simm.s32 @!p0 $0x1C01  }
0x47b: {  	[timem:s3], [sflag:s2] =	dma.local @!p0 [hbm:s0], s1  }
0x47c: {  	s0 =	simm.s32 @!p0 $0x1  }
0x47d: {  	_ =	swait.ge @!p0 [sflag:s0], s1  }
0x47e: {  	s1 =	ssub.s32 @!p0 $0x0, s1;
	[sflag:s0] =	ssyncset.done @!p0 $0x0  }
0x47f: {  	[sflag:s0] =	ssyncadd.s32 @!p0 s1  }
0x480: {  	[bflag:$0x3] =	sbarrier.arrive $0xFFFF  }
0x481: {  	_ =	shalt  }

</sc_bundles>
